<compile_context>
chip_gen: v7x
topology: tpu7x:2x2x1
jax: 0.10.2.dev20260603
libtpu: 0.0.44.dev20260713+nightly
codegen_flags: <defaults>
</compile_context>

<pallas_src>
import functools
import jax
import jax.numpy as jnp
from jax import lax
from jax.experimental import pallas as pl
from jax.experimental.pallas import tpu as pltpu
from jax.experimental.pallas import tpu_sc as plsc

S = 2048
D = 768
N_HEADS = 12
KV_HEADS = 4
HEAD_DIM = 64
D_FF = 1536
N_EXPERTS = 8
TOP_K = 2
EPS = 1e-5
ROW_T = 256
MOE_T = 256
N_TILES_MAX = S * TOP_K // MOE_T + N_EXPERTS
PAD_ROWS = N_TILES_MAX * MOE_T
NEG = -1e30


def _ln(x, w):
    mu = jnp.mean(x, axis=-1, keepdims=True)
    var = jnp.mean((x - mu) ** 2, axis=-1, keepdims=True)
    return (x - mu) * jax.lax.rsqrt(var + EPS) * w


def _k1_body(x_ref, w_ref, ln1_ref, cos_ref, sin_ref, q_ref, k_ref, v_ref):
    h = _ln(x_ref[...], ln1_ref[...])
    qkv = jax.lax.dot_general(h, w_ref[...], (((1,), (0,)), ((), ())),
                              preferred_element_type=jnp.float32)
    q = qkv[:, : N_HEADS * HEAD_DIM]
    k = qkv[:, N_HEADS * HEAD_DIM : (N_HEADS + KV_HEADS) * HEAD_DIM]
    v = qkv[:, (N_HEADS + KV_HEADS) * HEAD_DIM :]

    def rope(x, nh):
        cos_t = jnp.concatenate([cos_ref[...]] * nh, axis=1)
        sin_t = jnp.concatenate([sin_ref[...]] * nh, axis=1)
        lane = jax.lax.broadcasted_iota(jnp.int32, x.shape, 1) % HEAD_DIM
        zp = pltpu.roll(x, x.shape[1] - HEAD_DIM // 2, 1)
        zm = pltpu.roll(x, HEAD_DIM // 2, 1)
        rot = jnp.where(lane < HEAD_DIM // 2, -zp, zm)
        return x * cos_t + rot * sin_t

    q_ref[...] = rope(q, N_HEADS)
    k_ref[...] = rope(k, KV_HEADS)
    v_ref[...] = v


def _k1(x, wqkv, ln1_w, cos, sin):
    n = S // ROW_T
    return pl.pallas_call(
        _k1_body,
        grid=(n,),
        in_specs=[
            pl.BlockSpec((ROW_T, D), lambda i: (i, 0)),
            pl.BlockSpec((D, (N_HEADS + 2 * KV_HEADS) * HEAD_DIM), lambda i: (0, 0)),
            pl.BlockSpec((1, D), lambda i: (0, 0)),
            pl.BlockSpec((ROW_T, HEAD_DIM), lambda i: (i, 0)),
            pl.BlockSpec((ROW_T, HEAD_DIM), lambda i: (i, 0)),
        ],
        out_specs=[
            pl.BlockSpec((ROW_T, N_HEADS * HEAD_DIM), lambda i: (i, 0)),
            pl.BlockSpec((ROW_T, KV_HEADS * HEAD_DIM), lambda i: (i, 0)),
            pl.BlockSpec((ROW_T, KV_HEADS * HEAD_DIM), lambda i: (i, 0)),
        ],
        out_shape=[
            jax.ShapeDtypeStruct((S, N_HEADS * HEAD_DIM), jnp.float32),
            jax.ShapeDtypeStruct((S, KV_HEADS * HEAD_DIM), jnp.float32),
            jax.ShapeDtypeStruct((S, KV_HEADS * HEAD_DIM), jnp.float32),
        ],
    )(x, wqkv, ln1_w, cos, sin)


QT = 512
NKQ = S // QT


def _k2_body(q_ref, k_ref, v_ref, o_ref, oa_ref, la_ref, ma_ref):
    i = pl.program_id(1)
    scale = 1.0 / (HEAD_DIM ** 0.5)
    q = q_ref[0] * scale
    row_g = i * QT + jax.lax.broadcasted_iota(jnp.int32, (QT, QT), 0)

    def part(j):
        ks = k_ref[0, j * QT : (j + 1) * QT, :]
        s = jax.lax.dot_general(q, ks, (((1,), (1,)), ((), ())),
                                preferred_element_type=jnp.float32)
        col_g = j * QT + jax.lax.broadcasted_iota(jnp.int32, (QT, QT), 1)
        s = jnp.where(col_g <= row_g, s, NEG)
        m = jnp.max(s, axis=1, keepdims=True)
        p = jnp.exp(s - m)
        o = jax.lax.dot_general(p, v_ref[0, j * QT : (j + 1) * QT, :],
                                (((1,), (0,)), ((), ())),
                                preferred_element_type=jnp.float32)
        return o, jnp.sum(p, axis=1, keepdims=True), m

    o0, l0, m0 = part(0)
    oa_ref[...] = o0
    la_ref[:, 0:1] = l0
    ma_ref[:, 0:1] = m0
    for j in range(1, NKQ):
        @pl.when(i >= j)
        def _(j=j):
            oj, lj, mj = part(j)
            m_old = ma_ref[:, 0:1]
            m_new = jnp.maximum(m_old, mj)
            c_old = jnp.exp(m_old - m_new)
            c_new = jnp.exp(mj - m_new)
            oa_ref[...] = oa_ref[...] * c_old + oj * c_new
            la_ref[:, 0:1] = la_ref[:, 0:1] * c_old + lj * c_new
            ma_ref[:, 0:1] = m_new

    o_ref[0] = oa_ref[...] / la_ref[:, 0:1]


def _k2(q3, k3, v3):
    rep = N_HEADS // KV_HEADS
    return pl.pallas_call(
        _k2_body,
        grid=(N_HEADS, S // QT),
        in_specs=[
            pl.BlockSpec((1, QT, HEAD_DIM), lambda h, i: (h, i, 0)),
            pl.BlockSpec((1, S, HEAD_DIM), lambda h, i: (h // rep, 0, 0)),
            pl.BlockSpec((1, S, HEAD_DIM), lambda h, i: (h // rep, 0, 0)),
        ],
        out_specs=pl.BlockSpec((1, QT, HEAD_DIM), lambda h, i: (h, i, 0)),
        out_shape=jax.ShapeDtypeStruct((N_HEADS, S, HEAD_DIM), jnp.float32),
        scratch_shapes=[
            pltpu.VMEM((QT, HEAD_DIM), jnp.float32),
            pltpu.VMEM((QT, 128), jnp.float32),
            pltpu.VMEM((QT, 128), jnp.float32),
        ],
    )(q3, k3, v3)


def _k3_body(a_ref, res_ref, ow_ref, ln2_ref, rw_ref, r2_ref, h3_ref, rt_ref):
    r2 = jax.lax.dot_general(a_ref[...], ow_ref[...], (((1,), (0,)), ((), ())),
                             preferred_element_type=jnp.float32) + res_ref[...]
    r2_ref[...] = r2
    h3 = _ln(r2, ln2_ref[...])
    h3_ref[...] = h3
    logits = jax.lax.dot_general(h3, rw_ref[...], (((1,), (0,)), ((), ())),
                                 preferred_element_type=jnp.float32)
    lane = jax.lax.broadcasted_iota(jnp.int32, logits.shape, 1)
    logits = jnp.where(lane < N_EXPERTS, logits, NEG)
    l1 = jnp.max(logits, axis=1, keepdims=True)
    e1 = jnp.min(jnp.where(logits == l1, lane, 127), axis=1, keepdims=True)
    logits2 = jnp.where(lane == e1, NEG, logits)
    l2 = jnp.max(logits2, axis=1, keepdims=True)
    e2 = jnp.min(jnp.where(logits2 == l2, lane, 127), axis=1, keepdims=True)
    wa = jax.nn.sigmoid(l1 - l2)
    wb = 1.0 - wa
    rt = jnp.where(lane == 0, wa, 0.0)
    rt = jnp.where(lane == 1, wb, rt)
    rt = jnp.where(lane == 2, e1.astype(jnp.float32), rt)
    rt = jnp.where(lane == 3, e2.astype(jnp.float32), rt)
    rt_ref[...] = rt


def _k3(attn, residual, out_w, ln2_w, router_wp):
    n = S // ROW_T
    return pl.pallas_call(
        _k3_body,
        grid=(n,),
        in_specs=[
            pl.BlockSpec((ROW_T, D), lambda i: (i, 0)),
            pl.BlockSpec((ROW_T, D), lambda i: (i, 0)),
            pl.BlockSpec((D, D), lambda i: (0, 0)),
            pl.BlockSpec((1, D), lambda i: (0, 0)),
            pl.BlockSpec((D, 128), lambda i: (0, 0)),
        ],
        out_specs=[
            pl.BlockSpec((ROW_T, D), lambda i: (i, 0)),
            pl.BlockSpec((ROW_T, D), lambda i: (i, 0)),
            pl.BlockSpec((ROW_T, 128), lambda i: (i, 0)),
        ],
        out_shape=[
            jax.ShapeDtypeStruct((S, D), jnp.float32),
            jax.ShapeDtypeStruct((S, D), jnp.float32),
            jax.ShapeDtypeStruct((S, 128), jnp.float32),
        ],
    )(attn, residual, out_w, ln2_w, router_wp)


def _routing_meta(e1, e2, wa, wb):
    keys = jnp.stack([e1, e2], axis=1).reshape(-1)
    wflat = jnp.stack([wa, wb], axis=1).reshape(-1)
    perm = jnp.argsort(keys, stable=True).astype(jnp.int32)
    inv_perm = jnp.argsort(perm).astype(jnp.int32)
    counts = jnp.sum(keys[:, None] == jnp.arange(N_EXPERTS)[None, :], axis=0)
    start = jnp.concatenate([jnp.zeros((1,), jnp.int32),
                             jnp.cumsum(counts)[:-1].astype(jnp.int32)])
    ptiles = (counts + MOE_T - 1) // MOE_T
    pad_start = jnp.concatenate([jnp.zeros((1,), jnp.int32),
                                 (jnp.cumsum(ptiles)[:-1] * MOE_T).astype(jnp.int32)])
    pos_flat = pad_start[keys] + inv_perm - start[keys]
    pos_a = pos_flat[0::TOP_K]
    pos_b = pos_flat[1::TOP_K]

    total = jnp.sum(ptiles).astype(jnp.int32)
    cum_end = jnp.cumsum(ptiles).astype(jnp.int32)
    t_idx = jnp.arange(N_TILES_MAX, dtype=jnp.int32)
    te = jnp.sum(cum_end[None, :] <= t_idx[:, None], axis=1).astype(jnp.int32)
    te_last = jnp.sum(cum_end <= total - 1).astype(jnp.int32)
    te = jnp.where(t_idx < total, te, te_last)
    valid = (t_idx < total).astype(jnp.int32)

    p_idx = jnp.arange(PAD_ROWS, dtype=jnp.int32)
    e_p = te[p_idx // MOE_T]
    j_p = p_idx - pad_start[e_p]
    valid_p = (j_p < counts[e_p]) & (p_idx < total * MOE_T)
    src = jnp.clip(start[e_p] + j_p, 0, S * TOP_K - 1)
    flat_src = perm[src]
    rows_idx = jnp.where(valid_p, flat_src // TOP_K, p_idx % S).astype(jnp.int32)
    wrows = jnp.where(valid_p, wflat[flat_src], 0.0)
    w128 = jnp.where(jnp.arange(128)[None, :] == 0, wrows[:, None], 0.0)
    return rows_idx, w128, pos_a, pos_b, te, valid


def _k4b_body(te_ref, va_ref, xg_ref, w1_ref, v1_ref, w2_ref, wc_ref, y_ref):
    t = pl.program_id(0)

    @pl.when(va_ref[t] == 1)
    def _():
        xg = xg_ref[...].astype(jnp.bfloat16)
        g = jax.lax.dot_general(xg, w1_ref[0], (((1,), (1,)), ((), ())),
                                preferred_element_type=jnp.float32)
        u = jax.lax.dot_general(xg, v1_ref[0], (((1,), (1,)), ((), ())),
                                preferred_element_type=jnp.float32)
        hmid = ((g * jax.nn.sigmoid(g)) * u).astype(jnp.bfloat16)
        y = jax.lax.dot_general(hmid, w2_ref[0], (((1,), (1,)), ((), ())),
                                preferred_element_type=jnp.float32)
        y_ref[...] = y * wc_ref[:, 0:1]


def _k4b(xg, w1, v1, w2, w128, te, valid):
    grid_spec = pltpu.PrefetchScalarGridSpec(
        num_scalar_prefetch=2,
        grid=(N_TILES_MAX,),
        in_specs=[
            pl.BlockSpec((MOE_T, D), lambda t, te, va: (t, 0)),
            pl.BlockSpec((1, D_FF, D), lambda t, te, va: (te[t], 0, 0)),
            pl.BlockSpec((1, D_FF, D), lambda t, te, va: (te[t], 0, 0)),
            pl.BlockSpec((1, D, D_FF), lambda t, te, va: (te[t], 0, 0)),
            pl.BlockSpec((MOE_T, 128), lambda t, te, va: (t, 0)),
        ],
        out_specs=pl.BlockSpec((MOE_T, D), lambda t, te, va: (t, 0)),
    )
    return pl.pallas_call(
        _k4b_body,
        grid_spec=grid_spec,
        out_shape=jax.ShapeDtypeStruct((PAD_ROWS, D), jnp.float32),
    )(te, valid, xg, w1, v1, w2, w128)


def _dispatch(h3, rows_idx):
    return h3[rows_idx]


def _combine(y, pos_a, pos_b, wa, wb):
    return wa[:, None] * y[pos_a] + wb[:, None] * y[pos_b]


NW = 32
GCHUNK = 64


def _sc_mesh():
    return plsc.VectorSubcoreMesh(core_axis_name="c", subcore_axis_name="s")


def _k4a_sc(h3, rows_idx):
    per_w = PAD_ROWS // NW
    nch = per_w // GCHUNK

    @functools.partial(
        pl.kernel,
        mesh=_sc_mesh(),
        out_type=jax.ShapeDtypeStruct((PAD_ROWS, D), jnp.float32),
        scratch_types=[
            pltpu.VMEM((per_w,), jnp.int32),
            pltpu.VMEM((GCHUNK, D), jnp.float32),
            pltpu.VMEM((GCHUNK, D), jnp.float32),
            pltpu.SemaphoreType.DMA,
            pltpu.SemaphoreType.DMA,
        ],
    )
    def body(x_hbm, idx_hbm, out_hbm, idx_v, buf0, buf1, sem0, sem1):
        wid = lax.axis_index("s") * 2 + lax.axis_index("c")
        base = wid * per_w
        pltpu.sync_copy(idx_hbm.at[pl.ds(base, per_w)], idx_v)
        bufs = [buf0, buf1]
        sems = [sem0, sem1]
        copies = [
            pltpu.async_copy(x_hbm.at[idx_v.at[pl.ds(c * GCHUNK, GCHUNK)]],
                             bufs[c % 2], sems[c % 2])
            for c in range(2)
        ]
        for c in range(nch):
            copies[c].wait()
            pltpu.sync_copy(bufs[c % 2], out_hbm.at[pl.ds(base + c * GCHUNK, GCHUNK)])
            if c + 2 < nch:
                copies.append(
                    pltpu.async_copy(
                        x_hbm.at[idx_v.at[pl.ds((c + 2) * GCHUNK, GCHUNK)]],
                        bufs[c % 2], sems[c % 2]))

    return body(h3, rows_idx)


CCHUNK = 32


def _k4c_sc(y, pos_a, pos_b):
    per_w = S // NW
    nch = per_w // CCHUNK

    @functools.partial(
        pl.kernel,
        mesh=_sc_mesh(),
        out_type=jax.ShapeDtypeStruct((S, D), jnp.float32),
        scratch_types=[
            pltpu.VMEM((CCHUNK,), jnp.int32),
            pltpu.VMEM((CCHUNK,), jnp.int32),
            pltpu.VMEM((CCHUNK, D), jnp.float32),
            pltpu.VMEM((CCHUNK, D), jnp.float32),
            pltpu.VMEM((CCHUNK, D), jnp.float32),
            pltpu.SemaphoreType.DMA,
            pltpu.SemaphoreType.DMA,
        ],
    )
    def body(y_hbm, pa_hbm, pb_hbm, out_hbm,
             pa_v, pb_v, ya_v, yb_v, o_v, sem_a, sem_b):
        wid = lax.axis_index("s") * 2 + lax.axis_index("c")
        for c in range(nch):
            base = wid * per_w + c * CCHUNK
            pltpu.sync_copy(pa_hbm.at[pl.ds(base, CCHUNK)], pa_v)
            pltpu.sync_copy(pb_hbm.at[pl.ds(base, CCHUNK)], pb_v)
            ca = pltpu.async_copy(y_hbm.at[pa_v], ya_v, sem_a)
            cb = pltpu.async_copy(y_hbm.at[pb_v], yb_v, sem_b)
            ca.wait()
            cb.wait()

            def row(r, _):
                for j in range(D // 16):
                    sl = pl.ds(j * 16, 16)
                    o_v[r, sl] = ya_v[r, sl] + yb_v[r, sl]
                return 0

            lax.fori_loop(0, CCHUNK, row, 0)
            pltpu.sync_copy(o_v, out_hbm.at[pl.ds(base, CCHUNK)])

    return body(y, pos_a, pos_b)


@jax.jit
def kernel(hidden_states, cos, sin, ln1_w, ln2_w, wqkv, out_w, router_w, w1, v1, w2):
    x = hidden_states.reshape(S, D)
    ln1 = ln1_w.reshape(1, D)
    ln2 = ln2_w.reshape(1, D)
    router_wp = jnp.zeros((D, 128), jnp.float32).at[:, :N_EXPERTS].set(router_w)

    q, k, v = _k1(x, wqkv, ln1, cos, sin)
    q3 = q.reshape(S, N_HEADS, HEAD_DIM).transpose(1, 0, 2)
    k3 = k.reshape(S, KV_HEADS, HEAD_DIM).transpose(1, 0, 2)
    v3 = v.reshape(S, KV_HEADS, HEAD_DIM).transpose(1, 0, 2)
    attn3 = _k2(q3, k3, v3)
    attn = attn3.transpose(1, 0, 2).reshape(S, N_HEADS * HEAD_DIM)
    residual2, h3, route = _k3(attn, x, out_w, ln2, router_wp)

    wa = route[:, 0]
    wb = route[:, 1]
    e1 = route[:, 2].astype(jnp.int32)
    e2 = route[:, 3].astype(jnp.int32)
    rows_idx, w128, pos_a, pos_b, te, valid = _routing_meta(e1, e2, wa, wb)

    xg = _k4a_sc(h3, rows_idx)
    y = _k4b(xg, w1, v1, w2, w128, te, valid)
    out = _k4c_sc(y, pos_a, pos_b)

    return (out.reshape(1, S, D), residual2.reshape(1, S, D))

# --- scband reference (transcript-rebuilt; emitter-appended) ---
"""Pipeline reference for scband-dbrx-block-40492951667588 (READ-ONLY COPY).

The authoritative reference and input builder live on the scoring server;
editing this copy changes nothing except your own understanding.
"""

import jax, jax.numpy as jnp
import numpy as np

B = 1
S = 2048
D_MODEL = 768
N_HEADS = 12
KV_HEADS = 4
HEAD_DIM = 64
D_FF = 1536
N_EXPERTS = 8
TOP_K = 2
NORM_P = 1.0
EPS = 1e-5


def layernorm(x, w):
    mu = jnp.mean(x, axis=-1, keepdims=True)
    var = jnp.mean((x - mu) ** 2, axis=-1, keepdims=True)
    return (x - mu) / jnp.sqrt(var + EPS) * w


def rotate_half(x):
    h = x.shape[-1] // 2
    return jnp.concatenate([-x[..., h:], x[..., :h]], axis=-1)


def setup_inputs(seed: int = 0) -> dict:
    key = jax.random.key(seed)
    ks = jax.random.split(key, 8)
    hidden_states = jax.random.normal(ks[0], (B, S, D_MODEL), dtype=jnp.float32)
    pos = jnp.arange(S, dtype=jnp.float32)
    inv_freq = 1.0 / (10000.0 ** (jnp.arange(0, HEAD_DIM, 2, dtype=jnp.float32) / HEAD_DIM))
    freqs = jnp.outer(pos, inv_freq)
    emb = jnp.concatenate([freqs, freqs], axis=-1)
    cos = jnp.cos(emb).astype(jnp.float32)
    sin = jnp.sin(emb).astype(jnp.float32)
    qkv_out = (N_HEADS + 2 * KV_HEADS) * HEAD_DIM
    ln1_w = jnp.ones((D_MODEL,), jnp.float32)
    ln2_w = jnp.ones((D_MODEL,), jnp.float32)
    wqkv = jax.random.normal(ks[1], (D_MODEL, qkv_out), dtype=jnp.float32) * 0.02
    out_w = jax.random.normal(ks[2], (D_MODEL, D_MODEL), dtype=jnp.float32) * 0.02
    router_w = jax.random.normal(ks[3], (D_MODEL, N_EXPERTS), dtype=jnp.float32) * 0.02
    w1 = jax.random.normal(ks[4], (N_EXPERTS, D_FF, D_MODEL), dtype=jnp.float32) * 0.02
    v1 = jax.random.normal(ks[5], (N_EXPERTS, D_FF, D_MODEL), dtype=jnp.float32) * 0.02
    w2 = jax.random.normal(ks[6], (N_EXPERTS, D_MODEL, D_FF), dtype=jnp.float32) * 0.02
    return {"hidden_states": hidden_states, "cos": cos, "sin": sin,
            "ln1_w": ln1_w, "ln2_w": ln2_w, "wqkv": wqkv, "out_w": out_w,
            "router_w": router_w, "w1": w1, "v1": v1, "w2": w2}


def reference(hidden_states, cos, sin, ln1_w, ln2_w, wqkv, out_w, router_w, w1, v1, w2):
    Bz, Sz, D = hidden_states.shape
    # norm_attn_norm: residual=x; h=LN1(x)
    residual = hidden_states
    h = layernorm(hidden_states, ln1_w)
    # attention
    qkv = h @ wqkv
    q_end = N_HEADS * HEAD_DIM
    k_end = q_end + KV_HEADS * HEAD_DIM
    q = qkv[..., :q_end].reshape(Bz, Sz, N_HEADS, HEAD_DIM)
    k = qkv[..., q_end:k_end].reshape(Bz, Sz, KV_HEADS, HEAD_DIM)
    v = qkv[..., k_end:].reshape(Bz, Sz, KV_HEADS, HEAD_DIM)
    c = cos[None, :, None, :]
    s = sin[None, :, None, :]
    q = q * c + rotate_half(q) * s
    k = k * c + rotate_half(k) * s
    rep = N_HEADS // KV_HEADS
    k = jnp.repeat(k, rep, axis=2)
    v = jnp.repeat(v, rep, axis=2)
    scores = jnp.einsum('bqhd,bkhd->bhqk', q, k) / jnp.sqrt(jnp.float32(HEAD_DIM))
    causal = jnp.tril(jnp.ones((Sz, Sz), dtype=bool))
    scores = jnp.where(causal[None, None, :, :], scores, jnp.finfo(scores.dtype).min)
    probs = jax.nn.softmax(scores, axis=-1)
    attn = jnp.einsum('bhqk,bkhd->bqhd', probs, v).reshape(Bz, Sz, N_HEADS * HEAD_DIM)
    attn_out = attn @ out_w
    # fused add + norm_2: residual_new = attn_out + residual; h = LN2(residual_new)
    residual2 = attn_out + residual
    h3 = layernorm(residual2, ln2_w)
    # DbrxFFN: router + experts
    x = h3.reshape(-1, D)
    logits = x @ router_w
    rprobs = jax.nn.softmax(logits, axis=-1)
    top_w, top_e = jax.lax.top_k(rprobs, TOP_K)
    norm = jnp.sum(jnp.abs(top_w) ** NORM_P, axis=-1, keepdims=True) ** (1.0 / NORM_P)
    top_w = top_w / norm
    out = jnp.zeros_like(x)
    for e in range(N_EXPERTS):
        we = jnp.sum(jnp.where(top_e == e, top_w, 0.0), axis=-1)
        gate = jax.nn.silu(x @ w1[e].T)
        up = x @ v1[e].T
        y = (gate * up) @ w2[e].T
        out = out + we[:, None] * y
    out = out.reshape(Bz, Sz, D)
    return (out, residual2)

if __name__ == "__main__":
    import jax
    _d = setup_inputs()
    print(jax.jit(kernel)(*tuple(_d.values())))

</pallas_src>

<mosaic_0001>
#map = affine_map<(d0, d1) -> (0, 0)>
#map1 = affine_map<(d0, d1) -> (0)>
module attributes {stable_mosaic.version = 14 : i64} {
  func.func @body(%arg0: i32, %arg1: i32, %arg2: memref<2048x768xf32, #tpu.memory_space<hbm>>, %arg3: memref<6144xi32, #tpu.memory_space<hbm>>, %arg4: memref<6144x768xf32, #tpu.memory_space<hbm>>, %arg5: memref<192xi32, #tpu.memory_space<vmem>>, %arg6: memref<64x768xf32, #tpu.memory_space<vmem>>, %arg7: memref<64x768xf32, #tpu.memory_space<vmem>>, %arg8: memref<!tpu.dma_semaphore, #tpu.memory_space<semaphore_mem>>, %arg9: memref<!tpu.dma_semaphore, #tpu.memory_space<semaphore_mem>>) attributes {dimension_semantics = [#tpu.dimension_semantics<core_parallel>, #tpu.dimension_semantics<subcore_parallel>], iteration_bounds = array<i64: 2, 16>, scalar_prefetch = 0 : i64, scratch_operands = 5 : i64, tpu.core_type = #tpu.core_type<sc_vector_subcore>, window_params = [{transform_indices = #map}, {transform_indices = #map1}, {transform_indices = #map}]} {
    %mul3A = arith.constant 2 : i32
    %mul3A_0 = arith.muli %arg1, %mul3A : i32
    %add3A = arith.addi %mul3A_0, %arg0 : i32
    %mul3A_1 = arith.constant 192 : i32
    %mul3A_2 = arith.muli %add3A, %mul3A_1 : i32
    "tpu.region"() ({
      %run_scoped3A = tpu.sem_alloc : memref<!tpu.dma_semaphore, #tpu.memory_space<semaphore_mem>>
      %dma_start3A_37 = tpu.memref_slice %arg3[%mul3A_2] : memref<6144xi32, #tpu.memory_space<hbm>> -> memref<192xi32, #tpu.memory_space<hbm>>
      %dma_start3A_38 = tpu.memref_slice %arg3[%mul3A_2] : memref<6144xi32, #tpu.memory_space<hbm>> -> memref<192xi32, #tpu.memory_space<hbm>>
      tpu.enqueue_dma source(%dma_start3A_38 : memref<192xi32, #tpu.memory_space<hbm>>) target(%arg5 : memref<192xi32, #tpu.memory_space<vmem>>) target_semaphore(%run_scoped3A : memref<!tpu.dma_semaphore, #tpu.memory_space<semaphore_mem>>)
      %dma_wait3A_39 = tpu.memref_slice %arg3[%mul3A_2] : memref<6144xi32, #tpu.memory_space<hbm>> -> memref<192xi32, #tpu.memory_space<hbm>>
      %dma_wait3A_40 = tpu.memref_slice %arg3[%mul3A_2] : memref<6144xi32, #tpu.memory_space<hbm>> -> memref<192xi32, #tpu.memory_space<hbm>>
      tpu.wait_dma2 semaphore(%run_scoped3A : memref<!tpu.dma_semaphore, #tpu.memory_space<semaphore_mem>>) src(%dma_wait3A_40 : memref<192xi32, #tpu.memory_space<hbm>>) dst(%arg5 : memref<192xi32, #tpu.memory_space<vmem>>)
      tpu.yield
    }) : () -> ()
    %dma_start3A = arith.constant 0 : i32
    %dma_start3A_3 = tpu.memref_slice %arg5[%dma_start3A] : memref<192xi32, #tpu.memory_space<vmem>> -> memref<64xi32, #tpu.memory_space<vmem>>
    %dma_start3A_4 = arith.constant 0 : i32
    %dma_start3A_5 = arith.constant 0 : i32
    %dma_start3A_6 = tpu.memref_slice %arg2[%dma_start3A_4, %dma_start3A_5] : memref<2048x768xf32, #tpu.memory_space<hbm>> -> memref<2048x768xf32, #tpu.memory_space<hbm>>
    tpu.enqueue_indirect_dma source(%dma_start3A_6 : memref<2048x768xf32, #tpu.memory_space<hbm>>) target(%arg6 : memref<64x768xf32, #tpu.memory_space<vmem>>) offsets(%dma_start3A_3 : memref<64xi32, #tpu.memory_space<vmem>>) semaphore(%arg8 : memref<!tpu.dma_semaphore, #tpu.memory_space<semaphore_mem>>)
    %dma_start3A_7 = arith.constant 64 : i32
    %dma_start3A_8 = tpu.memref_slice %arg5[%dma_start3A_7] : memref<192xi32, #tpu.memory_space<vmem>> -> memref<64xi32, #tpu.memory_space<vmem>>
    %dma_start3A_9 = arith.constant 0 : i32
    %dma_start3A_10 = arith.constant 0 : i32
    %dma_start3A_11 = tpu.memref_slice %arg2[%dma_start3A_9, %dma_start3A_10] : memref<2048x768xf32, #tpu.memory_space<hbm>> -> memref<2048x768xf32, #tpu.memory_space<hbm>>
    tpu.enqueue_indirect_dma source(%dma_start3A_11 : memref<2048x768xf32, #tpu.memory_space<hbm>>) target(%arg7 : memref<64x768xf32, #tpu.memory_space<vmem>>) offsets(%dma_start3A_8 : memref<64xi32, #tpu.memory_space<vmem>>) semaphore(%arg9 : memref<!tpu.dma_semaphore, #tpu.memory_space<semaphore_mem>>)
    %dma_wait3A = arith.constant 0 : i32
    %dma_wait3A_12 = tpu.memref_slice %arg5[%dma_wait3A] : memref<192xi32, #tpu.memory_space<vmem>> -> memref<64xi32, #tpu.memory_space<vmem>>
    %dma_wait3A_13 = arith.constant 0 : i32
    %dma_wait3A_14 = arith.constant 0 : i32
    %dma_wait3A_15 = tpu.memref_slice %arg2[%dma_wait3A_13, %dma_wait3A_14] : memref<2048x768xf32, #tpu.memory_space<hbm>> -> memref<2048x768xf32, #tpu.memory_space<hbm>>
    tpu.wait_indirect_dma semaphore(%arg8 : memref<!tpu.dma_semaphore, #tpu.memory_space<semaphore_mem>>) src(%dma_wait3A_15 : memref<2048x768xf32, #tpu.memory_space<hbm>>) dst(%arg6 : memref<64x768xf32, #tpu.memory_space<vmem>>)
    %add3A_16 = arith.constant 0 : i32
    %add3A_17 = arith.addi %mul3A_2, %add3A_16 : i32
    "tpu.region"() ({
      %run_scoped3A = tpu.sem_alloc : memref<!tpu.dma_semaphore, #tpu.memory_space<semaphore_mem>>
      %dma_start3A_37 = arith.constant 0 : i32
      %dma_start3A_38 = tpu.memref_slice %arg4[%add3A_17, %dma_start3A_37] : memref<6144x768xf32, #tpu.memory_space<hbm>> -> memref<64x768xf32, #tpu.memory_space<hbm>>
      %dma_start3A_39 = arith.constant 0 : i32
      %dma_start3A_40 = tpu.memref_slice %arg4[%add3A_17, %dma_start3A_39] : memref<6144x768xf32, #tpu.memory_space<hbm>> -> memref<64x768xf32, #tpu.memory_space<hbm>>
      tpu.enqueue_dma source(%arg6 : memref<64x768xf32, #tpu.memory_space<vmem>>) target(%dma_start3A_40 : memref<64x768xf32, #tpu.memory_space<hbm>>) target_semaphore(%run_scoped3A : memref<!tpu.dma_semaphore, #tpu.memory_space<semaphore_mem>>)
      %dma_wait3A_41 = arith.constant 0 : i32
      %dma_wait3A_42 = tpu.memref_slice %arg4[%add3A_17, %dma_wait3A_41] : memref<6144x768xf32, #tpu.memory_space<hbm>> -> memref<64x768xf32, #tpu.memory_space<hbm>>
      %dma_wait3A_43 = arith.constant 0 : i32
      %dma_wait3A_44 = tpu.memref_slice %arg4[%add3A_17, %dma_wait3A_43] : memref<6144x768xf32, #tpu.memory_space<hbm>> -> memref<64x768xf32, #tpu.memory_space<hbm>>
      tpu.wait_dma2 semaphore(%run_scoped3A : memref<!tpu.dma_semaphore, #tpu.memory_space<semaphore_mem>>) src(%arg6 : memref<64x768xf32, #tpu.memory_space<vmem>>) dst(%dma_wait3A_44 : memref<64x768xf32, #tpu.memory_space<hbm>>)
      tpu.yield
    }) : () -> ()
    %dma_start3A_18 = arith.constant 128 : i32
    %dma_start3A_19 = tpu.memref_slice %arg5[%dma_start3A_18] : memref<192xi32, #tpu.memory_space<vmem>> -> memref<64xi32, #tpu.memory_space<vmem>>
    %dma_start3A_20 = arith.constant 0 : i32
    %dma_start3A_21 = arith.constant 0 : i32
    %dma_start3A_22 = tpu.memref_slice %arg2[%dma_start3A_20, %dma_start3A_21] : memref<2048x768xf32, #tpu.memory_space<hbm>> -> memref<2048x768xf32, #tpu.memory_space<hbm>>
    tpu.enqueue_indirect_dma source(%dma_start3A_22 : memref<2048x768xf32, #tpu.memory_space<hbm>>) target(%arg6 : memref<64x768xf32, #tpu.memory_space<vmem>>) offsets(%dma_start3A_19 : memref<64xi32, #tpu.memory_space<vmem>>) semaphore(%arg8 : memref<!tpu.dma_semaphore, #tpu.memory_space<semaphore_mem>>)
    %dma_wait3A_23 = arith.constant 64 : i32
    %dma_wait3A_24 = tpu.memref_slice %arg5[%dma_wait3A_23] : memref<192xi32, #tpu.memory_space<vmem>> -> memref<64xi32, #tpu.memory_space<vmem>>
    %dma_wait3A_25 = arith.constant 0 : i32
    %dma_wait3A_26 = arith.constant 0 : i32
    %dma_wait3A_27 = tpu.memref_slice %arg2[%dma_wait3A_25, %dma_wait3A_26] : memref<2048x768xf32, #tpu.memory_space<hbm>> -> memref<2048x768xf32, #tpu.memory_space<hbm>>
    tpu.wait_indirect_dma semaphore(%arg9 : memref<!tpu.dma_semaphore, #tpu.memory_space<semaphore_mem>>) src(%dma_wait3A_27 : memref<2048x768xf32, #tpu.memory_space<hbm>>) dst(%arg7 : memref<64x768xf32, #tpu.memory_space<vmem>>)
    %add3A_28 = arith.constant 64 : i32
    %add3A_29 = arith.addi %mul3A_2, %add3A_28 : i32
    "tpu.region"() ({
      %run_scoped3A = tpu.sem_alloc : memref<!tpu.dma_semaphore, #tpu.memory_space<semaphore_mem>>
      %dma_start3A_37 = arith.constant 0 : i32
      %dma_start3A_38 = tpu.memref_slice %arg4[%add3A_29, %dma_start3A_37] : memref<6144x768xf32, #tpu.memory_space<hbm>> -> memref<64x768xf32, #tpu.memory_space<hbm>>
      %dma_start3A_39 = arith.constant 0 : i32
      %dma_start3A_40 = tpu.memref_slice %arg4[%add3A_29, %dma_start3A_39] : memref<6144x768xf32, #tpu.memory_space<hbm>> -> memref<64x768xf32, #tpu.memory_space<hbm>>
      tpu.enqueue_dma source(%arg7 : memref<64x768xf32, #tpu.memory_space<vmem>>) target(%dma_start3A_40 : memref<64x768xf32, #tpu.memory_space<hbm>>) target_semaphore(%run_scoped3A : memref<!tpu.dma_semaphore, #tpu.memory_space<semaphore_mem>>)
      %dma_wait3A_41 = arith.constant 0 : i32
      %dma_wait3A_42 = tpu.memref_slice %arg4[%add3A_29, %dma_wait3A_41] : memref<6144x768xf32, #tpu.memory_space<hbm>> -> memref<64x768xf32, #tpu.memory_space<hbm>>
      %dma_wait3A_43 = arith.constant 0 : i32
      %dma_wait3A_44 = tpu.memref_slice %arg4[%add3A_29, %dma_wait3A_43] : memref<6144x768xf32, #tpu.memory_space<hbm>> -> memref<64x768xf32, #tpu.memory_space<hbm>>
      tpu.wait_dma2 semaphore(%run_scoped3A : memref<!tpu.dma_semaphore, #tpu.memory_space<semaphore_mem>>) src(%arg7 : memref<64x768xf32, #tpu.memory_space<vmem>>) dst(%dma_wait3A_44 : memref<64x768xf32, #tpu.memory_space<hbm>>)
      tpu.yield
    }) : () -> ()
    %dma_wait3A_30 = arith.constant 128 : i32
    %dma_wait3A_31 = tpu.memref_slice %arg5[%dma_wait3A_30] : memref<192xi32, #tpu.memory_space<vmem>> -> memref<64xi32, #tpu.memory_space<vmem>>
    %dma_wait3A_32 = arith.constant 0 : i32
    %dma_wait3A_33 = arith.constant 0 : i32
    %dma_wait3A_34 = tpu.memref_slice %arg2[%dma_wait3A_32, %dma_wait3A_33] : memref<2048x768xf32, #tpu.memory_space<hbm>> -> memref<2048x768xf32, #tpu.memory_space<hbm>>
    tpu.wait_indirect_dma semaphore(%arg8 : memref<!tpu.dma_semaphore, #tpu.memory_space<semaphore_mem>>) src(%dma_wait3A_34 : memref<2048x768xf32, #tpu.memory_space<hbm>>) dst(%arg6 : memref<64x768xf32, #tpu.memory_space<vmem>>)
    %add3A_35 = arith.constant 128 : i32
    %add3A_36 = arith.addi %mul3A_2, %add3A_35 : i32
    "tpu.region"() ({
      %run_scoped3A = tpu.sem_alloc : memref<!tpu.dma_semaphore, #tpu.memory_space<semaphore_mem>>
      %dma_start3A_37 = arith.constant 0 : i32
      %dma_start3A_38 = tpu.memref_slice %arg4[%add3A_36, %dma_start3A_37] : memref<6144x768xf32, #tpu.memory_space<hbm>> -> memref<64x768xf32, #tpu.memory_space<hbm>>
      %dma_start3A_39 = arith.constant 0 : i32
      %dma_start3A_40 = tpu.memref_slice %arg4[%add3A_36, %dma_start3A_39] : memref<6144x768xf32, #tpu.memory_space<hbm>> -> memref<64x768xf32, #tpu.memory_space<hbm>>
      tpu.enqueue_dma source(%arg6 : memref<64x768xf32, #tpu.memory_space<vmem>>) target(%dma_start3A_40 : memref<64x768xf32, #tpu.memory_space<hbm>>) target_semaphore(%run_scoped3A : memref<!tpu.dma_semaphore, #tpu.memory_space<semaphore_mem>>)
      %dma_wait3A_41 = arith.constant 0 : i32
      %dma_wait3A_42 = tpu.memref_slice %arg4[%add3A_36, %dma_wait3A_41] : memref<6144x768xf32, #tpu.memory_space<hbm>> -> memref<64x768xf32, #tpu.memory_space<hbm>>
      %dma_wait3A_43 = arith.constant 0 : i32
      %dma_wait3A_44 = tpu.memref_slice %arg4[%add3A_36, %dma_wait3A_43] : memref<6144x768xf32, #tpu.memory_space<hbm>> -> memref<64x768xf32, #tpu.memory_space<hbm>>
      tpu.wait_dma2 semaphore(%run_scoped3A : memref<!tpu.dma_semaphore, #tpu.memory_space<semaphore_mem>>) src(%arg6 : memref<64x768xf32, #tpu.memory_space<vmem>>) dst(%dma_wait3A_44 : memref<64x768xf32, #tpu.memory_space<hbm>>)
      tpu.yield
    }) : () -> ()
    return
  }
}

#map = affine_map<(d0, d1) -> (0, 0)>
#map1 = affine_map<(d0, d1) -> (0)>
module attributes {stable_mosaic.version = 14 : i64} {
  func.func @body(%arg0: i32, %arg1: i32, %arg2: memref<6144x768xf32, #tpu.memory_space<hbm>>, %arg3: memref<2048xi32, #tpu.memory_space<hbm>>, %arg4: memref<2048xi32, #tpu.memory_space<hbm>>, %arg5: memref<2048x768xf32, #tpu.memory_space<hbm>>, %arg6: memref<32xi32, #tpu.memory_space<vmem>>, %arg7: memref<32xi32, #tpu.memory_space<vmem>>, %arg8: memref<32x768xf32, #tpu.memory_space<vmem>>, %arg9: memref<32x768xf32, #tpu.memory_space<vmem>>, %arg10: memref<32x768xf32, #tpu.memory_space<vmem>>, %arg11: memref<!tpu.dma_semaphore, #tpu.memory_space<semaphore_mem>>, %arg12: memref<!tpu.dma_semaphore, #tpu.memory_space<semaphore_mem>>) attributes {dimension_semantics = [#tpu.dimension_semantics<core_parallel>, #tpu.dimension_semantics<subcore_parallel>], iteration_bounds = array<i64: 2, 16>, scalar_prefetch = 0 : i64, scratch_operands = 7 : i64, tpu.core_type = #tpu.core_type<sc_vector_subcore>, window_params = [{transform_indices = #map}, {transform_indices = #map1}, {transform_indices = #map1}, {transform_indices = #map}]} {
    %mul3A = arith.constant 2 : i32
    %mul3A_0 = arith.muli %arg1, %mul3A : i32
    %add3A = arith.addi %mul3A_0, %arg0 : i32
    %mul3A_1 = arith.constant 64 : i32
    %mul3A_2 = arith.muli %add3A, %mul3A_1 : i32
    %add3A_3 = arith.constant 0 : i32
    %add3A_4 = arith.addi %mul3A_2, %add3A_3 : i32
    "tpu.region"() ({
      %run_scoped3A = tpu.sem_alloc : memref<!tpu.dma_semaphore, #tpu.memory_space<semaphore_mem>>
      %dma_start3A_44 = tpu.memref_slice %arg3[%add3A_4] : memref<2048xi32, #tpu.memory_space<hbm>> -> memref<32xi32, #tpu.memory_space<hbm>>
      %dma_start3A_45 = tpu.memref_slice %arg3[%add3A_4] : memref<2048xi32, #tpu.memory_space<hbm>> -> memref<32xi32, #tpu.memory_space<hbm>>
      tpu.enqueue_dma source(%dma_start3A_45 : memref<32xi32, #tpu.memory_space<hbm>>) target(%arg6 : memref<32xi32, #tpu.memory_space<vmem>>) target_semaphore(%run_scoped3A : memref<!tpu.dma_semaphore, #tpu.memory_space<semaphore_mem>>)
      %dma_wait3A_46 = tpu.memref_slice %arg3[%add3A_4] : memref<2048xi32, #tpu.memory_space<hbm>> -> memref<32xi32, #tpu.memory_space<hbm>>
      %dma_wait3A_47 = tpu.memref_slice %arg3[%add3A_4] : memref<2048xi32, #tpu.memory_space<hbm>> -> memref<32xi32, #tpu.memory_space<hbm>>
      tpu.wait_dma2 semaphore(%run_scoped3A : memref<!tpu.dma_semaphore, #tpu.memory_space<semaphore_mem>>) src(%dma_wait3A_47 : memref<32xi32, #tpu.memory_space<hbm>>) dst(%arg6 : memref<32xi32, #tpu.memory_space<vmem>>)
      tpu.yield
    }) : () -> ()
    "tpu.region"() ({
      %run_scoped3A = tpu.sem_alloc : memref<!tpu.dma_semaphore, #tpu.memory_space<semaphore_mem>>
      %dma_start3A_44 = tpu.memref_slice %arg4[%add3A_4] : memref<2048xi32, #tpu.memory_space<hbm>> -> memref<32xi32, #tpu.memory_space<hbm>>
      %dma_start3A_45 = tpu.memref_slice %arg4[%add3A_4] : memref<2048xi32, #tpu.memory_space<hbm>> -> memref<32xi32, #tpu.memory_space<hbm>>
      tpu.enqueue_dma source(%dma_start3A_45 : memref<32xi32, #tpu.memory_space<hbm>>) target(%arg7 : memref<32xi32, #tpu.memory_space<vmem>>) target_semaphore(%run_scoped3A : memref<!tpu.dma_semaphore, #tpu.memory_space<semaphore_mem>>)
      %dma_wait3A_46 = tpu.memref_slice %arg4[%add3A_4] : memref<2048xi32, #tpu.memory_space<hbm>> -> memref<32xi32, #tpu.memory_space<hbm>>
      %dma_wait3A_47 = tpu.memref_slice %arg4[%add3A_4] : memref<2048xi32, #tpu.memory_space<hbm>> -> memref<32xi32, #tpu.memory_space<hbm>>
      tpu.wait_dma2 semaphore(%run_scoped3A : memref<!tpu.dma_semaphore, #tpu.memory_space<semaphore_mem>>) src(%dma_wait3A_47 : memref<32xi32, #tpu.memory_space<hbm>>) dst(%arg7 : memref<32xi32, #tpu.memory_space<vmem>>)
      tpu.yield
    }) : () -> ()
    %dma_start3A = arith.constant 0 : i32
    %dma_start3A_5 = arith.constant 0 : i32
    %dma_start3A_6 = tpu.memref_slice %arg2[%dma_start3A, %dma_start3A_5] : memref<6144x768xf32, #tpu.memory_space<hbm>> -> memref<6144x768xf32, #tpu.memory_space<hbm>>
    tpu.enqueue_indirect_dma source(%dma_start3A_6 : memref<6144x768xf32, #tpu.memory_space<hbm>>) target(%arg8 : memref<32x768xf32, #tpu.memory_space<vmem>>) offsets(%arg6 : memref<32xi32, #tpu.memory_space<vmem>>) semaphore(%arg11 : memref<!tpu.dma_semaphore, #tpu.memory_space<semaphore_mem>>)
    %dma_start3A_7 = arith.constant 0 : i32
    %dma_start3A_8 = arith.constant 0 : i32
    %dma_start3A_9 = tpu.memref_slice %arg2[%dma_start3A_7, %dma_start3A_8] : memref<6144x768xf32, #tpu.memory_space<hbm>> -> memref<6144x768xf32, #tpu.memory_space<hbm>>
    tpu.enqueue_indirect_dma source(%dma_start3A_9 : memref<6144x768xf32, #tpu.memory_space<hbm>>) target(%arg9 : memref<32x768xf32, #tpu.memory_space<vmem>>) offsets(%arg7 : memref<32xi32, #tpu.memory_space<vmem>>) semaphore(%arg12 : memref<!tpu.dma_semaphore, #tpu.memory_space<semaphore_mem>>)
    %dma_wait3A = arith.constant 0 : i32
    %dma_wait3A_10 = arith.constant 0 : i32
    %dma_wait3A_11 = tpu.memref_slice %arg2[%dma_wait3A, %dma_wait3A_10] : memref<6144x768xf32, #tpu.memory_space<hbm>> -> memref<6144x768xf32, #tpu.memory_space<hbm>>
    tpu.wait_indirect_dma semaphore(%arg11 : memref<!tpu.dma_semaphore, #tpu.memory_space<semaphore_mem>>) src(%dma_wait3A_11 : memref<6144x768xf32, #tpu.memory_space<hbm>>) dst(%arg8 : memref<32x768xf32, #tpu.memory_space<vmem>>)
    %dma_wait3A_12 = arith.constant 0 : i32
    %dma_wait3A_13 = arith.constant 0 : i32
    %dma_wait3A_14 = tpu.memref_slice %arg2[%dma_wait3A_12, %dma_wait3A_13] : memref<6144x768xf32, #tpu.memory_space<hbm>> -> memref<6144x768xf32, #tpu.memory_space<hbm>>
    tpu.wait_indirect_dma semaphore(%arg12 : memref<!tpu.dma_semaphore, #tpu.memory_space<semaphore_mem>>) src(%dma_wait3A_14 : memref<6144x768xf32, #tpu.memory_space<hbm>>) dst(%arg9 : memref<32x768xf32, #tpu.memory_space<vmem>>)
    %scan3A = arith.constant 0 : i32
    %scan3A_15 = arith.constant 0 : i32
    %scan3A_16 = arith.constant 32 : i32
    %scan3A_17 = arith.addi %scan3A_15, %scan3A_16 : i32
    %scan3A_18 = arith.constant 1 : i32
    %scan3A_19 = scf.for %scan3A_44 = %scan3A_15 to %scan3A_17 step %scan3A_18 iter_args(%scan3A_45 = %scan3A) -> (i32)  : i32 {
      %get3A = arith.index_cast %scan3A_44 : i32 to index
      %get3A_46 = arith.constant 0 : index
      %get3A_47 = tpu.vector_load %arg8[%get3A, %get3A_46] {strides = array<i32>} : memref<32x768xf32, #tpu.memory_space<vmem>>, vector<1x16xf32>,
      %get3A_48 = vector.shape_cast %get3A_47 : vector<1x16xf32> to vector<16xf32>
      %get3A_49 = arith.index_cast %scan3A_44 : i32 to index
      %get3A_50 = arith.constant 0 : index
      %get3A_51 = tpu.vector_load %arg9[%get3A_49, %get3A_50] {strides = array<i32>} : memref<32x768xf32, #tpu.memory_space<vmem>>, vector<1x16xf32>,
      %get3A_52 = vector.shape_cast %get3A_51 : vector<1x16xf32> to vector<16xf32>
      %add3A_53 = arith.addf %get3A_48, %get3A_52 : vector<16xf32>
      %swap3A = arith.index_cast %scan3A_44 : i32 to index
      %swap3A_54 = arith.constant 0 : index
      %swap3A_55 = tpu.vector_load %arg10[%swap3A, %swap3A_54] {strides = array<i32>} : memref<32x768xf32, #tpu.memory_space<vmem>>, vector<1x16xf32>,
      %swap3A_56 = vector.shape_cast %swap3A_55 : vector<1x16xf32> to vector<16xf32>
      %swap3A_57 = vector.shape_cast %add3A_53 : vector<16xf32> to vector<1x16xf32>
      tpu.vector_store %arg10[%swap3A, %swap3A_54], %swap3A_57 {strides = array<i32>} : memref<32x768xf32, #tpu.memory_space<vmem>>, vector<1x16xf32>,
      %get3A_58 = arith.index_cast %scan3A_44 : i32 to index
      %get3A_59 = arith.constant 16 : index
      %get3A_60 = tpu.vector_load %arg8[%get3A_58, %get3A_59] {strides = array<i32>} : memref<32x768xf32, #tpu.memory_space<vmem>>, vector<1x16xf32>,
      %get3A_61 = vector.shape_cast %get3A_60 : vector<1x16xf32> to vector<16xf32>
      %get3A_62 = arith.index_cast %scan3A_44 : i32 to index
      %get3A_63 = arith.constant 16 : index
      %get3A_64 = tpu.vector_load %arg9[%get3A_62, %get3A_63] {strides = array<i32>} : memref<32x768xf32, #tpu.memory_space<vmem>>, vector<1x16xf32>,
      %get3A_65 = vector.shape_cast %get3A_64 : vector<1x16xf32> to vector<16xf32>
      %add3A_66 = arith.addf %get3A_61, %get3A_65 : vector<16xf32>
      %swap3A_67 = arith.index_cast %scan3A_44 : i32 to index
      %swap3A_68 = arith.constant 16 : index
      %swap3A_69 = tpu.vector_load %arg10[%swap3A_67, %swap3A_68] {strides = array<i32>} : memref<32x768xf32, #tpu.memory_space<vmem>>, vector<1x16xf32>,
      %swap3A_70 = vector.shape_cast %swap3A_69 : vector<1x16xf32> to vector<16xf32>
      %swap3A_71 = vector.shape_cast %add3A_66 : vector<16xf32> to vector<1x16xf32>
      tpu.vector_store %arg10[%swap3A_67, %swap3A_68], %swap3A_71 {strides = array<i32>} : memref<32x768xf32, #tpu.memory_space<vmem>>, vector<1x16xf32>,
      %get3A_72 = arith.index_cast %scan3A_44 : i32 to index
      %get3A_73 = arith.constant 32 : index
      %get3A_74 = tpu.vector_load %arg8[%get3A_72, %get3A_73] {strides = array<i32>} : memref<32x768xf32, #tpu.memory_space<vmem>>, vector<1x16xf32>,
      %get3A_75 = vector.shape_cast %get3A_74 : vector<1x16xf32> to vector<16xf32>
      %get3A_76 = arith.index_cast %scan3A_44 : i32 to index
      %get3A_77 = arith.constant 32 : index
      %get3A_78 = tpu.vector_load %arg9[%get3A_76, %get3A_77] {strides = array<i32>} : memref<32x768xf32, #tpu.memory_space<vmem>>, vector<1x16xf32>,
      %get3A_79 = vector.shape_cast %get3A_78 : vector<1x16xf32> to vector<16xf32>
      %add3A_80 = arith.addf %get3A_75, %get3A_79 : vector<16xf32>
      %swap3A_81 = arith.index_cast %scan3A_44 : i32 to index
      %swap3A_82 = arith.constant 32 : index
      %swap3A_83 = tpu.vector_load %arg10[%swap3A_81, %swap3A_82] {strides = array<i32>} : memref<32x768xf32, #tpu.memory_space<vmem>>, vector<1x16xf32>,
      %swap3A_84 = vector.shape_cast %swap3A_83 : vector<1x16xf32> to vector<16xf32>
      %swap3A_85 = vector.shape_cast %add3A_80 : vector<16xf32> to vector<1x16xf32>
      tpu.vector_store %arg10[%swap3A_81, %swap3A_82], %swap3A_85 {strides = array<i32>} : memref<32x768xf32, #tpu.memory_space<vmem>>, vector<1x16xf32>,
      %get3A_86 = arith.index_cast %scan3A_44 : i32 to index
      %get3A_87 = arith.constant 48 : index
      %get3A_88 = tpu.vector_load %arg8[%get3A_86, %get3A_87] {strides = array<i32>} : memref<32x768xf32, #tpu.memory_space<vmem>>, vector<1x16xf32>,
      %get3A_89 = vector.shape_cast %get3A_88 : vector<1x16xf32> to vector<16xf32>
      %get3A_90 = arith.index_cast %scan3A_44 : i32 to index
      %get3A_91 = arith.constant 48 : index
      %get3A_92 = tpu.vector_load %arg9[%get3A_90, %get3A_91] {strides = array<i32>} : memref<32x768xf32, #tpu.memory_space<vmem>>, vector<1x16xf32>,
      %get3A_93 = vector.shape_cast %get3A_92 : vector<1x16xf32> to vector<16xf32>
      %add3A_94 = arith.addf %get3A_89, %get3A_93 : vector<16xf32>
      %swap3A_95 = arith.index_cast %scan3A_44 : i32 to index
      %swap3A_96 = arith.constant 48 : index
      %swap3A_97 = tpu.vector_load %arg10[%swap3A_95, %swap3A_96] {strides = array<i32>} : memref<32x768xf32, #tpu.memory_space<vmem>>, vector<1x16xf32>,
      %swap3A_98 = vector.shape_cast %swap3A_97 : vector<1x16xf32> to vector<16xf32>
      %swap3A_99 = vector.shape_cast %add3A_94 : vector<16xf32> to vector<1x16xf32>
      tpu.vector_store %arg10[%swap3A_95, %swap3A_96], %swap3A_99 {strides = array<i32>} : memref<32x768xf32, #tpu.memory_space<vmem>>, vector<1x16xf32>,
      %get3A_100 = arith.index_cast %scan3A_44 : i32 to index
      %get3A_101 = arith.constant 64 : index
      %get3A_102 = tpu.vector_load %arg8[%get3A_100, %get3A_101] {strides = array<i32>} : memref<32x768xf32, #tpu.memory_space<vmem>>, vector<1x16xf32>,
      %get3A_103 = vector.shape_cast %get3A_102 : vector<1x16xf32> to vector<16xf32>
      %get3A_104 = arith.index_cast %scan3A_44 : i32 to index
      %get3A_105 = arith.constant 64 : index
      %get3A_106 = tpu.vector_load %arg9[%get3A_104, %get3A_105] {strides = array<i32>} : memref<32x768xf32, #tpu.memory_space<vmem>>, vector<1x16xf32>,
      %get3A_107 = vector.shape_cast %get3A_106 : vector<1x16xf32> to vector<16xf32>
      %add3A_108 = arith.addf %get3A_103, %get3A_107 : vector<16xf32>
      %swap3A_109 = arith.index_cast %scan3A_44 : i32 to index
      %swap3A_110 = arith.constant 64 : index
      %swap3A_111 = tpu.vector_load %arg10[%swap3A_109, %swap3A_110] {strides = array<i32>} : memref<32x768xf32, #tpu.memory_space<vmem>>, vector<1x16xf32>,
      %swap3A_112 = vector.shape_cast %swap3A_111 : vector<1x16xf32> to vector<16xf32>
      %swap3A_113 = vector.shape_cast %add3A_108 : vector<16xf32> to vector<1x16xf32>
      tpu.vector_store %arg10[%swap3A_109, %swap3A_110], %swap3A_113 {strides = array<i32>} : memref<32x768xf32, #tpu.memory_space<vmem>>, vector<1x16xf32>,
      %get3A_114 = arith.index_cast %scan3A_44 : i32 to index
      %get3A_115 = arith.constant 80 : index
      %get3A_116 = tpu.vector_load %arg8[%get3A_114, %get3A_115] {strides = array<i32>} : memref<32x768xf32, #tpu.memory_space<vmem>>, vector<1x16xf32>,
      %get3A_117 = vector.shape_cast %get3A_116 : vector<1x16xf32> to vector<16xf32>
      %get3A_118 = arith.index_cast %scan3A_44 : i32 to index
      %get3A_119 = arith.constant 80 : index
      %get3A_120 = tpu.vector_load %arg9[%get3A_118, %get3A_119] {strides = array<i32>} : memref<32x768xf32, #tpu.memory_space<vmem>>, vector<1x16xf32>,
      %get3A_121 = vector.shape_cast %get3A_120 : vector<1x16xf32> to vector<16xf32>
      %add3A_122 = arith.addf %get3A_117, %get3A_121 : vector<16xf32>
      %swap3A_123 = arith.index_cast %scan3A_44 : i32 to index
      %swap3A_124 = arith.constant 80 : index
      %swap3A_125 = tpu.vector_load %arg10[%swap3A_123, %swap3A_124] {strides = array<i32>} : memref<32x768xf32, #tpu.memory_space<vmem>>, vector<1x16xf32>,
      %swap3A_126 = vector.shape_cast %swap3A_125 : vector<1x16xf32> to vector<16xf32>
      %swap3A_127 = vector.shape_cast %add3A_122 : vector<16xf32> to vector<1x16xf32>
      tpu.vector_store %arg10[%swap3A_123, %swap3A_124], %swap3A_127 {strides = array<i32>} : memref<32x768xf32, #tpu.memory_space<vmem>>, vector<1x16xf32>,
      %get3A_128 = arith.index_cast %scan3A_44 : i32 to index
      %get3A_129 = arith.constant 96 : index
      %get3A_130 = tpu.vector_load %arg8[%get3A_128, %get3A_129] {strides = array<i32>} : memref<32x768xf32, #tpu.memory_space<vmem>>, vector<1x16xf32>,
      %get3A_131 = vector.shape_cast %get3A_130 : vector<1x16xf32> to vector<16xf32>
      %get3A_132 = arith.index_cast %scan3A_44 : i32 to index
      %get3A_133 = arith.constant 96 : index
      %get3A_134 = tpu.vector_load %arg9[%get3A_132, %get3A_133] {strides = array<i32>} : memref<32x768xf32, #tpu.memory_space<vmem>>, vector<1x16xf32>,
      %get3A_135 = vector.shape_cast %get3A_134 : vector<1x16xf32> to vector<16xf32>
      %add3A_136 = arith.addf %get3A_131, %get3A_135 : vector<16xf32>
      %swap3A_137 = arith.index_cast %scan3A_44 : i32 to index
      %swap3A_138 = arith.constant 96 : index
      %swap3A_139 = tpu.vector_load %arg10[%swap3A_137, %swap3A_138] {strides = array<i32>} : memref<32x768xf32, #tpu.memory_space<vmem>>, vector<1x16xf32>,
      %swap3A_140 = vector.shape_cast %swap3A_139 : vector<1x16xf32> to vector<16xf32>
      %swap3A_141 = vector.shape_cast %add3A_136 : vector<16xf32> to vector<1x16xf32>
      tpu.vector_store %arg10[%swap3A_137, %swap3A_138], %swap3A_141 {strides = array<i32>} : memref<32x768xf32, #tpu.memory_space<vmem>>, vector<1x16xf32>,
      %get3A_142 = arith.index_cast %scan3A_44 : i32 to index
      %get3A_143 = arith.constant 112 : index
      %get3A_144 = tpu.vector_load %arg8[%get3A_142, %get3A_143] {strides = array<i32>} : memref<32x768xf32, #tpu.memory_space<vmem>>, vector<1x16xf32>,
      %get3A_145 = vector.shape_cast %get3A_144 : vector<1x16xf32> to vector<16xf32>
      %get3A_146 = arith.index_cast %scan3A_44 : i32 to index
      %get3A_147 = arith.constant 112 : index
      %get3A_148 = tpu.vector_load %arg9[%get3A_146, %get3A_147] {strides = array<i32>} : memref<32x768xf32, #tpu.memory_space<vmem>>, vector<1x16xf32>,
      %get3A_149 = vector.shape_cast %get3A_148 : vector<1x16xf32> to vector<16xf32>
      %add3A_150 = arith.addf %get3A_145, %get3A_149 : vector<16xf32>
      %swap3A_151 = arith.index_cast %scan3A_44 : i32 to index
      %swap3A_152 = arith.constant 112 : index
      %swap3A_153 = tpu.vector_load %arg10[%swap3A_151, %swap3A_152] {strides = array<i32>} : memref<32x768xf32, #tpu.memory_space<vmem>>, vector<1x16xf32>,
      %swap3A_154 = vector.shape_cast %swap3A_153 : vector<1x16xf32> to vector<16xf32>
      %swap3A_155 = vector.shape_cast %add3A_150 : vector<16xf32> to vector<1x16xf32>
      tpu.vector_store %arg10[%swap3A_151, %swap3A_152], %swap3A_155 {strides = array<i32>} : memref<32x768xf32, #tpu.memory_space<vmem>>, vector<1x16xf32>,
      %get3A_156 = arith.index_cast %scan3A_44 : i32 to index
      %get3A_157 = arith.constant 128 : index
      %get3A_158 = tpu.vector_load %arg8[%get3A_156, %get3A_157] {strides = array<i32>} : memref<32x768xf32, #tpu.memory_space<vmem>>, vector<1x16xf32>,
      %get3A_159 = vector.shape_cast %get3A_158 : vector<1x16xf32> to vector<16xf32>
      %get3A_160 = arith.index_cast %scan3A_44 : i32 to index
      %get3A_161 = arith.constant 128 : index
      %get3A_162 = tpu.vector_load %arg9[%get3A_160, %get3A_161] {strides = array<i32>} : memref<32x768xf32, #tpu.memory_space<vmem>>, vector<1x16xf32>,
      %get3A_163 = vector.shape_cast %get3A_162 : vector<1x16xf32> to vector<16xf32>
      %add3A_164 = arith.addf %get3A_159, %get3A_163 : vector<16xf32>
      %swap3A_165 = arith.index_cast %scan3A_44 : i32 to index
      %swap3A_166 = arith.constant 128 : index
      %swap3A_167 = tpu.vector_load %arg10[%swap3A_165, %swap3A_166] {strides = array<i32>} : memref<32x768xf32, #tpu.memory_space<vmem>>, vector<1x16xf32>,
      %swap3A_168 = vector.shape_cast %swap3A_167 : vector<1x16xf32> to vector<16xf32>
      %swap3A_169 = vector.shape_cast %add3A_164 : vector<16xf32> to vector<1x16xf32>
      tpu.vector_store %arg10[%swap3A_165, %swap3A_166], %swap3A_169 {strides = array<i32>} : memref<32x768xf32, #tpu.memory_space<vmem>>, vector<1x16xf32>,
      %get3A_170 = arith.index_cast %scan3A_44 : i32 to index
      %get3A_171 = arith.constant 144 : index
      %get3A_172 = tpu.vector_load %arg8[%get3A_170, %get3A_171] {strides = array<i32>} : memref<32x768xf32, #tpu.memory_space<vmem>>, vector<1x16xf32>,
      %get3A_173 = vector.shape_cast %get3A_172 : vector<1x16xf32> to vector<16xf32>
      %get3A_174 = arith.index_cast %scan3A_44 : i32 to index
      %get3A_175 = arith.constant 144 : index
      %get3A_176 = tpu.vector_load %arg9[%get3A_174, %get3A_175] {strides = array<i32>} : memref<32x768xf32, #tpu.memory_space<vmem>>, vector<1x16xf32>,
      %get3A_177 = vector.shape_cast %get3A_176 : vector<1x16xf32> to vector<16xf32>
      %add3A_178 = arith.addf %get3A_173, %get3A_177 : vector<16xf32>
      %swap3A_179 = arith.index_cast %scan3A_44 : i32 to index
      %swap3A_180 = arith.constant 144 : index
      %swap3A_181 = tpu.vector_load %arg10[%swap3A_179, %swap3A_180] {strides = array<i32>} : memref<32x768xf32, #tpu.memory_space<vmem>>, vector<1x16xf32>,
      %swap3A_182 = vector.shape_cast %swap3A_181 : vector<1x16xf32> to vector<16xf32>
      %swap3A_183 = vector.shape_cast %add3A_178 : vector<16xf32> to vector<1x16xf32>
      tpu.vector_store %arg10[%swap3A_179, %swap3A_180], %swap3A_183 {strides = array<i32>} : memref<32x768xf32, #tpu.memory_space<vmem>>, vector<1x16xf32>,
      %get3A_184 = arith.index_cast %scan3A_44 : i32 to index
      %get3A_185 = arith.constant 160 : index
      %get3A_186 = tpu.vector_load %arg8[%get3A_184, %get3A_185] {strides = array<i32>} : memref<32x768xf32, #tpu.memory_space<vmem>>, vector<1x16xf32>,
      %get3A_187 = vector.shape_cast %get3A_186 : vector<1x16xf32> to vector<16xf32>
      %get3A_188 = arith.index_cast %scan3A_44 : i32 to index
      %get3A_189 = arith.constant 160 : index
      %get3A_190 = tpu.vector_load %arg9[%get3A_188, %get3A_189] {strides = array<i32>} : memref<32x768xf32, #tpu.memory_space<vmem>>, vector<1x16xf32>,
      %get3A_191 = vector.shape_cast %get3A_190 : vector<1x16xf32> to vector<16xf32>
      %add3A_192 = arith.addf %get3A_187, %get3A_191 : vector<16xf32>
      %swap3A_193 = arith.index_cast %scan3A_44 : i32 to index
      %swap3A_194 = arith.constant 160 : index
      %swap3A_195 = tpu.vector_load %arg10[%swap3A_193, %swap3A_194] {strides = array<i32>} : memref<32x768xf32, #tpu.memory_space<vmem>>, vector<1x16xf32>,
      %swap3A_196 = vector.shape_cast %swap3A_195 : vector<1x16xf32> to vector<16xf32>
      %swap3A_197 = vector.shape_cast %add3A_192 : vector<16xf32> to vector<1x16xf32>
      tpu.vector_store %arg10[%swap3A_193, %swap3A_194], %swap3A_197 {strides = array<i32>} : memref<32x768xf32, #tpu.memory_space<vmem>>, vector<1x16xf32>,
      %get3A_198 = arith.index_cast %scan3A_44 : i32 to index
      %get3A_199 = arith.constant 176 : index
      %get3A_200 = tpu.vector_load %arg8[%get3A_198, %get3A_199] {strides = array<i32>} : memref<32x768xf32, #tpu.memory_space<vmem>>, vector<1x16xf32>,
      %get3A_201 = vector.shape_cast %get3A_200 : vector<1x16xf32> to vector<16xf32>
      %get3A_202 = arith.index_cast %scan3A_44 : i32 to index
      %get3A_203 = arith.constant 176 : index
      %get3A_204 = tpu.vector_load %arg9[%get3A_202, %get3A_203] {strides = array<i32>} : memref<32x768xf32, #tpu.memory_space<vmem>>, vector<1x16xf32>,
      %get3A_205 = vector.shape_cast %get3A_204 : vector<1x16xf32> to vector<16xf32>
      %add3A_206 = arith.addf %get3A_201, %get3A_205 : vector<16xf32>
      %swap3A_207 = arith.index_cast %scan3A_44 : i32 to index
      %swap3A_208 = arith.constant 176 : index
      %swap3A_209 = tpu.vector_load %arg10[%swap3A_207, %swap3A_208] {strides = array<i32>} : memref<32x768xf32, #tpu.memory_space<vmem>>, vector<1x16xf32>,
      %swap3A_210 = vector.shape_cast %swap3A_209 : vector<1x16xf32> to vector<16xf32>
      %swap3A_211 = vector.shape_cast %add3A_206 : vector<16xf32> to vector<1x16xf32>
      tpu.vector_store %arg10[%swap3A_207, %swap3A_208], %swap3A_211 {strides = array<i32>} : memref<32x768xf32, #tpu.memory_space<vmem>>, vector<1x16xf32>,
      %get3A_212 = arith.index_cast %scan3A_44 : i32 to index
      %get3A_213 = arith.constant 192 : index
      %get3A_214 = tpu.vector_load %arg8[%get3A_212, %get3A_213] {strides = array<i32>} : memref<32x768xf32, #tpu.memory_space<vmem>>, vector<1x16xf32>,
      %get3A_215 = vector.shape_cast %get3A_214 : vector<1x16xf32> to vector<16xf32>
      %get3A_216 = arith.index_cast %scan3A_44 : i32 to index
      %get3A_217 = arith.constant 192 : index
      %get3A_218 = tpu.vector_load %arg9[%get3A_216, %get3A_217] {strides = array<i32>} : memref<32x768xf32, #tpu.memory_space<vmem>>, vector<1x16xf32>,
      %get3A_219 = vector.shape_cast %get3A_218 : vector<1x16xf32> to vector<16xf32>
      %add3A_220 = arith.addf %get3A_215, %get3A_219 : vector<16xf32>
      %swap3A_221 = arith.index_cast %scan3A_44 : i32 to index
      %swap3A_222 = arith.constant 192 : index
      %swap3A_223 = tpu.vector_load %arg10[%swap3A_221, %swap3A_222] {strides = array<i32>} : memref<32x768xf32, #tpu.memory_space<vmem>>, vector<1x16xf32>,
      %swap3A_224 = vector.shape_cast %swap3A_223 : vector<1x16xf32> to vector<16xf32>
      %swap3A_225 = vector.shape_cast %add3A_220 : vector<16xf32> to vector<1x16xf32>
      tpu.vector_store %arg10[%swap3A_221, %swap3A_222], %swap3A_225 {strides = array<i32>} : memref<32x768xf32, #tpu.memory_space<vmem>>, vector<1x16xf32>,
      %get3A_226 = arith.index_cast %scan3A_44 : i32 to index
      %get3A_227 = arith.constant 208 : index
      %get3A_228 = tpu.vector_load %arg8[%get3A_226, %get3A_227] {strides = array<i32>} : memref<32x768xf32, #tpu.memory_space<vmem>>, vector<1x16xf32>,
      %get3A_229 = vector.shape_cast %get3A_228 : vector<1x16xf32> to vector<16xf32>
      %get3A_230 = arith.index_cast %scan3A_44 : i32 to index
      %get3A_231 = arith.constant 208 : index
      %get3A_232 = tpu.vector_load %arg9[%get3A_230, %get3A_231] {strides = array<i32>} : memref<32x768xf32, #tpu.memory_space<vmem>>, vector<1x16xf32>,
      %get3A_233 = vector.shape_cast %get3A_232 : vector<1x16xf32> to vector<16xf32>
      %add3A_234 = arith.addf %get3A_229, %get3A_233 : vector<16xf32>
      %swap3A_235 = arith.index_cast %scan3A_44 : i32 to index
      %swap3A_236 = arith.constant 208 : index
      %swap3A_237 = tpu.vector_load %arg10[%swap3A_235, %swap3A_236] {strides = array<i32>} : memref<32x768xf32, #tpu.memory_space<vmem>>, vector<1x16xf32>,
      %swap3A_238 = vector.shape_cast %swap3A_237 : vector<1x16xf32> to vector<16xf32>
      %swap3A_239 = vector.shape_cast %add3A_234 : vector<16xf32> to vector<1x16xf32>
      tpu.vector_store %arg10[%swap3A_235, %swap3A_236], %swap3A_239 {strides = array<i32>} : memref<32x768xf32, #tpu.memory_space<vmem>>, vector<1x16xf32>,
      %get3A_240 = arith.index_cast %scan3A_44 : i32 to index
      %get3A_241 = arith.constant 224 : index
      %get3A_242 = tpu.vector_load %arg8[%get3A_240, %get3A_241] {strides = array<i32>} : memref<32x768xf32, #tpu.memory_space<vmem>>, vector<1x16xf32>,
      %get3A_243 = vector.shape_cast %get3A_242 : vector<1x16xf32> to vector<16xf32>
      %get3A_244 = arith.index_cast %scan3A_44 : i32 to index
      %get3A_245 = arith.constant 224 : index
      %get3A_246 = tpu.vector_load %arg9[%get3A_244, %get3A_245] {strides = array<i32>} : memref<32x768xf32, #tpu.memory_space<vmem>>, vector<1x16xf32>,
      %get3A_247 = vector.shape_cast %get3A_246 : vector<1x16xf32> to vector<16xf32>
      %add3A_248 = arith.addf %get3A_243, %get3A_247 : vector<16xf32>
      %swap3A_249 = arith.index_cast %scan3A_44 : i32 to index
      %swap3A_250 = arith.constant 224 : index
      %swap3A_251 = tpu.vector_load %arg10[%swap3A_249, %swap3A_250] {strides = array<i32>} : memref<32x768xf32, #tpu.memory_space<vmem>>, vector<1x16xf32>,
      %swap3A_252 = vector.shape_cast %swap3A_251 : vector<1x16xf32> to vector<16xf32>
      %swap3A_253 = vector.shape_cast %add3A_248 : vector<16xf32> to vector<1x16xf32>
      tpu.vector_store %arg10[%swap3A_249, %swap3A_250], %swap3A_253 {strides = array<i32>} : memref<32x768xf32, #tpu.memory_space<vmem>>, vector<1x16xf32>,
      %get3A_254 = arith.index_cast %scan3A_44 : i32 to index
      %get3A_255 = arith.constant 240 : index
      %get3A_256 = tpu.vector_load %arg8[%get3A_254, %get3A_255] {strides = array<i32>} : memref<32x768xf32, #tpu.memory_space<vmem>>, vector<1x16xf32>,
      %get3A_257 = vector.shape_cast %get3A_256 : vector<1x16xf32> to vector<16xf32>
      %get3A_258 = arith.index_cast %scan3A_44 : i32 to index
      %get3A_259 = arith.constant 240 : index
      %get3A_260 = tpu.vector_load %arg9[%get3A_258, %get3A_259] {strides = array<i32>} : memref<32x768xf32, #tpu.memory_space<vmem>>, vector<1x16xf32>,
      %get3A_261 = vector.shape_cast %get3A_260 : vector<1x16xf32> to vector<16xf32>
      %add3A_262 = arith.addf %get3A_257, %get3A_261 : vector<16xf32>
      %swap3A_263 = arith.index_cast %scan3A_44 : i32 to index
      %swap3A_264 = arith.constant 240 : index
      %swap3A_265 = tpu.vector_load %arg10[%swap3A_263, %swap3A_264] {strides = array<i32>} : memref<32x768xf32, #tpu.memory_space<vmem>>, vector<1x16xf32>,
      %swap3A_266 = vector.shape_cast %swap3A_265 : vector<1x16xf32> to vector<16xf32>
      %swap3A_267 = vector.shape_cast %add3A_262 : vector<16xf32> to vector<1x16xf32>
      tpu.vector_store %arg10[%swap3A_263, %swap3A_264], %swap3A_267 {strides = array<i32>} : memref<32x768xf32, #tpu.memory_space<vmem>>, vector<1x16xf32>,
      %get3A_268 = arith.index_cast %scan3A_44 : i32 to index
      %get3A_269 = arith.constant 256 : index
      %get3A_270 = tpu.vector_load %arg8[%get3A_268, %get3A_269] {strides = array<i32>} : memref<32x768xf32, #tpu.memory_space<vmem>>, vector<1x16xf32>,
      %get3A_271 = vector.shape_cast %get3A_270 : vector<1x16xf32> to vector<16xf32>
      %get3A_272 = arith.index_cast %scan3A_44 : i32 to index
      %get3A_273 = arith.constant 256 : index
      %get3A_274 = tpu.vector_load %arg9[%get3A_272, %get3A_273] {strides = array<i32>} : memref<32x768xf32, #tpu.memory_space<vmem>>, vector<1x16xf32>,
      %get3A_275 = vector.shape_cast %get3A_274 : vector<1x16xf32> to vector<16xf32>
      %add3A_276 = arith.addf %get3A_271, %get3A_275 : vector<16xf32>
      %swap3A_277 = arith.index_cast %scan3A_44 : i32 to index
      %swap3A_278 = arith.constant 256 : index
      %swap3A_279 = tpu.vector_load %arg10[%swap3A_277, %swap3A_278] {strides = array<i32>} : memref<32x768xf32, #tpu.memory_space<vmem>>, vector<1x16xf32>,
      %swap3A_280 = vector.shape_cast %swap3A_279 : vector<1x16xf32> to vector<16xf32>
      %swap3A_281 = vector.shape_cast %add3A_276 : vector<16xf32> to vector<1x16xf32>
      tpu.vector_store %arg10[%swap3A_277, %swap3A_278], %swap3A_281 {strides = array<i32>} : memref<32x768xf32, #tpu.memory_space<vmem>>, vector<1x16xf32>,
      %get3A_282 = arith.index_cast %scan3A_44 : i32 to index
      %get3A_283 = arith.constant 272 : index
      %get3A_284 = tpu.vector_load %arg8[%get3A_282, %get3A_283] {strides = array<i32>} : memref<32x768xf32, #tpu.memory_space<vmem>>, vector<1x16xf32>,
      %get3A_285 = vector.shape_cast %get3A_284 : vector<1x16xf32> to vector<16xf32>
      %get3A_286 = arith.index_cast %scan3A_44 : i32 to index
      %get3A_287 = arith.constant 272 : index
      %get3A_288 = tpu.vector_load %arg9[%get3A_286, %get3A_287] {strides = array<i32>} : memref<32x768xf32, #tpu.memory_space<vmem>>, vector<1x16xf32>,
      %get3A_289 = vector.shape_cast %get3A_288 : vector<1x16xf32> to vector<16xf32>
      %add3A_290 = arith.addf %get3A_285, %get3A_289 : vector<16xf32>
      %swap3A_291 = arith.index_cast %scan3A_44 : i32 to index
      %swap3A_292 = arith.constant 272 : index
      %swap3A_293 = tpu.vector_load %arg10[%swap3A_291, %swap3A_292] {strides = array<i32>} : memref<32x768xf32, #tpu.memory_space<vmem>>, vector<1x16xf32>,
      %swap3A_294 = vector.shape_cast %swap3A_293 : vector<1x16xf32> to vector<16xf32>
      %swap3A_295 = vector.shape_cast %add3A_290 : vector<16xf32> to vector<1x16xf32>
      tpu.vector_store %arg10[%swap3A_291, %swap3A_292], %swap3A_295 {strides = array<i32>} : memref<32x768xf32, #tpu.memory_space<vmem>>, vector<1x16xf32>,
      %get3A_296 = arith.index_cast %scan3A_44 : i32 to index
      %get3A_297 = arith.constant 288 : index
      %get3A_298 = tpu.vector_load %arg8[%get3A_296, %get3A_297] {strides = array<i32>} : memref<32x768xf32, #tpu.memory_space<vmem>>, vector<1x16xf32>,
      %get3A_299 = vector.shape_cast %get3A_298 : vector<1x16xf32> to vector<16xf32>
      %get3A_300 = arith.index_cast %scan3A_44 : i32 to index
      %get3A_301 = arith.constant 288 : index
      %get3A_302 = tpu.vector_load %arg9[%get3A_300, %get3A_301] {strides = array<i32>} : memref<32x768xf32, #tpu.memory_space<vmem>>, vector<1x16xf32>,
      %get3A_303 = vector.shape_cast %get3A_302 : vector<1x16xf32> to vector<16xf32>
      %add3A_304 = arith.addf %get3A_299, %get3A_303 : vector<16xf32>
      %swap3A_305 = arith.index_cast %scan3A_44 : i32 to index
      %swap3A_306 = arith.constant 288 : index
      %swap3A_307 = tpu.vector_load %arg10[%swap3A_305, %swap3A_306] {strides = array<i32>} : memref<32x768xf32, #tpu.memory_space<vmem>>, vector<1x16xf32>,
      %swap3A_308 = vector.shape_cast %swap3A_307 : vector<1x16xf32> to vector<16xf32>
      %swap3A_309 = vector.shape_cast %add3A_304 : vector<16xf32> to vector<1x16xf32>
      tpu.vector_store %arg10[%swap3A_305, %swap3A_306], %swap3A_309 {strides = array<i32>} : memref<32x768xf32, #tpu.memory_space<vmem>>, vector<1x16xf32>,
      %get3A_310 = arith.index_cast %scan3A_44 : i32 to index
      %get3A_311 = arith.constant 304 : index
      %get3A_312 = tpu.vector_load %arg8[%get3A_310, %get3A_311] {strides = array<i32>} : memref<32x768xf32, #tpu.memory_space<vmem>>, vector<1x16xf32>,
      %get3A_313 = vector.shape_cast %get3A_312 : vector<1x16xf32> to vector<16xf32>
      %get3A_314 = arith.index_cast %scan3A_44 : i32 to index
      %get3A_315 = arith.constant 304 : index
      %get3A_316 = tpu.vector_load %arg9[%get3A_314, %get3A_315] {strides = array<i32>} : memref<32x768xf32, #tpu.memory_space<vmem>>, vector<1x16xf32>,
      %get3A_317 = vector.shape_cast %get3A_316 : vector<1x16xf32> to vector<16xf32>
      %add3A_318 = arith.addf %get3A_313, %get3A_317 : vector<16xf32>
      %swap3A_319 = arith.index_cast %scan3A_44 : i32 to index
      %swap3A_320 = arith.constant 304 : index
      %swap3A_321 = tpu.vector_load %arg10[%swap3A_319, %swap3A_320] {strides = array<i32>} : memref<32x768xf32, #tpu.memory_space<vmem>>, vector<1x16xf32>,
      %swap3A_322 = vector.shape_cast %swap3A_321 : vector<1x16xf32> to vector<16xf32>
      %swap3A_323 = vector.shape_cast %add3A_318 : vector<16xf32> to vector<1x16xf32>
      tpu.vector_store %arg10[%swap3A_319, %swap3A_320], %swap3A_323 {strides = array<i32>} : memref<32x768xf32, #tpu.memory_space<vmem>>, vector<1x16xf32>,
      %get3A_324 = arith.index_cast %scan3A_44 : i32 to index
      %get3A_325 = arith.constant 320 : index
      %get3A_326 = tpu.vector_load %arg8[%get3A_324, %get3A_325] {strides = array<i32>} : memref<32x768xf32, #tpu.memory_space<vmem>>, vector<1x16xf32>,
      %get3A_327 = vector.shape_cast %get3A_326 : vector<1x16xf32> to vector<16xf32>
      %get3A_328 = arith.index_cast %scan3A_44 : i32 to index
      %get3A_329 = arith.constant 320 : index
      %get3A_330 = tpu.vector_load %arg9[%get3A_328, %get3A_329] {strides = array<i32>} : memref<32x768xf32, #tpu.memory_space<vmem>>, vector<1x16xf32>,
      %get3A_331 = vector.shape_cast %get3A_330 : vector<1x16xf32> to vector<16xf32>
      %add3A_332 = arith.addf %get3A_327, %get3A_331 : vector<16xf32>
      %swap3A_333 = arith.index_cast %scan3A_44 : i32 to index
      %swap3A_334 = arith.constant 320 : index
      %swap3A_335 = tpu.vector_load %arg10[%swap3A_333, %swap3A_334] {strides = array<i32>} : memref<32x768xf32, #tpu.memory_space<vmem>>, vector<1x16xf32>,
      %swap3A_336 = vector.shape_cast %swap3A_335 : vector<1x16xf32> to vector<16xf32>
      %swap3A_337 = vector.shape_cast %add3A_332 : vector<16xf32> to vector<1x16xf32>
      tpu.vector_store %arg10[%swap3A_333, %swap3A_334], %swap3A_337 {strides = array<i32>} : memref<32x768xf32, #tpu.memory_space<vmem>>, vector<1x16xf32>,
      %get3A_338 = arith.index_cast %scan3A_44 : i32 to index
      %get3A_339 = arith.constant 336 : index
      %get3A_340 = tpu.vector_load %arg8[%get3A_338, %get3A_339] {strides = array<i32>} : memref<32x768xf32, #tpu.memory_space<vmem>>, vector<1x16xf32>,
      %get3A_341 = vector.shape_cast %get3A_340 : vector<1x16xf32> to vector<16xf32>
      %get3A_342 = arith.index_cast %scan3A_44 : i32 to index
      %get3A_343 = arith.constant 336 : index
      %get3A_344 = tpu.vector_load %arg9[%get3A_342, %get3A_343] {strides = array<i32>} : memref<32x768xf32, #tpu.memory_space<vmem>>, vector<1x16xf32>,
      %get3A_345 = vector.shape_cast %get3A_344 : vector<1x16xf32> to vector<16xf32>
      %add3A_346 = arith.addf %get3A_341, %get3A_345 : vector<16xf32>
      %swap3A_347 = arith.index_cast %scan3A_44 : i32 to index
      %swap3A_348 = arith.constant 336 : index
      %swap3A_349 = tpu.vector_load %arg10[%swap3A_347, %swap3A_348] {strides = array<i32>} : memref<32x768xf32, #tpu.memory_space<vmem>>, vector<1x16xf32>,
      %swap3A_350 = vector.shape_cast %swap3A_349 : vector<1x16xf32> to vector<16xf32>
      %swap3A_351 = vector.shape_cast %add3A_346 : vector<16xf32> to vector<1x16xf32>
      tpu.vector_store %arg10[%swap3A_347, %swap3A_348], %swap3A_351 {strides = array<i32>} : memref<32x768xf32, #tpu.memory_space<vmem>>, vector<1x16xf32>,
      %get3A_352 = arith.index_cast %scan3A_44 : i32 to index
      %get3A_353 = arith.constant 352 : index
      %get3A_354 = tpu.vector_load %arg8[%get3A_352, %get3A_353] {strides = array<i32>} : memref<32x768xf32, #tpu.memory_space<vmem>>, vector<1x16xf32>,
      %get3A_355 = vector.shape_cast %get3A_354 : vector<1x16xf32> to vector<16xf32>
      %get3A_356 = arith.index_cast %scan3A_44 : i32 to index
      %get3A_357 = arith.constant 352 : index
      %get3A_358 = tpu.vector_load %arg9[%get3A_356, %get3A_357] {strides = array<i32>} : memref<32x768xf32, #tpu.memory_space<vmem>>, vector<1x16xf32>,
      %get3A_359 = vector.shape_cast %get3A_358 : vector<1x16xf32> to vector<16xf32>
      %add3A_360 = arith.addf %get3A_355, %get3A_359 : vector<16xf32>
      %swap3A_361 = arith.index_cast %scan3A_44 : i32 to index
      %swap3A_362 = arith.constant 352 : index
      %swap3A_363 = tpu.vector_load %arg10[%swap3A_361, %swap3A_362] {strides = array<i32>} : memref<32x768xf32, #tpu.memory_space<vmem>>, vector<1x16xf32>,
      %swap3A_364 = vector.shape_cast %swap3A_363 : vector<1x16xf32> to vector<16xf32>
      %swap3A_365 = vector.shape_cast %add3A_360 : vector<16xf32> to vector<1x16xf32>
      tpu.vector_store %arg10[%swap3A_361, %swap3A_362], %swap3A_365 {strides = array<i32>} : memref<32x768xf32, #tpu.memory_space<vmem>>, vector<1x16xf32>,
      %get3A_366 = arith.index_cast %scan3A_44 : i32 to index
      %get3A_367 = arith.constant 368 : index
      %get3A_368 = tpu.vector_load %arg8[%get3A_366, %get3A_367] {strides = array<i32>} : memref<32x768xf32, #tpu.memory_space<vmem>>, vector<1x16xf32>,
      %get3A_369 = vector.shape_cast %get3A_368 : vector<1x16xf32> to vector<16xf32>
      %get3A_370 = arith.index_cast %scan3A_44 : i32 to index
      %get3A_371 = arith.constant 368 : index
      %get3A_372 = tpu.vector_load %arg9[%get3A_370, %get3A_371] {strides = array<i32>} : memref<32x768xf32, #tpu.memory_space<vmem>>, vector<1x16xf32>,
      %get3A_373 = vector.shape_cast %get3A_372 : vector<1x16xf32> to vector<16xf32>
      %add3A_374 = arith.addf %get3A_369, %get3A_373 : vector<16xf32>
      %swap3A_375 = arith.index_cast %scan3A_44 : i32 to index
      %swap3A_376 = arith.constant 368 : index
      %swap3A_377 = tpu.vector_load %arg10[%swap3A_375, %swap3A_376] {strides = array<i32>} : memref<32x768xf32, #tpu.memory_space<vmem>>, vector<1x16xf32>,
      %swap3A_378 = vector.shape_cast %swap3A_377 : vector<1x16xf32> to vector<16xf32>
      %swap3A_379 = vector.shape_cast %add3A_374 : vector<16xf32> to vector<1x16xf32>
      tpu.vector_store %arg10[%swap3A_375, %swap3A_376], %swap3A_379 {strides = array<i32>} : memref<32x768xf32, #tpu.memory_space<vmem>>, vector<1x16xf32>,
      %get3A_380 = arith.index_cast %scan3A_44 : i32 to index
      %get3A_381 = arith.constant 384 : index
      %get3A_382 = tpu.vector_load %arg8[%get3A_380, %get3A_381] {strides = array<i32>} : memref<32x768xf32, #tpu.memory_space<vmem>>, vector<1x16xf32>,
      %get3A_383 = vector.shape_cast %get3A_382 : vector<1x16xf32> to vector<16xf32>
      %get3A_384 = arith.index_cast %scan3A_44 : i32 to index
      %get3A_385 = arith.constant 384 : index
      %get3A_386 = tpu.vector_load %arg9[%get3A_384, %get3A_385] {strides = array<i32>} : memref<32x768xf32, #tpu.memory_space<vmem>>, vector<1x16xf32>,
      %get3A_387 = vector.shape_cast %get3A_386 : vector<1x16xf32> to vector<16xf32>
      %add3A_388 = arith.addf %get3A_383, %get3A_387 : vector<16xf32>
      %swap3A_389 = arith.index_cast %scan3A_44 : i32 to index
      %swap3A_390 = arith.constant 384 : index
      %swap3A_391 = tpu.vector_load %arg10[%swap3A_389, %swap3A_390] {strides = array<i32>} : memref<32x768xf32, #tpu.memory_space<vmem>>, vector<1x16xf32>,
      %swap3A_392 = vector.shape_cast %swap3A_391 : vector<1x16xf32> to vector<16xf32>
      %swap3A_393 = vector.shape_cast %add3A_388 : vector<16xf32> to vector<1x16xf32>
      tpu.vector_store %arg10[%swap3A_389, %swap3A_390], %swap3A_393 {strides = array<i32>} : memref<32x768xf32, #tpu.memory_space<vmem>>, vector<1x16xf32>,
      %get3A_394 = arith.index_cast %scan3A_44 : i32 to index
      %get3A_395 = arith.constant 400 : index
      %get3A_396 = tpu.vector_load %arg8[%get3A_394, %get3A_395] {strides = array<i32>} : memref<32x768xf32, #tpu.memory_space<vmem>>, vector<1x16xf32>,
      %get3A_397 = vector.shape_cast %get3A_396 : vector<1x16xf32> to vector<16xf32>
      %get3A_398 = arith.index_cast %scan3A_44 : i32 to index
      %get3A_399 = arith.constant 400 : index
      %get3A_400 = tpu.vector_load %arg9[%get3A_398, %get3A_399] {strides = array<i32>} : memref<32x768xf32, #tpu.memory_space<vmem>>, vector<1x16xf32>,
      %get3A_401 = vector.shape_cast %get3A_400 : vector<1x16xf32> to vector<16xf32>
      %add3A_402 = arith.addf %get3A_397, %get3A_401 : vector<16xf32>
      %swap3A_403 = arith.index_cast %scan3A_44 : i32 to index
      %swap3A_404 = arith.constant 400 : index
      %swap3A_405 = tpu.vector_load %arg10[%swap3A_403, %swap3A_404] {strides = array<i32>} : memref<32x768xf32, #tpu.memory_space<vmem>>, vector<1x16xf32>,
      %swap3A_406 = vector.shape_cast %swap3A_405 : vector<1x16xf32> to vector<16xf32>
      %swap3A_407 = vector.shape_cast %add3A_402 : vector<16xf32> to vector<1x16xf32>
      tpu.vector_store %arg10[%swap3A_403, %swap3A_404], %swap3A_407 {strides = array<i32>} : memref<32x768xf32, #tpu.memory_space<vmem>>, vector<1x16xf32>,
      %get3A_408 = arith.index_cast %scan3A_44 : i32 to index
      %get3A_409 = arith.constant 416 : index
      %get3A_410 = tpu.vector_load %arg8[%get3A_408, %get3A_409] {strides = array<i32>} : memref<32x768xf32, #tpu.memory_space<vmem>>, vector<1x16xf32>,
      %get3A_411 = vector.shape_cast %get3A_410 : vector<1x16xf32> to vector<16xf32>
      %get3A_412 = arith.index_cast %scan3A_44 : i32 to index
      %get3A_413 = arith.constant 416 : index
      %get3A_414 = tpu.vector_load %arg9[%get3A_412, %get3A_413] {strides = array<i32>} : memref<32x768xf32, #tpu.memory_space<vmem>>, vector<1x16xf32>,
      %get3A_415 = vector.shape_cast %get3A_414 : vector<1x16xf32> to vector<16xf32>
      %add3A_416 = arith.addf %get3A_411, %get3A_415 : vector<16xf32>
      %swap3A_417 = arith.index_cast %scan3A_44 : i32 to index
      %swap3A_418 = arith.constant 416 : index
      %swap3A_419 = tpu.vector_load %arg10[%swap3A_417, %swap3A_418] {strides = array<i32>} : memref<32x768xf32, #tpu.memory_space<vmem>>, vector<1x16xf32>,
      %swap3A_420 = vector.shape_cast %swap3A_419 : vector<1x16xf32> to vector<16xf32>
      %swap3A_421 = vector.shape_cast %add3A_416 : vector<16xf32> to vector<1x16xf32>
      tpu.vector_store %arg10[%swap3A_417, %swap3A_418], %swap3A_421 {strides = array<i32>} : memref<32x768xf32, #tpu.memory_space<vmem>>, vector<1x16xf32>,
      %get3A_422 = arith.index_cast %scan3A_44 : i32 to index
      %get3A_423 = arith.constant 432 : index
      %get3A_424 = tpu.vector_load %arg8[%get3A_422, %get3A_423] {strides = array<i32>} : memref<32x768xf32, #tpu.memory_space<vmem>>, vector<1x16xf32>,
      %get3A_425 = vector.shape_cast %get3A_424 : vector<1x16xf32> to vector<16xf32>
      %get3A_426 = arith.index_cast %scan3A_44 : i32 to index
      %get3A_427 = arith.constant 432 : index
      %get3A_428 = tpu.vector_load %arg9[%get3A_426, %get3A_427] {strides = array<i32>} : memref<32x768xf32, #tpu.memory_space<vmem>>, vector<1x16xf32>,
      %get3A_429 = vector.shape_cast %get3A_428 : vector<1x16xf32> to vector<16xf32>
      %add3A_430 = arith.addf %get3A_425, %get3A_429 : vector<16xf32>
      %swap3A_431 = arith.index_cast %scan3A_44 : i32 to index
      %swap3A_432 = arith.constant 432 : index
      %swap3A_433 = tpu.vector_load %arg10[%swap3A_431, %swap3A_432] {strides = array<i32>} : memref<32x768xf32, #tpu.memory_space<vmem>>, vector<1x16xf32>,
      %swap3A_434 = vector.shape_cast %swap3A_433 : vector<1x16xf32> to vector<16xf32>
      %swap3A_435 = vector.shape_cast %add3A_430 : vector<16xf32> to vector<1x16xf32>
      tpu.vector_store %arg10[%swap3A_431, %swap3A_432], %swap3A_435 {strides = array<i32>} : memref<32x768xf32, #tpu.memory_space<vmem>>, vector<1x16xf32>,
      %get3A_436 = arith.index_cast %scan3A_44 : i32 to index
      %get3A_437 = arith.constant 448 : index
      %get3A_438 = tpu.vector_load %arg8[%get3A_436, %get3A_437] {strides = array<i32>} : memref<32x768xf32, #tpu.memory_space<vmem>>, vector<1x16xf32>,
      %get3A_439 = vector.shape_cast %get3A_438 : vector<1x16xf32> to vector<16xf32>
      %get3A_440 = arith.index_cast %scan3A_44 : i32 to index
      %get3A_441 = arith.constant 448 : index
      %get3A_442 = tpu.vector_load %arg9[%get3A_440, %get3A_441] {strides = array<i32>} : memref<32x768xf32, #tpu.memory_space<vmem>>, vector<1x16xf32>,
      %get3A_443 = vector.shape_cast %get3A_442 : vector<1x16xf32> to vector<16xf32>
      %add3A_444 = arith.addf %get3A_439, %get3A_443 : vector<16xf32>
      %swap3A_445 = arith.index_cast %scan3A_44 : i32 to index
      %swap3A_446 = arith.constant 448 : index
      %swap3A_447 = tpu.vector_load %arg10[%swap3A_445, %swap3A_446] {strides = array<i32>} : memref<32x768xf32, #tpu.memory_space<vmem>>, vector<1x16xf32>,
      %swap3A_448 = vector.shape_cast %swap3A_447 : vector<1x16xf32> to vector<16xf32>
      %swap3A_449 = vector.shape_cast %add3A_444 : vector<16xf32> to vector<1x16xf32>
      tpu.vector_store %arg10[%swap3A_445, %swap3A_446], %swap3A_449 {strides = array<i32>} : memref<32x768xf32, #tpu.memory_space<vmem>>, vector<1x16xf32>,
      %get3A_450 = arith.index_cast %scan3A_44 : i32 to index
      %get3A_451 = arith.constant 464 : index
      %get3A_452 = tpu.vector_load %arg8[%get3A_450, %get3A_451] {strides = array<i32>} : memref<32x768xf32, #tpu.memory_space<vmem>>, vector<1x16xf32>,
      %get3A_453 = vector.shape_cast %get3A_452 : vector<1x16xf32> to vector<16xf32>
      %get3A_454 = arith.index_cast %scan3A_44 : i32 to index
      %get3A_455 = arith.constant 464 : index
      %get3A_456 = tpu.vector_load %arg9[%get3A_454, %get3A_455] {strides = array<i32>} : memref<32x768xf32, #tpu.memory_space<vmem>>, vector<1x16xf32>,
      %get3A_457 = vector.shape_cast %get3A_456 : vector<1x16xf32> to vector<16xf32>
      %add3A_458 = arith.addf %get3A_453, %get3A_457 : vector<16xf32>
      %swap3A_459 = arith.index_cast %scan3A_44 : i32 to index
      %swap3A_460 = arith.constant 464 : index
      %swap3A_461 = tpu.vector_load %arg10[%swap3A_459, %swap3A_460] {strides = array<i32>} : memref<32x768xf32, #tpu.memory_space<vmem>>, vector<1x16xf32>,
      %swap3A_462 = vector.shape_cast %swap3A_461 : vector<1x16xf32> to vector<16xf32>
      %swap3A_463 = vector.shape_cast %add3A_458 : vector<16xf32> to vector<1x16xf32>
      tpu.vector_store %arg10[%swap3A_459, %swap3A_460], %swap3A_463 {strides = array<i32>} : memref<32x768xf32, #tpu.memory_space<vmem>>, vector<1x16xf32>,
      %get3A_464 = arith.index_cast %scan3A_44 : i32 to index
      %get3A_465 = arith.constant 480 : index
      %get3A_466 = tpu.vector_load %arg8[%get3A_464, %get3A_465] {strides = array<i32>} : memref<32x768xf32, #tpu.memory_space<vmem>>, vector<1x16xf32>,
      %get3A_467 = vector.shape_cast %get3A_466 : vector<1x16xf32> to vector<16xf32>
      %get3A_468 = arith.index_cast %scan3A_44 : i32 to index
      %get3A_469 = arith.constant 480 : index
      %get3A_470 = tpu.vector_load %arg9[%get3A_468, %get3A_469] {strides = array<i32>} : memref<32x768xf32, #tpu.memory_space<vmem>>, vector<1x16xf32>,
      %get3A_471 = vector.shape_cast %get3A_470 : vector<1x16xf32> to vector<16xf32>
      %add3A_472 = arith.addf %get3A_467, %get3A_471 : vector<16xf32>
      %swap3A_473 = arith.index_cast %scan3A_44 : i32 to index
      %swap3A_474 = arith.constant 480 : index
      %swap3A_475 = tpu.vector_load %arg10[%swap3A_473, %swap3A_474] {strides = array<i32>} : memref<32x768xf32, #tpu.memory_space<vmem>>, vector<1x16xf32>,
      %swap3A_476 = vector.shape_cast %swap3A_475 : vector<1x16xf32> to vector<16xf32>
      %swap3A_477 = vector.shape_cast %add3A_472 : vector<16xf32> to vector<1x16xf32>
      tpu.vector_store %arg10[%swap3A_473, %swap3A_474], %swap3A_477 {strides = array<i32>} : memref<32x768xf32, #tpu.memory_space<vmem>>, vector<1x16xf32>,
      %get3A_478 = arith.index_cast %scan3A_44 : i32 to index
      %get3A_479 = arith.constant 496 : index
      %get3A_480 = tpu.vector_load %arg8[%get3A_478, %get3A_479] {strides = array<i32>} : memref<32x768xf32, #tpu.memory_space<vmem>>, vector<1x16xf32>,
      %get3A_481 = vector.shape_cast %get3A_480 : vector<1x16xf32> to vector<16xf32>
      %get3A_482 = arith.index_cast %scan3A_44 : i32 to index
      %get3A_483 = arith.constant 496 : index
      %get3A_484 = tpu.vector_load %arg9[%get3A_482, %get3A_483] {strides = array<i32>} : memref<32x768xf32, #tpu.memory_space<vmem>>, vector<1x16xf32>,
      %get3A_485 = vector.shape_cast %get3A_484 : vector<1x16xf32> to vector<16xf32>
      %add3A_486 = arith.addf %get3A_481, %get3A_485 : vector<16xf32>
      %swap3A_487 = arith.index_cast %scan3A_44 : i32 to index
      %swap3A_488 = arith.constant 496 : index
      %swap3A_489 = tpu.vector_load %arg10[%swap3A_487, %swap3A_488] {strides = array<i32>} : memref<32x768xf32, #tpu.memory_space<vmem>>, vector<1x16xf32>,
      %swap3A_490 = vector.shape_cast %swap3A_489 : vector<1x16xf32> to vector<16xf32>
      %swap3A_491 = vector.shape_cast %add3A_486 : vector<16xf32> to vector<1x16xf32>
      tpu.vector_store %arg10[%swap3A_487, %swap3A_488], %swap3A_491 {strides = array<i32>} : memref<32x768xf32, #tpu.memory_space<vmem>>, vector<1x16xf32>,
      %get3A_492 = arith.index_cast %scan3A_44 : i32 to index
      %get3A_493 = arith.constant 512 : index
      %get3A_494 = tpu.vector_load %arg8[%get3A_492, %get3A_493] {strides = array<i32>} : memref<32x768xf32, #tpu.memory_space<vmem>>, vector<1x16xf32>,
      %get3A_495 = vector.shape_cast %get3A_494 : vector<1x16xf32> to vector<16xf32>
      %get3A_496 = arith.index_cast %scan3A_44 : i32 to index
      %get3A_497 = arith.constant 512 : index
      %get3A_498 = tpu.vector_load %arg9[%get3A_496, %get3A_497] {strides = array<i32>} : memref<32x768xf32, #tpu.memory_space<vmem>>, vector<1x16xf32>,
      %get3A_499 = vector.shape_cast %get3A_498 : vector<1x16xf32> to vector<16xf32>
      %add3A_500 = arith.addf %get3A_495, %get3A_499 : vector<16xf32>
      %swap3A_501 = arith.index_cast %scan3A_44 : i32 to index
      %swap3A_502 = arith.constant 512 : index
      %swap3A_503 = tpu.vector_load %arg10[%swap3A_501, %swap3A_502] {strides = array<i32>} : memref<32x768xf32, #tpu.memory_space<vmem>>, vector<1x16xf32>,
      %swap3A_504 = vector.shape_cast %swap3A_503 : vector<1x16xf32> to vector<16xf32>
      %swap3A_505 = vector.shape_cast %add3A_500 : vector<16xf32> to vector<1x16xf32>
      tpu.vector_store %arg10[%swap3A_501, %swap3A_502], %swap3A_505 {strides = array<i32>} : memref<32x768xf32, #tpu.memory_space<vmem>>, vector<1x16xf32>,
      %get3A_506 = arith.index_cast %scan3A_44 : i32 to index
      %get3A_507 = arith.constant 528 : index
      %get3A_508 = tpu.vector_load %arg8[%get3A_506, %get3A_507] {strides = array<i32>} : memref<32x768xf32, #tpu.memory_space<vmem>>, vector<1x16xf32>,
      %get3A_509 = vector.shape_cast %get3A_508 : vector<1x16xf32> to vector<16xf32>
      %get3A_510 = arith.index_cast %scan3A_44 : i32 to index
      %get3A_511 = arith.constant 528 : index
      %get3A_512 = tpu.vector_load %arg9[%get3A_510, %get3A_511] {strides = array<i32>} : memref<32x768xf32, #tpu.memory_space<vmem>>, vector<1x16xf32>,
      %get3A_513 = vector.shape_cast %get3A_512 : vector<1x16xf32> to vector<16xf32>
      %add3A_514 = arith.addf %get3A_509, %get3A_513 : vector<16xf32>
      %swap3A_515 = arith.index_cast %scan3A_44 : i32 to index
      %swap3A_516 = arith.constant 528 : index
      %swap3A_517 = tpu.vector_load %arg10[%swap3A_515, %swap3A_516] {strides = array<i32>} : memref<32x768xf32, #tpu.memory_space<vmem>>, vector<1x16xf32>,
      %swap3A_518 = vector.shape_cast %swap3A_517 : vector<1x16xf32> to vector<16xf32>
      %swap3A_519 = vector.shape_cast %add3A_514 : vector<16xf32> to vector<1x16xf32>
      tpu.vector_store %arg10[%swap3A_515, %swap3A_516], %swap3A_519 {strides = array<i32>} : memref<32x768xf32, #tpu.memory_space<vmem>>, vector<1x16xf32>,
      %get3A_520 = arith.index_cast %scan3A_44 : i32 to index
      %get3A_521 = arith.constant 544 : index
      %get3A_522 = tpu.vector_load %arg8[%get3A_520, %get3A_521] {strides = array<i32>} : memref<32x768xf32, #tpu.memory_space<vmem>>, vector<1x16xf32>,
      %get3A_523 = vector.shape_cast %get3A_522 : vector<1x16xf32> to vector<16xf32>
      %get3A_524 = arith.index_cast %scan3A_44 : i32 to index
      %get3A_525 = arith.constant 544 : index
      %get3A_526 = tpu.vector_load %arg9[%get3A_524, %get3A_525] {strides = array<i32>} : memref<32x768xf32, #tpu.memory_space<vmem>>, vector<1x16xf32>,
      %get3A_527 = vector.shape_cast %get3A_526 : vector<1x16xf32> to vector<16xf32>
      %add3A_528 = arith.addf %get3A_523, %get3A_527 : vector<16xf32>
      %swap3A_529 = arith.index_cast %scan3A_44 : i32 to index
      %swap3A_530 = arith.constant 544 : index
      %swap3A_531 = tpu.vector_load %arg10[%swap3A_529, %swap3A_530] {strides = array<i32>} : memref<32x768xf32, #tpu.memory_space<vmem>>, vector<1x16xf32>,
      %swap3A_532 = vector.shape_cast %swap3A_531 : vector<1x16xf32> to vector<16xf32>
      %swap3A_533 = vector.shape_cast %add3A_528 : vector<16xf32> to vector<1x16xf32>
      tpu.vector_store %arg10[%swap3A_529, %swap3A_530], %swap3A_533 {strides = array<i32>} : memref<32x768xf32, #tpu.memory_space<vmem>>, vector<1x16xf32>,
      %get3A_534 = arith.index_cast %scan3A_44 : i32 to index
      %get3A_535 = arith.constant 560 : index
      %get3A_536 = tpu.vector_load %arg8[%get3A_534, %get3A_535] {strides = array<i32>} : memref<32x768xf32, #tpu.memory_space<vmem>>, vector<1x16xf32>,
      %get3A_537 = vector.shape_cast %get3A_536 : vector<1x16xf32> to vector<16xf32>
      %get3A_538 = arith.index_cast %scan3A_44 : i32 to index
      %get3A_539 = arith.constant 560 : index
      %get3A_540 = tpu.vector_load %arg9[%get3A_538, %get3A_539] {strides = array<i32>} : memref<32x768xf32, #tpu.memory_space<vmem>>, vector<1x16xf32>,
      %get3A_541 = vector.shape_cast %get3A_540 : vector<1x16xf32> to vector<16xf32>
      %add3A_542 = arith.addf %get3A_537, %get3A_541 : vector<16xf32>
      %swap3A_543 = arith.index_cast %scan3A_44 : i32 to index
      %swap3A_544 = arith.constant 560 : index
      %swap3A_545 = tpu.vector_load %arg10[%swap3A_543, %swap3A_544] {strides = array<i32>} : memref<32x768xf32, #tpu.memory_space<vmem>>, vector<1x16xf32>,
      %swap3A_546 = vector.shape_cast %swap3A_545 : vector<1x16xf32> to vector<16xf32>
      %swap3A_547 = vector.shape_cast %add3A_542 : vector<16xf32> to vector<1x16xf32>
      tpu.vector_store %arg10[%swap3A_543, %swap3A_544], %swap3A_547 {strides = array<i32>} : memref<32x768xf32, #tpu.memory_space<vmem>>, vector<1x16xf32>,
      %get3A_548 = arith.index_cast %scan3A_44 : i32 to index
      %get3A_549 = arith.constant 576 : index
      %get3A_550 = tpu.vector_load %arg8[%get3A_548, %get3A_549] {strides = array<i32>} : memref<32x768xf32, #tpu.memory_space<vmem>>, vector<1x16xf32>,
      %get3A_551 = vector.shape_cast %get3A_550 : vector<1x16xf32> to vector<16xf32>
      %get3A_552 = arith.index_cast %scan3A_44 : i32 to index
      %get3A_553 = arith.constant 576 : index
      %get3A_554 = tpu.vector_load %arg9[%get3A_552, %get3A_553] {strides = array<i32>} : memref<32x768xf32, #tpu.memory_space<vmem>>, vector<1x16xf32>,
      %get3A_555 = vector.shape_cast %get3A_554 : vector<1x16xf32> to vector<16xf32>
      %add3A_556 = arith.addf %get3A_551, %get3A_555 : vector<16xf32>
      %swap3A_557 = arith.index_cast %scan3A_44 : i32 to index
      %swap3A_558 = arith.constant 576 : index
      %swap3A_559 = tpu.vector_load %arg10[%swap3A_557, %swap3A_558] {strides = array<i32>} : memref<32x768xf32, #tpu.memory_space<vmem>>, vector<1x16xf32>,
      %swap3A_560 = vector.shape_cast %swap3A_559 : vector<1x16xf32> to vector<16xf32>
      %swap3A_561 = vector.shape_cast %add3A_556 : vector<16xf32> to vector<1x16xf32>
      tpu.vector_store %arg10[%swap3A_557, %swap3A_558], %swap3A_561 {strides = array<i32>} : memref<32x768xf32, #tpu.memory_space<vmem>>, vector<1x16xf32>,
      %get3A_562 = arith.index_cast %scan3A_44 : i32 to index
      %get3A_563 = arith.constant 592 : index
      %get3A_564 = tpu.vector_load %arg8[%get3A_562, %get3A_563] {strides = array<i32>} : memref<32x768xf32, #tpu.memory_space<vmem>>, vector<1x16xf32>,
      %get3A_565 = vector.shape_cast %get3A_564 : vector<1x16xf32> to vector<16xf32>
      %get3A_566 = arith.index_cast %scan3A_44 : i32 to index
      %get3A_567 = arith.constant 592 : index
      %get3A_568 = tpu.vector_load %arg9[%get3A_566, %get3A_567] {strides = array<i32>} : memref<32x768xf32, #tpu.memory_space<vmem>>, vector<1x16xf32>,
      %get3A_569 = vector.shape_cast %get3A_568 : vector<1x16xf32> to vector<16xf32>
      %add3A_570 = arith.addf %get3A_565, %get3A_569 : vector<16xf32>
      %swap3A_571 = arith.index_cast %scan3A_44 : i32 to index
      %swap3A_572 = arith.constant 592 : index
      %swap3A_573 = tpu.vector_load %arg10[%swap3A_571, %swap3A_572] {strides = array<i32>} : memref<32x768xf32, #tpu.memory_space<vmem>>, vector<1x16xf32>,
      %swap3A_574 = vector.shape_cast %swap3A_573 : vector<1x16xf32> to vector<16xf32>
      %swap3A_575 = vector.shape_cast %add3A_570 : vector<16xf32> to vector<1x16xf32>
      tpu.vector_store %arg10[%swap3A_571, %swap3A_572], %swap3A_575 {strides = array<i32>} : memref<32x768xf32, #tpu.memory_space<vmem>>, vector<1x16xf32>,
      %get3A_576 = arith.index_cast %scan3A_44 : i32 to index
      %get3A_577 = arith.constant 608 : index
      %get3A_578 = tpu.vector_load %arg8[%get3A_576, %get3A_577] {strides = array<i32>} : memref<32x768xf32, #tpu.memory_space<vmem>>, vector<1x16xf32>,
      %get3A_579 = vector.shape_cast %get3A_578 : vector<1x16xf32> to vector<16xf32>
      %get3A_580 = arith.index_cast %scan3A_44 : i32 to index
      %get3A_581 = arith.constant 608 : index
      %get3A_582 = tpu.vector_load %arg9[%get3A_580, %get3A_581] {strides = array<i32>} : memref<32x768xf32, #tpu.memory_space<vmem>>, vector<1x16xf32>,
      %get3A_583 = vector.shape_cast %get3A_582 : vector<1x16xf32> to vector<16xf32>
      %add3A_584 = arith.addf %get3A_579, %get3A_583 : vector<16xf32>
      %swap3A_585 = arith.index_cast %scan3A_44 : i32 to index
      %swap3A_586 = arith.constant 608 : index
      %swap3A_587 = tpu.vector_load %arg10[%swap3A_585, %swap3A_586] {strides = array<i32>} : memref<32x768xf32, #tpu.memory_space<vmem>>, vector<1x16xf32>,
      %swap3A_588 = vector.shape_cast %swap3A_587 : vector<1x16xf32> to vector<16xf32>
      %swap3A_589 = vector.shape_cast %add3A_584 : vector<16xf32> to vector<1x16xf32>
      tpu.vector_store %arg10[%swap3A_585, %swap3A_586], %swap3A_589 {strides = array<i32>} : memref<32x768xf32, #tpu.memory_space<vmem>>, vector<1x16xf32>,
      %get3A_590 = arith.index_cast %scan3A_44 : i32 to index
      %get3A_591 = arith.constant 624 : index
      %get3A_592 = tpu.vector_load %arg8[%get3A_590, %get3A_591] {strides = array<i32>} : memref<32x768xf32, #tpu.memory_space<vmem>>, vector<1x16xf32>,
      %get3A_593 = vector.shape_cast %get3A_592 : vector<1x16xf32> to vector<16xf32>
      %get3A_594 = arith.index_cast %scan3A_44 : i32 to index
      %get3A_595 = arith.constant 624 : index
      %get3A_596 = tpu.vector_load %arg9[%get3A_594, %get3A_595] {strides = array<i32>} : memref<32x768xf32, #tpu.memory_space<vmem>>, vector<1x16xf32>,
      %get3A_597 = vector.shape_cast %get3A_596 : vector<1x16xf32> to vector<16xf32>
      %add3A_598 = arith.addf %get3A_593, %get3A_597 : vector<16xf32>
      %swap3A_599 = arith.index_cast %scan3A_44 : i32 to index
      %swap3A_600 = arith.constant 624 : index
      %swap3A_601 = tpu.vector_load %arg10[%swap3A_599, %swap3A_600] {strides = array<i32>} : memref<32x768xf32, #tpu.memory_space<vmem>>, vector<1x16xf32>,
      %swap3A_602 = vector.shape_cast %swap3A_601 : vector<1x16xf32> to vector<16xf32>
      %swap3A_603 = vector.shape_cast %add3A_598 : vector<16xf32> to vector<1x16xf32>
      tpu.vector_store %arg10[%swap3A_599, %swap3A_600], %swap3A_603 {strides = array<i32>} : memref<32x768xf32, #tpu.memory_space<vmem>>, vector<1x16xf32>,
      %get3A_604 = arith.index_cast %scan3A_44 : i32 to index
      %get3A_605 = arith.constant 640 : index
      %get3A_606 = tpu.vector_load %arg8[%get3A_604, %get3A_605] {strides = array<i32>} : memref<32x768xf32, #tpu.memory_space<vmem>>, vector<1x16xf32>,
      %get3A_607 = vector.shape_cast %get3A_606 : vector<1x16xf32> to vector<16xf32>
      %get3A_608 = arith.index_cast %scan3A_44 : i32 to index
      %get3A_609 = arith.constant 640 : index
      %get3A_610 = tpu.vector_load %arg9[%get3A_608, %get3A_609] {strides = array<i32>} : memref<32x768xf32, #tpu.memory_space<vmem>>, vector<1x16xf32>,
      %get3A_611 = vector.shape_cast %get3A_610 : vector<1x16xf32> to vector<16xf32>
      %add3A_612 = arith.addf %get3A_607, %get3A_611 : vector<16xf32>
      %swap3A_613 = arith.index_cast %scan3A_44 : i32 to index
      %swap3A_614 = arith.constant 640 : index
      %swap3A_615 = tpu.vector_load %arg10[%swap3A_613, %swap3A_614] {strides = array<i32>} : memref<32x768xf32, #tpu.memory_space<vmem>>, vector<1x16xf32>,
      %swap3A_616 = vector.shape_cast %swap3A_615 : vector<1x16xf32> to vector<16xf32>
      %swap3A_617 = vector.shape_cast %add3A_612 : vector<16xf32> to vector<1x16xf32>
      tpu.vector_store %arg10[%swap3A_613, %swap3A_614], %swap3A_617 {strides = array<i32>} : memref<32x768xf32, #tpu.memory_space<vmem>>, vector<1x16xf32>,
      %get3A_618 = arith.index_cast %scan3A_44 : i32 to index
      %get3A_619 = arith.constant 656 : index
      %get3A_620 = tpu.vector_load %arg8[%get3A_618, %get3A_619] {strides = array<i32>} : memref<32x768xf32, #tpu.memory_space<vmem>>, vector<1x16xf32>,
      %get3A_621 = vector.shape_cast %get3A_620 : vector<1x16xf32> to vector<16xf32>
      %get3A_622 = arith.index_cast %scan3A_44 : i32 to index
      %get3A_623 = arith.constant 656 : index
      %get3A_624 = tpu.vector_load %arg9[%get3A_622, %get3A_623] {strides = array<i32>} : memref<32x768xf32, #tpu.memory_space<vmem>>, vector<1x16xf32>,
      %get3A_625 = vector.shape_cast %get3A_624 : vector<1x16xf32> to vector<16xf32>
      %add3A_626 = arith.addf %get3A_621, %get3A_625 : vector<16xf32>
      %swap3A_627 = arith.index_cast %scan3A_44 : i32 to index
      %swap3A_628 = arith.constant 656 : index
      %swap3A_629 = tpu.vector_load %arg10[%swap3A_627, %swap3A_628] {strides = array<i32>} : memref<32x768xf32, #tpu.memory_space<vmem>>, vector<1x16xf32>,
      %swap3A_630 = vector.shape_cast %swap3A_629 : vector<1x16xf32> to vector<16xf32>
      %swap3A_631 = vector.shape_cast %add3A_626 : vector<16xf32> to vector<1x16xf32>
      tpu.vector_store %arg10[%swap3A_627, %swap3A_628], %swap3A_631 {strides = array<i32>} : memref<32x768xf32, #tpu.memory_space<vmem>>, vector<1x16xf32>,
      %get3A_632 = arith.index_cast %scan3A_44 : i32 to index
      %get3A_633 = arith.constant 672 : index
      %get3A_634 = tpu.vector_load %arg8[%get3A_632, %get3A_633] {strides = array<i32>} : memref<32x768xf32, #tpu.memory_space<vmem>>, vector<1x16xf32>,
      %get3A_635 = vector.shape_cast %get3A_634 : vector<1x16xf32> to vector<16xf32>
      %get3A_636 = arith.index_cast %scan3A_44 : i32 to index
      %get3A_637 = arith.constant 672 : index
      %get3A_638 = tpu.vector_load %arg9[%get3A_636, %get3A_637] {strides = array<i32>} : memref<32x768xf32, #tpu.memory_space<vmem>>, vector<1x16xf32>,
      %get3A_639 = vector.shape_cast %get3A_638 : vector<1x16xf32> to vector<16xf32>
      %add3A_640 = arith.addf %get3A_635, %get3A_639 : vector<16xf32>
      %swap3A_641 = arith.index_cast %scan3A_44 : i32 to index
      %swap3A_642 = arith.constant 672 : index
      %swap3A_643 = tpu.vector_load %arg10[%swap3A_641, %swap3A_642] {strides = array<i32>} : memref<32x768xf32, #tpu.memory_space<vmem>>, vector<1x16xf32>,
      %swap3A_644 = vector.shape_cast %swap3A_643 : vector<1x16xf32> to vector<16xf32>
      %swap3A_645 = vector.shape_cast %add3A_640 : vector<16xf32> to vector<1x16xf32>
      tpu.vector_store %arg10[%swap3A_641, %swap3A_642], %swap3A_645 {strides = array<i32>} : memref<32x768xf32, #tpu.memory_space<vmem>>, vector<1x16xf32>,
      %get3A_646 = arith.index_cast %scan3A_44 : i32 to index
      %get3A_647 = arith.constant 688 : index
      %get3A_648 = tpu.vector_load %arg8[%get3A_646, %get3A_647] {strides = array<i32>} : memref<32x768xf32, #tpu.memory_space<vmem>>, vector<1x16xf32>,
      %get3A_649 = vector.shape_cast %get3A_648 : vector<1x16xf32> to vector<16xf32>
      %get3A_650 = arith.index_cast %scan3A_44 : i32 to index
      %get3A_651 = arith.constant 688 : index
      %get3A_652 = tpu.vector_load %arg9[%get3A_650, %get3A_651] {strides = array<i32>} : memref<32x768xf32, #tpu.memory_space<vmem>>, vector<1x16xf32>,
      %get3A_653 = vector.shape_cast %get3A_652 : vector<1x16xf32> to vector<16xf32>
      %add3A_654 = arith.addf %get3A_649, %get3A_653 : vector<16xf32>
      %swap3A_655 = arith.index_cast %scan3A_44 : i32 to index
      %swap3A_656 = arith.constant 688 : index
      %swap3A_657 = tpu.vector_load %arg10[%swap3A_655, %swap3A_656] {strides = array<i32>} : memref<32x768xf32, #tpu.memory_space<vmem>>, vector<1x16xf32>,
      %swap3A_658 = vector.shape_cast %swap3A_657 : vector<1x16xf32> to vector<16xf32>
      %swap3A_659 = vector.shape_cast %add3A_654 : vector<16xf32> to vector<1x16xf32>
      tpu.vector_store %arg10[%swap3A_655, %swap3A_656], %swap3A_659 {strides = array<i32>} : memref<32x768xf32, #tpu.memory_space<vmem>>, vector<1x16xf32>,
      %get3A_660 = arith.index_cast %scan3A_44 : i32 to index
      %get3A_661 = arith.constant 704 : index
      %get3A_662 = tpu.vector_load %arg8[%get3A_660, %get3A_661] {strides = array<i32>} : memref<32x768xf32, #tpu.memory_space<vmem>>, vector<1x16xf32>,
      %get3A_663 = vector.shape_cast %get3A_662 : vector<1x16xf32> to vector<16xf32>
      %get3A_664 = arith.index_cast %scan3A_44 : i32 to index
      %get3A_665 = arith.constant 704 : index
      %get3A_666 = tpu.vector_load %arg9[%get3A_664, %get3A_665] {strides = array<i32>} : memref<32x768xf32, #tpu.memory_space<vmem>>, vector<1x16xf32>,
      %get3A_667 = vector.shape_cast %get3A_666 : vector<1x16xf32> to vector<16xf32>
      %add3A_668 = arith.addf %get3A_663, %get3A_667 : vector<16xf32>
      %swap3A_669 = arith.index_cast %scan3A_44 : i32 to index
      %swap3A_670 = arith.constant 704 : index
      %swap3A_671 = tpu.vector_load %arg10[%swap3A_669, %swap3A_670] {strides = array<i32>} : memref<32x768xf32, #tpu.memory_space<vmem>>, vector<1x16xf32>,
      %swap3A_672 = vector.shape_cast %swap3A_671 : vector<1x16xf32> to vector<16xf32>
      %swap3A_673 = vector.shape_cast %add3A_668 : vector<16xf32> to vector<1x16xf32>
      tpu.vector_store %arg10[%swap3A_669, %swap3A_670], %swap3A_673 {strides = array<i32>} : memref<32x768xf32, #tpu.memory_space<vmem>>, vector<1x16xf32>,
      %get3A_674 = arith.index_cast %scan3A_44 : i32 to index
      %get3A_675 = arith.constant 720 : index
      %get3A_676 = tpu.vector_load %arg8[%get3A_674, %get3A_675] {strides = array<i32>} : memref<32x768xf32, #tpu.memory_space<vmem>>, vector<1x16xf32>,
      %get3A_677 = vector.shape_cast %get3A_676 : vector<1x16xf32> to vector<16xf32>
      %get3A_678 = arith.index_cast %scan3A_44 : i32 to index
      %get3A_679 = arith.constant 720 : index
      %get3A_680 = tpu.vector_load %arg9[%get3A_678, %get3A_679] {strides = array<i32>} : memref<32x768xf32, #tpu.memory_space<vmem>>, vector<1x16xf32>,
      %get3A_681 = vector.shape_cast %get3A_680 : vector<1x16xf32> to vector<16xf32>
      %add3A_682 = arith.addf %get3A_677, %get3A_681 : vector<16xf32>
      %swap3A_683 = arith.index_cast %scan3A_44 : i32 to index
      %swap3A_684 = arith.constant 720 : index
      %swap3A_685 = tpu.vector_load %arg10[%swap3A_683, %swap3A_684] {strides = array<i32>} : memref<32x768xf32, #tpu.memory_space<vmem>>, vector<1x16xf32>,
      %swap3A_686 = vector.shape_cast %swap3A_685 : vector<1x16xf32> to vector<16xf32>
      %swap3A_687 = vector.shape_cast %add3A_682 : vector<16xf32> to vector<1x16xf32>
      tpu.vector_store %arg10[%swap3A_683, %swap3A_684], %swap3A_687 {strides = array<i32>} : memref<32x768xf32, #tpu.memory_space<vmem>>, vector<1x16xf32>,
      %get3A_688 = arith.index_cast %scan3A_44 : i32 to index
      %get3A_689 = arith.constant 736 : index
      %get3A_690 = tpu.vector_load %arg8[%get3A_688, %get3A_689] {strides = array<i32>} : memref<32x768xf32, #tpu.memory_space<vmem>>, vector<1x16xf32>,
      %get3A_691 = vector.shape_cast %get3A_690 : vector<1x16xf32> to vector<16xf32>
      %get3A_692 = arith.index_cast %scan3A_44 : i32 to index
      %get3A_693 = arith.constant 736 : index
      %get3A_694 = tpu.vector_load %arg9[%get3A_692, %get3A_693] {strides = array<i32>} : memref<32x768xf32, #tpu.memory_space<vmem>>, vector<1x16xf32>,
      %get3A_695 = vector.shape_cast %get3A_694 : vector<1x16xf32> to vector<16xf32>
      %add3A_696 = arith.addf %get3A_691, %get3A_695 : vector<16xf32>
      %swap3A_697 = arith.index_cast %scan3A_44 : i32 to index
      %swap3A_698 = arith.constant 736 : index
      %swap3A_699 = tpu.vector_load %arg10[%swap3A_697, %swap3A_698] {strides = array<i32>} : memref<32x768xf32, #tpu.memory_space<vmem>>, vector<1x16xf32>,
      %swap3A_700 = vector.shape_cast %swap3A_699 : vector<1x16xf32> to vector<16xf32>
      %swap3A_701 = vector.shape_cast %add3A_696 : vector<16xf32> to vector<1x16xf32>
      tpu.vector_store %arg10[%swap3A_697, %swap3A_698], %swap3A_701 {strides = array<i32>} : memref<32x768xf32, #tpu.memory_space<vmem>>, vector<1x16xf32>,
      %get3A_702 = arith.index_cast %scan3A_44 : i32 to index
      %get3A_703 = arith.constant 752 : index
      %get3A_704 = tpu.vector_load %arg8[%get3A_702, %get3A_703] {strides = array<i32>} : memref<32x768xf32, #tpu.memory_space<vmem>>, vector<1x16xf32>,
      %get3A_705 = vector.shape_cast %get3A_704 : vector<1x16xf32> to vector<16xf32>
      %get3A_706 = arith.index_cast %scan3A_44 : i32 to index
      %get3A_707 = arith.constant 752 : index
      %get3A_708 = tpu.vector_load %arg9[%get3A_706, %get3A_707] {strides = array<i32>} : memref<32x768xf32, #tpu.memory_space<vmem>>, vector<1x16xf32>,
      %get3A_709 = vector.shape_cast %get3A_708 : vector<1x16xf32> to vector<16xf32>
      %add3A_710 = arith.addf %get3A_705, %get3A_709 : vector<16xf32>
      %swap3A_711 = arith.index_cast %scan3A_44 : i32 to index
      %swap3A_712 = arith.constant 752 : index
      %swap3A_713 = tpu.vector_load %arg10[%swap3A_711, %swap3A_712] {strides = array<i32>} : memref<32x768xf32, #tpu.memory_space<vmem>>, vector<1x16xf32>,
      %swap3A_714 = vector.shape_cast %swap3A_713 : vector<1x16xf32> to vector<16xf32>
      %swap3A_715 = vector.shape_cast %add3A_710 : vector<16xf32> to vector<1x16xf32>
      tpu.vector_store %arg10[%swap3A_711, %swap3A_712], %swap3A_715 {strides = array<i32>} : memref<32x768xf32, #tpu.memory_space<vmem>>, vector<1x16xf32>,
      %scan3A_716 = arith.constant 0 : i32
      scf.yield %scan3A_716 : i32
    }
    %scan3A_20 = arith.constant 32 : i32
    "tpu.region"() ({
      %run_scoped3A = tpu.sem_alloc : memref<!tpu.dma_semaphore, #tpu.memory_space<semaphore_mem>>
      %dma_start3A_44 = arith.constant 0 : i32
      %dma_start3A_45 = tpu.memref_slice %arg5[%add3A_4, %dma_start3A_44] : memref<2048x768xf32, #tpu.memory_space<hbm>> -> memref<32x768xf32, #tpu.memory_space<hbm>>
      %dma_start3A_46 = arith.constant 0 : i32
      %dma_start3A_47 = tpu.memref_slice %arg5[%add3A_4, %dma_start3A_46] : memref<2048x768xf32, #tpu.memory_space<hbm>> -> memref<32x768xf32, #tpu.memory_space<hbm>>
      tpu.enqueue_dma source(%arg10 : memref<32x768xf32, #tpu.memory_space<vmem>>) target(%dma_start3A_47 : memref<32x768xf32, #tpu.memory_space<hbm>>) target_semaphore(%run_scoped3A : memref<!tpu.dma_semaphore, #tpu.memory_space<semaphore_mem>>)
      %dma_wait3A_48 = arith.constant 0 : i32
      %dma_wait3A_49 = tpu.memref_slice %arg5[%add3A_4, %dma_wait3A_48] : memref<2048x768xf32, #tpu.memory_space<hbm>> -> memref<32x768xf32, #tpu.memory_space<hbm>>
      %dma_wait3A_50 = arith.constant 0 : i32
      %dma_wait3A_51 = tpu.memref_slice %arg5[%add3A_4, %dma_wait3A_50] : memref<2048x768xf32, #tpu.memory_space<hbm>> -> memref<32x768xf32, #tpu.memory_space<hbm>>
      tpu.wait_dma2 semaphore(%run_scoped3A : memref<!tpu.dma_semaphore, #tpu.memory_space<semaphore_mem>>) src(%arg10 : memref<32x768xf32, #tpu.memory_space<vmem>>) dst(%dma_wait3A_51 : memref<32x768xf32, #tpu.memory_space<hbm>>)
      tpu.yield
    }) : () -> ()
    %mul3A_21 = arith.constant 64 : i32
    %mul3A_22 = arith.muli %add3A, %mul3A_21 : i32
    %add3A_23 = arith.constant 32 : i32
    %add3A_24 = arith.addi %mul3A_22, %add3A_23 : i32
    "tpu.region"() ({
      %run_scoped3A = tpu.sem_alloc : memref<!tpu.dma_semaphore, #tpu.memory_space<semaphore_mem>>
      %dma_start3A_44 = tpu.memref_slice %arg3[%add3A_24] : memref<2048xi32, #tpu.memory_space<hbm>> -> memref<32xi32, #tpu.memory_space<hbm>>
      %dma_start3A_45 = tpu.memref_slice %arg3[%add3A_24] : memref<2048xi32, #tpu.memory_space<hbm>> -> memref<32xi32, #tpu.memory_space<hbm>>
      tpu.enqueue_dma source(%dma_start3A_45 : memref<32xi32, #tpu.memory_space<hbm>>) target(%arg6 : memref<32xi32, #tpu.memory_space<vmem>>) target_semaphore(%run_scoped3A : memref<!tpu.dma_semaphore, #tpu.memory_space<semaphore_mem>>)
      %dma_wait3A_46 = tpu.memref_slice %arg3[%add3A_24] : memref<2048xi32, #tpu.memory_space<hbm>> -> memref<32xi32, #tpu.memory_space<hbm>>
      %dma_wait3A_47 = tpu.memref_slice %arg3[%add3A_24] : memref<2048xi32, #tpu.memory_space<hbm>> -> memref<32xi32, #tpu.memory_space<hbm>>
      tpu.wait_dma2 semaphore(%run_scoped3A : memref<!tpu.dma_semaphore, #tpu.memory_space<semaphore_mem>>) src(%dma_wait3A_47 : memref<32xi32, #tpu.memory_space<hbm>>) dst(%arg6 : memref<32xi32, #tpu.memory_space<vmem>>)
      tpu.yield
    }) : () -> ()
    "tpu.region"() ({
      %run_scoped3A = tpu.sem_alloc : memref<!tpu.dma_semaphore, #tpu.memory_space<semaphore_mem>>
      %dma_start3A_44 = tpu.memref_slice %arg4[%add3A_24] : memref<2048xi32, #tpu.memory_space<hbm>> -> memref<32xi32, #tpu.memory_space<hbm>>
      %dma_start3A_45 = tpu.memref_slice %arg4[%add3A_24] : memref<2048xi32, #tpu.memory_space<hbm>> -> memref<32xi32, #tpu.memory_space<hbm>>
      tpu.enqueue_dma source(%dma_start3A_45 : memref<32xi32, #tpu.memory_space<hbm>>) target(%arg7 : memref<32xi32, #tpu.memory_space<vmem>>) target_semaphore(%run_scoped3A : memref<!tpu.dma_semaphore, #tpu.memory_space<semaphore_mem>>)
      %dma_wait3A_46 = tpu.memref_slice %arg4[%add3A_24] : memref<2048xi32, #tpu.memory_space<hbm>> -> memref<32xi32, #tpu.memory_space<hbm>>
      %dma_wait3A_47 = tpu.memref_slice %arg4[%add3A_24] : memref<2048xi32, #tpu.memory_space<hbm>> -> memref<32xi32, #tpu.memory_space<hbm>>
      tpu.wait_dma2 semaphore(%run_scoped3A : memref<!tpu.dma_semaphore, #tpu.memory_space<semaphore_mem>>) src(%dma_wait3A_47 : memref<32xi32, #tpu.memory_space<hbm>>) dst(%arg7 : memref<32xi32, #tpu.memory_space<vmem>>)
      tpu.yield
    }) : () -> ()
    %dma_start3A_25 = arith.constant 0 : i32
    %dma_start3A_26 = arith.constant 0 : i32
    %dma_start3A_27 = tpu.memref_slice %arg2[%dma_start3A_25, %dma_start3A_26] : memref<6144x768xf32, #tpu.memory_space<hbm>> -> memref<6144x768xf32, #tpu.memory_space<hbm>>
    tpu.enqueue_indirect_dma source(%dma_start3A_27 : memref<6144x768xf32, #tpu.memory_space<hbm>>) target(%arg8 : memref<32x768xf32, #tpu.memory_space<vmem>>) offsets(%arg6 : memref<32xi32, #tpu.memory_space<vmem>>) semaphore(%arg11 : memref<!tpu.dma_semaphore, #tpu.memory_space<semaphore_mem>>)
    %dma_start3A_28 = arith.constant 0 : i32
    %dma_start3A_29 = arith.constant 0 : i32
    %dma_start3A_30 = tpu.memref_slice %arg2[%dma_start3A_28, %dma_start3A_29] : memref<6144x768xf32, #tpu.memory_space<hbm>> -> memref<6144x768xf32, #tpu.memory_space<hbm>>
    tpu.enqueue_indirect_dma source(%dma_start3A_30 : memref<6144x768xf32, #tpu.memory_space<hbm>>) target(%arg9 : memref<32x768xf32, #tpu.memory_space<vmem>>) offsets(%arg7 : memref<32xi32, #tpu.memory_space<vmem>>) semaphore(%arg12 : memref<!tpu.dma_semaphore, #tpu.memory_space<semaphore_mem>>)
    %dma_wait3A_31 = arith.constant 0 : i32
    %dma_wait3A_32 = arith.constant 0 : i32
    %dma_wait3A_33 = tpu.memref_slice %arg2[%dma_wait3A_31, %dma_wait3A_32] : memref<6144x768xf32, #tpu.memory_space<hbm>> -> memref<6144x768xf32, #tpu.memory_space<hbm>>
    tpu.wait_indirect_dma semaphore(%arg11 : memref<!tpu.dma_semaphore, #tpu.memory_space<semaphore_mem>>) src(%dma_wait3A_33 : memref<6144x768xf32, #tpu.memory_space<hbm>>) dst(%arg8 : memref<32x768xf32, #tpu.memory_space<vmem>>)
    %dma_wait3A_34 = arith.constant 0 : i32
    %dma_wait3A_35 = arith.constant 0 : i32
    %dma_wait3A_36 = tpu.memref_slice %arg2[%dma_wait3A_34, %dma_wait3A_35] : memref<6144x768xf32, #tpu.memory_space<hbm>> -> memref<6144x768xf32, #tpu.memory_space<hbm>>
    tpu.wait_indirect_dma semaphore(%arg12 : memref<!tpu.dma_semaphore, #tpu.memory_space<semaphore_mem>>) src(%dma_wait3A_36 : memref<6144x768xf32, #tpu.memory_space<hbm>>) dst(%arg9 : memref<32x768xf32, #tpu.memory_space<vmem>>)
    %scan3A_37 = arith.constant 0 : i32
    %scan3A_38 = arith.constant 0 : i32
    %scan3A_39 = arith.constant 32 : i32
    %scan3A_40 = arith.addi %scan3A_38, %scan3A_39 : i32
    %scan3A_41 = arith.constant 1 : i32
    %scan3A_42 = scf.for %scan3A_44 = %scan3A_38 to %scan3A_40 step %scan3A_41 iter_args(%scan3A_45 = %scan3A_37) -> (i32)  : i32 {
      %get3A = arith.index_cast %scan3A_44 : i32 to index
      %get3A_46 = arith.constant 0 : index
      %get3A_47 = tpu.vector_load %arg8[%get3A, %get3A_46] {strides = array<i32>} : memref<32x768xf32, #tpu.memory_space<vmem>>, vector<1x16xf32>,
      %get3A_48 = vector.shape_cast %get3A_47 : vector<1x16xf32> to vector<16xf32>
      %get3A_49 = arith.index_cast %scan3A_44 : i32 to index
      %get3A_50 = arith.constant 0 : index
      %get3A_51 = tpu.vector_load %arg9[%get3A_49, %get3A_50] {strides = array<i32>} : memref<32x768xf32, #tpu.memory_space<vmem>>, vector<1x16xf32>,
      %get3A_52 = vector.shape_cast %get3A_51 : vector<1x16xf32> to vector<16xf32>
      %add3A_53 = arith.addf %get3A_48, %get3A_52 : vector<16xf32>
      %swap3A = arith.index_cast %scan3A_44 : i32 to index
      %swap3A_54 = arith.constant 0 : index
      %swap3A_55 = tpu.vector_load %arg10[%swap3A, %swap3A_54] {strides = array<i32>} : memref<32x768xf32, #tpu.memory_space<vmem>>, vector<1x16xf32>,
      %swap3A_56 = vector.shape_cast %swap3A_55 : vector<1x16xf32> to vector<16xf32>
      %swap3A_57 = vector.shape_cast %add3A_53 : vector<16xf32> to vector<1x16xf32>
      tpu.vector_store %arg10[%swap3A, %swap3A_54], %swap3A_57 {strides = array<i32>} : memref<32x768xf32, #tpu.memory_space<vmem>>, vector<1x16xf32>,
      %get3A_58 = arith.index_cast %scan3A_44 : i32 to index
      %get3A_59 = arith.constant 16 : index
      %get3A_60 = tpu.vector_load %arg8[%get3A_58, %get3A_59] {strides = array<i32>} : memref<32x768xf32, #tpu.memory_space<vmem>>, vector<1x16xf32>,
      %get3A_61 = vector.shape_cast %get3A_60 : vector<1x16xf32> to vector<16xf32>
      %get3A_62 = arith.index_cast %scan3A_44 : i32 to index
      %get3A_63 = arith.constant 16 : index
      %get3A_64 = tpu.vector_load %arg9[%get3A_62, %get3A_63] {strides = array<i32>} : memref<32x768xf32, #tpu.memory_space<vmem>>, vector<1x16xf32>,
      %get3A_65 = vector.shape_cast %get3A_64 : vector<1x16xf32> to vector<16xf32>
      %add3A_66 = arith.addf %get3A_61, %get3A_65 : vector<16xf32>
      %swap3A_67 = arith.index_cast %scan3A_44 : i32 to index
      %swap3A_68 = arith.constant 16 : index
      %swap3A_69 = tpu.vector_load %arg10[%swap3A_67, %swap3A_68] {strides = array<i32>} : memref<32x768xf32, #tpu.memory_space<vmem>>, vector<1x16xf32>,
      %swap3A_70 = vector.shape_cast %swap3A_69 : vector<1x16xf32> to vector<16xf32>
      %swap3A_71 = vector.shape_cast %add3A_66 : vector<16xf32> to vector<1x16xf32>
      tpu.vector_store %arg10[%swap3A_67, %swap3A_68], %swap3A_71 {strides = array<i32>} : memref<32x768xf32, #tpu.memory_space<vmem>>, vector<1x16xf32>,
      %get3A_72 = arith.index_cast %scan3A_44 : i32 to index
      %get3A_73 = arith.constant 32 : index
      %get3A_74 = tpu.vector_load %arg8[%get3A_72, %get3A_73] {strides = array<i32>} : memref<32x768xf32, #tpu.memory_space<vmem>>, vector<1x16xf32>,
      %get3A_75 = vector.shape_cast %get3A_74 : vector<1x16xf32> to vector<16xf32>
      %get3A_76 = arith.index_cast %scan3A_44 : i32 to index
      %get3A_77 = arith.constant 32 : index
      %get3A_78 = tpu.vector_load %arg9[%get3A_76, %get3A_77] {strides = array<i32>} : memref<32x768xf32, #tpu.memory_space<vmem>>, vector<1x16xf32>,
      %get3A_79 = vector.shape_cast %get3A_78 : vector<1x16xf32> to vector<16xf32>
      %add3A_80 = arith.addf %get3A_75, %get3A_79 : vector<16xf32>
      %swap3A_81 = arith.index_cast %scan3A_44 : i32 to index
      %swap3A_82 = arith.constant 32 : index
      %swap3A_83 = tpu.vector_load %arg10[%swap3A_81, %swap3A_82] {strides = array<i32>} : memref<32x768xf32, #tpu.memory_space<vmem>>, vector<1x16xf32>,
      %swap3A_84 = vector.shape_cast %swap3A_83 : vector<1x16xf32> to vector<16xf32>
      %swap3A_85 = vector.shape_cast %add3A_80 : vector<16xf32> to vector<1x16xf32>
      tpu.vector_store %arg10[%swap3A_81, %swap3A_82], %swap3A_85 {strides = array<i32>} : memref<32x768xf32, #tpu.memory_space<vmem>>, vector<1x16xf32>,
      %get3A_86 = arith.index_cast %scan3A_44 : i32 to index
      %get3A_87 = arith.constant 48 : index
      %get3A_88 = tpu.vector_load %arg8[%get3A_86, %get3A_87] {strides = array<i32>} : memref<32x768xf32, #tpu.memory_space<vmem>>, vector<1x16xf32>,
      %get3A_89 = vector.shape_cast %get3A_88 : vector<1x16xf32> to vector<16xf32>
      %get3A_90 = arith.index_cast %scan3A_44 : i32 to index
      %get3A_91 = arith.constant 48 : index
      %get3A_92 = tpu.vector_load %arg9[%get3A_90, %get3A_91] {strides = array<i32>} : memref<32x768xf32, #tpu.memory_space<vmem>>, vector<1x16xf32>,
      %get3A_93 = vector.shape_cast %get3A_92 : vector<1x16xf32> to vector<16xf32>
      %add3A_94 = arith.addf %get3A_89, %get3A_93 : vector<16xf32>
      %swap3A_95 = arith.index_cast %scan3A_44 : i32 to index
      %swap3A_96 = arith.constant 48 : index
      %swap3A_97 = tpu.vector_load %arg10[%swap3A_95, %swap3A_96] {strides = array<i32>} : memref<32x768xf32, #tpu.memory_space<vmem>>, vector<1x16xf32>,
      %swap3A_98 = vector.shape_cast %swap3A_97 : vector<1x16xf32> to vector<16xf32>
      %swap3A_99 = vector.shape_cast %add3A_94 : vector<16xf32> to vector<1x16xf32>
      tpu.vector_store %arg10[%swap3A_95, %swap3A_96], %swap3A_99 {strides = array<i32>} : memref<32x768xf32, #tpu.memory_space<vmem>>, vector<1x16xf32>,
      %get3A_100 = arith.index_cast %scan3A_44 : i32 to index
      %get3A_101 = arith.constant 64 : index
      %get3A_102 = tpu.vector_load %arg8[%get3A_100, %get3A_101] {strides = array<i32>} : memref<32x768xf32, #tpu.memory_space<vmem>>, vector<1x16xf32>,
      %get3A_103 = vector.shape_cast %get3A_102 : vector<1x16xf32> to vector<16xf32>
      %get3A_104 = arith.index_cast %scan3A_44 : i32 to index
      %get3A_105 = arith.constant 64 : index
      %get3A_106 = tpu.vector_load %arg9[%get3A_104, %get3A_105] {strides = array<i32>} : memref<32x768xf32, #tpu.memory_space<vmem>>, vector<1x16xf32>,
      %get3A_107 = vector.shape_cast %get3A_106 : vector<1x16xf32> to vector<16xf32>
      %add3A_108 = arith.addf %get3A_103, %get3A_107 : vector<16xf32>
      %swap3A_109 = arith.index_cast %scan3A_44 : i32 to index
      %swap3A_110 = arith.constant 64 : index
      %swap3A_111 = tpu.vector_load %arg10[%swap3A_109, %swap3A_110] {strides = array<i32>} : memref<32x768xf32, #tpu.memory_space<vmem>>, vector<1x16xf32>,
      %swap3A_112 = vector.shape_cast %swap3A_111 : vector<1x16xf32> to vector<16xf32>
      %swap3A_113 = vector.shape_cast %add3A_108 : vector<16xf32> to vector<1x16xf32>
      tpu.vector_store %arg10[%swap3A_109, %swap3A_110], %swap3A_113 {strides = array<i32>} : memref<32x768xf32, #tpu.memory_space<vmem>>, vector<1x16xf32>,
      %get3A_114 = arith.index_cast %scan3A_44 : i32 to index
      %get3A_115 = arith.constant 80 : index
      %get3A_116 = tpu.vector_load %arg8[%get3A_114, %get3A_115] {strides = array<i32>} : memref<32x768xf32, #tpu.memory_space<vmem>>, vector<1x16xf32>,
      %get3A_117 = vector.shape_cast %get3A_116 : vector<1x16xf32> to vector<16xf32>
      %get3A_118 = arith.index_cast %scan3A_44 : i32 to index
      %get3A_119 = arith.constant 80 : index
      %get3A_120 = tpu.vector_load %arg9[%get3A_118, %get3A_119] {strides = array<i32>} : memref<32x768xf32, #tpu.memory_space<vmem>>, vector<1x16xf32>,
      %get3A_121 = vector.shape_cast %get3A_120 : vector<1x16xf32> to vector<16xf32>
      %add3A_122 = arith.addf %get3A_117, %get3A_121 : vector<16xf32>
      %swap3A_123 = arith.index_cast %scan3A_44 : i32 to index
      %swap3A_124 = arith.constant 80 : index
      %swap3A_125 = tpu.vector_load %arg10[%swap3A_123, %swap3A_124] {strides = array<i32>} : memref<32x768xf32, #tpu.memory_space<vmem>>, vector<1x16xf32>,
      %swap3A_126 = vector.shape_cast %swap3A_125 : vector<1x16xf32> to vector<16xf32>
      %swap3A_127 = vector.shape_cast %add3A_122 : vector<16xf32> to vector<1x16xf32>
      tpu.vector_store %arg10[%swap3A_123, %swap3A_124], %swap3A_127 {strides = array<i32>} : memref<32x768xf32, #tpu.memory_space<vmem>>, vector<1x16xf32>,
      %get3A_128 = arith.index_cast %scan3A_44 : i32 to index
      %get3A_129 = arith.constant 96 : index
      %get3A_130 = tpu.vector_load %arg8[%get3A_128, %get3A_129] {strides = array<i32>} : memref<32x768xf32, #tpu.memory_space<vmem>>, vector<1x16xf32>,
      %get3A_131 = vector.shape_cast %get3A_130 : vector<1x16xf32> to vector<16xf32>
      %get3A_132 = arith.index_cast %scan3A_44 : i32 to index
      %get3A_133 = arith.constant 96 : index
      %get3A_134 = tpu.vector_load %arg9[%get3A_132, %get3A_133] {strides = array<i32>} : memref<32x768xf32, #tpu.memory_space<vmem>>, vector<1x16xf32>,
      %get3A_135 = vector.shape_cast %get3A_134 : vector<1x16xf32> to vector<16xf32>
      %add3A_136 = arith.addf %get3A_131, %get3A_135 : vector<16xf32>
      %swap3A_137 = arith.index_cast %scan3A_44 : i32 to index
      %swap3A_138 = arith.constant 96 : index
      %swap3A_139 = tpu.vector_load %arg10[%swap3A_137, %swap3A_138] {strides = array<i32>} : memref<32x768xf32, #tpu.memory_space<vmem>>, vector<1x16xf32>,
      %swap3A_140 = vector.shape_cast %swap3A_139 : vector<1x16xf32> to vector<16xf32>
      %swap3A_141 = vector.shape_cast %add3A_136 : vector<16xf32> to vector<1x16xf32>
      tpu.vector_store %arg10[%swap3A_137, %swap3A_138], %swap3A_141 {strides = array<i32>} : memref<32x768xf32, #tpu.memory_space<vmem>>, vector<1x16xf32>,
      %get3A_142 = arith.index_cast %scan3A_44 : i32 to index
      %get3A_143 = arith.constant 112 : index
      %get3A_144 = tpu.vector_load %arg8[%get3A_142, %get3A_143] {strides = array<i32>} : memref<32x768xf32, #tpu.memory_space<vmem>>, vector<1x16xf32>,
      %get3A_145 = vector.shape_cast %get3A_144 : vector<1x16xf32> to vector<16xf32>
      %get3A_146 = arith.index_cast %scan3A_44 : i32 to index
      %get3A_147 = arith.constant 112 : index
      %get3A_148 = tpu.vector_load %arg9[%get3A_146, %get3A_147] {strides = array<i32>} : memref<32x768xf32, #tpu.memory_space<vmem>>, vector<1x16xf32>,
      %get3A_149 = vector.shape_cast %get3A_148 : vector<1x16xf32> to vector<16xf32>
      %add3A_150 = arith.addf %get3A_145, %get3A_149 : vector<16xf32>
      %swap3A_151 = arith.index_cast %scan3A_44 : i32 to index
      %swap3A_152 = arith.constant 112 : index
      %swap3A_153 = tpu.vector_load %arg10[%swap3A_151, %swap3A_152] {strides = array<i32>} : memref<32x768xf32, #tpu.memory_space<vmem>>, vector<1x16xf32>,
      %swap3A_154 = vector.shape_cast %swap3A_153 : vector<1x16xf32> to vector<16xf32>
      %swap3A_155 = vector.shape_cast %add3A_150 : vector<16xf32> to vector<1x16xf32>
      tpu.vector_store %arg10[%swap3A_151, %swap3A_152], %swap3A_155 {strides = array<i32>} : memref<32x768xf32, #tpu.memory_space<vmem>>, vector<1x16xf32>,
      %get3A_156 = arith.index_cast %scan3A_44 : i32 to index
      %get3A_157 = arith.constant 128 : index
      %get3A_158 = tpu.vector_load %arg8[%get3A_156, %get3A_157] {strides = array<i32>} : memref<32x768xf32, #tpu.memory_space<vmem>>, vector<1x16xf32>,
      %get3A_159 = vector.shape_cast %get3A_158 : vector<1x16xf32> to vector<16xf32>
      %get3A_160 = arith.index_cast %scan3A_44 : i32 to index
      %get3A_161 = arith.constant 128 : index
      %get3A_162 = tpu.vector_load %arg9[%get3A_160, %get3A_161] {strides = array<i32>} : memref<32x768xf32, #tpu.memory_space<vmem>>, vector<1x16xf32>,
      %get3A_163 = vector.shape_cast %get3A_162 : vector<1x16xf32> to vector<16xf32>
      %add3A_164 = arith.addf %get3A_159, %get3A_163 : vector<16xf32>
      %swap3A_165 = arith.index_cast %scan3A_44 : i32 to index
      %swap3A_166 = arith.constant 128 : index
      %swap3A_167 = tpu.vector_load %arg10[%swap3A_165, %swap3A_166] {strides = array<i32>} : memref<32x768xf32, #tpu.memory_space<vmem>>, vector<1x16xf32>,
      %swap3A_168 = vector.shape_cast %swap3A_167 : vector<1x16xf32> to vector<16xf32>
      %swap3A_169 = vector.shape_cast %add3A_164 : vector<16xf32> to vector<1x16xf32>
      tpu.vector_store %arg10[%swap3A_165, %swap3A_166], %swap3A_169 {strides = array<i32>} : memref<32x768xf32, #tpu.memory_space<vmem>>, vector<1x16xf32>,
      %get3A_170 = arith.index_cast %scan3A_44 : i32 to index
      %get3A_171 = arith.constant 144 : index
      %get3A_172 = tpu.vector_load %arg8[%get3A_170, %get3A_171] {strides = array<i32>} : memref<32x768xf32, #tpu.memory_space<vmem>>, vector<1x16xf32>,
      %get3A_173 = vector.shape_cast %get3A_172 : vector<1x16xf32> to vector<16xf32>
      %get3A_174 = arith.index_cast %scan3A_44 : i32 to index
      %get3A_175 = arith.constant 144 : index
      %get3A_176 = tpu.vector_load %arg9[%get3A_174, %get3A_175] {strides = array<i32>} : memref<32x768xf32, #tpu.memory_space<vmem>>, vector<1x16xf32>,
      %get3A_177 = vector.shape_cast %get3A_176 : vector<1x16xf32> to vector<16xf32>
      %add3A_178 = arith.addf %get3A_173, %get3A_177 : vector<16xf32>
      %swap3A_179 = arith.index_cast %scan3A_44 : i32 to index
      %swap3A_180 = arith.constant 144 : index
      %swap3A_181 = tpu.vector_load %arg10[%swap3A_179, %swap3A_180] {strides = array<i32>} : memref<32x768xf32, #tpu.memory_space<vmem>>, vector<1x16xf32>,
      %swap3A_182 = vector.shape_cast %swap3A_181 : vector<1x16xf32> to vector<16xf32>
      %swap3A_183 = vector.shape_cast %add3A_178 : vector<16xf32> to vector<1x16xf32>
      tpu.vector_store %arg10[%swap3A_179, %swap3A_180], %swap3A_183 {strides = array<i32>} : memref<32x768xf32, #tpu.memory_space<vmem>>, vector<1x16xf32>,
      %get3A_184 = arith.index_cast %scan3A_44 : i32 to index
      %get3A_185 = arith.constant 160 : index
      %get3A_186 = tpu.vector_load %arg8[%get3A_184, %get3A_185] {strides = array<i32>} : memref<32x768xf32, #tpu.memory_space<vmem>>, vector<1x16xf32>,
      %get3A_187 = vector.shape_cast %get3A_186 : vector<1x16xf32> to vector<16xf32>
      %get3A_188 = arith.index_cast %scan3A_44 : i32 to index
      %get3A_189 = arith.constant 160 : index
      %get3A_190 = tpu.vector_load %arg9[%get3A_188, %get3A_189] {strides = array<i32>} : memref<32x768xf32, #tpu.memory_space<vmem>>, vector<1x16xf32>,
      %get3A_191 = vector.shape_cast %get3A_190 : vector<1x16xf32> to vector<16xf32>
      %add3A_192 = arith.addf %get3A_187, %get3A_191 : vector<16xf32>
      %swap3A_193 = arith.index_cast %scan3A_44 : i32 to index
      %swap3A_194 = arith.constant 160 : index
      %swap3A_195 = tpu.vector_load %arg10[%swap3A_193, %swap3A_194] {strides = array<i32>} : memref<32x768xf32, #tpu.memory_space<vmem>>, vector<1x16xf32>,
      %swap3A_196 = vector.shape_cast %swap3A_195 : vector<1x16xf32> to vector<16xf32>
      %swap3A_197 = vector.shape_cast %add3A_192 : vector<16xf32> to vector<1x16xf32>
      tpu.vector_store %arg10[%swap3A_193, %swap3A_194], %swap3A_197 {strides = array<i32>} : memref<32x768xf32, #tpu.memory_space<vmem>>, vector<1x16xf32>,
      %get3A_198 = arith.index_cast %scan3A_44 : i32 to index
      %get3A_199 = arith.constant 176 : index
      %get3A_200 = tpu.vector_load %arg8[%get3A_198, %get3A_199] {strides = array<i32>} : memref<32x768xf32, #tpu.memory_space<vmem>>, vector<1x16xf32>,
      %get3A_201 = vector.shape_cast %get3A_200 : vector<1x16xf32> to vector<16xf32>
      %get3A_202 = arith.index_cast %scan3A_44 : i32 to index
      %get3A_203 = arith.constant 176 : index
      %get3A_204 = tpu.vector_load %arg9[%get3A_202, %get3A_203] {strides = array<i32>} : memref<32x768xf32, #tpu.memory_space<vmem>>, vector<1x16xf32>,
      %get3A_205 = vector.shape_cast %get3A_204 : vector<1x16xf32> to vector<16xf32>
      %add3A_206 = arith.addf %get3A_201, %get3A_205 : vector<16xf32>
      %swap3A_207 = arith.index_cast %scan3A_44 : i32 to index
      %swap3A_208 = arith.constant 176 : index
      %swap3A_209 = tpu.vector_load %arg10[%swap3A_207, %swap3A_208] {strides = array<i32>} : memref<32x768xf32, #tpu.memory_space<vmem>>, vector<1x16xf32>,
      %swap3A_210 = vector.shape_cast %swap3A_209 : vector<1x16xf32> to vector<16xf32>
      %swap3A_211 = vector.shape_cast %add3A_206 : vector<16xf32> to vector<1x16xf32>
      tpu.vector_store %arg10[%swap3A_207, %swap3A_208], %swap3A_211 {strides = array<i32>} : memref<32x768xf32, #tpu.memory_space<vmem>>, vector<1x16xf32>,
      %get3A_212 = arith.index_cast %scan3A_44 : i32 to index
      %get3A_213 = arith.constant 192 : index
      %get3A_214 = tpu.vector_load %arg8[%get3A_212, %get3A_213] {strides = array<i32>} : memref<32x768xf32, #tpu.memory_space<vmem>>, vector<1x16xf32>,
      %get3A_215 = vector.shape_cast %get3A_214 : vector<1x16xf32> to vector<16xf32>
      %get3A_216 = arith.index_cast %scan3A_44 : i32 to index
      %get3A_217 = arith.constant 192 : index
      %get3A_218 = tpu.vector_load %arg9[%get3A_216, %get3A_217] {strides = array<i32>} : memref<32x768xf32, #tpu.memory_space<vmem>>, vector<1x16xf32>,
      %get3A_219 = vector.shape_cast %get3A_218 : vector<1x16xf32> to vector<16xf32>
      %add3A_220 = arith.addf %get3A_215, %get3A_219 : vector<16xf32>
      %swap3A_221 = arith.index_cast %scan3A_44 : i32 to index
      %swap3A_222 = arith.constant 192 : index
      %swap3A_223 = tpu.vector_load %arg10[%swap3A_221, %swap3A_222] {strides = array<i32>} : memref<32x768xf32, #tpu.memory_space<vmem>>, vector<1x16xf32>,
      %swap3A_224 = vector.shape_cast %swap3A_223 : vector<1x16xf32> to vector<16xf32>
      %swap3A_225 = vector.shape_cast %add3A_220 : vector<16xf32> to vector<1x16xf32>
      tpu.vector_store %arg10[%swap3A_221, %swap3A_222], %swap3A_225 {strides = array<i32>} : memref<32x768xf32, #tpu.memory_space<vmem>>, vector<1x16xf32>,
      %get3A_226 = arith.index_cast %scan3A_44 : i32 to index
      %get3A_227 = arith.constant 208 : index
      %get3A_228 = tpu.vector_load %arg8[%get3A_226, %get3A_227] {strides = array<i32>} : memref<32x768xf32, #tpu.memory_space<vmem>>, vector<1x16xf32>,
      %get3A_229 = vector.shape_cast %get3A_228 : vector<1x16xf32> to vector<16xf32>
      %get3A_230 = arith.index_cast %scan3A_44 : i32 to index
      %get3A_231 = arith.constant 208 : index
      %get3A_232 = tpu.vector_load %arg9[%get3A_230, %get3A_231] {strides = array<i32>} : memref<32x768xf32, #tpu.memory_space<vmem>>, vector<1x16xf32>,
      %get3A_233 = vector.shape_cast %get3A_232 : vector<1x16xf32> to vector<16xf32>
      %add3A_234 = arith.addf %get3A_229, %get3A_233 : vector<16xf32>
      %swap3A_235 = arith.index_cast %scan3A_44 : i32 to index
      %swap3A_236 = arith.constant 208 : index
      %swap3A_237 = tpu.vector_load %arg10[%swap3A_235, %swap3A_236] {strides = array<i32>} : memref<32x768xf32, #tpu.memory_space<vmem>>, vector<1x16xf32>,
      %swap3A_238 = vector.shape_cast %swap3A_237 : vector<1x16xf32> to vector<16xf32>
      %swap3A_239 = vector.shape_cast %add3A_234 : vector<16xf32> to vector<1x16xf32>
      tpu.vector_store %arg10[%swap3A_235, %swap3A_236], %swap3A_239 {strides = array<i32>} : memref<32x768xf32, #tpu.memory_space<vmem>>, vector<1x16xf32>,
      %get3A_240 = arith.index_cast %scan3A_44 : i32 to index
      %get3A_241 = arith.constant 224 : index
      %get3A_242 = tpu.vector_load %arg8[%get3A_240, %get3A_241] {strides = array<i32>} : memref<32x768xf32, #tpu.memory_space<vmem>>, vector<1x16xf32>,
      %get3A_243 = vector.shape_cast %get3A_242 : vector<1x16xf32> to vector<16xf32>
      %get3A_244 = arith.index_cast %scan3A_44 : i32 to index
      %get3A_245 = arith.constant 224 : index
      %get3A_246 = tpu.vector_load %arg9[%get3A_244, %get3A_245] {strides = array<i32>} : memref<32x768xf32, #tpu.memory_space<vmem>>, vector<1x16xf32>,
      %get3A_247 = vector.shape_cast %get3A_246 : vector<1x16xf32> to vector<16xf32>
      %add3A_248 = arith.addf %get3A_243, %get3A_247 : vector<16xf32>
      %swap3A_249 = arith.index_cast %scan3A_44 : i32 to index
      %swap3A_250 = arith.constant 224 : index
      %swap3A_251 = tpu.vector_load %arg10[%swap3A_249, %swap3A_250] {strides = array<i32>} : memref<32x768xf32, #tpu.memory_space<vmem>>, vector<1x16xf32>,
      %swap3A_252 = vector.shape_cast %swap3A_251 : vector<1x16xf32> to vector<16xf32>
      %swap3A_253 = vector.shape_cast %add3A_248 : vector<16xf32> to vector<1x16xf32>
      tpu.vector_store %arg10[%swap3A_249, %swap3A_250], %swap3A_253 {strides = array<i32>} : memref<32x768xf32, #tpu.memory_space<vmem>>, vector<1x16xf32>,
      %get3A_254 = arith.index_cast %scan3A_44 : i32 to index
      %get3A_255 = arith.constant 240 : index
      %get3A_256 = tpu.vector_load %arg8[%get3A_254, %get3A_255] {strides = array<i32>} : memref<32x768xf32, #tpu.memory_space<vmem>>, vector<1x16xf32>,
      %get3A_257 = vector.shape_cast %get3A_256 : vector<1x16xf32> to vector<16xf32>
      %get3A_258 = arith.index_cast %scan3A_44 : i32 to index
      %get3A_259 = arith.constant 240 : index
      %get3A_260 = tpu.vector_load %arg9[%get3A_258, %get3A_259] {strides = array<i32>} : memref<32x768xf32, #tpu.memory_space<vmem>>, vector<1x16xf32>,
      %get3A_261 = vector.shape_cast %get3A_260 : vector<1x16xf32> to vector<16xf32>
      %add3A_262 = arith.addf %get3A_257, %get3A_261 : vector<16xf32>
      %swap3A_263 = arith.index_cast %scan3A_44 : i32 to index
      %swap3A_264 = arith.constant 240 : index
      %swap3A_265 = tpu.vector_load %arg10[%swap3A_263, %swap3A_264] {strides = array<i32>} : memref<32x768xf32, #tpu.memory_space<vmem>>, vector<1x16xf32>,
      %swap3A_266 = vector.shape_cast %swap3A_265 : vector<1x16xf32> to vector<16xf32>
      %swap3A_267 = vector.shape_cast %add3A_262 : vector<16xf32> to vector<1x16xf32>
      tpu.vector_store %arg10[%swap3A_263, %swap3A_264], %swap3A_267 {strides = array<i32>} : memref<32x768xf32, #tpu.memory_space<vmem>>, vector<1x16xf32>,
      %get3A_268 = arith.index_cast %scan3A_44 : i32 to index
      %get3A_269 = arith.constant 256 : index
      %get3A_270 = tpu.vector_load %arg8[%get3A_268, %get3A_269] {strides = array<i32>} : memref<32x768xf32, #tpu.memory_space<vmem>>, vector<1x16xf32>,
      %get3A_271 = vector.shape_cast %get3A_270 : vector<1x16xf32> to vector<16xf32>
      %get3A_272 = arith.index_cast %scan3A_44 : i32 to index
      %get3A_273 = arith.constant 256 : index
      %get3A_274 = tpu.vector_load %arg9[%get3A_272, %get3A_273] {strides = array<i32>} : memref<32x768xf32, #tpu.memory_space<vmem>>, vector<1x16xf32>,
      %get3A_275 = vector.shape_cast %get3A_274 : vector<1x16xf32> to vector<16xf32>
      %add3A_276 = arith.addf %get3A_271, %get3A_275 : vector<16xf32>
      %swap3A_277 = arith.index_cast %scan3A_44 : i32 to index
      %swap3A_278 = arith.constant 256 : index
      %swap3A_279 = tpu.vector_load %arg10[%swap3A_277, %swap3A_278] {strides = array<i32>} : memref<32x768xf32, #tpu.memory_space<vmem>>, vector<1x16xf32>,
      %swap3A_280 = vector.shape_cast %swap3A_279 : vector<1x16xf32> to vector<16xf32>
      %swap3A_281 = vector.shape_cast %add3A_276 : vector<16xf32> to vector<1x16xf32>
      tpu.vector_store %arg10[%swap3A_277, %swap3A_278], %swap3A_281 {strides = array<i32>} : memref<32x768xf32, #tpu.memory_space<vmem>>, vector<1x16xf32>,
      %get3A_282 = arith.index_cast %scan3A_44 : i32 to index
      %get3A_283 = arith.constant 272 : index
      %get3A_284 = tpu.vector_load %arg8[%get3A_282, %get3A_283] {strides = array<i32>} : memref<32x768xf32, #tpu.memory_space<vmem>>, vector<1x16xf32>,
      %get3A_285 = vector.shape_cast %get3A_284 : vector<1x16xf32> to vector<16xf32>
      %get3A_286 = arith.index_cast %scan3A_44 : i32 to index
      %get3A_287 = arith.constant 272 : index
      %get3A_288 = tpu.vector_load %arg9[%get3A_286, %get3A_287] {strides = array<i32>} : memref<32x768xf32, #tpu.memory_space<vmem>>, vector<1x16xf32>,
      %get3A_289 = vector.shape_cast %get3A_288 : vector<1x16xf32> to vector<16xf32>
      %add3A_290 = arith.addf %get3A_285, %get3A_289 : vector<16xf32>
      %swap3A_291 = arith.index_cast %scan3A_44 : i32 to index
      %swap3A_292 = arith.constant 272 : index
      %swap3A_293 = tpu.vector_load %arg10[%swap3A_291, %swap3A_292] {strides = array<i32>} : memref<32x768xf32, #tpu.memory_space<vmem>>, vector<1x16xf32>,
      %swap3A_294 = vector.shape_cast %swap3A_293 : vector<1x16xf32> to vector<16xf32>
      %swap3A_295 = vector.shape_cast %add3A_290 : vector<16xf32> to vector<1x16xf32>
      tpu.vector_store %arg10[%swap3A_291, %swap3A_292], %swap3A_295 {strides = array<i32>} : memref<32x768xf32, #tpu.memory_space<vmem>>, vector<1x16xf32>,
      %get3A_296 = arith.index_cast %scan3A_44 : i32 to index
      %get3A_297 = arith.constant 288 : index
      %get3A_298 = tpu.vector_load %arg8[%get3A_296, %get3A_297] {strides = array<i32>} : memref<32x768xf32, #tpu.memory_space<vmem>>, vector<1x16xf32>,
      %get3A_299 = vector.shape_cast %get3A_298 : vector<1x16xf32> to vector<16xf32>
      %get3A_300 = arith.index_cast %scan3A_44 : i32 to index
      %get3A_301 = arith.constant 288 : index
      %get3A_302 = tpu.vector_load %arg9[%get3A_300, %get3A_301] {strides = array<i32>} : memref<32x768xf32, #tpu.memory_space<vmem>>, vector<1x16xf32>,
      %get3A_303 = vector.shape_cast %get3A_302 : vector<1x16xf32> to vector<16xf32>
      %add3A_304 = arith.addf %get3A_299, %get3A_303 : vector<16xf32>
      %swap3A_305 = arith.index_cast %scan3A_44 : i32 to index
      %swap3A_306 = arith.constant 288 : index
      %swap3A_307 = tpu.vector_load %arg10[%swap3A_305, %swap3A_306] {strides = array<i32>} : memref<32x768xf32, #tpu.memory_space<vmem>>, vector<1x16xf32>,
      %swap3A_308 = vector.shape_cast %swap3A_307 : vector<1x16xf32> to vector<16xf32>
      %swap3A_309 = vector.shape_cast %add3A_304 : vector<16xf32> to vector<1x16xf32>
      tpu.vector_store %arg10[%swap3A_305, %swap3A_306], %swap3A_309 {strides = array<i32>} : memref<32x768xf32, #tpu.memory_space<vmem>>, vector<1x16xf32>,
      %get3A_310 = arith.index_cast %scan3A_44 : i32 to index
      %get3A_311 = arith.constant 304 : index
      %get3A_312 = tpu.vector_load %arg8[%get3A_310, %get3A_311] {strides = array<i32>} : memref<32x768xf32, #tpu.memory_space<vmem>>, vector<1x16xf32>,
      %get3A_313 = vector.shape_cast %get3A_312 : vector<1x16xf32> to vector<16xf32>
      %get3A_314 = arith.index_cast %scan3A_44 : i32 to index
      %get3A_315 = arith.constant 304 : index
      %get3A_316 = tpu.vector_load %arg9[%get3A_314, %get3A_315] {strides = array<i32>} : memref<32x768xf32, #tpu.memory_space<vmem>>, vector<1x16xf32>,
      %get3A_317 = vector.shape_cast %get3A_316 : vector<1x16xf32> to vector<16xf32>
      %add3A_318 = arith.addf %get3A_313, %get3A_317 : vector<16xf32>
      %swap3A_319 = arith.index_cast %scan3A_44 : i32 to index
      %swap3A_320 = arith.constant 304 : index
      %swap3A_321 = tpu.vector_load %arg10[%swap3A_319, %swap3A_320] {strides = array<i32>} : memref<32x768xf32, #tpu.memory_space<vmem>>, vector<1x16xf32>,
      %swap3A_322 = vector.shape_cast %swap3A_321 : vector<1x16xf32> to vector<16xf32>
      %swap3A_323 = vector.shape_cast %add3A_318 : vector<16xf32> to vector<1x16xf32>
      tpu.vector_store %arg10[%swap3A_319, %swap3A_320], %swap3A_323 {strides = array<i32>} : memref<32x768xf32, #tpu.memory_space<vmem>>, vector<1x16xf32>,
      %get3A_324 = arith.index_cast %scan3A_44 : i32 to index
      %get3A_325 = arith.constant 320 : index
      %get3A_326 = tpu.vector_load %arg8[%get3A_324, %get3A_325] {strides = array<i32>} : memref<32x768xf32, #tpu.memory_space<vmem>>, vector<1x16xf32>,
      %get3A_327 = vector.shape_cast %get3A_326 : vector<1x16xf32> to vector<16xf32>
      %get3A_328 = arith.index_cast %scan3A_44 : i32 to index
      %get3A_329 = arith.constant 320 : index
      %get3A_330 = tpu.vector_load %arg9[%get3A_328, %get3A_329] {strides = array<i32>} : memref<32x768xf32, #tpu.memory_space<vmem>>, vector<1x16xf32>,
      %get3A_331 = vector.shape_cast %get3A_330 : vector<1x16xf32> to vector<16xf32>
      %add3A_332 = arith.addf %get3A_327, %get3A_331 : vector<16xf32>
      %swap3A_333 = arith.index_cast %scan3A_44 : i32 to index
      %swap3A_334 = arith.constant 320 : index
      %swap3A_335 = tpu.vector_load %arg10[%swap3A_333, %swap3A_334] {strides = array<i32>} : memref<32x768xf32, #tpu.memory_space<vmem>>, vector<1x16xf32>,
      %swap3A_336 = vector.shape_cast %swap3A_335 : vector<1x16xf32> to vector<16xf32>
      %swap3A_337 = vector.shape_cast %add3A_332 : vector<16xf32> to vector<1x16xf32>
      tpu.vector_store %arg10[%swap3A_333, %swap3A_334], %swap3A_337 {strides = array<i32>} : memref<32x768xf32, #tpu.memory_space<vmem>>, vector<1x16xf32>,
      %get3A_338 = arith.index_cast %scan3A_44 : i32 to index
      %get3A_339 = arith.constant 336 : index
      %get3A_340 = tpu.vector_load %arg8[%get3A_338, %get3A_339] {strides = array<i32>} : memref<32x768xf32, #tpu.memory_space<vmem>>, vector<1x16xf32>,
      %get3A_341 = vector.shape_cast %get3A_340 : vector<1x16xf32> to vector<16xf32>
      %get3A_342 = arith.index_cast %scan3A_44 : i32 to index
      %get3A_343 = arith.constant 336 : index
      %get3A_344 = tpu.vector_load %arg9[%get3A_342, %get3A_343] {strides = array<i32>} : memref<32x768xf32, #tpu.memory_space<vmem>>, vector<1x16xf32>,
      %get3A_345 = vector.shape_cast %get3A_344 : vector<1x16xf32> to vector<16xf32>
      %add3A_346 = arith.addf %get3A_341, %get3A_345 : vector<16xf32>
      %swap3A_347 = arith.index_cast %scan3A_44 : i32 to index
      %swap3A_348 = arith.constant 336 : index
      %swap3A_349 = tpu.vector_load %arg10[%swap3A_347, %swap3A_348] {strides = array<i32>} : memref<32x768xf32, #tpu.memory_space<vmem>>, vector<1x16xf32>,
      %swap3A_350 = vector.shape_cast %swap3A_349 : vector<1x16xf32> to vector<16xf32>
      %swap3A_351 = vector.shape_cast %add3A_346 : vector<16xf32> to vector<1x16xf32>
      tpu.vector_store %arg10[%swap3A_347, %swap3A_348], %swap3A_351 {strides = array<i32>} : memref<32x768xf32, #tpu.memory_space<vmem>>, vector<1x16xf32>,
      %get3A_352 = arith.index_cast %scan3A_44 : i32 to index
      %get3A_353 = arith.constant 352 : index
      %get3A_354 = tpu.vector_load %arg8[%get3A_352, %get3A_353] {strides = array<i32>} : memref<32x768xf32, #tpu.memory_space<vmem>>, vector<1x16xf32>,
      %get3A_355 = vector.shape_cast %get3A_354 : vector<1x16xf32> to vector<16xf32>
      %get3A_356 = arith.index_cast %scan3A_44 : i32 to index
      %get3A_357 = arith.constant 352 : index
      %get3A_358 = tpu.vector_load %arg9[%get3A_356, %get3A_357] {strides = array<i32>} : memref<32x768xf32, #tpu.memory_space<vmem>>, vector<1x16xf32>,
      %get3A_359 = vector.shape_cast %get3A_358 : vector<1x16xf32> to vector<16xf32>
      %add3A_360 = arith.addf %get3A_355, %get3A_359 : vector<16xf32>
      %swap3A_361 = arith.index_cast %scan3A_44 : i32 to index
      %swap3A_362 = arith.constant 352 : index
      %swap3A_363 = tpu.vector_load %arg10[%swap3A_361, %swap3A_362] {strides = array<i32>} : memref<32x768xf32, #tpu.memory_space<vmem>>, vector<1x16xf32>,
      %swap3A_364 = vector.shape_cast %swap3A_363 : vector<1x16xf32> to vector<16xf32>
      %swap3A_365 = vector.shape_cast %add3A_360 : vector<16xf32> to vector<1x16xf32>
      tpu.vector_store %arg10[%swap3A_361, %swap3A_362], %swap3A_365 {strides = array<i32>} : memref<32x768xf32, #tpu.memory_space<vmem>>, vector<1x16xf32>,
      %get3A_366 = arith.index_cast %scan3A_44 : i32 to index
      %get3A_367 = arith.constant 368 : index
      %get3A_368 = tpu.vector_load %arg8[%get3A_366, %get3A_367] {strides = array<i32>} : memref<32x768xf32, #tpu.memory_space<vmem>>, vector<1x16xf32>,
      %get3A_369 = vector.shape_cast %get3A_368 : vector<1x16xf32> to vector<16xf32>
      %get3A_370 = arith.index_cast %scan3A_44 : i32 to index
      %get3A_371 = arith.constant 368 : index
      %get3A_372 = tpu.vector_load %arg9[%get3A_370, %get3A_371] {strides = array<i32>} : memref<32x768xf32, #tpu.memory_space<vmem>>, vector<1x16xf32>,
      %get3A_373 = vector.shape_cast %get3A_372 : vector<1x16xf32> to vector<16xf32>
      %add3A_374 = arith.addf %get3A_369, %get3A_373 : vector<16xf32>
      %swap3A_375 = arith.index_cast %scan3A_44 : i32 to index
      %swap3A_376 = arith.constant 368 : index
      %swap3A_377 = tpu.vector_load %arg10[%swap3A_375, %swap3A_376] {strides = array<i32>} : memref<32x768xf32, #tpu.memory_space<vmem>>, vector<1x16xf32>,
      %swap3A_378 = vector.shape_cast %swap3A_377 : vector<1x16xf32> to vector<16xf32>
      %swap3A_379 = vector.shape_cast %add3A_374 : vector<16xf32> to vector<1x16xf32>
      tpu.vector_store %arg10[%swap3A_375, %swap3A_376], %swap3A_379 {strides = array<i32>} : memref<32x768xf32, #tpu.memory_space<vmem>>, vector<1x16xf32>,
      %get3A_380 = arith.index_cast %scan3A_44 : i32 to index
      %get3A_381 = arith.constant 384 : index
      %get3A_382 = tpu.vector_load %arg8[%get3A_380, %get3A_381] {strides = array<i32>} : memref<32x768xf32, #tpu.memory_space<vmem>>, vector<1x16xf32>,
      %get3A_383 = vector.shape_cast %get3A_382 : vector<1x16xf32> to vector<16xf32>
      %get3A_384 = arith.index_cast %scan3A_44 : i32 to index
      %get3A_385 = arith.constant 384 : index
      %get3A_386 = tpu.vector_load %arg9[%get3A_384, %get3A_385] {strides = array<i32>} : memref<32x768xf32, #tpu.memory_space<vmem>>, vector<1x16xf32>,
      %get3A_387 = vector.shape_cast %get3A_386 : vector<1x16xf32> to vector<16xf32>
      %add3A_388 = arith.addf %get3A_383, %get3A_387 : vector<16xf32>
      %swap3A_389 = arith.index_cast %scan3A_44 : i32 to index
      %swap3A_390 = arith.constant 384 : index
      %swap3A_391 = tpu.vector_load %arg10[%swap3A_389, %swap3A_390] {strides = array<i32>} : memref<32x768xf32, #tpu.memory_space<vmem>>, vector<1x16xf32>,
      %swap3A_392 = vector.shape_cast %swap3A_391 : vector<1x16xf32> to vector<16xf32>
      %swap3A_393 = vector.shape_cast %add3A_388 : vector<16xf32> to vector<1x16xf32>
      tpu.vector_store %arg10[%swap3A_389, %swap3A_390], %swap3A_393 {strides = array<i32>} : memref<32x768xf32, #tpu.memory_space<vmem>>, vector<1x16xf32>,
      %get3A_394 = arith.index_cast %scan3A_44 : i32 to index
      %get3A_395 = arith.constant 400 : index
      %get3A_396 = tpu.vector_load %arg8[%get3A_394, %get3A_395] {strides = array<i32>} : memref<32x768xf32, #tpu.memory_space<vmem>>, vector<1x16xf32>,
      %get3A_397 = vector.shape_cast %get3A_396 : vector<1x16xf32> to vector<16xf32>
      %get3A_398 = arith.index_cast %scan3A_44 : i32 to index
      %get3A_399 = arith.constant 400 : index
      %get3A_400 = tpu.vector_load %arg9[%get3A_398, %get3A_399] {strides = array<i32>} : memref<32x768xf32, #tpu.memory_space<vmem>>, vector<1x16xf32>,
      %get3A_401 = vector.shape_cast %get3A_400 : vector<1x16xf32> to vector<16xf32>
      %add3A_402 = arith.addf %get3A_397, %get3A_401 : vector<16xf32>
      %swap3A_403 = arith.index_cast %scan3A_44 : i32 to index
      %swap3A_404 = arith.constant 400 : index
      %swap3A_405 = tpu.vector_load %arg10[%swap3A_403, %swap3A_404] {strides = array<i32>} : memref<32x768xf32, #tpu.memory_space<vmem>>, vector<1x16xf32>,
      %swap3A_406 = vector.shape_cast %swap3A_405 : vector<1x16xf32> to vector<16xf32>
      %swap3A_407 = vector.shape_cast %add3A_402 : vector<16xf32> to vector<1x16xf32>
      tpu.vector_store %arg10[%swap3A_403, %swap3A_404], %swap3A_407 {strides = array<i32>} : memref<32x768xf32, #tpu.memory_space<vmem>>, vector<1x16xf32>,
      %get3A_408 = arith.index_cast %scan3A_44 : i32 to index
      %get3A_409 = arith.constant 416 : index
      %get3A_410 = tpu.vector_load %arg8[%get3A_408, %get3A_409] {strides = array<i32>} : memref<32x768xf32, #tpu.memory_space<vmem>>, vector<1x16xf32>,
      %get3A_411 = vector.shape_cast %get3A_410 : vector<1x16xf32> to vector<16xf32>
      %get3A_412 = arith.index_cast %scan3A_44 : i32 to index
      %get3A_413 = arith.constant 416 : index
      %get3A_414 = tpu.vector_load %arg9[%get3A_412, %get3A_413] {strides = array<i32>} : memref<32x768xf32, #tpu.memory_space<vmem>>, vector<1x16xf32>,
      %get3A_415 = vector.shape_cast %get3A_414 : vector<1x16xf32> to vector<16xf32>
      %add3A_416 = arith.addf %get3A_411, %get3A_415 : vector<16xf32>
      %swap3A_417 = arith.index_cast %scan3A_44 : i32 to index
      %swap3A_418 = arith.constant 416 : index
      %swap3A_419 = tpu.vector_load %arg10[%swap3A_417, %swap3A_418] {strides = array<i32>} : memref<32x768xf32, #tpu.memory_space<vmem>>, vector<1x16xf32>,
      %swap3A_420 = vector.shape_cast %swap3A_419 : vector<1x16xf32> to vector<16xf32>
      %swap3A_421 = vector.shape_cast %add3A_416 : vector<16xf32> to vector<1x16xf32>
      tpu.vector_store %arg10[%swap3A_417, %swap3A_418], %swap3A_421 {strides = array<i32>} : memref<32x768xf32, #tpu.memory_space<vmem>>, vector<1x16xf32>,
      %get3A_422 = arith.index_cast %scan3A_44 : i32 to index
      %get3A_423 = arith.constant 432 : index
      %get3A_424 = tpu.vector_load %arg8[%get3A_422, %get3A_423] {strides = array<i32>} : memref<32x768xf32, #tpu.memory_space<vmem>>, vector<1x16xf32>,
      %get3A_425 = vector.shape_cast %get3A_424 : vector<1x16xf32> to vector<16xf32>
      %get3A_426 = arith.index_cast %scan3A_44 : i32 to index
      %get3A_427 = arith.constant 432 : index
      %get3A_428 = tpu.vector_load %arg9[%get3A_426, %get3A_427] {strides = array<i32>} : memref<32x768xf32, #tpu.memory_space<vmem>>, vector<1x16xf32>,
      %get3A_429 = vector.shape_cast %get3A_428 : vector<1x16xf32> to vector<16xf32>
      %add3A_430 = arith.addf %get3A_425, %get3A_429 : vector<16xf32>
      %swap3A_431 = arith.index_cast %scan3A_44 : i32 to index
      %swap3A_432 = arith.constant 432 : index
      %swap3A_433 = tpu.vector_load %arg10[%swap3A_431, %swap3A_432] {strides = array<i32>} : memref<32x768xf32, #tpu.memory_space<vmem>>, vector<1x16xf32>,
      %swap3A_434 = vector.shape_cast %swap3A_433 : vector<1x16xf32> to vector<16xf32>
      %swap3A_435 = vector.shape_cast %add3A_430 : vector<16xf32> to vector<1x16xf32>
      tpu.vector_store %arg10[%swap3A_431, %swap3A_432], %swap3A_435 {strides = array<i32>} : memref<32x768xf32, #tpu.memory_space<vmem>>, vector<1x16xf32>,
      %get3A_436 = arith.index_cast %scan3A_44 : i32 to index
      %get3A_437 = arith.constant 448 : index
      %get3A_438 = tpu.vector_load %arg8[%get3A_436, %get3A_437] {strides = array<i32>} : memref<32x768xf32, #tpu.memory_space<vmem>>, vector<1x16xf32>,
      %get3A_439 = vector.shape_cast %get3A_438 : vector<1x16xf32> to vector<16xf32>
      %get3A_440 = arith.index_cast %scan3A_44 : i32 to index
      %get3A_441 = arith.constant 448 : index
      %get3A_442 = tpu.vector_load %arg9[%get3A_440, %get3A_441] {strides = array<i32>} : memref<32x768xf32, #tpu.memory_space<vmem>>, vector<1x16xf32>,
      %get3A_443 = vector.shape_cast %get3A_442 : vector<1x16xf32> to vector<16xf32>
      %add3A_444 = arith.addf %get3A_439, %get3A_443 : vector<16xf32>
      %swap3A_445 = arith.index_cast %scan3A_44 : i32 to index
      %swap3A_446 = arith.constant 448 : index
      %swap3A_447 = tpu.vector_load %arg10[%swap3A_445, %swap3A_446] {strides = array<i32>} : memref<32x768xf32, #tpu.memory_space<vmem>>, vector<1x16xf32>,
      %swap3A_448 = vector.shape_cast %swap3A_447 : vector<1x16xf32> to vector<16xf32>
      %swap3A_449 = vector.shape_cast %add3A_444 : vector<16xf32> to vector<1x16xf32>
      tpu.vector_store %arg10[%swap3A_445, %swap3A_446], %swap3A_449 {strides = array<i32>} : memref<32x768xf32, #tpu.memory_space<vmem>>, vector<1x16xf32>,
      %get3A_450 = arith.index_cast %scan3A_44 : i32 to index
      %get3A_451 = arith.constant 464 : index
      %get3A_452 = tpu.vector_load %arg8[%get3A_450, %get3A_451] {strides = array<i32>} : memref<32x768xf32, #tpu.memory_space<vmem>>, vector<1x16xf32>,
      %get3A_453 = vector.shape_cast %get3A_452 : vector<1x16xf32> to vector<16xf32>
      %get3A_454 = arith.index_cast %scan3A_44 : i32 to index
      %get3A_455 = arith.constant 464 : index
      %get3A_456 = tpu.vector_load %arg9[%get3A_454, %get3A_455] {strides = array<i32>} : memref<32x768xf32, #tpu.memory_space<vmem>>, vector<1x16xf32>,
      %get3A_457 = vector.shape_cast %get3A_456 : vector<1x16xf32> to vector<16xf32>
      %add3A_458 = arith.addf %get3A_453, %get3A_457 : vector<16xf32>
      %swap3A_459 = arith.index_cast %scan3A_44 : i32 to index
      %swap3A_460 = arith.constant 464 : index
      %swap3A_461 = tpu.vector_load %arg10[%swap3A_459, %swap3A_460] {strides = array<i32>} : memref<32x768xf32, #tpu.memory_space<vmem>>, vector<1x16xf32>,
      %swap3A_462 = vector.shape_cast %swap3A_461 : vector<1x16xf32> to vector<16xf32>
      %swap3A_463 = vector.shape_cast %add3A_458 : vector<16xf32> to vector<1x16xf32>
      tpu.vector_store %arg10[%swap3A_459, %swap3A_460], %swap3A_463 {strides = array<i32>} : memref<32x768xf32, #tpu.memory_space<vmem>>, vector<1x16xf32>,
      %get3A_464 = arith.index_cast %scan3A_44 : i32 to index
      %get3A_465 = arith.constant 480 : index
      %get3A_466 = tpu.vector_load %arg8[%get3A_464, %get3A_465] {strides = array<i32>} : memref<32x768xf32, #tpu.memory_space<vmem>>, vector<1x16xf32>,
      %get3A_467 = vector.shape_cast %get3A_466 : vector<1x16xf32> to vector<16xf32>
      %get3A_468 = arith.index_cast %scan3A_44 : i32 to index
      %get3A_469 = arith.constant 480 : index
      %get3A_470 = tpu.vector_load %arg9[%get3A_468, %get3A_469] {strides = array<i32>} : memref<32x768xf32, #tpu.memory_space<vmem>>, vector<1x16xf32>,
      %get3A_471 = vector.shape_cast %get3A_470 : vector<1x16xf32> to vector<16xf32>
      %add3A_472 = arith.addf %get3A_467, %get3A_471 : vector<16xf32>
      %swap3A_473 = arith.index_cast %scan3A_44 : i32 to index
      %swap3A_474 = arith.constant 480 : index
      %swap3A_475 = tpu.vector_load %arg10[%swap3A_473, %swap3A_474] {strides = array<i32>} : memref<32x768xf32, #tpu.memory_space<vmem>>, vector<1x16xf32>,
      %swap3A_476 = vector.shape_cast %swap3A_475 : vector<1x16xf32> to vector<16xf32>
      %swap3A_477 = vector.shape_cast %add3A_472 : vector<16xf32> to vector<1x16xf32>
      tpu.vector_store %arg10[%swap3A_473, %swap3A_474], %swap3A_477 {strides = array<i32>} : memref<32x768xf32, #tpu.memory_space<vmem>>, vector<1x16xf32>,
      %get3A_478 = arith.index_cast %scan3A_44 : i32 to index
      %get3A_479 = arith.constant 496 : index
      %get3A_480 = tpu.vector_load %arg8[%get3A_478, %get3A_479] {strides = array<i32>} : memref<32x768xf32, #tpu.memory_space<vmem>>, vector<1x16xf32>,
      %get3A_481 = vector.shape_cast %get3A_480 : vector<1x16xf32> to vector<16xf32>
      %get3A_482 = arith.index_cast %scan3A_44 : i32 to index
      %get3A_483 = arith.constant 496 : index
      %get3A_484 = tpu.vector_load %arg9[%get3A_482, %get3A_483] {strides = array<i32>} : memref<32x768xf32, #tpu.memory_space<vmem>>, vector<1x16xf32>,
      %get3A_485 = vector.shape_cast %get3A_484 : vector<1x16xf32> to vector<16xf32>
      %add3A_486 = arith.addf %get3A_481, %get3A_485 : vector<16xf32>
      %swap3A_487 = arith.index_cast %scan3A_44 : i32 to index
      %swap3A_488 = arith.constant 496 : index
      %swap3A_489 = tpu.vector_load %arg10[%swap3A_487, %swap3A_488] {strides = array<i32>} : memref<32x768xf32, #tpu.memory_space<vmem>>, vector<1x16xf32>,
      %swap3A_490 = vector.shape_cast %swap3A_489 : vector<1x16xf32> to vector<16xf32>
      %swap3A_491 = vector.shape_cast %add3A_486 : vector<16xf32> to vector<1x16xf32>
      tpu.vector_store %arg10[%swap3A_487, %swap3A_488], %swap3A_491 {strides = array<i32>} : memref<32x768xf32, #tpu.memory_space<vmem>>, vector<1x16xf32>,
      %get3A_492 = arith.index_cast %scan3A_44 : i32 to index
      %get3A_493 = arith.constant 512 : index
      %get3A_494 = tpu.vector_load %arg8[%get3A_492, %get3A_493] {strides = array<i32>} : memref<32x768xf32, #tpu.memory_space<vmem>>, vector<1x16xf32>,
      %get3A_495 = vector.shape_cast %get3A_494 : vector<1x16xf32> to vector<16xf32>
      %get3A_496 = arith.index_cast %scan3A_44 : i32 to index
      %get3A_497 = arith.constant 512 : index
      %get3A_498 = tpu.vector_load %arg9[%get3A_496, %get3A_497] {strides = array<i32>} : memref<32x768xf32, #tpu.memory_space<vmem>>, vector<1x16xf32>,
      %get3A_499 = vector.shape_cast %get3A_498 : vector<1x16xf32> to vector<16xf32>
      %add3A_500 = arith.addf %get3A_495, %get3A_499 : vector<16xf32>
      %swap3A_501 = arith.index_cast %scan3A_44 : i32 to index
      %swap3A_502 = arith.constant 512 : index
      %swap3A_503 = tpu.vector_load %arg10[%swap3A_501, %swap3A_502] {strides = array<i32>} : memref<32x768xf32, #tpu.memory_space<vmem>>, vector<1x16xf32>,
      %swap3A_504 = vector.shape_cast %swap3A_503 : vector<1x16xf32> to vector<16xf32>
      %swap3A_505 = vector.shape_cast %add3A_500 : vector<16xf32> to vector<1x16xf32>
      tpu.vector_store %arg10[%swap3A_501, %swap3A_502], %swap3A_505 {strides = array<i32>} : memref<32x768xf32, #tpu.memory_space<vmem>>, vector<1x16xf32>,
      %get3A_506 = arith.index_cast %scan3A_44 : i32 to index
      %get3A_507 = arith.constant 528 : index
      %get3A_508 = tpu.vector_load %arg8[%get3A_506, %get3A_507] {strides = array<i32>} : memref<32x768xf32, #tpu.memory_space<vmem>>, vector<1x16xf32>,
      %get3A_509 = vector.shape_cast %get3A_508 : vector<1x16xf32> to vector<16xf32>
      %get3A_510 = arith.index_cast %scan3A_44 : i32 to index
      %get3A_511 = arith.constant 528 : index
      %get3A_512 = tpu.vector_load %arg9[%get3A_510, %get3A_511] {strides = array<i32>} : memref<32x768xf32, #tpu.memory_space<vmem>>, vector<1x16xf32>,
      %get3A_513 = vector.shape_cast %get3A_512 : vector<1x16xf32> to vector<16xf32>
      %add3A_514 = arith.addf %get3A_509, %get3A_513 : vector<16xf32>
      %swap3A_515 = arith.index_cast %scan3A_44 : i32 to index
      %swap3A_516 = arith.constant 528 : index
      %swap3A_517 = tpu.vector_load %arg10[%swap3A_515, %swap3A_516] {strides = array<i32>} : memref<32x768xf32, #tpu.memory_space<vmem>>, vector<1x16xf32>,
      %swap3A_518 = vector.shape_cast %swap3A_517 : vector<1x16xf32> to vector<16xf32>
      %swap3A_519 = vector.shape_cast %add3A_514 : vector<16xf32> to vector<1x16xf32>
      tpu.vector_store %arg10[%swap3A_515, %swap3A_516], %swap3A_519 {strides = array<i32>} : memref<32x768xf32, #tpu.memory_space<vmem>>, vector<1x16xf32>,
      %get3A_520 = arith.index_cast %scan3A_44 : i32 to index
      %get3A_521 = arith.constant 544 : index
      %get3A_522 = tpu.vector_load %arg8[%get3A_520, %get3A_521] {strides = array<i32>} : memref<32x768xf32, #tpu.memory_space<vmem>>, vector<1x16xf32>,
      %get3A_523 = vector.shape_cast %get3A_522 : vector<1x16xf32> to vector<16xf32>
      %get3A_524 = arith.index_cast %scan3A_44 : i32 to index
      %get3A_525 = arith.constant 544 : index
      %get3A_526 = tpu.vector_load %arg9[%get3A_524, %get3A_525] {strides = array<i32>} : memref<32x768xf32, #tpu.memory_space<vmem>>, vector<1x16xf32>,
      %get3A_527 = vector.shape_cast %get3A_526 : vector<1x16xf32> to vector<16xf32>
      %add3A_528 = arith.addf %get3A_523, %get3A_527 : vector<16xf32>
      %swap3A_529 = arith.index_cast %scan3A_44 : i32 to index
      %swap3A_530 = arith.constant 544 : index
      %swap3A_531 = tpu.vector_load %arg10[%swap3A_529, %swap3A_530] {strides = array<i32>} : memref<32x768xf32, #tpu.memory_space<vmem>>, vector<1x16xf32>,
      %swap3A_532 = vector.shape_cast %swap3A_531 : vector<1x16xf32> to vector<16xf32>
      %swap3A_533 = vector.shape_cast %add3A_528 : vector<16xf32> to vector<1x16xf32>
      tpu.vector_store %arg10[%swap3A_529, %swap3A_530], %swap3A_533 {strides = array<i32>} : memref<32x768xf32, #tpu.memory_space<vmem>>, vector<1x16xf32>,
      %get3A_534 = arith.index_cast %scan3A_44 : i32 to index
      %get3A_535 = arith.constant 560 : index
      %get3A_536 = tpu.vector_load %arg8[%get3A_534, %get3A_535] {strides = array<i32>} : memref<32x768xf32, #tpu.memory_space<vmem>>, vector<1x16xf32>,
      %get3A_537 = vector.shape_cast %get3A_536 : vector<1x16xf32> to vector<16xf32>
      %get3A_538 = arith.index_cast %scan3A_44 : i32 to index
      %get3A_539 = arith.constant 560 : index
      %get3A_540 = tpu.vector_load %arg9[%get3A_538, %get3A_539] {strides = array<i32>} : memref<32x768xf32, #tpu.memory_space<vmem>>, vector<1x16xf32>,
      %get3A_541 = vector.shape_cast %get3A_540 : vector<1x16xf32> to vector<16xf32>
      %add3A_542 = arith.addf %get3A_537, %get3A_541 : vector<16xf32>
      %swap3A_543 = arith.index_cast %scan3A_44 : i32 to index
      %swap3A_544 = arith.constant 560 : index
      %swap3A_545 = tpu.vector_load %arg10[%swap3A_543, %swap3A_544] {strides = array<i32>} : memref<32x768xf32, #tpu.memory_space<vmem>>, vector<1x16xf32>,
      %swap3A_546 = vector.shape_cast %swap3A_545 : vector<1x16xf32> to vector<16xf32>
      %swap3A_547 = vector.shape_cast %add3A_542 : vector<16xf32> to vector<1x16xf32>
      tpu.vector_store %arg10[%swap3A_543, %swap3A_544], %swap3A_547 {strides = array<i32>} : memref<32x768xf32, #tpu.memory_space<vmem>>, vector<1x16xf32>,
      %get3A_548 = arith.index_cast %scan3A_44 : i32 to index
      %get3A_549 = arith.constant 576 : index
      %get3A_550 = tpu.vector_load %arg8[%get3A_548, %get3A_549] {strides = array<i32>} : memref<32x768xf32, #tpu.memory_space<vmem>>, vector<1x16xf32>,
      %get3A_551 = vector.shape_cast %get3A_550 : vector<1x16xf32> to vector<16xf32>
      %get3A_552 = arith.index_cast %scan3A_44 : i32 to index
      %get3A_553 = arith.constant 576 : index
      %get3A_554 = tpu.vector_load %arg9[%get3A_552, %get3A_553] {strides = array<i32>} : memref<32x768xf32, #tpu.memory_space<vmem>>, vector<1x16xf32>,
      %get3A_555 = vector.shape_cast %get3A_554 : vector<1x16xf32> to vector<16xf32>
      %add3A_556 = arith.addf %get3A_551, %get3A_555 : vector<16xf32>
      %swap3A_557 = arith.index_cast %scan3A_44 : i32 to index
      %swap3A_558 = arith.constant 576 : index
      %swap3A_559 = tpu.vector_load %arg10[%swap3A_557, %swap3A_558] {strides = array<i32>} : memref<32x768xf32, #tpu.memory_space<vmem>>, vector<1x16xf32>,
      %swap3A_560 = vector.shape_cast %swap3A_559 : vector<1x16xf32> to vector<16xf32>
      %swap3A_561 = vector.shape_cast %add3A_556 : vector<16xf32> to vector<1x16xf32>
      tpu.vector_store %arg10[%swap3A_557, %swap3A_558], %swap3A_561 {strides = array<i32>} : memref<32x768xf32, #tpu.memory_space<vmem>>, vector<1x16xf32>,
      %get3A_562 = arith.index_cast %scan3A_44 : i32 to index
      %get3A_563 = arith.constant 592 : index
      %get3A_564 = tpu.vector_load %arg8[%get3A_562, %get3A_563] {strides = array<i32>} : memref<32x768xf32, #tpu.memory_space<vmem>>, vector<1x16xf32>,
      %get3A_565 = vector.shape_cast %get3A_564 : vector<1x16xf32> to vector<16xf32>
      %get3A_566 = arith.index_cast %scan3A_44 : i32 to index
      %get3A_567 = arith.constant 592 : index
      %get3A_568 = tpu.vector_load %arg9[%get3A_566, %get3A_567] {strides = array<i32>} : memref<32x768xf32, #tpu.memory_space<vmem>>, vector<1x16xf32>,
      %get3A_569 = vector.shape_cast %get3A_568 : vector<1x16xf32> to vector<16xf32>
      %add3A_570 = arith.addf %get3A_565, %get3A_569 : vector<16xf32>
      %swap3A_571 = arith.index_cast %scan3A_44 : i32 to index
      %swap3A_572 = arith.constant 592 : index
      %swap3A_573 = tpu.vector_load %arg10[%swap3A_571, %swap3A_572] {strides = array<i32>} : memref<32x768xf32, #tpu.memory_space<vmem>>, vector<1x16xf32>,
      %swap3A_574 = vector.shape_cast %swap3A_573 : vector<1x16xf32> to vector<16xf32>
      %swap3A_575 = vector.shape_cast %add3A_570 : vector<16xf32> to vector<1x16xf32>
      tpu.vector_store %arg10[%swap3A_571, %swap3A_572], %swap3A_575 {strides = array<i32>} : memref<32x768xf32, #tpu.memory_space<vmem>>, vector<1x16xf32>,
      %get3A_576 = arith.index_cast %scan3A_44 : i32 to index
      %get3A_577 = arith.constant 608 : index
      %get3A_578 = tpu.vector_load %arg8[%get3A_576, %get3A_577] {strides = array<i32>} : memref<32x768xf32, #tpu.memory_space<vmem>>, vector<1x16xf32>,
      %get3A_579 = vector.shape_cast %get3A_578 : vector<1x16xf32> to vector<16xf32>
      %get3A_580 = arith.index_cast %scan3A_44 : i32 to index
      %get3A_581 = arith.constant 608 : index
      %get3A_582 = tpu.vector_load %arg9[%get3A_580, %get3A_581] {strides = array<i32>} : memref<32x768xf32, #tpu.memory_space<vmem>>, vector<1x16xf32>,
      %get3A_583 = vector.shape_cast %get3A_582 : vector<1x16xf32> to vector<16xf32>
      %add3A_584 = arith.addf %get3A_579, %get3A_583 : vector<16xf32>
      %swap3A_585 = arith.index_cast %scan3A_44 : i32 to index
      %swap3A_586 = arith.constant 608 : index
      %swap3A_587 = tpu.vector_load %arg10[%swap3A_585, %swap3A_586] {strides = array<i32>} : memref<32x768xf32, #tpu.memory_space<vmem>>, vector<1x16xf32>,
      %swap3A_588 = vector.shape_cast %swap3A_587 : vector<1x16xf32> to vector<16xf32>
      %swap3A_589 = vector.shape_cast %add3A_584 : vector<16xf32> to vector<1x16xf32>
      tpu.vector_store %arg10[%swap3A_585, %swap3A_586], %swap3A_589 {strides = array<i32>} : memref<32x768xf32, #tpu.memory_space<vmem>>, vector<1x16xf32>,
      %get3A_590 = arith.index_cast %scan3A_44 : i32 to index
      %get3A_591 = arith.constant 624 : index
      %get3A_592 = tpu.vector_load %arg8[%get3A_590, %get3A_591] {strides = array<i32>} : memref<32x768xf32, #tpu.memory_space<vmem>>, vector<1x16xf32>,
      %get3A_593 = vector.shape_cast %get3A_592 : vector<1x16xf32> to vector<16xf32>
      %get3A_594 = arith.index_cast %scan3A_44 : i32 to index
      %get3A_595 = arith.constant 624 : index
      %get3A_596 = tpu.vector_load %arg9[%get3A_594, %get3A_595] {strides = array<i32>} : memref<32x768xf32, #tpu.memory_space<vmem>>, vector<1x16xf32>,
      %get3A_597 = vector.shape_cast %get3A_596 : vector<1x16xf32> to vector<16xf32>
      %add3A_598 = arith.addf %get3A_593, %get3A_597 : vector<16xf32>
      %swap3A_599 = arith.index_cast %scan3A_44 : i32 to index
      %swap3A_600 = arith.constant 624 : index
      %swap3A_601 = tpu.vector_load %arg10[%swap3A_599, %swap3A_600] {strides = array<i32>} : memref<32x768xf32, #tpu.memory_space<vmem>>, vector<1x16xf32>,
      %swap3A_602 = vector.shape_cast %swap3A_601 : vector<1x16xf32> to vector<16xf32>
      %swap3A_603 = vector.shape_cast %add3A_598 : vector<16xf32> to vector<1x16xf32>
      tpu.vector_store %arg10[%swap3A_599, %swap3A_600], %swap3A_603 {strides = array<i32>} : memref<32x768xf32, #tpu.memory_space<vmem>>, vector<1x16xf32>,
      %get3A_604 = arith.index_cast %scan3A_44 : i32 to index
      %get3A_605 = arith.constant 640 : index
      %get3A_606 = tpu.vector_load %arg8[%get3A_604, %get3A_605] {strides = array<i32>} : memref<32x768xf32, #tpu.memory_space<vmem>>, vector<1x16xf32>,
      %get3A_607 = vector.shape_cast %get3A_606 : vector<1x16xf32> to vector<16xf32>
      %get3A_608 = arith.index_cast %scan3A_44 : i32 to index
      %get3A_609 = arith.constant 640 : index
      %get3A_610 = tpu.vector_load %arg9[%get3A_608, %get3A_609] {strides = array<i32>} : memref<32x768xf32, #tpu.memory_space<vmem>>, vector<1x16xf32>,
      %get3A_611 = vector.shape_cast %get3A_610 : vector<1x16xf32> to vector<16xf32>
      %add3A_612 = arith.addf %get3A_607, %get3A_611 : vector<16xf32>
      %swap3A_613 = arith.index_cast %scan3A_44 : i32 to index
      %swap3A_614 = arith.constant 640 : index
      %swap3A_615 = tpu.vector_load %arg10[%swap3A_613, %swap3A_614] {strides = array<i32>} : memref<32x768xf32, #tpu.memory_space<vmem>>, vector<1x16xf32>,
      %swap3A_616 = vector.shape_cast %swap3A_615 : vector<1x16xf32> to vector<16xf32>
      %swap3A_617 = vector.shape_cast %add3A_612 : vector<16xf32> to vector<1x16xf32>
      tpu.vector_store %arg10[%swap3A_613, %swap3A_614], %swap3A_617 {strides = array<i32>} : memref<32x768xf32, #tpu.memory_space<vmem>>, vector<1x16xf32>,
      %get3A_618 = arith.index_cast %scan3A_44 : i32 to index
      %get3A_619 = arith.constant 656 : index
      %get3A_620 = tpu.vector_load %arg8[%get3A_618, %get3A_619] {strides = array<i32>} : memref<32x768xf32, #tpu.memory_space<vmem>>, vector<1x16xf32>,
      %get3A_621 = vector.shape_cast %get3A_620 : vector<1x16xf32> to vector<16xf32>
      %get3A_622 = arith.index_cast %scan3A_44 : i32 to index
      %get3A_623 = arith.constant 656 : index
      %get3A_624 = tpu.vector_load %arg9[%get3A_622, %get3A_623] {strides = array<i32>} : memref<32x768xf32, #tpu.memory_space<vmem>>, vector<1x16xf32>,
      %get3A_625 = vector.shape_cast %get3A_624 : vector<1x16xf32> to vector<16xf32>
      %add3A_626 = arith.addf %get3A_621, %get3A_625 : vector<16xf32>
      %swap3A_627 = arith.index_cast %scan3A_44 : i32 to index
      %swap3A_628 = arith.constant 656 : index
      %swap3A_629 = tpu.vector_load %arg10[%swap3A_627, %swap3A_628] {strides = array<i32>} : memref<32x768xf32, #tpu.memory_space<vmem>>, vector<1x16xf32>,
      %swap3A_630 = vector.shape_cast %swap3A_629 : vector<1x16xf32> to vector<16xf32>
      %swap3A_631 = vector.shape_cast %add3A_626 : vector<16xf32> to vector<1x16xf32>
      tpu.vector_store %arg10[%swap3A_627, %swap3A_628], %swap3A_631 {strides = array<i32>} : memref<32x768xf32, #tpu.memory_space<vmem>>, vector<1x16xf32>,
      %get3A_632 = arith.index_cast %scan3A_44 : i32 to index
      %get3A_633 = arith.constant 672 : index
      %get3A_634 = tpu.vector_load %arg8[%get3A_632, %get3A_633] {strides = array<i32>} : memref<32x768xf32, #tpu.memory_space<vmem>>, vector<1x16xf32>,
      %get3A_635 = vector.shape_cast %get3A_634 : vector<1x16xf32> to vector<16xf32>
      %get3A_636 = arith.index_cast %scan3A_44 : i32 to index
      %get3A_637 = arith.constant 672 : index
      %get3A_638 = tpu.vector_load %arg9[%get3A_636, %get3A_637] {strides = array<i32>} : memref<32x768xf32, #tpu.memory_space<vmem>>, vector<1x16xf32>,
      %get3A_639 = vector.shape_cast %get3A_638 : vector<1x16xf32> to vector<16xf32>
      %add3A_640 = arith.addf %get3A_635, %get3A_639 : vector<16xf32>
      %swap3A_641 = arith.index_cast %scan3A_44 : i32 to index
      %swap3A_642 = arith.constant 672 : index
      %swap3A_643 = tpu.vector_load %arg10[%swap3A_641, %swap3A_642] {strides = array<i32>} : memref<32x768xf32, #tpu.memory_space<vmem>>, vector<1x16xf32>,
      %swap3A_644 = vector.shape_cast %swap3A_643 : vector<1x16xf32> to vector<16xf32>
      %swap3A_645 = vector.shape_cast %add3A_640 : vector<16xf32> to vector<1x16xf32>
      tpu.vector_store %arg10[%swap3A_641, %swap3A_642], %swap3A_645 {strides = array<i32>} : memref<32x768xf32, #tpu.memory_space<vmem>>, vector<1x16xf32>,
      %get3A_646 = arith.index_cast %scan3A_44 : i32 to index
      %get3A_647 = arith.constant 688 : index
      %get3A_648 = tpu.vector_load %arg8[%get3A_646, %get3A_647] {strides = array<i32>} : memref<32x768xf32, #tpu.memory_space<vmem>>, vector<1x16xf32>,
      %get3A_649 = vector.shape_cast %get3A_648 : vector<1x16xf32> to vector<16xf32>
      %get3A_650 = arith.index_cast %scan3A_44 : i32 to index
      %get3A_651 = arith.constant 688 : index
      %get3A_652 = tpu.vector_load %arg9[%get3A_650, %get3A_651] {strides = array<i32>} : memref<32x768xf32, #tpu.memory_space<vmem>>, vector<1x16xf32>,
      %get3A_653 = vector.shape_cast %get3A_652 : vector<1x16xf32> to vector<16xf32>
      %add3A_654 = arith.addf %get3A_649, %get3A_653 : vector<16xf32>
      %swap3A_655 = arith.index_cast %scan3A_44 : i32 to index
      %swap3A_656 = arith.constant 688 : index
      %swap3A_657 = tpu.vector_load %arg10[%swap3A_655, %swap3A_656] {strides = array<i32>} : memref<32x768xf32, #tpu.memory_space<vmem>>, vector<1x16xf32>,
      %swap3A_658 = vector.shape_cast %swap3A_657 : vector<1x16xf32> to vector<16xf32>
      %swap3A_659 = vector.shape_cast %add3A_654 : vector<16xf32> to vector<1x16xf32>
      tpu.vector_store %arg10[%swap3A_655, %swap3A_656], %swap3A_659 {strides = array<i32>} : memref<32x768xf32, #tpu.memory_space<vmem>>, vector<1x16xf32>,
      %get3A_660 = arith.index_cast %scan3A_44 : i32 to index
      %get3A_661 = arith.constant 704 : index
      %get3A_662 = tpu.vector_load %arg8[%get3A_660, %get3A_661] {strides = array<i32>} : memref<32x768xf32, #tpu.memory_space<vmem>>, vector<1x16xf32>,
      %get3A_663 = vector.shape_cast %get3A_662 : vector<1x16xf32> to vector<16xf32>
      %get3A_664 = arith.index_cast %scan3A_44 : i32 to index
      %get3A_665 = arith.constant 704 : index
      %get3A_666 = tpu.vector_load %arg9[%get3A_664, %get3A_665] {strides = array<i32>} : memref<32x768xf32, #tpu.memory_space<vmem>>, vector<1x16xf32>,
      %get3A_667 = vector.shape_cast %get3A_666 : vector<1x16xf32> to vector<16xf32>
      %add3A_668 = arith.addf %get3A_663, %get3A_667 : vector<16xf32>
      %swap3A_669 = arith.index_cast %scan3A_44 : i32 to index
      %swap3A_670 = arith.constant 704 : index
      %swap3A_671 = tpu.vector_load %arg10[%swap3A_669, %swap3A_670] {strides = array<i32>} : memref<32x768xf32, #tpu.memory_space<vmem>>, vector<1x16xf32>,
      %swap3A_672 = vector.shape_cast %swap3A_671 : vector<1x16xf32> to vector<16xf32>
      %swap3A_673 = vector.shape_cast %add3A_668 : vector<16xf32> to vector<1x16xf32>
      tpu.vector_store %arg10[%swap3A_669, %swap3A_670], %swap3A_673 {strides = array<i32>} : memref<32x768xf32, #tpu.memory_space<vmem>>, vector<1x16xf32>,
      %get3A_674 = arith.index_cast %scan3A_44 : i32 to index
      %get3A_675 = arith.constant 720 : index
      %get3A_676 = tpu.vector_load %arg8[%get3A_674, %get3A_675] {strides = array<i32>} : memref<32x768xf32, #tpu.memory_space<vmem>>, vector<1x16xf32>,
      %get3A_677 = vector.shape_cast %get3A_676 : vector<1x16xf32> to vector<16xf32>
      %get3A_678 = arith.index_cast %scan3A_44 : i32 to index
      %get3A_679 = arith.constant 720 : index
      %get3A_680 = tpu.vector_load %arg9[%get3A_678, %get3A_679] {strides = array<i32>} : memref<32x768xf32, #tpu.memory_space<vmem>>, vector<1x16xf32>,
      %get3A_681 = vector.shape_cast %get3A_680 : vector<1x16xf32> to vector<16xf32>
      %add3A_682 = arith.addf %get3A_677, %get3A_681 : vector<16xf32>
      %swap3A_683 = arith.index_cast %scan3A_44 : i32 to index
      %swap3A_684 = arith.constant 720 : index
      %swap3A_685 = tpu.vector_load %arg10[%swap3A_683, %swap3A_684] {strides = array<i32>} : memref<32x768xf32, #tpu.memory_space<vmem>>, vector<1x16xf32>,
      %swap3A_686 = vector.shape_cast %swap3A_685 : vector<1x16xf32> to vector<16xf32>
      %swap3A_687 = vector.shape_cast %add3A_682 : vector<16xf32> to vector<1x16xf32>
      tpu.vector_store %arg10[%swap3A_683, %swap3A_684], %swap3A_687 {strides = array<i32>} : memref<32x768xf32, #tpu.memory_space<vmem>>, vector<1x16xf32>,
      %get3A_688 = arith.index_cast %scan3A_44 : i32 to index
      %get3A_689 = arith.constant 736 : index
      %get3A_690 = tpu.vector_load %arg8[%get3A_688, %get3A_689] {strides = array<i32>} : memref<32x768xf32, #tpu.memory_space<vmem>>, vector<1x16xf32>,
      %get3A_691 = vector.shape_cast %get3A_690 : vector<1x16xf32> to vector<16xf32>
      %get3A_692 = arith.index_cast %scan3A_44 : i32 to index
      %get3A_693 = arith.constant 736 : index
      %get3A_694 = tpu.vector_load %arg9[%get3A_692, %get3A_693] {strides = array<i32>} : memref<32x768xf32, #tpu.memory_space<vmem>>, vector<1x16xf32>,
      %get3A_695 = vector.shape_cast %get3A_694 : vector<1x16xf32> to vector<16xf32>
      %add3A_696 = arith.addf %get3A_691, %get3A_695 : vector<16xf32>
      %swap3A_697 = arith.index_cast %scan3A_44 : i32 to index
      %swap3A_698 = arith.constant 736 : index
      %swap3A_699 = tpu.vector_load %arg10[%swap3A_697, %swap3A_698] {strides = array<i32>} : memref<32x768xf32, #tpu.memory_space<vmem>>, vector<1x16xf32>,
      %swap3A_700 = vector.shape_cast %swap3A_699 : vector<1x16xf32> to vector<16xf32>
      %swap3A_701 = vector.shape_cast %add3A_696 : vector<16xf32> to vector<1x16xf32>
      tpu.vector_store %arg10[%swap3A_697, %swap3A_698], %swap3A_701 {strides = array<i32>} : memref<32x768xf32, #tpu.memory_space<vmem>>, vector<1x16xf32>,
      %get3A_702 = arith.index_cast %scan3A_44 : i32 to index
      %get3A_703 = arith.constant 752 : index
      %get3A_704 = tpu.vector_load %arg8[%get3A_702, %get3A_703] {strides = array<i32>} : memref<32x768xf32, #tpu.memory_space<vmem>>, vector<1x16xf32>,
      %get3A_705 = vector.shape_cast %get3A_704 : vector<1x16xf32> to vector<16xf32>
      %get3A_706 = arith.index_cast %scan3A_44 : i32 to index
      %get3A_707 = arith.constant 752 : index
      %get3A_708 = tpu.vector_load %arg9[%get3A_706, %get3A_707] {strides = array<i32>} : memref<32x768xf32, #tpu.memory_space<vmem>>, vector<1x16xf32>,
      %get3A_709 = vector.shape_cast %get3A_708 : vector<1x16xf32> to vector<16xf32>
      %add3A_710 = arith.addf %get3A_705, %get3A_709 : vector<16xf32>
      %swap3A_711 = arith.index_cast %scan3A_44 : i32 to index
      %swap3A_712 = arith.constant 752 : index
      %swap3A_713 = tpu.vector_load %arg10[%swap3A_711, %swap3A_712] {strides = array<i32>} : memref<32x768xf32, #tpu.memory_space<vmem>>, vector<1x16xf32>,
      %swap3A_714 = vector.shape_cast %swap3A_713 : vector<1x16xf32> to vector<16xf32>
      %swap3A_715 = vector.shape_cast %add3A_710 : vector<16xf32> to vector<1x16xf32>
      tpu.vector_store %arg10[%swap3A_711, %swap3A_712], %swap3A_715 {strides = array<i32>} : memref<32x768xf32, #tpu.memory_space<vmem>>, vector<1x16xf32>,
      %scan3A_716 = arith.constant 0 : i32
      scf.yield %scan3A_716 : i32
    }
    %scan3A_43 = arith.constant 32 : i32
    "tpu.region"() ({
      %run_scoped3A = tpu.sem_alloc : memref<!tpu.dma_semaphore, #tpu.memory_space<semaphore_mem>>
      %dma_start3A_44 = arith.constant 0 : i32
      %dma_start3A_45 = tpu.memref_slice %arg5[%add3A_24, %dma_start3A_44] : memref<2048x768xf32, #tpu.memory_space<hbm>> -> memref<32x768xf32, #tpu.memory_space<hbm>>
      %dma_start3A_46 = arith.constant 0 : i32
      %dma_start3A_47 = tpu.memref_slice %arg5[%add3A_24, %dma_start3A_46] : memref<2048x768xf32, #tpu.memory_space<hbm>> -> memref<32x768xf32, #tpu.memory_space<hbm>>
      tpu.enqueue_dma source(%arg10 : memref<32x768xf32, #tpu.memory_space<vmem>>) target(%dma_start3A_47 : memref<32x768xf32, #tpu.memory_space<hbm>>) target_semaphore(%run_scoped3A : memref<!tpu.dma_semaphore, #tpu.memory_space<semaphore_mem>>)
      %dma_wait3A_48 = arith.constant 0 : i32
      %dma_wait3A_49 = tpu.memref_slice %arg5[%add3A_24, %dma_wait3A_48] : memref<2048x768xf32, #tpu.memory_space<hbm>> -> memref<32x768xf32, #tpu.memory_space<hbm>>
      %dma_wait3A_50 = arith.constant 0 : i32
      %dma_wait3A_51 = tpu.memref_slice %arg5[%add3A_24, %dma_wait3A_50] : memref<2048x768xf32, #tpu.memory_space<hbm>> -> memref<32x768xf32, #tpu.memory_space<hbm>>
      tpu.wait_dma2 semaphore(%run_scoped3A : memref<!tpu.dma_semaphore, #tpu.memory_space<semaphore_mem>>) src(%arg10 : memref<32x768xf32, #tpu.memory_space<vmem>>) dst(%dma_wait3A_51 : memref<32x768xf32, #tpu.memory_space<hbm>>)
      tpu.yield
    }) : () -> ()
    return
  }
}

module attributes {stable_mosaic.version = 14 : i64} {
  func.func @_k1_body(%arg0: i32, %arg1: memref<256x768xf32, #tpu.memory_space<vmem>>, %arg2: memref<768x1280xf32, #tpu.memory_space<vmem>>, %arg3: memref<1x768xf32, #tpu.memory_space<vmem>>, %arg4: memref<256x64xf32, #tpu.memory_space<vmem>>, %arg5: memref<256x64xf32, #tpu.memory_space<vmem>>, %arg6: memref<256x768xf32, #tpu.memory_space<vmem>>, %arg7: memref<256x256xf32, #tpu.memory_space<vmem>>, %arg8: memref<256x256xf32, #tpu.memory_space<vmem>>) attributes {dimension_semantics = [#tpu.dimension_semantics<arbitrary>], iteration_bounds = array<i64: 8>, scalar_prefetch = 0 : i64, scratch_operands = 0 : i64, tpu.core_type = #tpu.core_type<tc>, window_params = [{transform_indices = @transform_0, window_bounds = array<i64: 256, 768>}, {pipeline_mode = #tpu.pipeline_mode<synchronous>, transform_indices = @transform_1, window_bounds = array<i64: 768, 1280>}, {pipeline_mode = #tpu.pipeline_mode<synchronous>, transform_indices = @transform_2, window_bounds = array<i64: 1, 768>}, {transform_indices = @transform_3, window_bounds = array<i64: 256, 64>}, {transform_indices = @transform_4, window_bounds = array<i64: 256, 64>}, {transform_indices = @transform_5, window_bounds = array<i64: 256, 768>}, {transform_indices = @transform_6, window_bounds = array<i64: 256, 256>}, {transform_indices = @transform_7, window_bounds = array<i64: 256, 256>}]} {
    %get3A = arith.constant 0 : index
    %get3A_0 = arith.constant 0 : index
    %get3A_1 = vector.load %arg1[%get3A, %get3A_0] : memref<256x768xf32, #tpu.memory_space<vmem>>, vector<256x768xf32>
    %get3A_2 = arith.constant 0 : index
    %get3A_3 = arith.constant 0 : index
    %get3A_4 = vector.load %arg3[%get3A_2, %get3A_3] : memref<1x768xf32, #tpu.memory_space<vmem>>, vector<1x768xf32>
    %reduce_sum3A = arith.constant dense<0.000000e+00> : vector<256xf32>
    %reduce_sum3A_5 = vector.multi_reduction <add>, %get3A_1, %reduce_sum3A [1] : vector<256x768xf32> to vector<256xf32>
    %broadcast_in_dim3A = vector.shape_cast %reduce_sum3A_5 : vector<256xf32> to vector<256x1xf32>
    %div3A = arith.constant 7.680000e+02 : f32
    %div3A_6 = vector.broadcast %div3A : f32 to vector<256x1xf32>
    %div3A_7 = arith.divf %broadcast_in_dim3A, %div3A_6 : vector<256x1xf32>
    %sub3A = vector.broadcast %div3A_7 : vector<256x1xf32> to vector<256x768xf32>
    %sub3A_8 = arith.subf %get3A_1, %sub3A : vector<256x768xf32>
    %integer_pow3A = arith.mulf %sub3A_8, %sub3A_8 : vector<256x768xf32>
    %reduce_sum3A_9 = arith.constant dense<0.000000e+00> : vector<256xf32>
    %reduce_sum3A_10 = vector.multi_reduction <add>, %integer_pow3A, %reduce_sum3A_9 [1] : vector<256x768xf32> to vector<256xf32>
    %broadcast_in_dim3A_11 = vector.shape_cast %reduce_sum3A_10 : vector<256xf32> to vector<256x1xf32>
    %div3A_12 = arith.constant 7.680000e+02 : f32
    %div3A_13 = vector.broadcast %div3A_12 : f32 to vector<256x1xf32>
    %div3A_14 = arith.divf %broadcast_in_dim3A_11, %div3A_13 : vector<256x1xf32>
    %sub3A_15 = vector.broadcast %div3A_7 : vector<256x1xf32> to vector<256x768xf32>
    %sub3A_16 = arith.subf %get3A_1, %sub3A_15 : vector<256x768xf32>
    %add3A = arith.constant 9.99999974E-6 : f32
    %add3A_17 = vector.broadcast %add3A : f32 to vector<256x1xf32>
    %add3A_18 = arith.addf %div3A_14, %add3A_17 : vector<256x1xf32>
    %rsqrt3A = math.rsqrt %add3A_18 : vector<256x1xf32>
    %mul3A = vector.broadcast %rsqrt3A : vector<256x1xf32> to vector<256x768xf32>
    %mul3A_19 = arith.mulf %sub3A_16, %mul3A : vector<256x768xf32>
    %mul3A_20 = vector.broadcast %get3A_4 : vector<1x768xf32> to vector<256x768xf32>
    %mul3A_21 = arith.mulf %mul3A_19, %mul3A_20 : vector<256x768xf32>
    %get3A_22 = arith.constant 0 : index
    %get3A_23 = arith.constant 0 : index
    %get3A_24 = vector.load %arg2[%get3A_22, %get3A_23] : memref<768x1280xf32, #tpu.memory_space<vmem>>, vector<768x1280xf32>
    %dot_general3A = arith.constant dense<0.000000e+00> : vector<256x1280xf32>
    %dot_general3A_25 = tpu.matmul %mul3A_21, %get3A_24, %dot_general3A {dimension_numbers = #tpu.dot_dimension_numbers<[1], [0], [0], [1], [0, 0, 1, 1], [], []>, transpose_lhs_hint = false} : vector<256x768xf32>, vector<768x1280xf32>, vector<256x1280xf32> -> vector<256x1280xf32>
    %slice3A = vector.extract_strided_slice %dot_general3A_25 {offsets = [0, 0], sizes = [256, 768], strides = [1, 1]} : vector<256x1280xf32> to vector<256x768xf32>
    %slice3A_26 = vector.extract_strided_slice %dot_general3A_25 {offsets = [0, 768], sizes = [256, 256], strides = [1, 1]} : vector<256x1280xf32> to vector<256x256xf32>
    %slice3A_27 = vector.extract_strided_slice %dot_general3A_25 {offsets = [0, 1024], sizes = [256, 256], strides = [1, 1]} : vector<256x1280xf32> to vector<256x256xf32>
    %get3A_28 = arith.constant 0 : index
    %get3A_29 = arith.constant 0 : index
    %get3A_30 = vector.load %arg4[%get3A_28, %get3A_29] : memref<256x64xf32, #tpu.memory_space<vmem>>, vector<256x64xf32>
    %concatenate3A = tpu.concatenate %get3A_30, %get3A_30, %get3A_30, %get3A_30, %get3A_30, %get3A_30, %get3A_30, %get3A_30, %get3A_30, %get3A_30, %get3A_30, %get3A_30 in 1 : vector<256x64xf32>, vector<256x64xf32>, vector<256x64xf32>, vector<256x64xf32>, vector<256x64xf32>, vector<256x64xf32>, vector<256x64xf32>, vector<256x64xf32>, vector<256x64xf32>, vector<256x64xf32>, vector<256x64xf32>, vector<256x64xf32> -> vector<256x768xf32>
    %get3A_31 = arith.constant 0 : index
    %get3A_32 = arith.constant 0 : index
    %get3A_33 = vector.load %arg5[%get3A_31, %get3A_32] : memref<256x64xf32, #tpu.memory_space<vmem>>, vector<256x64xf32>
    %concatenate3A_34 = tpu.concatenate %get3A_33, %get3A_33, %get3A_33, %get3A_33, %get3A_33, %get3A_33, %get3A_33, %get3A_33, %get3A_33, %get3A_33, %get3A_33, %get3A_33 in 1 : vector<256x64xf32>, vector<256x64xf32>, vector<256x64xf32>, vector<256x64xf32>, vector<256x64xf32>, vector<256x64xf32>, vector<256x64xf32>, vector<256x64xf32>, vector<256x64xf32>, vector<256x64xf32>, vector<256x64xf32>, vector<256x64xf32> -> vector<256x768xf32>
    %iota3A = tpu.iota {dimensions = array<i32: 1>} : vector<256x768xi32>
    %jit3A = arith.constant 64 : i32
    %eq3A = arith.constant 0 : i32
    %eq3A_35 = arith.cmpi eq, %jit3A, %eq3A : i32
    %jit3A_36 = arith.constant 1 : i32
    %select_n3A = arith.select %eq3A_35, %jit3A_36, %jit3A : i32
    %rem3A = vector.broadcast %select_n3A : i32 to vector<256x768xi32>
    %rem3A_37 = arith.remsi %iota3A, %rem3A : vector<256x768xi32>
    %ne3A = arith.constant 0 : i32
    %ne3A_38 = vector.broadcast %ne3A : i32 to vector<256x768xi32>
    %ne3A_39 = arith.cmpi ne, %rem3A_37, %ne3A_38 : vector<256x768xi32>
    %lt3A = arith.constant 0 : i32
    %lt3A_40 = vector.broadcast %lt3A : i32 to vector<256x768xi32>
    %lt3A_41 = arith.cmpi slt, %rem3A_37, %lt3A_40 : vector<256x768xi32>
    %lt3A_42 = arith.constant 0 : i32
    %lt3A_43 = arith.cmpi slt, %select_n3A, %lt3A_42 : i32
    %ne3A_44 = vector.broadcast %lt3A_43 : i1 to vector<256x768xi1>
    %ne3A_45 = vector.broadcast %ne3A_44 : vector<256x768xi1> to vector<256x768xi1>
    %ne3A_46 = arith.xori %lt3A_41, %ne3A_45 : vector<256x768xi1>
    %and3A = arith.andi %ne3A_46, %ne3A_39 : vector<256x768xi1>
    %add3A_47 = vector.broadcast %select_n3A : i32 to vector<256x768xi32>
    %add3A_48 = arith.addi %rem3A_37, %add3A_47 : vector<256x768xi32>
    %select_n3A_49 = arith.select %and3A, %add3A_48, %rem3A_37 : vector<256x768xi1>, vector<256x768xi32>
    %roll3A = arith.constant 736 : i32
    %roll3A_50 = tpu.dynamic_rotate %slice3A by %roll3A dim 1 : vector<256x768xf32>, i32 -> vector<256x768xf32>
    %roll3A_51 = arith.constant 32 : i32
    %roll3A_52 = tpu.dynamic_rotate %slice3A by %roll3A_51 dim 1 : vector<256x768xf32>, i32 -> vector<256x768xf32>
    %lt3A_53 = arith.constant 32 : i32
    %lt3A_54 = vector.broadcast %lt3A_53 : i32 to vector<256x768xi32>
    %lt3A_55 = arith.cmpi slt, %select_n3A_49, %lt3A_54 : vector<256x768xi32>
    %neg3A = arith.constant 0.000000e+00 : f32
    %neg3A_56 = vector.broadcast %neg3A : f32 to vector<256x768xf32>
    %neg3A_57 = arith.subf %neg3A_56, %roll3A_50 : vector<256x768xf32>
    %select_n3A_58 = arith.select %lt3A_55, %neg3A_57, %roll3A_52 : vector<256x768xi1>, vector<256x768xf32>
    %mul3A_59 = arith.mulf %slice3A, %concatenate3A : vector<256x768xf32>
    %mul3A_60 = arith.mulf %select_n3A_58, %concatenate3A_34 : vector<256x768xf32>
    %add3A_61 = arith.addf %mul3A_59, %mul3A_60 : vector<256x768xf32>
    %swap3A = arith.constant 0 : index
    %swap3A_62 = arith.constant 0 : index
    %swap3A_63 = vector.load %arg6[%swap3A, %swap3A_62] : memref<256x768xf32, #tpu.memory_space<vmem>>, vector<256x768xf32>
    tpu.vector_store %arg6[%swap3A, %swap3A_62], %add3A_61 {strides = array<i32>} : memref<256x768xf32, #tpu.memory_space<vmem>>, vector<256x768xf32>,
    %get3A_64 = arith.constant 0 : index
    %get3A_65 = arith.constant 0 : index
    %get3A_66 = vector.load %arg4[%get3A_64, %get3A_65] : memref<256x64xf32, #tpu.memory_space<vmem>>, vector<256x64xf32>
    %concatenate3A_67 = tpu.concatenate %get3A_66, %get3A_66, %get3A_66, %get3A_66 in 1 : vector<256x64xf32>, vector<256x64xf32>, vector<256x64xf32>, vector<256x64xf32> -> vector<256x256xf32>
    %get3A_68 = arith.constant 0 : index
    %get3A_69 = arith.constant 0 : index
    %get3A_70 = vector.load %arg5[%get3A_68, %get3A_69] : memref<256x64xf32, #tpu.memory_space<vmem>>, vector<256x64xf32>
    %concatenate3A_71 = tpu.concatenate %get3A_70, %get3A_70, %get3A_70, %get3A_70 in 1 : vector<256x64xf32>, vector<256x64xf32>, vector<256x64xf32>, vector<256x64xf32> -> vector<256x256xf32>
    %iota3A_72 = tpu.iota {dimensions = array<i32: 1>} : vector<256x256xi32>
    %jit3A_73 = arith.constant 64 : i32
    %eq3A_74 = arith.constant 0 : i32
    %eq3A_75 = arith.cmpi eq, %jit3A_73, %eq3A_74 : i32
    %jit3A_76 = arith.constant 1 : i32
    %select_n3A_77 = arith.select %eq3A_75, %jit3A_76, %jit3A_73 : i32
    %rem3A_78 = vector.broadcast %select_n3A_77 : i32 to vector<256x256xi32>
    %rem3A_79 = arith.remsi %iota3A_72, %rem3A_78 : vector<256x256xi32>
    %ne3A_80 = arith.constant 0 : i32
    %ne3A_81 = vector.broadcast %ne3A_80 : i32 to vector<256x256xi32>
    %ne3A_82 = arith.cmpi ne, %rem3A_79, %ne3A_81 : vector<256x256xi32>
    %lt3A_83 = arith.constant 0 : i32
    %lt3A_84 = vector.broadcast %lt3A_83 : i32 to vector<256x256xi32>
    %lt3A_85 = arith.cmpi slt, %rem3A_79, %lt3A_84 : vector<256x256xi32>
    %lt3A_86 = arith.constant 0 : i32
    %lt3A_87 = arith.cmpi slt, %select_n3A_77, %lt3A_86 : i32
    %ne3A_88 = vector.broadcast %lt3A_87 : i1 to vector<256x256xi1>
    %ne3A_89 = vector.broadcast %ne3A_88 : vector<256x256xi1> to vector<256x256xi1>
    %ne3A_90 = arith.xori %lt3A_85, %ne3A_89 : vector<256x256xi1>
    %and3A_91 = arith.andi %ne3A_90, %ne3A_82 : vector<256x256xi1>
    %add3A_92 = vector.broadcast %select_n3A_77 : i32 to vector<256x256xi32>
    %add3A_93 = arith.addi %rem3A_79, %add3A_92 : vector<256x256xi32>
    %select_n3A_94 = arith.select %and3A_91, %add3A_93, %rem3A_79 : vector<256x256xi1>, vector<256x256xi32>
    %roll3A_95 = arith.constant 224 : i32
    %roll3A_96 = tpu.dynamic_rotate %slice3A_26 by %roll3A_95 dim 1 : vector<256x256xf32>, i32 -> vector<256x256xf32>
    %roll3A_97 = arith.constant 32 : i32
    %roll3A_98 = tpu.dynamic_rotate %slice3A_26 by %roll3A_97 dim 1 : vector<256x256xf32>, i32 -> vector<256x256xf32>
    %lt3A_99 = arith.constant 32 : i32
    %lt3A_100 = vector.broadcast %lt3A_99 : i32 to vector<256x256xi32>
    %lt3A_101 = arith.cmpi slt, %select_n3A_94, %lt3A_100 : vector<256x256xi32>
    %neg3A_102 = arith.constant 0.000000e+00 : f32
    %neg3A_103 = vector.broadcast %neg3A_102 : f32 to vector<256x256xf32>
    %neg3A_104 = arith.subf %neg3A_103, %roll3A_96 : vector<256x256xf32>
    %select_n3A_105 = arith.select %lt3A_101, %neg3A_104, %roll3A_98 : vector<256x256xi1>, vector<256x256xf32>
    %mul3A_106 = arith.mulf %slice3A_26, %concatenate3A_67 : vector<256x256xf32>
    %mul3A_107 = arith.mulf %select_n3A_105, %concatenate3A_71 : vector<256x256xf32>
    %add3A_108 = arith.addf %mul3A_106, %mul3A_107 : vector<256x256xf32>
    %swap3A_109 = arith.constant 0 : index
    %swap3A_110 = arith.constant 0 : index
    %swap3A_111 = vector.load %arg7[%swap3A_109, %swap3A_110] : memref<256x256xf32, #tpu.memory_space<vmem>>, vector<256x256xf32>
    tpu.vector_store %arg7[%swap3A_109, %swap3A_110], %add3A_108 {strides = array<i32>} : memref<256x256xf32, #tpu.memory_space<vmem>>, vector<256x256xf32>,
    %swap3A_112 = arith.constant 0 : index
    %swap3A_113 = arith.constant 0 : index
    %swap3A_114 = vector.load %arg8[%swap3A_112, %swap3A_113] : memref<256x256xf32, #tpu.memory_space<vmem>>, vector<256x256xf32>
    tpu.vector_store %arg8[%swap3A_112, %swap3A_113], %slice3A_27 {strides = array<i32>} : memref<256x256xf32, #tpu.memory_space<vmem>>, vector<256x256xf32>,
    return
  }
  func.func @transform_0(%arg0: i32) -> (i32, i32) {
    %c0_i32 = arith.constant 0 : i32
    %c0_i32_0 = arith.constant 0 : i32
    return %arg0, %c0_i32 : i32, i32
  }
  func.func @transform_1(%arg0: i32) -> (i32, i32) {
    %c0_i32 = arith.constant 0 : i32
    %c0_i32_0 = arith.constant 0 : i32
    %c0_i32_1 = arith.constant 0 : i32
    return %c0_i32, %c0_i32_0 : i32, i32
  }
  func.func @transform_2(%arg0: i32) -> (i32, i32) {
    %c0_i32 = arith.constant 0 : i32
    %c0_i32_0 = arith.constant 0 : i32
    %c0_i32_1 = arith.constant 0 : i32
    return %c0_i32, %c0_i32_0 : i32, i32
  }
  func.func @transform_3(%arg0: i32) -> (i32, i32) {
    %c0_i32 = arith.constant 0 : i32
    %c0_i32_0 = arith.constant 0 : i32
    return %arg0, %c0_i32 : i32, i32
  }
  func.func @transform_4(%arg0: i32) -> (i32, i32) {
    %c0_i32 = arith.constant 0 : i32
    %c0_i32_0 = arith.constant 0 : i32
    return %arg0, %c0_i32 : i32, i32
  }
  func.func @transform_5(%arg0: i32) -> (i32, i32) {
    %c0_i32 = arith.constant 0 : i32
    %c0_i32_0 = arith.constant 0 : i32
    return %arg0, %c0_i32 : i32, i32
  }
  func.func @transform_6(%arg0: i32) -> (i32, i32) {
    %c0_i32 = arith.constant 0 : i32
    %c0_i32_0 = arith.constant 0 : i32
    return %arg0, %c0_i32 : i32, i32
  }
  func.func @transform_7(%arg0: i32) -> (i32, i32) {
    %c0_i32 = arith.constant 0 : i32
    %c0_i32_0 = arith.constant 0 : i32
    return %arg0, %c0_i32 : i32, i32
  }
}

module attributes {stable_mosaic.version = 14 : i64} {
  func.func @_k2_body(%arg0: i32, %arg1: i32, %arg2: memref<1x512x64xf32, #tpu.memory_space<vmem>>, %arg3: memref<1x2048x64xf32, #tpu.memory_space<vmem>>, %arg4: memref<1x2048x64xf32, #tpu.memory_space<vmem>>, %arg5: memref<1x512x64xf32, #tpu.memory_space<vmem>>, %arg6: memref<512x64xf32, #tpu.memory_space<vmem>>, %arg7: memref<512x128xf32, #tpu.memory_space<vmem>>, %arg8: memref<512x128xf32, #tpu.memory_space<vmem>>) attributes {dimension_semantics = [#tpu.dimension_semantics<arbitrary>, #tpu.dimension_semantics<arbitrary>], iteration_bounds = array<i64: 12, 4>, scalar_prefetch = 0 : i64, scratch_operands = 3 : i64, tpu.core_type = #tpu.core_type<tc>, window_params = [{transform_indices = @transform_0, window_bounds = array<i64: 1, 512, 64>}, {transform_indices = @transform_1, window_bounds = array<i64: 1, 2048, 64>}, {transform_indices = @transform_2, window_bounds = array<i64: 1, 2048, 64>}, {transform_indices = @transform_3, window_bounds = array<i64: 1, 512, 64>}]} {
    %get3A = arith.constant 0 : index
    %get3A_0 = arith.constant 0 : index
    %get3A_1 = arith.constant 0 : index
    %get3A_2 = vector.load %arg2[%get3A, %get3A_0, %get3A_1] : memref<1x512x64xf32, #tpu.memory_space<vmem>>, vector<1x512x64xf32>
    %get3A_3 = vector.shape_cast %get3A_2 : vector<1x512x64xf32> to vector<512x64xf32>
    %mul3A = arith.constant 1.250000e-01 : f32
    %mul3A_4 = vector.broadcast %mul3A : f32 to vector<512x64xf32>
    %mul3A_5 = arith.mulf %get3A_3, %mul3A_4 : vector<512x64xf32>
    %mul3A_6 = arith.constant 512 : i32
    %mul3A_7 = arith.muli %arg1, %mul3A_6 : i32
    %iota3A = tpu.iota {dimensions = array<i32: 0>} : vector<512x512xi32>
    %add3A = vector.broadcast %mul3A_7 : i32 to vector<512x512xi32>
    %add3A_8 = arith.addi %add3A, %iota3A : vector<512x512xi32>
    %get3A_9 = arith.constant 0 : index
    %get3A_10 = arith.constant 0 : index
    %get3A_11 = arith.constant 0 : index
    %get3A_12 = vector.load %arg3[%get3A_9, %get3A_10, %get3A_11] : memref<1x2048x64xf32, #tpu.memory_space<vmem>>, vector<1x512x64xf32>
    %get3A_13 = vector.shape_cast %get3A_12 : vector<1x512x64xf32> to vector<512x64xf32>
    %dot_general3A = arith.constant dense<0.000000e+00> : vector<512x512xf32>
    %dot_general3A_14 = tpu.matmul %mul3A_5, %get3A_13, %dot_general3A {dimension_numbers = #tpu.dot_dimension_numbers<[1], [1], [0], [0], [0, 0, 1, 0], [], []>, transpose_lhs_hint = false} : vector<512x64xf32>, vector<512x64xf32>, vector<512x512xf32> -> vector<512x512xf32>
    %iota3A_15 = tpu.iota {dimensions = array<i32: 1>} : vector<512x512xi32>
    %add3A_16 = arith.constant 0 : i32
    %add3A_17 = vector.broadcast %add3A_16 : i32 to vector<512x512xi32>
    %add3A_18 = arith.addi %add3A_17, %iota3A_15 : vector<512x512xi32>
    %le3A = arith.cmpi sle, %add3A_18, %add3A_8 : vector<512x512xi32>
    %jit3A = arith.constant -1.000000e+30 : f32
    %broadcast_in_dim3A = vector.broadcast %jit3A : f32 to vector<512x512xf32>
    %select_n3A = arith.select %le3A, %dot_general3A_14, %broadcast_in_dim3A : vector<512x512xi1>, vector<512x512xf32>
    %reduce_max3A = arith.constant dense<0xFF800000> : vector<512xf32>
    %reduce_max3A_19 = vector.multi_reduction <maximumf>, %select_n3A, %reduce_max3A [1] : vector<512x512xf32> to vector<512xf32>
    %broadcast_in_dim3A_20 = vector.shape_cast %reduce_max3A_19 : vector<512xf32> to vector<512x1xf32>
    %sub3A = vector.broadcast %broadcast_in_dim3A_20 : vector<512x1xf32> to vector<512x512xf32>
    %sub3A_21 = arith.subf %select_n3A, %sub3A : vector<512x512xf32>
    %exp3A = math.exp %sub3A_21 : vector<512x512xf32>
    %get3A_22 = arith.constant 0 : index
    %get3A_23 = arith.constant 0 : index
    %get3A_24 = arith.constant 0 : index
    %get3A_25 = vector.load %arg4[%get3A_22, %get3A_23, %get3A_24] : memref<1x2048x64xf32, #tpu.memory_space<vmem>>, vector<1x512x64xf32>
    %get3A_26 = vector.shape_cast %get3A_25 : vector<1x512x64xf32> to vector<512x64xf32>
    %dot_general3A_27 = arith.constant dense<0.000000e+00> : vector<512x64xf32>
    %dot_general3A_28 = tpu.matmul %exp3A, %get3A_26, %dot_general3A_27 {dimension_numbers = #tpu.dot_dimension_numbers<[1], [0], [0], [1], [0, 0, 1, 1], [], []>, transpose_lhs_hint = false} : vector<512x512xf32>, vector<512x64xf32>, vector<512x64xf32> -> vector<512x64xf32>
    %reduce_sum3A = arith.constant dense<0.000000e+00> : vector<512xf32>
    %reduce_sum3A_29 = vector.multi_reduction <add>, %exp3A, %reduce_sum3A [1] : vector<512x512xf32> to vector<512xf32>
    %broadcast_in_dim3A_30 = vector.shape_cast %reduce_sum3A_29 : vector<512xf32> to vector<512x1xf32>
    %swap3A = arith.constant 0 : index
    %swap3A_31 = arith.constant 0 : index
    %swap3A_32 = vector.load %arg6[%swap3A, %swap3A_31] : memref<512x64xf32, #tpu.memory_space<vmem>>, vector<512x64xf32>
    tpu.vector_store %arg6[%swap3A, %swap3A_31], %dot_general3A_28 {strides = array<i32>} : memref<512x64xf32, #tpu.memory_space<vmem>>, vector<512x64xf32>,
    %swap3A_33 = arith.constant 0 : index
    %swap3A_34 = arith.constant 0 : index
    %swap3A_35 = vector.load %arg7[%swap3A_33, %swap3A_34] : memref<512x128xf32, #tpu.memory_space<vmem>>, vector<512x1xf32>
    tpu.vector_store %arg7[%swap3A_33, %swap3A_34], %broadcast_in_dim3A_30 {strides = array<i32>} : memref<512x128xf32, #tpu.memory_space<vmem>>, vector<512x1xf32>,
    %swap3A_36 = arith.constant 0 : index
    %swap3A_37 = arith.constant 0 : index
    %swap3A_38 = vector.load %arg8[%swap3A_36, %swap3A_37] : memref<512x128xf32, #tpu.memory_space<vmem>>, vector<512x1xf32>
    tpu.vector_store %arg8[%swap3A_36, %swap3A_37], %broadcast_in_dim3A_20 {strides = array<i32>} : memref<512x128xf32, #tpu.memory_space<vmem>>, vector<512x1xf32>,
    %ge3A = arith.constant 1 : i32
    %ge3A_39 = arith.cmpi sge, %arg1, %ge3A : i32
    %convert_element_type3A = arith.extui %ge3A_39 : i1 to i32
    %cond3A = arith.constant 0 : i32
    %cond3A_40 = arith.cmpi ne, %convert_element_type3A, %cond3A : i32
    scf.if %cond3A_40 {
      %get3A_64 = arith.constant 0 : index
      %get3A_65 = arith.constant 512 : index
      %get3A_66 = arith.constant 0 : index
      %get3A_67 = vector.load %arg3[%get3A_64, %get3A_65, %get3A_66] : memref<1x2048x64xf32, #tpu.memory_space<vmem>>, vector<1x512x64xf32>
      %get3A_68 = vector.shape_cast %get3A_67 : vector<1x512x64xf32> to vector<512x64xf32>
      %dot_general3A_69 = arith.constant dense<0.000000e+00> : vector<512x512xf32>
      %dot_general3A_70 = tpu.matmul %mul3A_5, %get3A_68, %dot_general3A_69 {dimension_numbers = #tpu.dot_dimension_numbers<[1], [1], [0], [0], [0, 0, 1, 0], [], []>, transpose_lhs_hint = false} : vector<512x64xf32>, vector<512x64xf32>, vector<512x512xf32> -> vector<512x512xf32>
      %iota3A_71 = tpu.iota {dimensions = array<i32: 1>} : vector<512x512xi32>
      %add3A_72 = arith.constant 512 : i32
      %add3A_73 = vector.broadcast %add3A_72 : i32 to vector<512x512xi32>
      %add3A_74 = arith.addi %add3A_73, %iota3A_71 : vector<512x512xi32>
      %le3A_75 = arith.cmpi sle, %add3A_74, %add3A_8 : vector<512x512xi32>
      %jit3A_76 = arith.constant -1.000000e+30 : f32
      %broadcast_in_dim3A_77 = vector.broadcast %jit3A_76 : f32 to vector<512x512xf32>
      %select_n3A_78 = arith.select %le3A_75, %dot_general3A_70, %broadcast_in_dim3A_77 : vector<512x512xi1>, vector<512x512xf32>
      %reduce_max3A_79 = arith.constant dense<0xFF800000> : vector<512xf32>
      %reduce_max3A_80 = vector.multi_reduction <maximumf>, %select_n3A_78, %reduce_max3A_79 [1] : vector<512x512xf32> to vector<512xf32>
      %broadcast_in_dim3A_81 = vector.shape_cast %reduce_max3A_80 : vector<512xf32> to vector<512x1xf32>
      %sub3A_82 = vector.broadcast %broadcast_in_dim3A_81 : vector<512x1xf32> to vector<512x512xf32>
      %sub3A_83 = arith.subf %select_n3A_78, %sub3A_82 : vector<512x512xf32>
      %exp3A_84 = math.exp %sub3A_83 : vector<512x512xf32>
      %get3A_85 = arith.constant 0 : index
      %get3A_86 = arith.constant 512 : index
      %get3A_87 = arith.constant 0 : index
      %get3A_88 = vector.load %arg4[%get3A_85, %get3A_86, %get3A_87] : memref<1x2048x64xf32, #tpu.memory_space<vmem>>, vector<1x512x64xf32>
      %get3A_89 = vector.shape_cast %get3A_88 : vector<1x512x64xf32> to vector<512x64xf32>
      %dot_general3A_90 = arith.constant dense<0.000000e+00> : vector<512x64xf32>
      %dot_general3A_91 = tpu.matmul %exp3A_84, %get3A_89, %dot_general3A_90 {dimension_numbers = #tpu.dot_dimension_numbers<[1], [0], [0], [1], [0, 0, 1, 1], [], []>, transpose_lhs_hint = false} : vector<512x512xf32>, vector<512x64xf32>, vector<512x64xf32> -> vector<512x64xf32>
      %reduce_sum3A_92 = arith.constant dense<0.000000e+00> : vector<512xf32>
      %reduce_sum3A_93 = vector.multi_reduction <add>, %exp3A_84, %reduce_sum3A_92 [1] : vector<512x512xf32> to vector<512xf32>
      %broadcast_in_dim3A_94 = vector.shape_cast %reduce_sum3A_93 : vector<512xf32> to vector<512x1xf32>
      %get3A_95 = arith.constant 0 : index
      %get3A_96 = arith.constant 0 : index
      %get3A_97 = vector.load %arg8[%get3A_95, %get3A_96] : memref<512x128xf32, #tpu.memory_space<vmem>>, vector<512x1xf32>
      %max3A = arith.maximumf %get3A_97, %broadcast_in_dim3A_81 : vector<512x1xf32>
      %sub3A_98 = arith.subf %get3A_97, %max3A : vector<512x1xf32>
      %exp3A_99 = math.exp %sub3A_98 : vector<512x1xf32>
      %sub3A_100 = arith.subf %broadcast_in_dim3A_81, %max3A : vector<512x1xf32>
      %exp3A_101 = math.exp %sub3A_100 : vector<512x1xf32>
      %get3A_102 = arith.constant 0 : index
      %get3A_103 = arith.constant 0 : index
      %get3A_104 = vector.load %arg6[%get3A_102, %get3A_103] : memref<512x64xf32, #tpu.memory_space<vmem>>, vector<512x64xf32>
      %mul3A_105 = vector.broadcast %exp3A_99 : vector<512x1xf32> to vector<512x64xf32>
      %mul3A_106 = arith.mulf %get3A_104, %mul3A_105 : vector<512x64xf32>
      %mul3A_107 = vector.broadcast %exp3A_101 : vector<512x1xf32> to vector<512x64xf32>
      %mul3A_108 = arith.mulf %dot_general3A_91, %mul3A_107 : vector<512x64xf32>
      %add3A_109 = arith.addf %mul3A_106, %mul3A_108 : vector<512x64xf32>
      %swap3A_110 = arith.constant 0 : index
      %swap3A_111 = arith.constant 0 : index
      %swap3A_112 = vector.load %arg6[%swap3A_110, %swap3A_111] : memref<512x64xf32, #tpu.memory_space<vmem>>, vector<512x64xf32>
      tpu.vector_store %arg6[%swap3A_110, %swap3A_111], %add3A_109 {strides = array<i32>} : memref<512x64xf32, #tpu.memory_space<vmem>>, vector<512x64xf32>,
      %get3A_113 = arith.constant 0 : index
      %get3A_114 = arith.constant 0 : index
      %get3A_115 = vector.load %arg7[%get3A_113, %get3A_114] : memref<512x128xf32, #tpu.memory_space<vmem>>, vector<512x1xf32>
      %mul3A_116 = arith.mulf %get3A_115, %exp3A_99 : vector<512x1xf32>
      %mul3A_117 = arith.mulf %broadcast_in_dim3A_94, %exp3A_101 : vector<512x1xf32>
      %add3A_118 = arith.addf %mul3A_116, %mul3A_117 : vector<512x1xf32>
      %swap3A_119 = arith.constant 0 : index
      %swap3A_120 = arith.constant 0 : index
      %swap3A_121 = vector.load %arg7[%swap3A_119, %swap3A_120] : memref<512x128xf32, #tpu.memory_space<vmem>>, vector<512x1xf32>
      tpu.vector_store %arg7[%swap3A_119, %swap3A_120], %add3A_118 {strides = array<i32>} : memref<512x128xf32, #tpu.memory_space<vmem>>, vector<512x1xf32>,
      %swap3A_122 = arith.constant 0 : index
      %swap3A_123 = arith.constant 0 : index
      %swap3A_124 = vector.load %arg8[%swap3A_122, %swap3A_123] : memref<512x128xf32, #tpu.memory_space<vmem>>, vector<512x1xf32>
      tpu.vector_store %arg8[%swap3A_122, %swap3A_123], %max3A {strides = array<i32>} : memref<512x128xf32, #tpu.memory_space<vmem>>, vector<512x1xf32>,
    } else {
    }
    %ge3A_41 = arith.constant 2 : i32
    %ge3A_42 = arith.cmpi sge, %arg1, %ge3A_41 : i32
    %convert_element_type3A_43 = arith.extui %ge3A_42 : i1 to i32
    %cond3A_44 = arith.constant 0 : i32
    %cond3A_45 = arith.cmpi ne, %convert_element_type3A_43, %cond3A_44 : i32
    scf.if %cond3A_45 {
      %get3A_64 = arith.constant 0 : index
      %get3A_65 = arith.constant 1024 : index
      %get3A_66 = arith.constant 0 : index
      %get3A_67 = vector.load %arg3[%get3A_64, %get3A_65, %get3A_66] : memref<1x2048x64xf32, #tpu.memory_space<vmem>>, vector<1x512x64xf32>
      %get3A_68 = vector.shape_cast %get3A_67 : vector<1x512x64xf32> to vector<512x64xf32>
      %dot_general3A_69 = arith.constant dense<0.000000e+00> : vector<512x512xf32>
      %dot_general3A_70 = tpu.matmul %mul3A_5, %get3A_68, %dot_general3A_69 {dimension_numbers = #tpu.dot_dimension_numbers<[1], [1], [0], [0], [0, 0, 1, 0], [], []>, transpose_lhs_hint = false} : vector<512x64xf32>, vector<512x64xf32>, vector<512x512xf32> -> vector<512x512xf32>
      %iota3A_71 = tpu.iota {dimensions = array<i32: 1>} : vector<512x512xi32>
      %add3A_72 = arith.constant 1024 : i32
      %add3A_73 = vector.broadcast %add3A_72 : i32 to vector<512x512xi32>
      %add3A_74 = arith.addi %add3A_73, %iota3A_71 : vector<512x512xi32>
      %le3A_75 = arith.cmpi sle, %add3A_74, %add3A_8 : vector<512x512xi32>
      %jit3A_76 = arith.constant -1.000000e+30 : f32
      %broadcast_in_dim3A_77 = vector.broadcast %jit3A_76 : f32 to vector<512x512xf32>
      %select_n3A_78 = arith.select %le3A_75, %dot_general3A_70, %broadcast_in_dim3A_77 : vector<512x512xi1>, vector<512x512xf32>
      %reduce_max3A_79 = arith.constant dense<0xFF800000> : vector<512xf32>
      %reduce_max3A_80 = vector.multi_reduction <maximumf>, %select_n3A_78, %reduce_max3A_79 [1] : vector<512x512xf32> to vector<512xf32>
      %broadcast_in_dim3A_81 = vector.shape_cast %reduce_max3A_80 : vector<512xf32> to vector<512x1xf32>
      %sub3A_82 = vector.broadcast %broadcast_in_dim3A_81 : vector<512x1xf32> to vector<512x512xf32>
      %sub3A_83 = arith.subf %select_n3A_78, %sub3A_82 : vector<512x512xf32>
      %exp3A_84 = math.exp %sub3A_83 : vector<512x512xf32>
      %get3A_85 = arith.constant 0 : index
      %get3A_86 = arith.constant 1024 : index
      %get3A_87 = arith.constant 0 : index
      %get3A_88 = vector.load %arg4[%get3A_85, %get3A_86, %get3A_87] : memref<1x2048x64xf32, #tpu.memory_space<vmem>>, vector<1x512x64xf32>
      %get3A_89 = vector.shape_cast %get3A_88 : vector<1x512x64xf32> to vector<512x64xf32>
      %dot_general3A_90 = arith.constant dense<0.000000e+00> : vector<512x64xf32>
      %dot_general3A_91 = tpu.matmul %exp3A_84, %get3A_89, %dot_general3A_90 {dimension_numbers = #tpu.dot_dimension_numbers<[1], [0], [0], [1], [0, 0, 1, 1], [], []>, transpose_lhs_hint = false} : vector<512x512xf32>, vector<512x64xf32>, vector<512x64xf32> -> vector<512x64xf32>
      %reduce_sum3A_92 = arith.constant dense<0.000000e+00> : vector<512xf32>
      %reduce_sum3A_93 = vector.multi_reduction <add>, %exp3A_84, %reduce_sum3A_92 [1] : vector<512x512xf32> to vector<512xf32>
      %broadcast_in_dim3A_94 = vector.shape_cast %reduce_sum3A_93 : vector<512xf32> to vector<512x1xf32>
      %get3A_95 = arith.constant 0 : index
      %get3A_96 = arith.constant 0 : index
      %get3A_97 = vector.load %arg8[%get3A_95, %get3A_96] : memref<512x128xf32, #tpu.memory_space<vmem>>, vector<512x1xf32>
      %max3A = arith.maximumf %get3A_97, %broadcast_in_dim3A_81 : vector<512x1xf32>
      %sub3A_98 = arith.subf %get3A_97, %max3A : vector<512x1xf32>
      %exp3A_99 = math.exp %sub3A_98 : vector<512x1xf32>
      %sub3A_100 = arith.subf %broadcast_in_dim3A_81, %max3A : vector<512x1xf32>
      %exp3A_101 = math.exp %sub3A_100 : vector<512x1xf32>
      %get3A_102 = arith.constant 0 : index
      %get3A_103 = arith.constant 0 : index
      %get3A_104 = vector.load %arg6[%get3A_102, %get3A_103] : memref<512x64xf32, #tpu.memory_space<vmem>>, vector<512x64xf32>
      %mul3A_105 = vector.broadcast %exp3A_99 : vector<512x1xf32> to vector<512x64xf32>
      %mul3A_106 = arith.mulf %get3A_104, %mul3A_105 : vector<512x64xf32>
      %mul3A_107 = vector.broadcast %exp3A_101 : vector<512x1xf32> to vector<512x64xf32>
      %mul3A_108 = arith.mulf %dot_general3A_91, %mul3A_107 : vector<512x64xf32>
      %add3A_109 = arith.addf %mul3A_106, %mul3A_108 : vector<512x64xf32>
      %swap3A_110 = arith.constant 0 : index
      %swap3A_111 = arith.constant 0 : index
      %swap3A_112 = vector.load %arg6[%swap3A_110, %swap3A_111] : memref<512x64xf32, #tpu.memory_space<vmem>>, vector<512x64xf32>
      tpu.vector_store %arg6[%swap3A_110, %swap3A_111], %add3A_109 {strides = array<i32>} : memref<512x64xf32, #tpu.memory_space<vmem>>, vector<512x64xf32>,
      %get3A_113 = arith.constant 0 : index
      %get3A_114 = arith.constant 0 : index
      %get3A_115 = vector.load %arg7[%get3A_113, %get3A_114] : memref<512x128xf32, #tpu.memory_space<vmem>>, vector<512x1xf32>
      %mul3A_116 = arith.mulf %get3A_115, %exp3A_99 : vector<512x1xf32>
      %mul3A_117 = arith.mulf %broadcast_in_dim3A_94, %exp3A_101 : vector<512x1xf32>
      %add3A_118 = arith.addf %mul3A_116, %mul3A_117 : vector<512x1xf32>
      %swap3A_119 = arith.constant 0 : index
      %swap3A_120 = arith.constant 0 : index
      %swap3A_121 = vector.load %arg7[%swap3A_119, %swap3A_120] : memref<512x128xf32, #tpu.memory_space<vmem>>, vector<512x1xf32>
      tpu.vector_store %arg7[%swap3A_119, %swap3A_120], %add3A_118 {strides = array<i32>} : memref<512x128xf32, #tpu.memory_space<vmem>>, vector<512x1xf32>,
      %swap3A_122 = arith.constant 0 : index
      %swap3A_123 = arith.constant 0 : index
      %swap3A_124 = vector.load %arg8[%swap3A_122, %swap3A_123] : memref<512x128xf32, #tpu.memory_space<vmem>>, vector<512x1xf32>
      tpu.vector_store %arg8[%swap3A_122, %swap3A_123], %max3A {strides = array<i32>} : memref<512x128xf32, #tpu.memory_space<vmem>>, vector<512x1xf32>,
    } else {
    }
    %ge3A_46 = arith.constant 3 : i32
    %ge3A_47 = arith.cmpi sge, %arg1, %ge3A_46 : i32
    %convert_element_type3A_48 = arith.extui %ge3A_47 : i1 to i32
    %cond3A_49 = arith.constant 0 : i32
    %cond3A_50 = arith.cmpi ne, %convert_element_type3A_48, %cond3A_49 : i32
    scf.if %cond3A_50 {
      %get3A_64 = arith.constant 0 : index
      %get3A_65 = arith.constant 1536 : index
      %get3A_66 = arith.constant 0 : index
      %get3A_67 = vector.load %arg3[%get3A_64, %get3A_65, %get3A_66] : memref<1x2048x64xf32, #tpu.memory_space<vmem>>, vector<1x512x64xf32>
      %get3A_68 = vector.shape_cast %get3A_67 : vector<1x512x64xf32> to vector<512x64xf32>
      %dot_general3A_69 = arith.constant dense<0.000000e+00> : vector<512x512xf32>
      %dot_general3A_70 = tpu.matmul %mul3A_5, %get3A_68, %dot_general3A_69 {dimension_numbers = #tpu.dot_dimension_numbers<[1], [1], [0], [0], [0, 0, 1, 0], [], []>, transpose_lhs_hint = false} : vector<512x64xf32>, vector<512x64xf32>, vector<512x512xf32> -> vector<512x512xf32>
      %iota3A_71 = tpu.iota {dimensions = array<i32: 1>} : vector<512x512xi32>
      %add3A_72 = arith.constant 1536 : i32
      %add3A_73 = vector.broadcast %add3A_72 : i32 to vector<512x512xi32>
      %add3A_74 = arith.addi %add3A_73, %iota3A_71 : vector<512x512xi32>
      %le3A_75 = arith.cmpi sle, %add3A_74, %add3A_8 : vector<512x512xi32>
      %jit3A_76 = arith.constant -1.000000e+30 : f32
      %broadcast_in_dim3A_77 = vector.broadcast %jit3A_76 : f32 to vector<512x512xf32>
      %select_n3A_78 = arith.select %le3A_75, %dot_general3A_70, %broadcast_in_dim3A_77 : vector<512x512xi1>, vector<512x512xf32>
      %reduce_max3A_79 = arith.constant dense<0xFF800000> : vector<512xf32>
      %reduce_max3A_80 = vector.multi_reduction <maximumf>, %select_n3A_78, %reduce_max3A_79 [1] : vector<512x512xf32> to vector<512xf32>
      %broadcast_in_dim3A_81 = vector.shape_cast %reduce_max3A_80 : vector<512xf32> to vector<512x1xf32>
      %sub3A_82 = vector.broadcast %broadcast_in_dim3A_81 : vector<512x1xf32> to vector<512x512xf32>
      %sub3A_83 = arith.subf %select_n3A_78, %sub3A_82 : vector<512x512xf32>
      %exp3A_84 = math.exp %sub3A_83 : vector<512x512xf32>
      %get3A_85 = arith.constant 0 : index
      %get3A_86 = arith.constant 1536 : index
      %get3A_87 = arith.constant 0 : index
      %get3A_88 = vector.load %arg4[%get3A_85, %get3A_86, %get3A_87] : memref<1x2048x64xf32, #tpu.memory_space<vmem>>, vector<1x512x64xf32>
      %get3A_89 = vector.shape_cast %get3A_88 : vector<1x512x64xf32> to vector<512x64xf32>
      %dot_general3A_90 = arith.constant dense<0.000000e+00> : vector<512x64xf32>
      %dot_general3A_91 = tpu.matmul %exp3A_84, %get3A_89, %dot_general3A_90 {dimension_numbers = #tpu.dot_dimension_numbers<[1], [0], [0], [1], [0, 0, 1, 1], [], []>, transpose_lhs_hint = false} : vector<512x512xf32>, vector<512x64xf32>, vector<512x64xf32> -> vector<512x64xf32>
      %reduce_sum3A_92 = arith.constant dense<0.000000e+00> : vector<512xf32>
      %reduce_sum3A_93 = vector.multi_reduction <add>, %exp3A_84, %reduce_sum3A_92 [1] : vector<512x512xf32> to vector<512xf32>
      %broadcast_in_dim3A_94 = vector.shape_cast %reduce_sum3A_93 : vector<512xf32> to vector<512x1xf32>
      %get3A_95 = arith.constant 0 : index
      %get3A_96 = arith.constant 0 : index
      %get3A_97 = vector.load %arg8[%get3A_95, %get3A_96] : memref<512x128xf32, #tpu.memory_space<vmem>>, vector<512x1xf32>
      %max3A = arith.maximumf %get3A_97, %broadcast_in_dim3A_81 : vector<512x1xf32>
      %sub3A_98 = arith.subf %get3A_97, %max3A : vector<512x1xf32>
      %exp3A_99 = math.exp %sub3A_98 : vector<512x1xf32>
      %sub3A_100 = arith.subf %broadcast_in_dim3A_81, %max3A : vector<512x1xf32>
      %exp3A_101 = math.exp %sub3A_100 : vector<512x1xf32>
      %get3A_102 = arith.constant 0 : index
      %get3A_103 = arith.constant 0 : index
      %get3A_104 = vector.load %arg6[%get3A_102, %get3A_103] : memref<512x64xf32, #tpu.memory_space<vmem>>, vector<512x64xf32>
      %mul3A_105 = vector.broadcast %exp3A_99 : vector<512x1xf32> to vector<512x64xf32>
      %mul3A_106 = arith.mulf %get3A_104, %mul3A_105 : vector<512x64xf32>
      %mul3A_107 = vector.broadcast %exp3A_101 : vector<512x1xf32> to vector<512x64xf32>
      %mul3A_108 = arith.mulf %dot_general3A_91, %mul3A_107 : vector<512x64xf32>
      %add3A_109 = arith.addf %mul3A_106, %mul3A_108 : vector<512x64xf32>
      %swap3A_110 = arith.constant 0 : index
      %swap3A_111 = arith.constant 0 : index
      %swap3A_112 = vector.load %arg6[%swap3A_110, %swap3A_111] : memref<512x64xf32, #tpu.memory_space<vmem>>, vector<512x64xf32>
      tpu.vector_store %arg6[%swap3A_110, %swap3A_111], %add3A_109 {strides = array<i32>} : memref<512x64xf32, #tpu.memory_space<vmem>>, vector<512x64xf32>,
      %get3A_113 = arith.constant 0 : index
      %get3A_114 = arith.constant 0 : index
      %get3A_115 = vector.load %arg7[%get3A_113, %get3A_114] : memref<512x128xf32, #tpu.memory_space<vmem>>, vector<512x1xf32>
      %mul3A_116 = arith.mulf %get3A_115, %exp3A_99 : vector<512x1xf32>
      %mul3A_117 = arith.mulf %broadcast_in_dim3A_94, %exp3A_101 : vector<512x1xf32>
      %add3A_118 = arith.addf %mul3A_116, %mul3A_117 : vector<512x1xf32>
      %swap3A_119 = arith.constant 0 : index
      %swap3A_120 = arith.constant 0 : index
      %swap3A_121 = vector.load %arg7[%swap3A_119, %swap3A_120] : memref<512x128xf32, #tpu.memory_space<vmem>>, vector<512x1xf32>
      tpu.vector_store %arg7[%swap3A_119, %swap3A_120], %add3A_118 {strides = array<i32>} : memref<512x128xf32, #tpu.memory_space<vmem>>, vector<512x1xf32>,
      %swap3A_122 = arith.constant 0 : index
      %swap3A_123 = arith.constant 0 : index
      %swap3A_124 = vector.load %arg8[%swap3A_122, %swap3A_123] : memref<512x128xf32, #tpu.memory_space<vmem>>, vector<512x1xf32>
      tpu.vector_store %arg8[%swap3A_122, %swap3A_123], %max3A {strides = array<i32>} : memref<512x128xf32, #tpu.memory_space<vmem>>, vector<512x1xf32>,
    } else {
    }
    %get3A_51 = arith.constant 0 : index
    %get3A_52 = arith.constant 0 : index
    %get3A_53 = vector.load %arg6[%get3A_51, %get3A_52] : memref<512x64xf32, #tpu.memory_space<vmem>>, vector<512x64xf32>
    %get3A_54 = arith.constant 0 : index
    %get3A_55 = arith.constant 0 : index
    %get3A_56 = vector.load %arg7[%get3A_54, %get3A_55] : memref<512x128xf32, #tpu.memory_space<vmem>>, vector<512x1xf32>
    %div3A = vector.broadcast %get3A_56 : vector<512x1xf32> to vector<512x64xf32>
    %div3A_57 = arith.divf %get3A_53, %div3A : vector<512x64xf32>
    %swap3A_58 = arith.constant 0 : index
    %swap3A_59 = arith.constant 0 : index
    %swap3A_60 = arith.constant 0 : index
    %swap3A_61 = vector.load %arg5[%swap3A_58, %swap3A_59, %swap3A_60] : memref<1x512x64xf32, #tpu.memory_space<vmem>>, vector<1x512x64xf32>
    %swap3A_62 = vector.shape_cast %swap3A_61 : vector<1x512x64xf32> to vector<512x64xf32>
    %swap3A_63 = vector.shape_cast %div3A_57 : vector<512x64xf32> to vector<1x512x64xf32>
    tpu.vector_store %arg5[%swap3A_58, %swap3A_59, %swap3A_60], %swap3A_63 {strides = array<i32>} : memref<1x512x64xf32, #tpu.memory_space<vmem>>, vector<1x512x64xf32>,
    return
  }
  func.func @transform_0(%arg0: i32, %arg1: i32) -> (i32, i32, i32) {
    %c0_i32 = arith.constant 0 : i32
    %c0_i32_0 = arith.constant 0 : i32
    return %arg0, %arg1, %c0_i32 : i32, i32, i32
  }
  func.func @transform_1(%arg0: i32, %arg1: i32) -> (i32, i32, i32) {
    %jit3A = arith.constant 3 : i32
    %div3A = arith.divsi %arg0, %jit3A : i32
    %sign3A = arith.constant 0 : i32
    %sign3A_0 = arith.cmpi sgt, %arg0, %sign3A : i32
    %sign3A_1 = arith.extui %sign3A_0 : i1 to i32
    %sign3A_2 = arith.constant 0 : i32
    %sign3A_3 = arith.cmpi slt, %arg0, %sign3A_2 : i32
    %sign3A_4 = arith.extui %sign3A_3 : i1 to i32
    %sign3A_5 = arith.subi %sign3A_1, %sign3A_4 : i32
    %sign3A_6 = arith.constant 0 : i32
    %sign3A_7 = arith.cmpi sgt, %jit3A, %sign3A_6 : i32
    %sign3A_8 = arith.extui %sign3A_7 : i1 to i32
    %sign3A_9 = arith.constant 0 : i32
    %sign3A_10 = arith.cmpi slt, %jit3A, %sign3A_9 : i32
    %sign3A_11 = arith.extui %sign3A_10 : i1 to i32
    %sign3A_12 = arith.subi %sign3A_8, %sign3A_11 : i32
    %ne3A = arith.cmpi ne, %sign3A_5, %sign3A_12 : i32
    %rem3A = arith.remsi %arg0, %jit3A : i32
    %ne3A_13 = arith.constant 0 : i32
    %ne3A_14 = arith.cmpi ne, %rem3A, %ne3A_13 : i32
    %and3A = arith.andi %ne3A, %ne3A_14 : i1
    %sub3A = arith.constant 1 : i32
    %sub3A_15 = arith.subi %div3A, %sub3A : i32
    %select_n3A = arith.select %and3A, %sub3A_15, %div3A : i32
    %c0_i32 = arith.constant 0 : i32
    %c0_i32_16 = arith.constant 0 : i32
    %c0_i32_17 = arith.constant 0 : i32
    return %select_n3A, %c0_i32, %c0_i32_16 : i32, i32, i32
  }
  func.func @transform_2(%arg0: i32, %arg1: i32) -> (i32, i32, i32) {
    %jit3A = arith.constant 3 : i32
    %div3A = arith.divsi %arg0, %jit3A : i32
    %sign3A = arith.constant 0 : i32
    %sign3A_0 = arith.cmpi sgt, %arg0, %sign3A : i32
    %sign3A_1 = arith.extui %sign3A_0 : i1 to i32
    %sign3A_2 = arith.constant 0 : i32
    %sign3A_3 = arith.cmpi slt, %arg0, %sign3A_2 : i32
    %sign3A_4 = arith.extui %sign3A_3 : i1 to i32
    %sign3A_5 = arith.subi %sign3A_1, %sign3A_4 : i32
    %sign3A_6 = arith.constant 0 : i32
    %sign3A_7 = arith.cmpi sgt, %jit3A, %sign3A_6 : i32
    %sign3A_8 = arith.extui %sign3A_7 : i1 to i32
    %sign3A_9 = arith.constant 0 : i32
    %sign3A_10 = arith.cmpi slt, %jit3A, %sign3A_9 : i32
    %sign3A_11 = arith.extui %sign3A_10 : i1 to i32
    %sign3A_12 = arith.subi %sign3A_8, %sign3A_11 : i32
    %ne3A = arith.cmpi ne, %sign3A_5, %sign3A_12 : i32
    %rem3A = arith.remsi %arg0, %jit3A : i32
    %ne3A_13 = arith.constant 0 : i32
    %ne3A_14 = arith.cmpi ne, %rem3A, %ne3A_13 : i32
    %and3A = arith.andi %ne3A, %ne3A_14 : i1
    %sub3A = arith.constant 1 : i32
    %sub3A_15 = arith.subi %div3A, %sub3A : i32
    %select_n3A = arith.select %and3A, %sub3A_15, %div3A : i32
    %c0_i32 = arith.constant 0 : i32
    %c0_i32_16 = arith.constant 0 : i32
    %c0_i32_17 = arith.constant 0 : i32
    return %select_n3A, %c0_i32, %c0_i32_16 : i32, i32, i32
  }
  func.func @transform_3(%arg0: i32, %arg1: i32) -> (i32, i32, i32) {
    %c0_i32 = arith.constant 0 : i32
    %c0_i32_0 = arith.constant 0 : i32
    return %arg0, %arg1, %c0_i32 : i32, i32, i32
  }
}

module attributes {stable_mosaic.version = 14 : i64} {
  func.func @_k3_body(%arg0: i32, %arg1: memref<256x768xf32, #tpu.memory_space<vmem>>, %arg2: memref<256x768xf32, #tpu.memory_space<vmem>>, %arg3: memref<768x768xf32, #tpu.memory_space<vmem>>, %arg4: memref<1x768xf32, #tpu.memory_space<vmem>>, %arg5: memref<768x128xf32, #tpu.memory_space<vmem>>, %arg6: memref<256x768xf32, #tpu.memory_space<vmem>>, %arg7: memref<256x768xf32, #tpu.memory_space<vmem>>, %arg8: memref<256x128xf32, #tpu.memory_space<vmem>>) attributes {dimension_semantics = [#tpu.dimension_semantics<arbitrary>], iteration_bounds = array<i64: 8>, scalar_prefetch = 0 : i64, scratch_operands = 0 : i64, tpu.core_type = #tpu.core_type<tc>, window_params = [{transform_indices = @transform_0, window_bounds = array<i64: 256, 768>}, {transform_indices = @transform_1, window_bounds = array<i64: 256, 768>}, {pipeline_mode = #tpu.pipeline_mode<synchronous>, transform_indices = @transform_2, window_bounds = array<i64: 768, 768>}, {pipeline_mode = #tpu.pipeline_mode<synchronous>, transform_indices = @transform_3, window_bounds = array<i64: 1, 768>}, {pipeline_mode = #tpu.pipeline_mode<synchronous>, transform_indices = @transform_4, window_bounds = array<i64: 768, 128>}, {transform_indices = @transform_5, window_bounds = array<i64: 256, 768>}, {transform_indices = @transform_6, window_bounds = array<i64: 256, 768>}, {transform_indices = @transform_7, window_bounds = array<i64: 256, 128>}]} {
    %get3A = arith.constant 0 : index
    %get3A_0 = arith.constant 0 : index
    %get3A_1 = vector.load %arg1[%get3A, %get3A_0] : memref<256x768xf32, #tpu.memory_space<vmem>>, vector<256x768xf32>
    %get3A_2 = arith.constant 0 : index
    %get3A_3 = arith.constant 0 : index
    %get3A_4 = vector.load %arg3[%get3A_2, %get3A_3] : memref<768x768xf32, #tpu.memory_space<vmem>>, vector<768x768xf32>
    %dot_general3A = arith.constant dense<0.000000e+00> : vector<256x768xf32>
    %dot_general3A_5 = tpu.matmul %get3A_1, %get3A_4, %dot_general3A {dimension_numbers = #tpu.dot_dimension_numbers<[1], [0], [0], [1], [0, 0, 1, 1], [], []>, transpose_lhs_hint = false} : vector<256x768xf32>, vector<768x768xf32>, vector<256x768xf32> -> vector<256x768xf32>
    %get3A_6 = arith.constant 0 : index
    %get3A_7 = arith.constant 0 : index
    %get3A_8 = vector.load %arg2[%get3A_6, %get3A_7] : memref<256x768xf32, #tpu.memory_space<vmem>>, vector<256x768xf32>
    %add3A = arith.addf %dot_general3A_5, %get3A_8 : vector<256x768xf32>
    %swap3A = arith.constant 0 : index
    %swap3A_9 = arith.constant 0 : index
    %swap3A_10 = vector.load %arg6[%swap3A, %swap3A_9] : memref<256x768xf32, #tpu.memory_space<vmem>>, vector<256x768xf32>
    tpu.vector_store %arg6[%swap3A, %swap3A_9], %add3A {strides = array<i32>} : memref<256x768xf32, #tpu.memory_space<vmem>>, vector<256x768xf32>,
    %get3A_11 = arith.constant 0 : index
    %get3A_12 = arith.constant 0 : index
    %get3A_13 = vector.load %arg4[%get3A_11, %get3A_12] : memref<1x768xf32, #tpu.memory_space<vmem>>, vector<1x768xf32>
    %reduce_sum3A = arith.constant dense<0.000000e+00> : vector<256xf32>
    %reduce_sum3A_14 = vector.multi_reduction <add>, %add3A, %reduce_sum3A [1] : vector<256x768xf32> to vector<256xf32>
    %broadcast_in_dim3A = vector.shape_cast %reduce_sum3A_14 : vector<256xf32> to vector<256x1xf32>
    %div3A = arith.constant 7.680000e+02 : f32
    %div3A_15 = vector.broadcast %div3A : f32 to vector<256x1xf32>
    %div3A_16 = arith.divf %broadcast_in_dim3A, %div3A_15 : vector<256x1xf32>
    %sub3A = vector.broadcast %div3A_16 : vector<256x1xf32> to vector<256x768xf32>
    %sub3A_17 = arith.subf %add3A, %sub3A : vector<256x768xf32>
    %integer_pow3A = arith.mulf %sub3A_17, %sub3A_17 : vector<256x768xf32>
    %reduce_sum3A_18 = arith.constant dense<0.000000e+00> : vector<256xf32>
    %reduce_sum3A_19 = vector.multi_reduction <add>, %integer_pow3A, %reduce_sum3A_18 [1] : vector<256x768xf32> to vector<256xf32>
    %broadcast_in_dim3A_20 = vector.shape_cast %reduce_sum3A_19 : vector<256xf32> to vector<256x1xf32>
    %div3A_21 = arith.constant 7.680000e+02 : f32
    %div3A_22 = vector.broadcast %div3A_21 : f32 to vector<256x1xf32>
    %div3A_23 = arith.divf %broadcast_in_dim3A_20, %div3A_22 : vector<256x1xf32>
    %sub3A_24 = vector.broadcast %div3A_16 : vector<256x1xf32> to vector<256x768xf32>
    %sub3A_25 = arith.subf %add3A, %sub3A_24 : vector<256x768xf32>
    %add3A_26 = arith.constant 9.99999974E-6 : f32
    %add3A_27 = vector.broadcast %add3A_26 : f32 to vector<256x1xf32>
    %add3A_28 = arith.addf %div3A_23, %add3A_27 : vector<256x1xf32>
    %rsqrt3A = math.rsqrt %add3A_28 : vector<256x1xf32>
    %mul3A = vector.broadcast %rsqrt3A : vector<256x1xf32> to vector<256x768xf32>
    %mul3A_29 = arith.mulf %sub3A_25, %mul3A : vector<256x768xf32>
    %mul3A_30 = vector.broadcast %get3A_13 : vector<1x768xf32> to vector<256x768xf32>
    %mul3A_31 = arith.mulf %mul3A_29, %mul3A_30 : vector<256x768xf32>
    %swap3A_32 = arith.constant 0 : index
    %swap3A_33 = arith.constant 0 : index
    %swap3A_34 = vector.load %arg7[%swap3A_32, %swap3A_33] : memref<256x768xf32, #tpu.memory_space<vmem>>, vector<256x768xf32>
    tpu.vector_store %arg7[%swap3A_32, %swap3A_33], %mul3A_31 {strides = array<i32>} : memref<256x768xf32, #tpu.memory_space<vmem>>, vector<256x768xf32>,
    %get3A_35 = arith.constant 0 : index
    %get3A_36 = arith.constant 0 : index
    %get3A_37 = vector.load %arg5[%get3A_35, %get3A_36] : memref<768x128xf32, #tpu.memory_space<vmem>>, vector<768x128xf32>
    %dot_general3A_38 = arith.constant dense<0.000000e+00> : vector<256x128xf32>
    %dot_general3A_39 = tpu.matmul %mul3A_31, %get3A_37, %dot_general3A_38 {dimension_numbers = #tpu.dot_dimension_numbers<[1], [0], [0], [1], [0, 0, 1, 1], [], []>, transpose_lhs_hint = false} : vector<256x768xf32>, vector<768x128xf32>, vector<256x128xf32> -> vector<256x128xf32>
    %iota3A = tpu.iota {dimensions = array<i32: 1>} : vector<256x128xi32>
    %lt3A = arith.constant 8 : i32
    %lt3A_40 = vector.broadcast %lt3A : i32 to vector<256x128xi32>
    %lt3A_41 = arith.cmpi slt, %iota3A, %lt3A_40 : vector<256x128xi32>
    %jit3A = arith.constant -1.000000e+30 : f32
    %broadcast_in_dim3A_42 = vector.broadcast %jit3A : f32 to vector<256x128xf32>
    %select_n3A = arith.select %lt3A_41, %dot_general3A_39, %broadcast_in_dim3A_42 : vector<256x128xi1>, vector<256x128xf32>
    %reduce_max3A = arith.constant dense<0xFF800000> : vector<256xf32>
    %reduce_max3A_43 = vector.multi_reduction <maximumf>, %select_n3A, %reduce_max3A [1] : vector<256x128xf32> to vector<256xf32>
    %broadcast_in_dim3A_44 = vector.shape_cast %reduce_max3A_43 : vector<256xf32> to vector<256x1xf32>
    %eq3A = vector.broadcast %broadcast_in_dim3A_44 : vector<256x1xf32> to vector<256x128xf32>
    %eq3A_45 = arith.cmpf oeq, %select_n3A, %eq3A : vector<256x128xf32>
    %jit3A_46 = arith.constant 127 : i32
    %broadcast_in_dim3A_47 = vector.broadcast %jit3A_46 : i32 to vector<256x128xi32>
    %select_n3A_48 = arith.select %eq3A_45, %iota3A, %broadcast_in_dim3A_47 : vector<256x128xi1>, vector<256x128xi32>
    %reduce_min3A = arith.constant dense<2147483647> : vector<256xi32>
    %reduce_min3A_49 = vector.multi_reduction <minsi>, %select_n3A_48, %reduce_min3A [1] : vector<256x128xi32> to vector<256xi32>
    %broadcast_in_dim3A_50 = vector.shape_cast %reduce_min3A_49 : vector<256xi32> to vector<256x1xi32>
    %eq3A_51 = vector.broadcast %broadcast_in_dim3A_50 : vector<256x1xi32> to vector<256x128xi32>
    %eq3A_52 = arith.cmpi eq, %iota3A, %eq3A_51 : vector<256x128xi32>
    %jit3A_53 = arith.constant -1.000000e+30 : f32
    %broadcast_in_dim3A_54 = vector.broadcast %jit3A_53 : f32 to vector<256x128xf32>
    %select_n3A_55 = arith.select %eq3A_52, %broadcast_in_dim3A_54, %select_n3A : vector<256x128xi1>, vector<256x128xf32>
    %reduce_max3A_56 = arith.constant dense<0xFF800000> : vector<256xf32>
    %reduce_max3A_57 = vector.multi_reduction <maximumf>, %select_n3A_55, %reduce_max3A_56 [1] : vector<256x128xf32> to vector<256xf32>
    %broadcast_in_dim3A_58 = vector.shape_cast %reduce_max3A_57 : vector<256xf32> to vector<256x1xf32>
    %eq3A_59 = vector.broadcast %broadcast_in_dim3A_58 : vector<256x1xf32> to vector<256x128xf32>
    %eq3A_60 = arith.cmpf oeq, %select_n3A_55, %eq3A_59 : vector<256x128xf32>
    %jit3A_61 = arith.constant 127 : i32
    %broadcast_in_dim3A_62 = vector.broadcast %jit3A_61 : i32 to vector<256x128xi32>
    %select_n3A_63 = arith.select %eq3A_60, %iota3A, %broadcast_in_dim3A_62 : vector<256x128xi1>, vector<256x128xi32>
    %reduce_min3A_64 = arith.constant dense<2147483647> : vector<256xi32>
    %reduce_min3A_65 = vector.multi_reduction <minsi>, %select_n3A_63, %reduce_min3A_64 [1] : vector<256x128xi32> to vector<256xi32>
    %broadcast_in_dim3A_66 = vector.shape_cast %reduce_min3A_65 : vector<256xi32> to vector<256x1xi32>
    %sub3A_67 = arith.subf %broadcast_in_dim3A_44, %broadcast_in_dim3A_58 : vector<256x1xf32>
    %logistic3A = arith.negf %sub3A_67 : vector<256x1xf32>
    %logistic3A_68 = math.exp %logistic3A : vector<256x1xf32>
    %logistic3A_69 = arith.constant 1.000000e+00 : f32
    %logistic3A_70 = vector.broadcast %logistic3A_69 : f32 to vector<256x1xf32>
    %logistic3A_71 = arith.addf %logistic3A_70, %logistic3A_68 : vector<256x1xf32>
    %logistic3A_72 = arith.divf %logistic3A_70, %logistic3A_71 : vector<256x1xf32>
    %sub3A_73 = arith.constant 1.000000e+00 : f32
    %sub3A_74 = vector.broadcast %sub3A_73 : f32 to vector<256x1xf32>
    %sub3A_75 = arith.subf %sub3A_74, %logistic3A_72 : vector<256x1xf32>
    %eq3A_76 = arith.constant 0 : i32
    %eq3A_77 = vector.broadcast %eq3A_76 : i32 to vector<256x128xi32>
    %eq3A_78 = arith.cmpi eq, %iota3A, %eq3A_77 : vector<256x128xi32>
    %jit3A_79 = arith.constant 0.000000e+00 : f32
    %broadcast_in_dim3A_80 = vector.shape_cast %logistic3A_72 : vector<256x1xf32> to vector<256x1xf32>
    %broadcast_in_dim3A_81 = vector.broadcast %broadcast_in_dim3A_80 : vector<256x1xf32> to vector<256x128xf32>
    %broadcast_in_dim3A_82 = vector.broadcast %jit3A_79 : f32 to vector<256x128xf32>
    %select_n3A_83 = arith.select %eq3A_78, %broadcast_in_dim3A_81, %broadcast_in_dim3A_82 : vector<256x128xi1>, vector<256x128xf32>
    %eq3A_84 = arith.constant 1 : i32
    %eq3A_85 = vector.broadcast %eq3A_84 : i32 to vector<256x128xi32>
    %eq3A_86 = arith.cmpi eq, %iota3A, %eq3A_85 : vector<256x128xi32>
    %broadcast_in_dim3A_87 = vector.shape_cast %sub3A_75 : vector<256x1xf32> to vector<256x1xf32>
    %broadcast_in_dim3A_88 = vector.broadcast %broadcast_in_dim3A_87 : vector<256x1xf32> to vector<256x128xf32>
    %select_n3A_89 = arith.select %eq3A_86, %broadcast_in_dim3A_88, %select_n3A_83 : vector<256x128xi1>, vector<256x128xf32>
    %eq3A_90 = arith.constant 2 : i32
    %eq3A_91 = vector.broadcast %eq3A_90 : i32 to vector<256x128xi32>
    %eq3A_92 = arith.cmpi eq, %iota3A, %eq3A_91 : vector<256x128xi32>
    %convert_element_type3A = arith.sitofp %broadcast_in_dim3A_50 : vector<256x1xi32> to vector<256x1xf32>
    %broadcast_in_dim3A_93 = vector.shape_cast %convert_element_type3A : vector<256x1xf32> to vector<256x1xf32>
    %broadcast_in_dim3A_94 = vector.broadcast %broadcast_in_dim3A_93 : vector<256x1xf32> to vector<256x128xf32>
    %select_n3A_95 = arith.select %eq3A_92, %broadcast_in_dim3A_94, %select_n3A_89 : vector<256x128xi1>, vector<256x128xf32>
    %eq3A_96 = arith.constant 3 : i32
    %eq3A_97 = vector.broadcast %eq3A_96 : i32 to vector<256x128xi32>
    %eq3A_98 = arith.cmpi eq, %iota3A, %eq3A_97 : vector<256x128xi32>
    %convert_element_type3A_99 = arith.sitofp %broadcast_in_dim3A_66 : vector<256x1xi32> to vector<256x1xf32>
    %broadcast_in_dim3A_100 = vector.shape_cast %convert_element_type3A_99 : vector<256x1xf32> to vector<256x1xf32>
    %broadcast_in_dim3A_101 = vector.broadcast %broadcast_in_dim3A_100 : vector<256x1xf32> to vector<256x128xf32>
    %select_n3A_102 = arith.select %eq3A_98, %broadcast_in_dim3A_101, %select_n3A_95 : vector<256x128xi1>, vector<256x128xf32>
    %swap3A_103 = arith.constant 0 : index
    %swap3A_104 = arith.constant 0 : index
    %swap3A_105 = vector.load %arg8[%swap3A_103, %swap3A_104] : memref<256x128xf32, #tpu.memory_space<vmem>>, vector<256x128xf32>
    tpu.vector_store %arg8[%swap3A_103, %swap3A_104], %select_n3A_102 {strides = array<i32>} : memref<256x128xf32, #tpu.memory_space<vmem>>, vector<256x128xf32>,
    return
  }
  func.func @transform_0(%arg0: i32) -> (i32, i32) {
    %c0_i32 = arith.constant 0 : i32
    %c0_i32_0 = arith.constant 0 : i32
    return %arg0, %c0_i32 : i32, i32
  }
  func.func @transform_1(%arg0: i32) -> (i32, i32) {
    %c0_i32 = arith.constant 0 : i32
    %c0_i32_0 = arith.constant 0 : i32
    return %arg0, %c0_i32 : i32, i32
  }
  func.func @transform_2(%arg0: i32) -> (i32, i32) {
    %c0_i32 = arith.constant 0 : i32
    %c0_i32_0 = arith.constant 0 : i32
    %c0_i32_1 = arith.constant 0 : i32
    return %c0_i32, %c0_i32_0 : i32, i32
  }
  func.func @transform_3(%arg0: i32) -> (i32, i32) {
    %c0_i32 = arith.constant 0 : i32
    %c0_i32_0 = arith.constant 0 : i32
    %c0_i32_1 = arith.constant 0 : i32
    return %c0_i32, %c0_i32_0 : i32, i32
  }
  func.func @transform_4(%arg0: i32) -> (i32, i32) {
    %c0_i32 = arith.constant 0 : i32
    %c0_i32_0 = arith.constant 0 : i32
    %c0_i32_1 = arith.constant 0 : i32
    return %c0_i32, %c0_i32_0 : i32, i32
  }
  func.func @transform_5(%arg0: i32) -> (i32, i32) {
    %c0_i32 = arith.constant 0 : i32
    %c0_i32_0 = arith.constant 0 : i32
    return %arg0, %c0_i32 : i32, i32
  }
  func.func @transform_6(%arg0: i32) -> (i32, i32) {
    %c0_i32 = arith.constant 0 : i32
    %c0_i32_0 = arith.constant 0 : i32
    return %arg0, %c0_i32 : i32, i32
  }
  func.func @transform_7(%arg0: i32) -> (i32, i32) {
    %c0_i32 = arith.constant 0 : i32
    %c0_i32_0 = arith.constant 0 : i32
    return %arg0, %c0_i32 : i32, i32
  }
}

module attributes {stable_mosaic.version = 14 : i64} {
  func.func @_k4b_body(%arg0: i32, %arg1: memref<24xi32, #tpu.memory_space<smem>>, %arg2: memref<24xi32, #tpu.memory_space<smem>>, %arg3: memref<256x768xf32, #tpu.memory_space<vmem>>, %arg4: memref<1x1536x768xf32, #tpu.memory_space<vmem>>, %arg5: memref<1x1536x768xf32, #tpu.memory_space<vmem>>, %arg6: memref<1x768x1536xf32, #tpu.memory_space<vmem>>, %arg7: memref<256x128xf32, #tpu.memory_space<vmem>>, %arg8: memref<256x768xf32, #tpu.memory_space<vmem>>) attributes {dimension_semantics = [#tpu.dimension_semantics<arbitrary>], iteration_bounds = array<i64: 24>, scalar_prefetch = 2 : i64, scratch_operands = 0 : i64, tpu.core_type = #tpu.core_type<tc>, window_params = [{transform_indices = @transform_0, window_bounds = array<i64: 256, 768>}, {transform_indices = @transform_1, window_bounds = array<i64: 1, 1536, 768>}, {transform_indices = @transform_2, window_bounds = array<i64: 1, 1536, 768>}, {transform_indices = @transform_3, window_bounds = array<i64: 1, 768, 1536>}, {transform_indices = @transform_4, window_bounds = array<i64: 256, 128>}, {transform_indices = @transform_5, window_bounds = array<i64: 256, 768>}]} {
    %get3A = arith.index_cast %arg0 : i32 to index
    %get3A_0 = memref.load %arg2[%get3A] : memref<24xi32, #tpu.memory_space<smem>>
    %eq3A = arith.constant 1 : i32
    %eq3A_1 = arith.cmpi eq, %get3A_0, %eq3A : i32
    %convert_element_type3A = arith.extui %eq3A_1 : i1 to i32
    %cond3A = arith.constant 0 : i32
    %cond3A_2 = arith.cmpi ne, %convert_element_type3A, %cond3A : i32
    scf.if %cond3A_2 {
      %get3A_3 = arith.constant 0 : index
      %get3A_4 = arith.constant 0 : index
      %get3A_5 = vector.load %arg3[%get3A_3, %get3A_4] : memref<256x768xf32, #tpu.memory_space<vmem>>, vector<256x768xf32>
      %convert_element_type3A_6 = arith.truncf %get3A_5 : vector<256x768xf32> to vector<256x768xbf16>
      %get3A_7 = arith.constant 0 : index
      %get3A_8 = arith.constant 0 : index
      %get3A_9 = arith.constant 0 : index
      %get3A_10 = vector.load %arg4[%get3A_7, %get3A_8, %get3A_9] : memref<1x1536x768xf32, #tpu.memory_space<vmem>>, vector<1x1536x768xf32>
      %get3A_11 = vector.shape_cast %get3A_10 : vector<1x1536x768xf32> to vector<1536x768xf32>
      %dot_general3A = arith.constant dense<0.000000e+00> : vector<256x1536xf32>
      %dot_general3A_12 = tpu.matmul %convert_element_type3A_6, %get3A_11, %dot_general3A {dimension_numbers = #tpu.dot_dimension_numbers<[1], [1], [0], [0], [0, 0, 1, 0], [], []>, transpose_lhs_hint = false} : vector<256x768xbf16>, vector<1536x768xf32>, vector<256x1536xf32> -> vector<256x1536xf32>
      %get3A_13 = arith.constant 0 : index
      %get3A_14 = arith.constant 0 : index
      %get3A_15 = arith.constant 0 : index
      %get3A_16 = vector.load %arg5[%get3A_13, %get3A_14, %get3A_15] : memref<1x1536x768xf32, #tpu.memory_space<vmem>>, vector<1x1536x768xf32>
      %get3A_17 = vector.shape_cast %get3A_16 : vector<1x1536x768xf32> to vector<1536x768xf32>
      %dot_general3A_18 = arith.constant dense<0.000000e+00> : vector<256x1536xf32>
      %dot_general3A_19 = tpu.matmul %convert_element_type3A_6, %get3A_17, %dot_general3A_18 {dimension_numbers = #tpu.dot_dimension_numbers<[1], [1], [0], [0], [0, 0, 1, 0], [], []>, transpose_lhs_hint = false} : vector<256x768xbf16>, vector<1536x768xf32>, vector<256x1536xf32> -> vector<256x1536xf32>
      %logistic3A = arith.negf %dot_general3A_12 : vector<256x1536xf32>
      %logistic3A_20 = math.exp %logistic3A : vector<256x1536xf32>
      %logistic3A_21 = arith.constant 1.000000e+00 : f32
      %logistic3A_22 = vector.broadcast %logistic3A_21 : f32 to vector<256x1536xf32>
      %logistic3A_23 = arith.addf %logistic3A_22, %logistic3A_20 : vector<256x1536xf32>
      %logistic3A_24 = arith.divf %logistic3A_22, %logistic3A_23 : vector<256x1536xf32>
      %mul3A = arith.mulf %dot_general3A_12, %logistic3A_24 : vector<256x1536xf32>
      %mul3A_25 = arith.mulf %mul3A, %dot_general3A_19 : vector<256x1536xf32>
      %convert_element_type3A_26 = arith.truncf %mul3A_25 : vector<256x1536xf32> to vector<256x1536xbf16>
      %get3A_27 = arith.constant 0 : index
      %get3A_28 = arith.constant 0 : index
      %get3A_29 = arith.constant 0 : index
      %get3A_30 = vector.load %arg6[%get3A_27, %get3A_28, %get3A_29] : memref<1x768x1536xf32, #tpu.memory_space<vmem>>, vector<1x768x1536xf32>
      %get3A_31 = vector.shape_cast %get3A_30 : vector<1x768x1536xf32> to vector<768x1536xf32>
      %dot_general3A_32 = arith.constant dense<0.000000e+00> : vector<256x768xf32>
      %dot_general3A_33 = tpu.matmul %convert_element_type3A_26, %get3A_31, %dot_general3A_32 {dimension_numbers = #tpu.dot_dimension_numbers<[1], [1], [0], [0], [0, 0, 1, 0], [], []>, transpose_lhs_hint = false} : vector<256x1536xbf16>, vector<768x1536xf32>, vector<256x768xf32> -> vector<256x768xf32>
      %get3A_34 = arith.constant 0 : index
      %get3A_35 = arith.constant 0 : index
      %get3A_36 = vector.load %arg7[%get3A_34, %get3A_35] : memref<256x128xf32, #tpu.memory_space<vmem>>, vector<256x1xf32>
      %mul3A_37 = vector.broadcast %get3A_36 : vector<256x1xf32> to vector<256x768xf32>
      %mul3A_38 = arith.mulf %dot_general3A_33, %mul3A_37 : vector<256x768xf32>
      %swap3A = arith.constant 0 : index
      %swap3A_39 = arith.constant 0 : index
      %swap3A_40 = vector.load %arg8[%swap3A, %swap3A_39] : memref<256x768xf32, #tpu.memory_space<vmem>>, vector<256x768xf32>
      tpu.vector_store %arg8[%swap3A, %swap3A_39], %mul3A_38 {strides = array<i32>} : memref<256x768xf32, #tpu.memory_space<vmem>>, vector<256x768xf32>,
    } else {
    }
    return
  }
  func.func @transform_0(%arg0: i32, %arg1: memref<24xi32, #tpu.memory_space<smem>>, %arg2: memref<24xi32, #tpu.memory_space<smem>>) -> (i32, i32) {
    %c0_i32 = arith.constant 0 : i32
    %c0_i32_0 = arith.constant 0 : i32
    return %arg0, %c0_i32 : i32, i32
  }
  func.func @transform_1(%arg0: i32, %arg1: memref<24xi32, #tpu.memory_space<smem>>, %arg2: memref<24xi32, #tpu.memory_space<smem>>) -> (i32, i32, i32) {
    %get3A = arith.index_cast %arg0 : i32 to index
    %get3A_0 = memref.load %arg1[%get3A] : memref<24xi32, #tpu.memory_space<smem>>
    %c0_i32 = arith.constant 0 : i32
    %c0_i32_1 = arith.constant 0 : i32
    %c0_i32_2 = arith.constant 0 : i32
    return %get3A_0, %c0_i32, %c0_i32_1 : i32, i32, i32
  }
  func.func @transform_2(%arg0: i32, %arg1: memref<24xi32, #tpu.memory_space<smem>>, %arg2: memref<24xi32, #tpu.memory_space<smem>>) -> (i32, i32, i32) {
    %get3A = arith.index_cast %arg0 : i32 to index
    %get3A_0 = memref.load %arg1[%get3A] : memref<24xi32, #tpu.memory_space<smem>>
    %c0_i32 = arith.constant 0 : i32
    %c0_i32_1 = arith.constant 0 : i32
    %c0_i32_2 = arith.constant 0 : i32
    return %get3A_0, %c0_i32, %c0_i32_1 : i32, i32, i32
  }
  func.func @transform_3(%arg0: i32, %arg1: memref<24xi32, #tpu.memory_space<smem>>, %arg2: memref<24xi32, #tpu.memory_space<smem>>) -> (i32, i32, i32) {
    %get3A = arith.index_cast %arg0 : i32 to index
    %get3A_0 = memref.load %arg1[%get3A] : memref<24xi32, #tpu.memory_space<smem>>
    %c0_i32 = arith.constant 0 : i32
    %c0_i32_1 = arith.constant 0 : i32
    %c0_i32_2 = arith.constant 0 : i32
    return %get3A_0, %c0_i32, %c0_i32_1 : i32, i32, i32
  }
  func.func @transform_4(%arg0: i32, %arg1: memref<24xi32, #tpu.memory_space<smem>>, %arg2: memref<24xi32, #tpu.memory_space<smem>>) -> (i32, i32) {
    %c0_i32 = arith.constant 0 : i32
    %c0_i32_0 = arith.constant 0 : i32
    return %arg0, %c0_i32 : i32, i32
  }
  func.func @transform_5(%arg0: i32, %arg1: memref<24xi32, #tpu.memory_space<smem>>, %arg2: memref<24xi32, #tpu.memory_space<smem>>) -> (i32, i32) {
    %c0_i32 = arith.constant 0 : i32
    %c0_i32_0 = arith.constant 0 : i32
    return %arg0, %c0_i32 : i32, i32
  }
}

</mosaic_0001>

<sc_bundles>
// kernel: gather_offload_async_start.1
scs
__scs_entry_jumppad:
0x0: {  	(pc) =	sbr.rel $0x88, $3  }
0x1: {  	(tag) =	ssettag $0x0;
	lr =	simm.s32 $0x1  }
0x2: {  	[smem:$0x3F96] =	sst lr;
	_ =	strace $0xD0000000  }
0x3: {  	_ = 	snop  }
0x4: {  	_ = 	snop  }
0x5: {  	_ = 	snop  }
0x6: {  	_ = 	snop  }
0x7: {  	_ = 	snop  }
__scs_overlays_trampoline_lowered:
0x8: {  	[smem:$0x3FA5] =	sst s0  }
0x9: {  	[smem:$0x3FA6] =	sst s1  }
0xa: {  	[smem:$0x3FA7] =	sst s2  }
0xb: {  	[smem:$0x3FA8] =	sst s3  }
0xc: {  	[smem:$0x3FA9] =	sst s4  }
0xd: {  	[smem:$0x3FAA] =	sst s5  }
0xe: {  	[smem:$0x3FAB] =	sst s6  }
0xf: {  	[smem:$0x3FAC] =	sst s7  }
0x10: {  	[smem:$0x3FAD] =	sst s8  }
0x11: {  	[smem:$0x3FAE] =	sst s9;
	s0 =	simm.s32 @!p0 $0x0  }
0x12: {  	s1 =	sld [smem:$0x3F94];
	s0 =	simm.s32 @p0 $0x1  }
0x13: {  	[smem:$0x3FAF] =	sst s0;
	s0 =	simm.s32 @!p1 $0x0  }
0x14: {  	s2 =	sld [smem:$0x3F93];
	s0 =	simm.s32 @p1 $0x1  }
0x15: {  	[smem:$0x3FB0] =	sst s0;
	s0 =	simm.s32 @!p2 $0x0  }
0x16: {  	s3 =	sld [smem:$0x3FDB];
	s0 =	simm.s32 @p2 $0x1  }
0x17: {  	s4 =	simm.s32 $0x1BF5;
	[smem:$0x3FB2] =	sst s0  }
0x18: {  	s0 =	sld [smem:$0x3F95];
	_ =	swait.ge [sflag:s4], $0x0  }
0x19: {  	s7 =	sld [smem:$0x3F96]  }
0x1a: {  	s8 =	sadd.s32 $0xFFFFE003, lr  }
0x1b: {  	s9 =	sadd.s32 $0xFFFFFEF7, lr;
	s5 =	simm.s32 $0xFFFFFFFF;
	p2 =	slt.u32 s8, $0xFFFFF086  }
0x1c: {  	p1 =	slt.u32 s9, $0xF7A;
	s5 =	simm.s32 @!p2 $0x0  }
0x1d: {  	s5 =	simm.s32 @p1 $0x1;
	p0 =	seq.s32 s7, s2  }
0x1e: {  	s7 =	smul.u32 @!p0 $0xF7A, s2;
	p2 =	seq.s32 @!p0 s5, $0x0  }
0x1f: {  	s9 =	smul.u32 $0xF7A, s1;
	s8 =	simm.s32 @!p0 $0x1BF5;
	p2 =	por !p2, p0  }
0x20: {  	[sflag:s8] =	ssyncset.s32 @!p0 $0xFFFFF086;
	s6 =	sadd.s32 @!p0 s3, s7;
	s7 =	simm.s32 @!p0 $0x108  }
0x21: {  	s3 =	sadd.s32 s3, s9;
	s6 =	sadd.s32 @!p0 $0x88, s6;
	s7 =	simm.s32 @p2 $0x1082  }
0x22: {  	[simem:s7], [sflag:s8] =	dma.local @!p0 [hbm:s6], $0xF7A  }
0x23: {  	s9 =	sor.u32 $0xD0000000, s2;
	s6 =	simm.s32 $0x108;
	_ =	swait.ge @!p0 [sflag:s8], $0x0  }
0x24: {  	s3 =	sadd.s32 $0x88, s3;
	s6 =	simm.s32 @!p1 $0x1082;
	[sflag:s4] =	ssyncset.s32 $0xFFFFF086  }
0x25: {  	[simem:s6], [sflag:s4] =	dma.local [hbm:s3], $0xF7A  }
0x26: {  	[smem:$0x3F96] =	sst s1;
	(tag) =	ssettag s2;
	_ =	strace s9  }
0x27: {  	s1 =	sld [smem:$0x3FA6]  }
0x28: {  	s2 =	sld [smem:$0x3FA7]  }
0x29: {  	s4 =	sld [smem:$0x3FA9]  }
0x2a: {  	p0 =	seq.s32 s5, $0x0;
	s5 =	sld [smem:$0x3FAA]  }
0x2b: {  	s6 =	sld [smem:$0x3FAB]  }
0x2c: {  	s7 =	sld [smem:$0x3FAC]  }
0x2d: {  	s3 =	simm.s32 $0x108;
	s8 =	sld [smem:$0x3FAD]  }
0x2e: {  	s3 =	simm.s32 @!p0 $0x1082;
	s9 =	sld [smem:$0x3FAE]  }
0x2f: {  	lr =	sadd.s32 s0, s3;
	s0 =	sld [smem:$0x3FA5]  }
0x30: {  	s3 =	sld [smem:$0x3FA8]  }
0x31: {  	[smem:$0x3FB1] =	sst s10  }
0x32: {  	s10 =	sld [smem:$0x3FAF];
	_ =	sdelay $0x3  }
0x33: {  	p0 =	seq.s32 s10, $0x1;
	s10 =	sld [smem:$0x3FB1];
	_ =	sdelay $0x3  }
0x34: {  	[smem:$0x3FB1] =	sst s10  }
0x35: {  	s10 =	sld [smem:$0x3FB0];
	_ =	sdelay $0x3  }
0x36: {  	p1 =	seq.s32 s10, $0x1;
	s10 =	sld [smem:$0x3FB1];
	_ =	sdelay $0x3  }
0x37: {  	[smem:$0x3FB1] =	sst s10  }
0x38: {  	s10 =	sld [smem:$0x3FB2]  }
0x39: {  	_ = 	snop;
	(pc) =	sbr.ind lr, $3  }
0x3a: {  	_ = 	snop  }
0x3b: {  	_ = 	snop  }
0x3c: {  	p2 =	seq.s32 s10, $0x1;
	s10 =	sld [smem:$0x3FB1]  }
0x3d: {  	_ =	shalt  }
0x3e: {  	_ =	shalt  }
0x3f: {  	_ =	shalt  }
0x40: {  	_ =	shalt  }
0x41: {  	_ =	shalt  }
0x42: {  	_ =	shalt  }
0x43: {  	_ =	shalt  }
0x44: {  	_ =	shalt  }
0x45: {  	_ =	shalt  }
0x46: {  	_ =	shalt  }
0x47: {  	_ =	shalt  }
0x48: {  	_ =	shalt  }
0x49: {  	_ =	shalt  }
0x4a: {  	_ =	shalt  }
0x4b: {  	_ =	shalt  }
0x4c: {  	_ =	shalt  }
0x4d: {  	_ =	shalt  }
0x4e: {  	_ =	shalt  }
0x4f: {  	_ =	shalt  }
0x50: {  	_ =	shalt  }
0x51: {  	_ =	shalt  }
0x52: {  	_ =	shalt  }
0x53: {  	_ =	shalt  }
0x54: {  	_ =	shalt  }
0x55: {  	_ =	shalt  }
0x56: {  	_ =	shalt  }
0x57: {  	_ =	shalt  }
0x58: {  	_ =	shalt  }
0x59: {  	_ =	shalt  }
0x5a: {  	_ =	shalt  }
0x5b: {  	_ =	shalt  }
0x5c: {  	_ =	shalt  }
0x5d: {  	_ =	shalt  }
0x5e: {  	_ =	shalt  }
0x5f: {  	_ =	shalt  }
0x60: {  	_ =	shalt  }
0x61: {  	_ =	shalt  }
0x62: {  	_ =	shalt  }
0x63: {  	_ =	shalt  }
0x64: {  	_ =	shalt  }
0x65: {  	_ =	shalt  }
0x66: {  	_ =	shalt  }
0x67: {  	_ =	shalt  }
0x68: {  	_ =	shalt  }
0x69: {  	_ =	shalt  }
0x6a: {  	_ =	shalt  }
0x6b: {  	_ =	shalt  }
0x6c: {  	_ =	shalt  }
0x6d: {  	_ =	shalt  }
0x6e: {  	_ =	shalt  }
0x6f: {  	_ =	shalt  }
0x70: {  	_ =	shalt  }
0x71: {  	_ =	shalt  }
0x72: {  	_ =	shalt  }
0x73: {  	_ =	shalt  }
0x74: {  	_ =	shalt  }
0x75: {  	_ =	shalt  }
0x76: {  	_ =	shalt  }
0x77: {  	_ =	shalt  }
0x78: {  	_ =	shalt  }
0x79: {  	_ =	shalt  }
0x7a: {  	_ =	shalt  }
0x7b: {  	_ =	shalt  }
0x7c: {  	_ =	shalt  }
0x7d: {  	_ =	shalt  }
0x7e: {  	_ =	shalt  }
0x7f: {  	_ =	shalt  }
0x80: {  	_ =	shalt  }
0x81: {  	_ =	shalt  }
0x82: {  	_ =	shalt  }
0x83: {  	_ =	shalt  }
0x84: {  	_ =	shalt  }
0x85: {  	_ =	shalt  }
0x86: {  	_ =	shalt  }
0x87: {  	_ =	shalt  }
.Lfunc_end0:
.L_simem_size_0:
called_computation.1_lowered:
.L_overlay_start_0:
0x88: {  	s2 =	sld [smem:$0x3FD9]  }
0x89: {  	s3 =	sld [smem:$0x3FFE];
	_ =	sdelay $0x1  }
0x8a: {  	s1 =	srdreg.scid  }
0x8b: {  	s0 =	sand.u32 $0x1, s1  }
0x8c: {  	s16 =	sshll.u32 s0, $0xA;
	s2 =	sadd.s32 s3, s2  }
0x8d: {  	s2 =	sadd.s32 s2, s16  }
0x8e: {  	[smem:$0x3FBD] =	sst s2  }
0x8f: {  	_ = 	snop  }
0x90: {  	(tm) =	ssettm $0x1  }
0x91: {  	s17 =	sld [smem:$0x3FFB];
	_ =	sdelay $0x3  }
0x92: {  	_ =	strace s17  }
0x93: {  	s2 =	sld [smem:$0x3FFC];
	_ =	sdelay $0x3  }
0x94: {  	_ =	strace s2  }
0x95: {  	s2 =	sld [smem:$0x3FFD];
	_ =	sdelay $0x3  }
0x96: {  	_ =	strace s2  }
0x97: {  	_ =	strace $0x8FFFFFFF  }
0x98: {  	s18 =	sld [smem:$0x3FDB];
	_ =	sdelay $0x1  }
0x99: {  	s19 =	simm.s32 $_scs_section_size  }
0x9a: {  	s4 =	simm.s32 $_size__tile_overlayer_lowered;
	s5 =	simm.s32 $_tile_overlayer_lowered  }
0x9b: {  	s22 =	simm.s32 $0x1BFF;
	s21 =	sshll.u32 s5, $0x1;
	s2 =	sadd.s32 s19, s18  }
0x9c: {  	s6 =	simm.s32 $0x0;
	s20 =	sshll.u32 s4, $0x1;
	s4 =	sadd.s32 s21, s2  }
0x9d: {  	[timem:s6], [sflag:s22] =	dma.local [hbm:s4], s20  }
0x9e: {  	_ =	swait.ge [sflag:s22], s20  }
0x9f: {  	s3 =	ssub.s32 $0x0, s20;
	[sflag:s22] =	ssyncset.done $0x0  }
0xa0: {  	[sflag:s22] =	ssyncadd.s32 s3;
	_ =	sdelay $0x1  }
0xa1: {  	s23 =	simm.s32 $0x1B8B  }
0xa2: {  	_ =	swait.ge [sflag:s23], $0x1  }
0xa3: {  	[sflag:s23] =	ssyncset.done $0x0  }
0xa4: {  	s25 =	simm.s32 $0x1B8E;
	s24 =	sld [smem:$0x3FFE];
	[sflag:s23] =	ssyncadd.s32 $0xFFFFFFFF  }
0xa5: {  	s26 =	simm.s32 $execute0_lowered;
	[smem:$0x3FD2] =	sst s25  }
0xa6: {  	s4 =	sshll.u32 s26, $0x1;
	_ =	strace $0x80000049;
	[dreg:$0x1] =	wrdreg $0xFFFFFFFF  }
0xa7: {  	s28 =	simm.s32 $_size_execute0_lowered;
	s2 =	sadd.s32 s2, s4;
	[dreg:$0x0] =	wrdreg $0x0  }
0xa8: {  	s4 =	sshll.u32 s28, $0x1;
	[dreg:$0x2] =	wrdreg s2  }
0xa9: {  	[dreg:$0x3] =	wrdreg s4  }
0xaa: {  	[dreg:$0x4] =	wrdreg $0xC0  }
0xab: {  	_ =	task [dreg:s6], $0x5FFFF  }
0xac: {  	[dreg:$0x1] =	wrdreg $0xFFFFFFFF  }
0xad: {  	[dreg:$0x0] =	wrdreg $0x60  }
0xae: {  	[dreg:$0x2] =	wrdreg s24  }
0xaf: {  	[dreg:$0x3] =	wrdreg $0x9  }
0xb0: {  	_ =	task.clear_ibuf [dreg:s6], $0x4FFFF;
	_ =	strace $0x90000049  }
0xb1: {  	s29 =	simm.s32 $0x9;
	_ =	strace $0x8000004B  }
0xb2: {  	_ =	swait.ge [sflag:s29], $0x1  }
0xb3: {  	[sflag:s29] =	ssyncadd.s32 $0xFFFFFFFF  }
0xb4: {  	_ =	strace $0x9000004B  }
0xb5: {  	_ =	sfence  }
0xb6: {  	s30 =	sld [smem:$0x0];
	_ =	sdelay $0x2  }
0xb7: {  	s31 =	sshll.u32 s1, $0xD;
	s1 =	sshrl.u32 s1, $0x2  }
0xb8: {  	s3 =	sand.u32 $0x4000, s31;
	s1 =	sadd.s32 s1, s30  }
0xb9: {  	s0 =	sor.u32 s3, s0;
	s1 =	sshll.u32 s1, $0x11  }
0xba: {  	s0 =	sor.u32 s1, s0  }
0xbb: {  	s0 =	sadd.s32 $0x8F2B, s0  }
0xbc: {  	[sflag:s0] =	ssyncadd.remote.s32 $0x1  }
0xbd: {  	_ =	sfence.sel $0xFFFF  }
0xbe: {  	[dreg:$0x0] =	wrdreg $0xFFFFFFFF;
	(pc) =	sbr.abs _section_cstart, $3  }
0xbf: {  	[dreg:$0x1] =	wrdreg $0xFFFFFFFF  }
0xc0: {  	_ =	task.clear_ibuf [dreg:s6], $0x2FFFF;
	_ =	strace $0x9FFFFFFF  }
0xc1: {  	(tm) =	ssettm $0x7FFFFFFF  }
tec
execute0_lowered:
.L_overlay_start_1:
0x0: {  	(tag) =	ssettag $0x1  }
0x1: {  	s0 =	srdreg.scid;
	s5 =	rddreg [dreg:$0x0]  }
0x2: {  	s1 =	stileid.u32;
	s6 =	simm.s32 $0x1;
	s9 =	simm.s32 $0x1  }
0x3: {  	s10 =	simm.s32 $0x3;
	s13 =	simm.s32 $0x0;
	s2 =	sshll.u32 s0, $0x7  }
0x4: {  	s12 =	simm.s32 $0x0;
	s3 =	sshll.u32 s1, $0x8;
	s2 =	sand.u32 $0x80, s2  }
0x5: {  	s0 =	rddreg [dreg:$0x1];
	_ =	strace $0x8000004A;
	s2 =	sor.u32 s3, s2  }
0x6: {  	s4 =	sadd.s32 $0x200, s5;
	[sflag:s6] =	ssyncpa.u1 $0x0;
	s8 =	ssub.s32 $0x1800, s2  }
.Ltmp0:
0x7: {  	s3 =	sadd.s32 $0x4200, s5;
	s7 =	sand.u32 $0xF80, s8;
	(pc) =	sbr.rel .LBB2_1-.Ltmp0, $4  }
0x8: {  	s5 =	sadd.s32 $0xA00, s5;
	s11 =	smov.u32 s2;
	p0 =	sne.s32 s7, $0x0  }
0x9: {  	s8 =	sshrl.u32 s8, $0xC;
	s7 =	simm.s32 $0x2;
	s9 =	simm.s32 @!p0 $0x0  }
0xa: {  	[sflag:s7] =	ssyncpa.u1 $0x0;
	p0 =	por $0x0, $0x0;
	s8 =	sadd.s32 s9, s8  }
0xb: {  	vm0 =	vmmov $0xffff;
	[sflag:s10] =	ssyncpa.u1 $0x0;
	s10 =	simm.s32 $0x0;
	s9 =	sadd.s32 $0x1, s8  }
.LBB2_4:
0xc: {  	v2 =	vnsel vm1, $0x0, v2  }
0xd: {  	vm1 =	vgt.s32 v0, $0x0;
	v2 =	vmin.u32 v2, $0xFFF  }
0xe: {  	v0 =	vnsel vm1, $0x0, v0  }
0xf: {  	v0 =	vmin.u32 v0, $0xFFF  }
0x10: {  	[tilespmem:s15], [sflag:$0x1] =	stream.indirect_vreg.gather [hbm4b:s3+s10], $0x1, v1, vm0, $0x4038;
	[tilespmem:$0x200] =	vst v63  }
0x11: {  	(ifvalue) =	ssetifvalue $0x7FFFFFFF  }
0x12: {  	[tilespmem:s16], [sflag:$0x1] =	stream.indirect_vreg.gather [hbm4b:s3+s10], $0x1, v2, vm0, $0x4038;
	[tilespmem:$0x200] =	vst v63  }
0x13: {  	s29 =	sadd.s32 $0x10, s16;
	(ifvalue) =	ssetifvalue $0x7FFFFFFF  }
0x14: {  	[tilespmem:s29], [sflag:$0x1] =	stream.indirect_vreg.gather [hbm4b:s3+s10], $0x1, v0, vm0, $0x4038;
	[tilespmem:$0x200] =	vst v63  }
0x15: {  	_ =	swait.ge [sflag:s6], $0x80  }
0x16: {  	s30 =	sshrl.u32 s13, $0x3;
	[sflag:s6] =	ssyncset.done $0x0  }
0x17: {  	s31 =	sand.u32 $0x7, s13;
	s15 =	sadd.s32 s5, s30;
	[sflag:s6] =	ssyncadd.s32 $0xFFFFFF80  }
0x18: {  	[hbm4b:s15+s31] =	stream.linear.scatter [tilespmem:s14], [sflag:$0x3], $0x80, $0x38;
	[tilespmem:$0x200] =	vst v63  }
.LBB2_5:
0x19: {  	s15 =	sadd.s32 $0x1000, s11  }
0x1a: {  	p2 =	sgt.s32 s15, $0x17FF  }
0x1b: {  	s15 =	smov.u32 @p2 s2;
	p2 =	sne.s32 s12, s9  }
.Ltmp1:
0x1c: {  	p1 =	slt.u32 s12, $0x2;
	(pc) =	sbr.rel @!p2 .LBB2_6-.Ltmp1, $4  }
0x1d: {  	s14 =	simm.s32 @!p1 $0x3  }
0x1e: {  	s16 =	sadd.s32 $0x1, s12;
	_ =	swait.ge @!p1 [sflag:s14], $0x80  }
0x1f: {  	s13 =	smov.u32 s11;
	p0 =	por !p0, !p0;
	[sflag:s14] =	ssyncset.done @!p1 $0x0  }
0x20: {  	s12 =	smov.u32 s16;
	s11 =	smov.u32 s15;
	[sflag:s14] =	ssyncadd.s32 @!p1 $0xFFFFFF80  }
.LBB2_1:
0x21: {  	p1 =	sge.u32 s12, s8  }
0x22: {  	s14 =	sxor.u32 @!p1 $0xFFFFFFFF, s12  }
0x23: {  	s31 =	sadd.s32 $0xFFFFFFFF, s12;
	s15 =	sshrl.u32 @!p1 s11, $0x3;
	s14 =	sshll.u32 @!p1 s14, $0x7  }
0x24: {  	s16 =	sand.u32 @!p1 $0x7, s11;
	s15 =	sadd.s32 @!p1 s4, s15;
	s14 =	sand.u32 @!p1 $0x80, s14  }
0x25: {  	[tilespmem:s14], [sflag:$0x2] =	stream.linear.gather @!p1 [hbm4b:s15+s16], $0x80, $0x38;
	[tilespmem:$0x200] =	vst v63  }
0x26: {  	p1 =	sge.u32 s31, s8  }
.Ltmp2:
0x27: {  	_ = 	snop;
	(pc) =	sbr.rel @p1 .LBB2_5-.Ltmp2, $1  }
0x28: {  	_ =	sdelay $0x3  }
0x29: {  	s14 =	simm.s32 $0x1  }
0x2a: {  	_ =	swait.ge [sflag:s7], $0x80;
	s14 =	simm.s32 @!p0 $0x0  }
0x2b: {  	[sflag:s7] =	ssyncset.done $0x0;
	s14 =	sshll.u32 s14, $0x7  }
0x2c: {  	[sflag:s7] =	ssyncadd.s32 $0xFFFFFF80;
	(ifvalue) =	ssetifvalue $0x7FFFFFFF;
	v0 =	vld.msk [tilespmem:s14+$0x0 ss:$0x1], $0xffff;
	_ =	sdelay $0x4  }
0x2d: {  	s15 =	sadd.s32 $0x10, s14;
	vm1 =	vgt.s32 v0, $0x0  }
0x2e: {  	v2 =	vld.msk [tilespmem:s15+$0x0 ss:$0x1], $0xffff;
	v1 =	vnsel vm1, $0x0, v0  }
0x2f: {  	v1 =	vmin.u32 v1, $0xFFF;
	_ =	sdelay $0x1  }
0x30: {  	s16 =	sshll.u32 s12, $0x7;
	s18 =	simm.s32 $0x20  }
0x31: {  	s16 =	sand.u32 $0x80, s16;
	s17 =	sadd.s32 $0x10, s15;
	s15 =	sor.u32 $0x100, s14  }
0x32: {  	s14 =	sor.u32 $0x100, s16;
	s16 =	sadd.s32 $0x10, s15;
	v0 =	vld.msk [tilespmem:s17+$0x0 ss:$0x1], $0xffff;
	vm1 =	vgt.s32 v2, $0x0;
	(ifvalue) =	ssetifvalue $0x7FFFFFFF  }
.LBB2_3:
0x33: {  	[tilespmem:s15], [sflag:$0x1] =	stream.indirect_vreg.gather [hbm4b:s3+s10], $0x1, v1, vm0, $0x4038;
	[tilespmem:$0x200] =	vst v63  }
0x34: {  	s18 =	sadd.s32 $0x10, s18  }
0x35: {  	v2 =	vnsel vm1, $0x0, v2;
	p1 =	slt.u32 s18, $0x70  }
.Ltmp3:
0x36: {  	s15 =	smov.u32 s16;
	v1 =	vmin.u32 v2, $0xFFF;
	(pc) =	sbr.rel @p1 .LBB2_3-.Ltmp3, $3  }
0x37: {  	_ =	sdelay $0x1  }
0x38: {  	s17 =	sadd.s32 $0x10, s17  }
0x39: {  	vm1 =	vgt.s32 v0, $0x0;
	s16 =	sadd.s32 $0x10, s16;
	v2 =	vmov v0;
	(ifvalue) =	ssetifvalue $0x7FFFFFFF;
	v0 =	vld.msk [tilespmem:s17+$0x0 ss:$0x1], $0xffff  }
.Ltmp4:
0x3a: {  	_ = 	snop;
	(pc) =	sbr.rel .LBB2_4-.Ltmp4, $1  }
0x3b: {  	_ =	sdelay $0x3  }
.LBB2_6:
0x3c: {  	_ =	sfence.sel $0x180000  }
0x3d: {  	s2 =	simm.s32 $0x2;
	[bflag:$0x0] =	sbarrier.arrive $0xFFFF  }
0x3e: {  	s30 =	simm.s32 $0x3;
	[sflag:s2] =	ssyncpa.u1 $0x1  }
0x3f: {  	s31 =	simm.s32 $0x1;
	[sflag:s30] =	ssyncpa.u1 $0x1  }
0x40: {  	[sflag:s31] =	ssyncpa.u1 $0x1  }
0x41: {  	p0 =	sne.s32 s1, $0x0;
	_ =	strace $0x9000004A  }
0x42: {  	s0 =	sadd.s32 @!p0 $0x100000, s0;
	[bflag:$0x2] =	sbarrier.arrive $0xFFFF  }
0x43: {  	[sflag:s0] =	ssyncadd.tile.s32 @!p0 $0x1;
	_ =	shalt  }
.Lfunc_end2:
_tile_overlayer_lowered:
.L_overlay_start_2:
0x44: {  	(tag) =	ssettag $0x2  }
0x45: {  	s0 =	rddreg [dreg:$0x0];
	s2 =	stileid.u32  }
0x46: {  	s1 =	rddreg [dreg:$0x1];
	p0 =	sne.s32 s2, $0x0  }
0x47: {  	s3 =	rddreg [dreg:$0x2];
	[bflag:$0x3] =	sbarrier.arrive $0xFFFF;
	s2 =	simm.s32 @!p0 $0x1C01  }
0x48: {  	[timem:s3], [sflag:s2] =	dma.local @!p0 [hbm:s0], s1  }
0x49: {  	s0 =	simm.s32 @!p0 $0x1  }
0x4a: {  	_ =	swait.ge @!p0 [sflag:s0], s1  }
0x4b: {  	s1 =	ssub.s32 @!p0 $0x0, s1;
	[sflag:s0] =	ssyncset.done @!p0 $0x0  }
0x4c: {  	[sflag:s0] =	ssyncadd.s32 @!p0 s1  }
0x4d: {  	[bflag:$0x3] =	sbarrier.arrive $0xFFFF  }
0x4e: {  	_ =	shalt  }

// kernel: gather_offload_async_start
scs
__scs_entry_jumppad:
0x0: {  	(pc) =	sbr.rel $0x88, $3  }
0x1: {  	(tag) =	ssettag $0x0;
	lr =	simm.s32 $0x1  }
0x2: {  	[smem:$0x3F96] =	sst lr;
	_ =	strace $0xD0000000  }
0x3: {  	_ = 	snop  }
0x4: {  	_ = 	snop  }
0x5: {  	_ = 	snop  }
0x6: {  	_ = 	snop  }
0x7: {  	_ = 	snop  }
__scs_overlays_trampoline_lowered:
0x8: {  	[smem:$0x3FA5] =	sst s0  }
0x9: {  	[smem:$0x3FA6] =	sst s1  }
0xa: {  	[smem:$0x3FA7] =	sst s2  }
0xb: {  	[smem:$0x3FA8] =	sst s3  }
0xc: {  	[smem:$0x3FA9] =	sst s4  }
0xd: {  	[smem:$0x3FAA] =	sst s5  }
0xe: {  	[smem:$0x3FAB] =	sst s6  }
0xf: {  	[smem:$0x3FAC] =	sst s7  }
0x10: {  	[smem:$0x3FAD] =	sst s8  }
0x11: {  	[smem:$0x3FAE] =	sst s9;
	s0 =	simm.s32 @!p0 $0x0  }
0x12: {  	s1 =	sld [smem:$0x3F94];
	s0 =	simm.s32 @p0 $0x1  }
0x13: {  	[smem:$0x3FAF] =	sst s0;
	s0 =	simm.s32 @!p1 $0x0  }
0x14: {  	s2 =	sld [smem:$0x3F93];
	s0 =	simm.s32 @p1 $0x1  }
0x15: {  	[smem:$0x3FB0] =	sst s0;
	s0 =	simm.s32 @!p2 $0x0  }
0x16: {  	s3 =	sld [smem:$0x3FDB];
	s0 =	simm.s32 @p2 $0x1  }
0x17: {  	s4 =	simm.s32 $0x1BF5;
	[smem:$0x3FB2] =	sst s0  }
0x18: {  	s0 =	sld [smem:$0x3F95];
	_ =	swait.ge [sflag:s4], $0x0  }
0x19: {  	s7 =	sld [smem:$0x3F96]  }
0x1a: {  	s8 =	sadd.s32 $0xFFFFE003, lr  }
0x1b: {  	s9 =	sadd.s32 $0xFFFFFEF7, lr;
	s5 =	simm.s32 $0xFFFFFFFF;
	p2 =	slt.u32 s8, $0xFFFFF086  }
0x1c: {  	p1 =	slt.u32 s9, $0xF7A;
	s5 =	simm.s32 @!p2 $0x0  }
0x1d: {  	s5 =	simm.s32 @p1 $0x1;
	p0 =	seq.s32 s7, s2  }
0x1e: {  	s7 =	smul.u32 @!p0 $0xF7A, s2;
	p2 =	seq.s32 @!p0 s5, $0x0  }
0x1f: {  	s9 =	smul.u32 $0xF7A, s1;
	s8 =	simm.s32 @!p0 $0x1BF5;
	p2 =	por !p2, p0  }
0x20: {  	[sflag:s8] =	ssyncset.s32 @!p0 $0xFFFFF086;
	s6 =	sadd.s32 @!p0 s3, s7;
	s7 =	simm.s32 @!p0 $0x108  }
0x21: {  	s3 =	sadd.s32 s3, s9;
	s6 =	sadd.s32 @!p0 $0x88, s6;
	s7 =	simm.s32 @p2 $0x1082  }
0x22: {  	[simem:s7], [sflag:s8] =	dma.local @!p0 [hbm:s6], $0xF7A  }
0x23: {  	s9 =	sor.u32 $0xD0000000, s2;
	s6 =	simm.s32 $0x108;
	_ =	swait.ge @!p0 [sflag:s8], $0x0  }
0x24: {  	s3 =	sadd.s32 $0x88, s3;
	s6 =	simm.s32 @!p1 $0x1082;
	[sflag:s4] =	ssyncset.s32 $0xFFFFF086  }
0x25: {  	[simem:s6], [sflag:s4] =	dma.local [hbm:s3], $0xF7A  }
0x26: {  	[smem:$0x3F96] =	sst s1;
	(tag) =	ssettag s2;
	_ =	strace s9  }
0x27: {  	s1 =	sld [smem:$0x3FA6]  }
0x28: {  	s2 =	sld [smem:$0x3FA7]  }
0x29: {  	s4 =	sld [smem:$0x3FA9]  }
0x2a: {  	p0 =	seq.s32 s5, $0x0;
	s5 =	sld [smem:$0x3FAA]  }
0x2b: {  	s6 =	sld [smem:$0x3FAB]  }
0x2c: {  	s7 =	sld [smem:$0x3FAC]  }
0x2d: {  	s3 =	simm.s32 $0x108;
	s8 =	sld [smem:$0x3FAD]  }
0x2e: {  	s3 =	simm.s32 @!p0 $0x1082;
	s9 =	sld [smem:$0x3FAE]  }
0x2f: {  	lr =	sadd.s32 s0, s3;
	s0 =	sld [smem:$0x3FA5]  }
0x30: {  	s3 =	sld [smem:$0x3FA8]  }
0x31: {  	[smem:$0x3FB1] =	sst s10  }
0x32: {  	s10 =	sld [smem:$0x3FAF];
	_ =	sdelay $0x3  }
0x33: {  	p0 =	seq.s32 s10, $0x1;
	s10 =	sld [smem:$0x3FB1];
	_ =	sdelay $0x3  }
0x34: {  	[smem:$0x3FB1] =	sst s10  }
0x35: {  	s10 =	sld [smem:$0x3FB0];
	_ =	sdelay $0x3  }
0x36: {  	p1 =	seq.s32 s10, $0x1;
	s10 =	sld [smem:$0x3FB1];
	_ =	sdelay $0x3  }
0x37: {  	[smem:$0x3FB1] =	sst s10  }
0x38: {  	s10 =	sld [smem:$0x3FB2]  }
0x39: {  	_ = 	snop;
	(pc) =	sbr.ind lr, $3  }
0x3a: {  	_ = 	snop  }
0x3b: {  	_ = 	snop  }
0x3c: {  	p2 =	seq.s32 s10, $0x1;
	s10 =	sld [smem:$0x3FB1]  }
0x3d: {  	_ =	shalt  }
0x3e: {  	_ =	shalt  }
0x3f: {  	_ =	shalt  }
0x40: {  	_ =	shalt  }
0x41: {  	_ =	shalt  }
0x42: {  	_ =	shalt  }
0x43: {  	_ =	shalt  }
0x44: {  	_ =	shalt  }
0x45: {  	_ =	shalt  }
0x46: {  	_ =	shalt  }
0x47: {  	_ =	shalt  }
0x48: {  	_ =	shalt  }
0x49: {  	_ =	shalt  }
0x4a: {  	_ =	shalt  }
0x4b: {  	_ =	shalt  }
0x4c: {  	_ =	shalt  }
0x4d: {  	_ =	shalt  }
0x4e: {  	_ =	shalt  }
0x4f: {  	_ =	shalt  }
0x50: {  	_ =	shalt  }
0x51: {  	_ =	shalt  }
0x52: {  	_ =	shalt  }
0x53: {  	_ =	shalt  }
0x54: {  	_ =	shalt  }
0x55: {  	_ =	shalt  }
0x56: {  	_ =	shalt  }
0x57: {  	_ =	shalt  }
0x58: {  	_ =	shalt  }
0x59: {  	_ =	shalt  }
0x5a: {  	_ =	shalt  }
0x5b: {  	_ =	shalt  }
0x5c: {  	_ =	shalt  }
0x5d: {  	_ =	shalt  }
0x5e: {  	_ =	shalt  }
0x5f: {  	_ =	shalt  }
0x60: {  	_ =	shalt  }
0x61: {  	_ =	shalt  }
0x62: {  	_ =	shalt  }
0x63: {  	_ =	shalt  }
0x64: {  	_ =	shalt  }
0x65: {  	_ =	shalt  }
0x66: {  	_ =	shalt  }
0x67: {  	_ =	shalt  }
0x68: {  	_ =	shalt  }
0x69: {  	_ =	shalt  }
0x6a: {  	_ =	shalt  }
0x6b: {  	_ =	shalt  }
0x6c: {  	_ =	shalt  }
0x6d: {  	_ =	shalt  }
0x6e: {  	_ =	shalt  }
0x6f: {  	_ =	shalt  }
0x70: {  	_ =	shalt  }
0x71: {  	_ =	shalt  }
0x72: {  	_ =	shalt  }
0x73: {  	_ =	shalt  }
0x74: {  	_ =	shalt  }
0x75: {  	_ =	shalt  }
0x76: {  	_ =	shalt  }
0x77: {  	_ =	shalt  }
0x78: {  	_ =	shalt  }
0x79: {  	_ =	shalt  }
0x7a: {  	_ =	shalt  }
0x7b: {  	_ =	shalt  }
0x7c: {  	_ =	shalt  }
0x7d: {  	_ =	shalt  }
0x7e: {  	_ =	shalt  }
0x7f: {  	_ =	shalt  }
0x80: {  	_ =	shalt  }
0x81: {  	_ =	shalt  }
0x82: {  	_ =	shalt  }
0x83: {  	_ =	shalt  }
0x84: {  	_ =	shalt  }
0x85: {  	_ =	shalt  }
0x86: {  	_ =	shalt  }
0x87: {  	_ =	shalt  }
.Lfunc_end0:
.L_simem_size_0:
called_computation_lowered:
.L_overlay_start_0:
0x88: {  	s2 =	sld [smem:$0x3FD9]  }
0x89: {  	s3 =	sld [smem:$0x3FFE];
	_ =	sdelay $0x1  }
0x8a: {  	s1 =	srdreg.scid  }
0x8b: {  	s0 =	sand.u32 $0x1, s1  }
0x8c: {  	s16 =	sshll.u32 s0, $0xA;
	s2 =	sadd.s32 s3, s2  }
0x8d: {  	s2 =	sadd.s32 s2, s16  }
0x8e: {  	[smem:$0x3FBD] =	sst s2  }
0x8f: {  	_ = 	snop  }
0x90: {  	(tm) =	ssettm $0x1  }
0x91: {  	s17 =	sld [smem:$0x3FFB];
	_ =	sdelay $0x3  }
0x92: {  	_ =	strace s17  }
0x93: {  	s2 =	sld [smem:$0x3FFC];
	_ =	sdelay $0x3  }
0x94: {  	_ =	strace s2  }
0x95: {  	s2 =	sld [smem:$0x3FFD];
	_ =	sdelay $0x3  }
0x96: {  	_ =	strace s2  }
0x97: {  	_ =	strace $0x8FFFFFFF  }
0x98: {  	s18 =	sld [smem:$0x3FDB];
	_ =	sdelay $0x1  }
0x99: {  	s19 =	simm.s32 $_scs_section_size  }
0x9a: {  	s4 =	simm.s32 $_size__tile_overlayer_lowered;
	s5 =	simm.s32 $_tile_overlayer_lowered  }
0x9b: {  	s22 =	simm.s32 $0x1BFF;
	s21 =	sshll.u32 s5, $0x1;
	s2 =	sadd.s32 s19, s18  }
0x9c: {  	s6 =	simm.s32 $0x0;
	s20 =	sshll.u32 s4, $0x1;
	s4 =	sadd.s32 s21, s2  }
0x9d: {  	[timem:s6], [sflag:s22] =	dma.local [hbm:s4], s20  }
0x9e: {  	_ =	swait.ge [sflag:s22], s20  }
0x9f: {  	s3 =	ssub.s32 $0x0, s20;
	[sflag:s22] =	ssyncset.done $0x0  }
0xa0: {  	[sflag:s22] =	ssyncadd.s32 s3;
	_ =	sdelay $0x1  }
0xa1: {  	s23 =	simm.s32 $0x1B8B  }
0xa2: {  	_ =	swait.ge [sflag:s23], $0x1  }
0xa3: {  	[sflag:s23] =	ssyncset.done $0x0  }
0xa4: {  	s25 =	simm.s32 $0x1B8E;
	s24 =	sld [smem:$0x3FFE];
	[sflag:s23] =	ssyncadd.s32 $0xFFFFFFFF  }
0xa5: {  	s26 =	simm.s32 $execute0_lowered;
	[smem:$0x3FD2] =	sst s25  }
0xa6: {  	s4 =	sshll.u32 s26, $0x1;
	_ =	strace $0x80000046;
	[dreg:$0x1] =	wrdreg $0xFFFFFFFF  }
0xa7: {  	s28 =	simm.s32 $_size_execute0_lowered;
	s2 =	sadd.s32 s2, s4;
	[dreg:$0x0] =	wrdreg $0x0  }
0xa8: {  	s4 =	sshll.u32 s28, $0x1;
	[dreg:$0x2] =	wrdreg s2  }
0xa9: {  	[dreg:$0x3] =	wrdreg s4  }
0xaa: {  	[dreg:$0x4] =	wrdreg $0xC0  }
0xab: {  	_ =	task [dreg:s6], $0x5FFFF  }
0xac: {  	[dreg:$0x1] =	wrdreg $0xFFFFFFFF  }
0xad: {  	[dreg:$0x0] =	wrdreg $0x60  }
0xae: {  	[dreg:$0x2] =	wrdreg s24  }
0xaf: {  	[dreg:$0x3] =	wrdreg $0x9  }
0xb0: {  	_ =	task.clear_ibuf [dreg:s6], $0x4FFFF;
	_ =	strace $0x90000046  }
0xb1: {  	s29 =	simm.s32 $0x9;
	_ =	strace $0x80000048  }
0xb2: {  	_ =	swait.ge [sflag:s29], $0x1  }
0xb3: {  	[sflag:s29] =	ssyncadd.s32 $0xFFFFFFFF  }
0xb4: {  	_ =	strace $0x90000048  }
0xb5: {  	_ =	sfence  }
0xb6: {  	s30 =	sld [smem:$0x0];
	_ =	sdelay $0x2  }
0xb7: {  	s31 =	sshll.u32 s1, $0xD;
	s1 =	sshrl.u32 s1, $0x2  }
0xb8: {  	s3 =	sand.u32 $0x4000, s31;
	s1 =	sadd.s32 s1, s30  }
0xb9: {  	s0 =	sor.u32 s3, s0;
	s1 =	sshll.u32 s1, $0x11  }
0xba: {  	s0 =	sor.u32 s1, s0  }
0xbb: {  	s0 =	sadd.s32 $0x8F2B, s0  }
0xbc: {  	[sflag:s0] =	ssyncadd.remote.s32 $0x1  }
0xbd: {  	_ =	sfence.sel $0xFFFF  }
0xbe: {  	[dreg:$0x0] =	wrdreg $0xFFFFFFFF;
	(pc) =	sbr.abs _section_cstart, $3  }
0xbf: {  	[dreg:$0x1] =	wrdreg $0xFFFFFFFF  }
0xc0: {  	_ =	task.clear_ibuf [dreg:s6], $0x2FFFF;
	_ =	strace $0x9FFFFFFF  }
0xc1: {  	(tm) =	ssettm $0x7FFFFFFF  }
tec
execute0_lowered:
.L_overlay_start_1:
0x0: {  	(tag) =	ssettag $0x1  }
0x1: {  	s0 =	srdreg.scid;
	s5 =	rddreg [dreg:$0x0]  }
0x2: {  	s1 =	stileid.u32;
	s6 =	simm.s32 $0x1;
	s9 =	simm.s32 $0x1  }
0x3: {  	s10 =	simm.s32 $0x3;
	s13 =	simm.s32 $0x0;
	s2 =	sshll.u32 s0, $0x7  }
0x4: {  	s12 =	simm.s32 $0x0;
	s3 =	sshll.u32 s1, $0x8;
	s2 =	sand.u32 $0x80, s2  }
0x5: {  	s0 =	rddreg [dreg:$0x1];
	_ =	strace $0x80000047;
	s2 =	sor.u32 s3, s2  }
0x6: {  	s4 =	sadd.s32 $0x200, s5;
	[sflag:s6] =	ssyncpa.u1 $0x0;
	s8 =	ssub.s32 $0x1800, s2  }
.Ltmp0:
0x7: {  	s3 =	sadd.s32 $0x4600, s5;
	s7 =	sand.u32 $0xF80, s8;
	(pc) =	sbr.rel .LBB2_1-.Ltmp0, $4  }
0x8: {  	s5 =	sadd.s32 $0x600, s5;
	s11 =	smov.u32 s2;
	p0 =	sne.s32 s7, $0x0  }
0x9: {  	s8 =	sshrl.u32 s8, $0xC;
	s7 =	simm.s32 $0x2;
	s9 =	simm.s32 @!p0 $0x0  }
0xa: {  	[sflag:s7] =	ssyncpa.u1 $0x0;
	p0 =	por $0x0, $0x0;
	s8 =	sadd.s32 s9, s8  }
0xb: {  	vm0 =	vmmov $0xffff;
	[sflag:s10] =	ssyncpa.u1 $0x0;
	s10 =	simm.s32 $0x0;
	s9 =	sadd.s32 $0x1, s8  }
.LBB2_4:
0xc: {  	v2 =	vnsel vm1, $0x0, v2  }
0xd: {  	vm1 =	vgt.s32 v0, $0x0;
	v2 =	vmin.u32 v2, $0xFFF  }
0xe: {  	v0 =	vnsel vm1, $0x0, v0  }
0xf: {  	v0 =	vmin.u32 v0, $0xFFF  }
0x10: {  	[tilespmem:s15], [sflag:$0x1] =	stream.indirect_vreg.gather [hbm4b:s3+s10], $0x1, v1, vm0, $0x4038;
	[tilespmem:$0x200] =	vst v63  }
0x11: {  	(ifvalue) =	ssetifvalue $0x7FFFFFFF  }
0x12: {  	[tilespmem:s16], [sflag:$0x1] =	stream.indirect_vreg.gather [hbm4b:s3+s10], $0x1, v2, vm0, $0x4038;
	[tilespmem:$0x200] =	vst v63  }
0x13: {  	s29 =	sadd.s32 $0x10, s16;
	(ifvalue) =	ssetifvalue $0x7FFFFFFF  }
0x14: {  	[tilespmem:s29], [sflag:$0x1] =	stream.indirect_vreg.gather [hbm4b:s3+s10], $0x1, v0, vm0, $0x4038;
	[tilespmem:$0x200] =	vst v63  }
0x15: {  	_ =	swait.ge [sflag:s6], $0x80  }
0x16: {  	s30 =	sshrl.u32 s13, $0x3;
	[sflag:s6] =	ssyncset.done $0x0  }
0x17: {  	s31 =	sand.u32 $0x7, s13;
	s15 =	sadd.s32 s5, s30;
	[sflag:s6] =	ssyncadd.s32 $0xFFFFFF80  }
0x18: {  	[hbm4b:s15+s31] =	stream.linear.scatter [tilespmem:s14], [sflag:$0x3], $0x80, $0x38;
	[tilespmem:$0x200] =	vst v63  }
.LBB2_5:
0x19: {  	s15 =	sadd.s32 $0x1000, s11  }
0x1a: {  	p2 =	sgt.s32 s15, $0x17FF  }
0x1b: {  	s15 =	smov.u32 @p2 s2;
	p2 =	sne.s32 s12, s9  }
.Ltmp1:
0x1c: {  	p1 =	slt.u32 s12, $0x2;
	(pc) =	sbr.rel @!p2 .LBB2_6-.Ltmp1, $4  }
0x1d: {  	s14 =	simm.s32 @!p1 $0x3  }
0x1e: {  	s16 =	sadd.s32 $0x1, s12;
	_ =	swait.ge @!p1 [sflag:s14], $0x80  }
0x1f: {  	s13 =	smov.u32 s11;
	p0 =	por !p0, !p0;
	[sflag:s14] =	ssyncset.done @!p1 $0x0  }
0x20: {  	s12 =	smov.u32 s16;
	s11 =	smov.u32 s15;
	[sflag:s14] =	ssyncadd.s32 @!p1 $0xFFFFFF80  }
.LBB2_1:
0x21: {  	p1 =	sge.u32 s12, s8  }
0x22: {  	s14 =	sxor.u32 @!p1 $0xFFFFFFFF, s12  }
0x23: {  	s31 =	sadd.s32 $0xFFFFFFFF, s12;
	s15 =	sshrl.u32 @!p1 s11, $0x3;
	s14 =	sshll.u32 @!p1 s14, $0x7  }
0x24: {  	s16 =	sand.u32 @!p1 $0x7, s11;
	s15 =	sadd.s32 @!p1 s4, s15;
	s14 =	sand.u32 @!p1 $0x80, s14  }
0x25: {  	[tilespmem:s14], [sflag:$0x2] =	stream.linear.gather @!p1 [hbm4b:s15+s16], $0x80, $0x38;
	[tilespmem:$0x200] =	vst v63  }
0x26: {  	p1 =	sge.u32 s31, s8  }
.Ltmp2:
0x27: {  	_ = 	snop;
	(pc) =	sbr.rel @p1 .LBB2_5-.Ltmp2, $1  }
0x28: {  	_ =	sdelay $0x3  }
0x29: {  	s14 =	simm.s32 $0x1  }
0x2a: {  	_ =	swait.ge [sflag:s7], $0x80;
	s14 =	simm.s32 @!p0 $0x0  }
0x2b: {  	[sflag:s7] =	ssyncset.done $0x0;
	s14 =	sshll.u32 s14, $0x7  }
0x2c: {  	[sflag:s7] =	ssyncadd.s32 $0xFFFFFF80;
	(ifvalue) =	ssetifvalue $0x7FFFFFFF;
	v0 =	vld.msk [tilespmem:s14+$0x0 ss:$0x1], $0xffff;
	_ =	sdelay $0x4  }
0x2d: {  	s15 =	sadd.s32 $0x10, s14;
	vm1 =	vgt.s32 v0, $0x0  }
0x2e: {  	v2 =	vld.msk [tilespmem:s15+$0x0 ss:$0x1], $0xffff;
	v1 =	vnsel vm1, $0x0, v0  }
0x2f: {  	v1 =	vmin.u32 v1, $0xFFF;
	_ =	sdelay $0x1  }
0x30: {  	s16 =	sshll.u32 s12, $0x7;
	s18 =	simm.s32 $0x20  }
0x31: {  	s16 =	sand.u32 $0x80, s16;
	s17 =	sadd.s32 $0x10, s15;
	s15 =	sor.u32 $0x100, s14  }
0x32: {  	s14 =	sor.u32 $0x100, s16;
	s16 =	sadd.s32 $0x10, s15;
	v0 =	vld.msk [tilespmem:s17+$0x0 ss:$0x1], $0xffff;
	vm1 =	vgt.s32 v2, $0x0;
	(ifvalue) =	ssetifvalue $0x7FFFFFFF  }
.LBB2_3:
0x33: {  	[tilespmem:s15], [sflag:$0x1] =	stream.indirect_vreg.gather [hbm4b:s3+s10], $0x1, v1, vm0, $0x4038;
	[tilespmem:$0x200] =	vst v63  }
0x34: {  	s18 =	sadd.s32 $0x10, s18  }
0x35: {  	v2 =	vnsel vm1, $0x0, v2;
	p1 =	slt.u32 s18, $0x70  }
.Ltmp3:
0x36: {  	s15 =	smov.u32 s16;
	v1 =	vmin.u32 v2, $0xFFF;
	(pc) =	sbr.rel @p1 .LBB2_3-.Ltmp3, $3  }
0x37: {  	_ =	sdelay $0x1  }
0x38: {  	s17 =	sadd.s32 $0x10, s17  }
0x39: {  	vm1 =	vgt.s32 v0, $0x0;
	s16 =	sadd.s32 $0x10, s16;
	v2 =	vmov v0;
	(ifvalue) =	ssetifvalue $0x7FFFFFFF;
	v0 =	vld.msk [tilespmem:s17+$0x0 ss:$0x1], $0xffff  }
.Ltmp4:
0x3a: {  	_ = 	snop;
	(pc) =	sbr.rel .LBB2_4-.Ltmp4, $1  }
0x3b: {  	_ =	sdelay $0x3  }
.LBB2_6:
0x3c: {  	_ =	sfence.sel $0x180000  }
0x3d: {  	s2 =	simm.s32 $0x2;
	[bflag:$0x0] =	sbarrier.arrive $0xFFFF  }
0x3e: {  	s30 =	simm.s32 $0x3;
	[sflag:s2] =	ssyncpa.u1 $0x1  }
0x3f: {  	s31 =	simm.s32 $0x1;
	[sflag:s30] =	ssyncpa.u1 $0x1  }
0x40: {  	[sflag:s31] =	ssyncpa.u1 $0x1  }
0x41: {  	p0 =	sne.s32 s1, $0x0;
	_ =	strace $0x90000047  }
0x42: {  	s0 =	sadd.s32 @!p0 $0x100000, s0;
	[bflag:$0x2] =	sbarrier.arrive $0xFFFF  }
0x43: {  	[sflag:s0] =	ssyncadd.tile.s32 @!p0 $0x1;
	_ =	shalt  }
.Lfunc_end2:
_tile_overlayer_lowered:
.L_overlay_start_2:
0x44: {  	(tag) =	ssettag $0x2  }
0x45: {  	s0 =	rddreg [dreg:$0x0];
	s2 =	stileid.u32  }
0x46: {  	s1 =	rddreg [dreg:$0x1];
	p0 =	sne.s32 s2, $0x0  }
0x47: {  	s3 =	rddreg [dreg:$0x2];
	[bflag:$0x3] =	sbarrier.arrive $0xFFFF;
	s2 =	simm.s32 @!p0 $0x1C01  }
0x48: {  	[timem:s3], [sflag:s2] =	dma.local @!p0 [hbm:s0], s1  }
0x49: {  	s0 =	simm.s32 @!p0 $0x1  }
0x4a: {  	_ =	swait.ge @!p0 [sflag:s0], s1  }
0x4b: {  	s1 =	ssub.s32 @!p0 $0x0, s1;
	[sflag:s0] =	ssyncset.done @!p0 $0x0  }
0x4c: {  	[sflag:s0] =	ssyncadd.s32 @!p0 s1  }
0x4d: {  	[bflag:$0x3] =	sbarrier.arrive $0xFFFF  }
0x4e: {  	_ =	shalt  }

// kernel: kernel.11.cloned.1.call-start
scs
__scs_entry_jumppad:
0x0: {  	(pc) =	sbr.rel $0x88, $3  }
0x1: {  	(tag) =	ssettag $0x0;
	lr =	simm.s32 $0x1  }
0x2: {  	[smem:$0x3F96] =	sst lr;
	_ =	strace $0xD0000000  }
0x3: {  	_ = 	snop  }
0x4: {  	_ = 	snop  }
0x5: {  	_ = 	snop  }
0x6: {  	_ = 	snop  }
0x7: {  	_ = 	snop  }
__scs_overlays_trampoline_lowered:
0x8: {  	[smem:$0x3FA5] =	sst s0  }
0x9: {  	[smem:$0x3FA6] =	sst s1  }
0xa: {  	[smem:$0x3FA7] =	sst s2  }
0xb: {  	[smem:$0x3FA8] =	sst s3  }
0xc: {  	[smem:$0x3FA9] =	sst s4  }
0xd: {  	[smem:$0x3FAA] =	sst s5  }
0xe: {  	[smem:$0x3FAB] =	sst s6  }
0xf: {  	[smem:$0x3FAC] =	sst s7  }
0x10: {  	[smem:$0x3FAD] =	sst s8  }
0x11: {  	[smem:$0x3FAE] =	sst s9;
	s0 =	simm.s32 @!p0 $0x0  }
0x12: {  	s1 =	sld [smem:$0x3F94];
	s0 =	simm.s32 @p0 $0x1  }
0x13: {  	[smem:$0x3FAF] =	sst s0;
	s0 =	simm.s32 @!p1 $0x0  }
0x14: {  	s2 =	sld [smem:$0x3F93];
	s0 =	simm.s32 @p1 $0x1  }
0x15: {  	[smem:$0x3FB0] =	sst s0;
	s0 =	simm.s32 @!p2 $0x0  }
0x16: {  	s3 =	sld [smem:$0x3FDB];
	s0 =	simm.s32 @p2 $0x1  }
0x17: {  	s4 =	simm.s32 $0x1BF5;
	[smem:$0x3FB2] =	sst s0  }
0x18: {  	s0 =	sld [smem:$0x3F95];
	_ =	swait.ge [sflag:s4], $0x0  }
0x19: {  	s7 =	sld [smem:$0x3F96]  }
0x1a: {  	s8 =	sadd.s32 $0xFFFFE003, lr  }
0x1b: {  	s9 =	sadd.s32 $0xFFFFFEF7, lr;
	s5 =	simm.s32 $0xFFFFFFFF;
	p2 =	slt.u32 s8, $0xFFFFF086  }
0x1c: {  	p1 =	slt.u32 s9, $0xF7A;
	s5 =	simm.s32 @!p2 $0x0  }
0x1d: {  	s5 =	simm.s32 @p1 $0x1;
	p0 =	seq.s32 s7, s2  }
0x1e: {  	s7 =	smul.u32 @!p0 $0xF7A, s2;
	p2 =	seq.s32 @!p0 s5, $0x0  }
0x1f: {  	s9 =	smul.u32 $0xF7A, s1;
	s8 =	simm.s32 @!p0 $0x1BF5;
	p2 =	por !p2, p0  }
0x20: {  	[sflag:s8] =	ssyncset.s32 @!p0 $0xFFFFF086;
	s6 =	sadd.s32 @!p0 s3, s7;
	s7 =	simm.s32 @!p0 $0x108  }
0x21: {  	s3 =	sadd.s32 s3, s9;
	s6 =	sadd.s32 @!p0 $0x88, s6;
	s7 =	simm.s32 @p2 $0x1082  }
0x22: {  	[simem:s7], [sflag:s8] =	dma.local @!p0 [hbm:s6], $0xF7A  }
0x23: {  	s9 =	sor.u32 $0xD0000000, s2;
	s6 =	simm.s32 $0x108;
	_ =	swait.ge @!p0 [sflag:s8], $0x0  }
0x24: {  	s3 =	sadd.s32 $0x88, s3;
	s6 =	simm.s32 @!p1 $0x1082;
	[sflag:s4] =	ssyncset.s32 $0xFFFFF086  }
0x25: {  	[simem:s6], [sflag:s4] =	dma.local [hbm:s3], $0xF7A  }
0x26: {  	[smem:$0x3F96] =	sst s1;
	(tag) =	ssettag s2;
	_ =	strace s9  }
0x27: {  	s1 =	sld [smem:$0x3FA6]  }
0x28: {  	s2 =	sld [smem:$0x3FA7]  }
0x29: {  	s4 =	sld [smem:$0x3FA9]  }
0x2a: {  	p0 =	seq.s32 s5, $0x0;
	s5 =	sld [smem:$0x3FAA]  }
0x2b: {  	s6 =	sld [smem:$0x3FAB]  }
0x2c: {  	s7 =	sld [smem:$0x3FAC]  }
0x2d: {  	s3 =	simm.s32 $0x108;
	s8 =	sld [smem:$0x3FAD]  }
0x2e: {  	s3 =	simm.s32 @!p0 $0x1082;
	s9 =	sld [smem:$0x3FAE]  }
0x2f: {  	lr =	sadd.s32 s0, s3;
	s0 =	sld [smem:$0x3FA5]  }
0x30: {  	s3 =	sld [smem:$0x3FA8]  }
0x31: {  	[smem:$0x3FB1] =	sst s10  }
0x32: {  	s10 =	sld [smem:$0x3FAF];
	_ =	sdelay $0x3  }
0x33: {  	p0 =	seq.s32 s10, $0x1;
	s10 =	sld [smem:$0x3FB1];
	_ =	sdelay $0x3  }
0x34: {  	[smem:$0x3FB1] =	sst s10  }
0x35: {  	s10 =	sld [smem:$0x3FB0];
	_ =	sdelay $0x3  }
0x36: {  	p1 =	seq.s32 s10, $0x1;
	s10 =	sld [smem:$0x3FB1];
	_ =	sdelay $0x3  }
0x37: {  	[smem:$0x3FB1] =	sst s10  }
0x38: {  	s10 =	sld [smem:$0x3FB2]  }
0x39: {  	_ = 	snop;
	(pc) =	sbr.ind lr, $3  }
0x3a: {  	_ = 	snop  }
0x3b: {  	_ = 	snop  }
0x3c: {  	p2 =	seq.s32 s10, $0x1;
	s10 =	sld [smem:$0x3FB1]  }
0x3d: {  	_ =	shalt  }
0x3e: {  	_ =	shalt  }
0x3f: {  	_ =	shalt  }
0x40: {  	_ =	shalt  }
0x41: {  	_ =	shalt  }
0x42: {  	_ =	shalt  }
0x43: {  	_ =	shalt  }
0x44: {  	_ =	shalt  }
0x45: {  	_ =	shalt  }
0x46: {  	_ =	shalt  }
0x47: {  	_ =	shalt  }
0x48: {  	_ =	shalt  }
0x49: {  	_ =	shalt  }
0x4a: {  	_ =	shalt  }
0x4b: {  	_ =	shalt  }
0x4c: {  	_ =	shalt  }
0x4d: {  	_ =	shalt  }
0x4e: {  	_ =	shalt  }
0x4f: {  	_ =	shalt  }
0x50: {  	_ =	shalt  }
0x51: {  	_ =	shalt  }
0x52: {  	_ =	shalt  }
0x53: {  	_ =	shalt  }
0x54: {  	_ =	shalt  }
0x55: {  	_ =	shalt  }
0x56: {  	_ =	shalt  }
0x57: {  	_ =	shalt  }
0x58: {  	_ =	shalt  }
0x59: {  	_ =	shalt  }
0x5a: {  	_ =	shalt  }
0x5b: {  	_ =	shalt  }
0x5c: {  	_ =	shalt  }
0x5d: {  	_ =	shalt  }
0x5e: {  	_ =	shalt  }
0x5f: {  	_ =	shalt  }
0x60: {  	_ =	shalt  }
0x61: {  	_ =	shalt  }
0x62: {  	_ =	shalt  }
0x63: {  	_ =	shalt  }
0x64: {  	_ =	shalt  }
0x65: {  	_ =	shalt  }
0x66: {  	_ =	shalt  }
0x67: {  	_ =	shalt  }
0x68: {  	_ =	shalt  }
0x69: {  	_ =	shalt  }
0x6a: {  	_ =	shalt  }
0x6b: {  	_ =	shalt  }
0x6c: {  	_ =	shalt  }
0x6d: {  	_ =	shalt  }
0x6e: {  	_ =	shalt  }
0x6f: {  	_ =	shalt  }
0x70: {  	_ =	shalt  }
0x71: {  	_ =	shalt  }
0x72: {  	_ =	shalt  }
0x73: {  	_ =	shalt  }
0x74: {  	_ =	shalt  }
0x75: {  	_ =	shalt  }
0x76: {  	_ =	shalt  }
0x77: {  	_ =	shalt  }
0x78: {  	_ =	shalt  }
0x79: {  	_ =	shalt  }
0x7a: {  	_ =	shalt  }
0x7b: {  	_ =	shalt  }
0x7c: {  	_ =	shalt  }
0x7d: {  	_ =	shalt  }
0x7e: {  	_ =	shalt  }
0x7f: {  	_ =	shalt  }
0x80: {  	_ =	shalt  }
0x81: {  	_ =	shalt  }
0x82: {  	_ =	shalt  }
0x83: {  	_ =	shalt  }
0x84: {  	_ =	shalt  }
0x85: {  	_ =	shalt  }
0x86: {  	_ =	shalt  }
0x87: {  	_ =	shalt  }
.Lfunc_end0:
.L_simem_size_0:
called_computation.3_lowered:
.L_overlay_start_0:
0x88: {  	s2 =	sld [smem:$0x3FD9]  }
0x89: {  	s3 =	sld [smem:$0x3FFE];
	_ =	sdelay $0x1  }
0x8a: {  	s1 =	srdreg.scid  }
0x8b: {  	s0 =	sand.u32 $0x1, s1  }
0x8c: {  	s14 =	sshll.u32 s0, $0xA;
	s2 =	sadd.s32 s3, s2  }
0x8d: {  	s2 =	sadd.s32 s2, s14  }
0x8e: {  	[smem:$0x3FBD] =	sst s2  }
0x8f: {  	_ = 	snop  }
0x90: {  	s2 =	sld [smem:$0x3FD0];
	_ =	sdelay $0x2  }
0x91: {  	s15 =	simm.s32 $0xA;
	s4 =	simm.s32 $0x10  }
0x92: {  	[smem:s4], [sflag:s15] =	dma.local [hbm:s2], $0x1  }
0x93: {  	_ =	swait.eq [sflag:s15], $0x1  }
0x94: {  	[sflag:s15] =	ssyncset.done $0x0  }
0x95: {  	[sflag:s15] =	ssyncadd.s32 $0xFFFFFFFF  }
0x96: {  	s16 =	sld [smem:$0x10];
	(tm) =	ssettm $0x1  }
0x97: {  	s17 =	sld [smem:$0x3FFB];
	_ =	sdelay $0x3  }
0x98: {  	_ =	strace s17  }
0x99: {  	s3 =	sld [smem:$0x3FFC];
	_ =	sdelay $0x3  }
0x9a: {  	_ =	strace s3  }
0x9b: {  	s3 =	sld [smem:$0x3FFD];
	_ =	sdelay $0x3  }
0x9c: {  	_ =	strace s3  }
0x9d: {  	_ =	strace $0x8FFFFFFF  }
0x9e: {  	s18 =	sld [smem:$0x3FDB];
	_ =	sdelay $0x1  }
0x9f: {  	s19 =	simm.s32 $_scs_section_size  }
0xa0: {  	s5 =	simm.s32 $_size__tile_overlayer_lowered;
	s6 =	simm.s32 $_tile_overlayer_lowered  }
0xa1: {  	s22 =	simm.s32 $0x1BFF;
	s21 =	sshll.u32 s6, $0x1;
	s3 =	sadd.s32 s19, s18  }
0xa2: {  	s7 =	simm.s32 $0x0;
	s20 =	sshll.u32 s5, $0x1;
	s5 =	sadd.s32 s21, s3  }
0xa3: {  	[timem:s7], [sflag:s22] =	dma.local [hbm:s5], s20  }
0xa4: {  	_ =	swait.ge [sflag:s22], s20  }
0xa5: {  	s4 =	ssub.s32 $0x0, s20;
	[sflag:s22] =	ssyncset.done $0x0  }
0xa6: {  	[sflag:s22] =	ssyncadd.s32 s4;
	_ =	sdelay $0x1  }
0xa7: {  	s23 =	simm.s32 $0x1B8B  }
0xa8: {  	_ =	swait.ge [sflag:s23], $0x1  }
0xa9: {  	[sflag:s23] =	ssyncset.done $0x0  }
0xaa: {  	s25 =	simm.s32 $0x1B8E;
	s24 =	sld [smem:$0x3FFE];
	[sflag:s23] =	ssyncadd.s32 $0xFFFFFFFF  }
0xab: {  	s26 =	simm.s32 $execute0_lowered;
	[smem:$0x3FD2] =	sst s25  }
0xac: {  	s5 =	sshll.u32 s26, $0x1;
	_ =	strace $0x8000004F;
	[dreg:$0x1] =	wrdreg $0xFFFFFFFF  }
0xad: {  	s28 =	simm.s32 $_size_execute0_lowered;
	s3 =	sadd.s32 s3, s5;
	[dreg:$0x0] =	wrdreg $0x0  }
0xae: {  	s5 =	sshll.u32 s28, $0x1;
	[dreg:$0x2] =	wrdreg s3  }
0xaf: {  	[dreg:$0x3] =	wrdreg s5  }
0xb0: {  	[dreg:$0x4] =	wrdreg $0xC0  }
0xb1: {  	_ =	task [dreg:s7], $0x5FFFF  }
0xb2: {  	[dreg:$0x1] =	wrdreg $0xFFFFFFFF  }
0xb3: {  	[dreg:$0x0] =	wrdreg $0x60  }
0xb4: {  	[dreg:$0x2] =	wrdreg s24  }
0xb5: {  	[dreg:$0x3] =	wrdreg s16  }
0xb6: {  	[dreg:$0x4] =	wrdreg $0x9  }
0xb7: {  	_ =	task.clear_ibuf [dreg:s7], $0x5FFFF;
	_ =	strace $0x9000004F  }
0xb8: {  	s29 =	simm.s32 $0x9;
	_ =	strace $0x80000051  }
0xb9: {  	_ =	swait.ge [sflag:s29], $0x1  }
0xba: {  	[sflag:s29] =	ssyncadd.s32 $0xFFFFFFFF  }
0xbb: {  	_ =	strace $0x90000051  }
0xbc: {  	_ =	sfence  }
0xbd: {  	s30 =	sld [smem:$0x0];
	_ =	sdelay $0x2  }
0xbe: {  	s31 =	sshll.u32 s1, $0xD;
	s1 =	sshrl.u32 s1, $0x2  }
0xbf: {  	s3 =	sand.u32 $0x4000, s31;
	s1 =	sadd.s32 s1, s30  }
0xc0: {  	s0 =	sor.u32 s3, s0;
	s1 =	sshll.u32 s1, $0x11  }
0xc1: {  	s0 =	sor.u32 s1, s0  }
0xc2: {  	s0 =	sadd.s32 $0x8F2B, s0  }
0xc3: {  	[sflag:s0] =	ssyncadd.remote.s32 $0x1  }
0xc4: {  	_ =	sfence.sel $0xFFFF  }
0xc5: {  	[dreg:$0x0] =	wrdreg $0xFFFFFFFF;
	(pc) =	sbr.abs _section_cstart, $3  }
0xc6: {  	[dreg:$0x1] =	wrdreg $0xFFFFFFFF  }
0xc7: {  	_ =	task.clear_ibuf [dreg:s7], $0x2FFFF;
	_ =	strace $0x9FFFFFFF  }
0xc8: {  	(tm) =	ssettm $0x7FFFFFFF  }
0xc9: {  	_ =	shalt  }
tec
execute0_lowered:
.L_overlay_start_1:
0x0: {  	(tag) =	ssettag $0x1  }
0x1: {  	s0 =	rddreg [dreg:$0x0]  }
0x2: {  	s2 =	rddreg [dreg:$0x1];
	s1 =	simm.s32 $0x0;
	s4 =	srdreg.scid  }
0x3: {  	s7 =	stileid.u32;
	s13 =	simm.s32 $0x3;
	s29 =	simm.s32 $0x6900  }
0x4: {  	s30 =	simm.s32 $0x7100;
	s31 =	simm.s32 $0x7900;
	s14 =	simm.s32 $0x9100  }
0x5: {  	s15 =	simm.s32 $0x9900;
	s16 =	simm.s32 $0xA100;
	s17 =	simm.s32 $0xA900  }
0x6: {  	s18 =	simm.s32 $0xB100;
	s19 =	simm.s32 $0xB900;
	s20 =	simm.s32 $0x1  }
0x7: {  	s21 =	simm.s32 $0x2;
	s22 =	simm.s32 $0xC100;
	s23 =	simm.s32 $0x0  }
0x8: {  	[smem:$0x7FF] =	sst s1;
	s3 =	sadd.s32 $0xA00, s0;
	s4 =	sand.u32 $0x1, s4  }
0x9: {  	s9 =	sadd.s32 $0x800, s0;
	s7 =	sshll.u32 s7, $0x4;
	s10 =	sadd.s32 $0x600, s0  }
0xa: {  	_ =	strace $0x80000050;
	s5 =	ssub.s32 $0x2, s4;
	s4 =	sshll.u32 s4, $0x3  }
0xb: {  	s6 =	sshrl.u32 s5, $0x1;
	s4 =	sor.u32 s4, s7;
	s7 =	sadd.s32 $0xC00, s0  }
0xc: {  	s12 =	ssub.s32 s5, s6;
	s26 =	sadd.s32 s9, s4;
	s8 =	smul.u32 $0x300, s4  }
0xd: {  	s11 =	sor.u32 $0x4, s4;
	s5 =	sadd.s32 s10, s4;
	s6 =	sadd.s32 $0xB00, s0  }
0xe: {  	v2 =	vlaneseq.u32;
	s0 =	simm.s32 $0x8100;
	[dreg:$0x3] =	wrdreg s26;
	s28 =	smul.u32 $0x300, s11  }
0xf: {  	vm0 =	vmmov $0xffff;
	v1 =	vshrl.u32 v2, $0x3;
	s9 =	sadd.s32 s9, s11;
	s10 =	sadd.s32 s10, s11;
	s12 =	smax.u32 s12, $0x1  }
0x10: {  	v0 =	vand.u32 $0x7, v2;
	v2 =	vor.u32 $0x8, v2;
	v1 =	vmul.u32 $0x8, v1;
	s8 =	sadd.s32 s2, s8;
	s11 =	sadd.s32 s2, s28;
	s2 =	simm.s32 $0x8900  }
.LBB2_1:
0x11: {  	s4 =	rddreg [dreg:$0x3]  }
0x12: {  	[tilespmem:s1], [sflag:$0x3] =	stream.linear.gather [hbm4b:s4+s1], $0x20, $0x38;
	[tilespmem:$0x12100] =	vst v63  }
0x13: {  	_ =	swait.ge [sflag:s13], $0x20  }
0x14: {  	[sflag:s13] =	ssyncset.done $0x0  }
0x15: {  	s24 =	simm.s32 $0x80;
	[sflag:s13] =	ssyncadd.s32 $0xFFFFFFE0  }
0x16: {  	[tilespmem:s24], [sflag:$0x3] =	stream.linear.gather [hbm4b:s5+s1], $0x20, $0x38;
	[tilespmem:$0x12100] =	vst v63  }
0x17: {  	_ =	swait.ge [sflag:s13], $0x20  }
0x18: {  	[sflag:s13] =	ssyncset.done $0x0  }
0x19: {  	[sflag:s13] =	ssyncadd.s32 $0xFFFFFFE0  }
0x1a: {  	v3 =	vld [tilespmem:$0x0];
	_ =	sdelay $0x4  }
0x1b: {  	v4 =	vshrl.u32 v3, $0x3  }
0x1c: {  	v4 =	vmul.u32 $0x30, v4  }
0x1d: {  	v3 =	vand.u32 $0x7, v3  }
0x1e: {  	v3 =	vor.u32 v3, v4  }
0x1f: {  	v4 =	vperm.xlane v3, v0;
	_ =	sdelay $0x1  }
0x20: {  	v4 =	vadd.s32 v1, v4;
	_ =	sdelay $0x3  }
0x21: {  	s25 =	simm.s32 $0x100;
	v3 =	vperm.xlane v3, v2  }
0x22: {  	[tilespmem:s25], [sflag:$0x1] =	stream.indirect_vreg.gather [hbm4b:s3+s1], $0x80, v4, vm0, $0xb8;
	[tilespmem:$0x12100] =	vst v63  }
0x23: {  	s26 =	simm.s32 $0x900;
	v3 =	vadd.s32 v1, v3  }
0x24: {  	[tilespmem:s26], [sflag:$0x1] =	stream.indirect_vreg.gather [hbm4b:s6+s1], $0x80, v4, vm0, $0xb8;
	[tilespmem:$0x12100] =	vst v63  }
0x25: {  	s28 =	simm.s32 $0x1100  }
0x26: {  	[tilespmem:s28], [sflag:$0x1] =	stream.indirect_vreg.gather [hbm4b:s7+s1], $0x80, v4, vm0, $0xb8;
	[tilespmem:$0x12100] =	vst v63  }
0x27: {  	s24 =	simm.s32 $0x1900  }
0x28: {  	[tilespmem:s24], [sflag:$0x1] =	stream.indirect_vreg.gather [hbm4b:s3+s1], $0x80, v3, vm0, $0xb8;
	[tilespmem:$0x12100] =	vst v63  }
0x29: {  	s25 =	simm.s32 $0x2100  }
0x2a: {  	[tilespmem:s25], [sflag:$0x1] =	stream.indirect_vreg.gather [hbm4b:s6+s1], $0x80, v3, vm0, $0xb8;
	[tilespmem:$0x12100] =	vst v63  }
0x2b: {  	s26 =	simm.s32 $0x2900  }
0x2c: {  	[tilespmem:s26], [sflag:$0x1] =	stream.indirect_vreg.gather [hbm4b:s7+s1], $0x80, v3, vm0, $0xb8;
	[tilespmem:$0x12100] =	vst v63  }
0x2d: {  	v3 =	vld [tilespmem:$0x10];
	_ =	sdelay $0x4  }
0x2e: {  	v4 =	vshrl.u32 v3, $0x3  }
0x2f: {  	v4 =	vmul.u32 $0x30, v4  }
0x30: {  	v3 =	vand.u32 $0x7, v3  }
0x31: {  	v3 =	vor.u32 v3, v4  }
0x32: {  	v4 =	vperm.xlane v3, v0;
	_ =	sdelay $0x1  }
0x33: {  	v4 =	vadd.s32 v1, v4;
	_ =	sdelay $0x3  }
0x34: {  	s28 =	simm.s32 $0x3100;
	v3 =	vperm.xlane v3, v2  }
0x35: {  	[tilespmem:s28], [sflag:$0x1] =	stream.indirect_vreg.gather [hbm4b:s3+s1], $0x80, v4, vm0, $0xb8;
	[tilespmem:$0x12100] =	vst v63  }
0x36: {  	s24 =	simm.s32 $0x3900;
	v3 =	vadd.s32 v1, v3  }
0x37: {  	[tilespmem:s24], [sflag:$0x1] =	stream.indirect_vreg.gather [hbm4b:s6+s1], $0x80, v4, vm0, $0xb8;
	[tilespmem:$0x12100] =	vst v63  }
0x38: {  	s25 =	simm.s32 $0x4100  }
0x39: {  	[tilespmem:s25], [sflag:$0x1] =	stream.indirect_vreg.gather [hbm4b:s7+s1], $0x80, v4, vm0, $0xb8;
	[tilespmem:$0x12100] =	vst v63  }
0x3a: {  	s26 =	simm.s32 $0x4900  }
0x3b: {  	[tilespmem:s26], [sflag:$0x1] =	stream.indirect_vreg.gather [hbm4b:s3+s1], $0x80, v3, vm0, $0xb8;
	[tilespmem:$0x12100] =	vst v63  }
0x3c: {  	s28 =	simm.s32 $0x5100  }
0x3d: {  	[tilespmem:s28], [sflag:$0x1] =	stream.indirect_vreg.gather [hbm4b:s6+s1], $0x80, v3, vm0, $0xb8;
	[tilespmem:$0x12100] =	vst v63  }
0x3e: {  	s24 =	simm.s32 $0x5900  }
0x3f: {  	[tilespmem:s24], [sflag:$0x1] =	stream.indirect_vreg.gather [hbm4b:s7+s1], $0x80, v3, vm0, $0xb8;
	[tilespmem:$0x12100] =	vst v63  }
0x40: {  	v3 =	vld [tilespmem:$0x80];
	_ =	sdelay $0x4  }
0x41: {  	v4 =	vshrl.u32 v3, $0x3  }
0x42: {  	v4 =	vmul.u32 $0x30, v4  }
0x43: {  	v3 =	vand.u32 $0x7, v3  }
0x44: {  	v3 =	vor.u32 v3, v4  }
0x45: {  	v4 =	vperm.xlane v3, v0;
	_ =	sdelay $0x1  }
0x46: {  	v4 =	vadd.s32 v1, v4;
	_ =	sdelay $0x3  }
0x47: {  	s25 =	simm.s32 $0x6100;
	v3 =	vperm.xlane v3, v2  }
0x48: {  	[tilespmem:s25], [sflag:$0x2] =	stream.indirect_vreg.gather [hbm4b:s3+s1], $0x80, v4, vm0, $0xb8;
	[tilespmem:$0x12100] =	vst v63  }
0x49: {  	v3 =	vadd.s32 v1, v3  }
0x4a: {  	[tilespmem:s29], [sflag:$0x2] =	stream.indirect_vreg.gather [hbm4b:s6+s1], $0x80, v4, vm0, $0xb8;
	[tilespmem:$0x12100] =	vst v63  }
0x4b: {  	_ = 	snop  }
0x4c: {  	[tilespmem:s30], [sflag:$0x2] =	stream.indirect_vreg.gather [hbm4b:s7+s1], $0x80, v4, vm0, $0xb8;
	[tilespmem:$0x12100] =	vst v63  }
0x4d: {  	_ = 	snop  }
0x4e: {  	[tilespmem:s31], [sflag:$0x2] =	stream.indirect_vreg.gather [hbm4b:s3+s1], $0x80, v3, vm0, $0xb8;
	[tilespmem:$0x12100] =	vst v63  }
0x4f: {  	_ = 	snop  }
0x50: {  	[tilespmem:s0], [sflag:$0x2] =	stream.indirect_vreg.gather [hbm4b:s6+s1], $0x80, v3, vm0, $0xb8;
	[tilespmem:$0x12100] =	vst v63  }
0x51: {  	_ = 	snop  }
0x52: {  	[tilespmem:s2], [sflag:$0x2] =	stream.indirect_vreg.gather [hbm4b:s7+s1], $0x80, v3, vm0, $0xb8;
	[tilespmem:$0x12100] =	vst v63  }
0x53: {  	v3 =	vld [tilespmem:$0x90];
	_ =	sdelay $0x4  }
0x54: {  	v4 =	vshrl.u32 v3, $0x3  }
0x55: {  	v4 =	vmul.u32 $0x30, v4  }
0x56: {  	v3 =	vand.u32 $0x7, v3  }
0x57: {  	v3 =	vor.u32 v3, v4  }
0x58: {  	v4 =	vperm.xlane v3, v0;
	_ =	sdelay $0x1  }
0x59: {  	v4 =	vadd.s32 v1, v4;
	_ =	sdelay $0x3  }
0x5a: {  	v3 =	vperm.xlane v3, v2  }
0x5b: {  	[tilespmem:s14], [sflag:$0x2] =	stream.indirect_vreg.gather [hbm4b:s3+s1], $0x80, v4, vm0, $0xb8;
	[tilespmem:$0x12100] =	vst v63  }
0x5c: {  	v3 =	vadd.s32 v1, v3  }
0x5d: {  	[tilespmem:s15], [sflag:$0x2] =	stream.indirect_vreg.gather [hbm4b:s6+s1], $0x80, v4, vm0, $0xb8;
	[tilespmem:$0x12100] =	vst v63  }
0x5e: {  	_ = 	snop  }
0x5f: {  	[tilespmem:s16], [sflag:$0x2] =	stream.indirect_vreg.gather [hbm4b:s7+s1], $0x80, v4, vm0, $0xb8;
	[tilespmem:$0x12100] =	vst v63  }
0x60: {  	_ = 	snop  }
0x61: {  	[tilespmem:s17], [sflag:$0x2] =	stream.indirect_vreg.gather [hbm4b:s3+s1], $0x80, v3, vm0, $0xb8;
	[tilespmem:$0x12100] =	vst v63  }
0x62: {  	_ = 	snop  }
0x63: {  	[tilespmem:s18], [sflag:$0x2] =	stream.indirect_vreg.gather [hbm4b:s6+s1], $0x80, v3, vm0, $0xb8;
	[tilespmem:$0x12100] =	vst v63  }
0x64: {  	_ = 	snop  }
0x65: {  	[tilespmem:s19], [sflag:$0x2] =	stream.indirect_vreg.gather [hbm4b:s7+s1], $0x80, v3, vm0, $0xb8;
	[tilespmem:$0x12100] =	vst v63  }
0x66: {  	_ =	swait.ge [sflag:s20], $0x6000  }
0x67: {  	[sflag:s20] =	ssyncset.done $0x0  }
0x68: {  	s26 =	simm.s32 $0x0;
	[sflag:s20] =	ssyncadd.s32 $0xFFFFA000  }
0x69: {  	s4 =	smul.u32 $0x1800, s26;
	_ =	swait.ge [sflag:s21], $0x6000  }
0x6a: {  	s24 =	sand.u32 $0x380, s1;
	[sflag:s21] =	ssyncset.done $0x0  }
0x6b: {  	s24 =	sor.u32 s24, s4;
	[sflag:s21] =	ssyncadd.s32 $0xFFFFA000  }
0x6c: {  	v3 =	vld [tilespmem:s24+$0x1570]  }
0x6d: {  	v4 =	vld [tilespmem:s24+$0x7570]  }
0x6e: {  	v5 =	vld [tilespmem:s24+$0x100]  }
0x6f: {  	v6 =	vld [tilespmem:s24+$0x6100]  }
0x70: {  	v7 =	vld [tilespmem:s24+$0x110]  }
0x71: {  	v8 =	vld [tilespmem:s24+$0x6110]  }
0x72: {  	v9 =	vld [tilespmem:s24+$0x120]  }
0x73: {  	v10 =	vld [tilespmem:s24+$0x130]  }
0x74: {  	v11 =	vld [tilespmem:s24+$0x7520];
	v3 =	vadd.f32 v4, v3  }
0x75: {  	v4 =	vld [tilespmem:s24+$0x6120]  }
0x76: {  	v5 =	vadd.f32 v6, v5;
	[tilespmem:s24+$0xD570] =	vst v3;
	v3 =	vld [tilespmem:s24+$0x6130]  }
0x77: {  	v6 =	vld [tilespmem:s24+$0x140]  }
0x78: {  	[tilespmem:s24+$0xC100] =	vst v5;
	v5 =	vadd.f32 v8, v7;
	v7 =	vld [tilespmem:s24+$0x6140]  }
0x79: {  	v8 =	vld [tilespmem:s24+$0x6150]  }
0x7a: {  	[tilespmem:s24+$0xC110] =	vst v5;
	v5 =	vld [tilespmem:s24+$0x150];
	v4 =	vadd.f32 v4, v9  }
0x7b: {  	v9 =	vld [tilespmem:s24+$0x6160];
	v3 =	vadd.f32 v3, v10  }
0x7c: {  	[tilespmem:s24+$0xC120] =	vst v4;
	v4 =	vld [tilespmem:s24+$0x160]  }
0x7d: {  	[tilespmem:s24+$0xC130] =	vst v3;
	v3 =	vadd.f32 v7, v6;
	v6 =	vld [tilespmem:s24+$0x170]  }
0x7e: {  	v7 =	vld [tilespmem:s24+$0x6170]  }
0x7f: {  	[tilespmem:s24+$0xC140] =	vst v3;
	v3 =	vadd.f32 v8, v5;
	v5 =	vld [tilespmem:s24+$0x500]  }
0x80: {  	v8 =	vld [tilespmem:s24+$0x6500]  }
0x81: {  	[tilespmem:s24+$0xC150] =	vst v3;
	v3 =	vadd.f32 v9, v4;
	v4 =	vld [tilespmem:s24+$0x510]  }
0x82: {  	v9 =	vld [tilespmem:s24+$0x6510]  }
0x83: {  	[tilespmem:s24+$0xC160] =	vst v3;
	v3 =	vadd.f32 v7, v6;
	v6 =	vld [tilespmem:s24+$0x520]  }
0x84: {  	v7 =	vld [tilespmem:s24+$0x6520]  }
0x85: {  	[tilespmem:s24+$0xC170] =	vst v3;
	v3 =	vadd.f32 v8, v5;
	v5 =	vld [tilespmem:s24+$0x530]  }
0x86: {  	v8 =	vld [tilespmem:s24+$0x6530]  }
0x87: {  	[tilespmem:s24+$0xC500] =	vst v3;
	v3 =	vadd.f32 v9, v4;
	v4 =	vld [tilespmem:s24+$0x540]  }
0x88: {  	v9 =	vld [tilespmem:s24+$0x6540]  }
0x89: {  	[tilespmem:s24+$0xC510] =	vst v3;
	v3 =	vadd.f32 v7, v6;
	v6 =	vld [tilespmem:s24+$0x550]  }
0x8a: {  	v7 =	vld [tilespmem:s24+$0x6550]  }
0x8b: {  	[tilespmem:s24+$0xC520] =	vst v3;
	v3 =	vadd.f32 v8, v5;
	v5 =	vld [tilespmem:s24+$0x560]  }
0x8c: {  	v8 =	vld [tilespmem:s24+$0x6560]  }
0x8d: {  	[tilespmem:s24+$0xC530] =	vst v3;
	v3 =	vadd.f32 v9, v4;
	v4 =	vld [tilespmem:s24+$0x570]  }
0x8e: {  	v9 =	vld [tilespmem:s24+$0x6570]  }
0x8f: {  	[tilespmem:s24+$0xC540] =	vst v3;
	v3 =	vadd.f32 v7, v6;
	v6 =	vld [tilespmem:s24+$0x900]  }
0x90: {  	v7 =	vld [tilespmem:s24+$0x6900]  }
0x91: {  	[tilespmem:s24+$0xC550] =	vst v3;
	v3 =	vadd.f32 v8, v5;
	v5 =	vld [tilespmem:s24+$0x910]  }
0x92: {  	v8 =	vld [tilespmem:s24+$0x6910]  }
0x93: {  	[tilespmem:s24+$0xC560] =	vst v3;
	v3 =	vadd.f32 v9, v4;
	v4 =	vld [tilespmem:s24+$0x920]  }
0x94: {  	v9 =	vld [tilespmem:s24+$0x6920]  }
0x95: {  	[tilespmem:s24+$0xC570] =	vst v3;
	v3 =	vadd.f32 v7, v6;
	v6 =	vld [tilespmem:s24+$0x930]  }
0x96: {  	v7 =	vld [tilespmem:s24+$0x6930]  }
0x97: {  	[tilespmem:s24+$0xC900] =	vst v3;
	v3 =	vadd.f32 v8, v5;
	v5 =	vld [tilespmem:s24+$0x940]  }
0x98: {  	v8 =	vld [tilespmem:s24+$0x6940]  }
0x99: {  	[tilespmem:s24+$0xC910] =	vst v3;
	v3 =	vadd.f32 v9, v4;
	v4 =	vld [tilespmem:s24+$0x950]  }
0x9a: {  	v9 =	vld [tilespmem:s24+$0x6950]  }
0x9b: {  	[tilespmem:s24+$0xC920] =	vst v3;
	v3 =	vadd.f32 v7, v6;
	v6 =	vld [tilespmem:s24+$0x960]  }
0x9c: {  	v7 =	vld [tilespmem:s24+$0x6960]  }
0x9d: {  	[tilespmem:s24+$0xC930] =	vst v3;
	v3 =	vadd.f32 v8, v5;
	v5 =	vld [tilespmem:s24+$0x970]  }
0x9e: {  	v8 =	vld [tilespmem:s24+$0x6970]  }
0x9f: {  	[tilespmem:s24+$0xC940] =	vst v3;
	v3 =	vadd.f32 v9, v4;
	v4 =	vld [tilespmem:s24+$0xD00]  }
0xa0: {  	v9 =	vld [tilespmem:s24+$0x6D00]  }
0xa1: {  	[tilespmem:s24+$0xC950] =	vst v3;
	v3 =	vadd.f32 v7, v6;
	v6 =	vld [tilespmem:s24+$0xD10]  }
0xa2: {  	v7 =	vld [tilespmem:s24+$0x6D10]  }
0xa3: {  	[tilespmem:s24+$0xC960] =	vst v3;
	v3 =	vadd.f32 v8, v5;
	v5 =	vld [tilespmem:s24+$0xD20]  }
0xa4: {  	v8 =	vld [tilespmem:s24+$0x6D20]  }
0xa5: {  	[tilespmem:s24+$0xC970] =	vst v3;
	v3 =	vadd.f32 v9, v4;
	v4 =	vld [tilespmem:s24+$0xD30]  }
0xa6: {  	v9 =	vld [tilespmem:s24+$0x6D30]  }
0xa7: {  	[tilespmem:s24+$0xCD00] =	vst v3;
	v3 =	vadd.f32 v7, v6;
	v6 =	vld [tilespmem:s24+$0xD40]  }
0xa8: {  	v7 =	vld [tilespmem:s24+$0x6D40]  }
0xa9: {  	[tilespmem:s24+$0xCD10] =	vst v3;
	v3 =	vadd.f32 v8, v5;
	v5 =	vld [tilespmem:s24+$0xD50]  }
0xaa: {  	v8 =	vld [tilespmem:s24+$0x6D50]  }
0xab: {  	[tilespmem:s24+$0xCD20] =	vst v3;
	v3 =	vadd.f32 v9, v4;
	v4 =	vld [tilespmem:s24+$0xD60]  }
0xac: {  	v9 =	vld [tilespmem:s24+$0x6D60]  }
0xad: {  	[tilespmem:s24+$0xCD30] =	vst v3;
	v3 =	vadd.f32 v7, v6;
	v6 =	vld [tilespmem:s24+$0xD70]  }
0xae: {  	v7 =	vld [tilespmem:s24+$0x6D70]  }
0xaf: {  	[tilespmem:s24+$0xCD40] =	vst v3;
	v3 =	vadd.f32 v8, v5;
	v5 =	vld [tilespmem:s24+$0x1100]  }
0xb0: {  	v8 =	vld [tilespmem:s24+$0x7100]  }
0xb1: {  	[tilespmem:s24+$0xCD50] =	vst v3;
	v3 =	vadd.f32 v9, v4;
	v4 =	vld [tilespmem:s24+$0x1110]  }
0xb2: {  	v9 =	vld [tilespmem:s24+$0x7110]  }
0xb3: {  	[tilespmem:s24+$0xCD60] =	vst v3;
	v3 =	vadd.f32 v7, v6;
	v6 =	vld [tilespmem:s24+$0x1120]  }
0xb4: {  	v7 =	vld [tilespmem:s24+$0x7120]  }
0xb5: {  	[tilespmem:s24+$0xCD70] =	vst v3;
	v3 =	vadd.f32 v8, v5;
	v5 =	vld [tilespmem:s24+$0x1130]  }
0xb6: {  	v8 =	vld [tilespmem:s24+$0x7130]  }
0xb7: {  	[tilespmem:s24+$0xD100] =	vst v3;
	v3 =	vadd.f32 v9, v4;
	v4 =	vld [tilespmem:s24+$0x1140]  }
0xb8: {  	v9 =	vld [tilespmem:s24+$0x7140]  }
0xb9: {  	[tilespmem:s24+$0xD110] =	vst v3;
	v3 =	vadd.f32 v7, v6;
	v6 =	vld [tilespmem:s24+$0x1150]  }
0xba: {  	v7 =	vld [tilespmem:s24+$0x7150]  }
0xbb: {  	[tilespmem:s24+$0xD120] =	vst v3;
	v3 =	vadd.f32 v8, v5;
	v5 =	vld [tilespmem:s24+$0x1160]  }
0xbc: {  	v8 =	vld [tilespmem:s24+$0x7160]  }
0xbd: {  	[tilespmem:s24+$0xD130] =	vst v3;
	v3 =	vadd.f32 v9, v4;
	v4 =	vld [tilespmem:s24+$0x1170]  }
0xbe: {  	v9 =	vld [tilespmem:s24+$0x7170]  }
0xbf: {  	[tilespmem:s24+$0xD140] =	vst v3;
	v3 =	vadd.f32 v7, v6;
	v6 =	vld [tilespmem:s24+$0x1500]  }
0xc0: {  	v7 =	vld [tilespmem:s24+$0x7500]  }
0xc1: {  	v10 =	vld [tilespmem:s24+$0x7510];
	[tilespmem:s24+$0xD150] =	vst v3;
	v3 =	vadd.f32 v8, v5  }
0xc2: {  	v8 =	vld [tilespmem:s24+$0x1510]  }
0xc3: {  	[tilespmem:s24+$0xD160] =	vst v3;
	v3 =	vadd.f32 v9, v4;
	v9 =	vld [tilespmem:s24+$0x1520]  }
0xc4: {  	v5 =	vld [tilespmem:s24+$0x1530]  }
0xc5: {  	[tilespmem:s24+$0xD170] =	vst v3;
	v3 =	vadd.f32 v7, v6;
	v7 =	vld [tilespmem:s24+$0x7530]  }
0xc6: {  	v6 =	vld [tilespmem:s24+$0x7540]  }
0xc7: {  	v4 =	vadd.f32 v10, v8;
	[tilespmem:s24+$0xD500] =	vst v3;
	v3 =	vld [tilespmem:s24+$0x1540]  }
0xc8: {  	s28 =	simm.s32 $0x0;
	v8 =	vld [tilespmem:s24+$0x7550];
	v9 =	vadd.f32 v11, v9  }
0xc9: {  	s26 =	smul.u32 $0x1800, s28;
	s4 =	simm.s32 $0x2;
	s25 =	simm.s32 $0x80;
	[tilespmem:s24+$0xD510] =	vst v4;
	v4 =	vld [tilespmem:s24+$0x1550]  }
.LBB2_2:
0xca: {  	p0 =	sne.s32 s4, $0x1F;
	s28 =	sand.u32 $0x380, s25;
	[tilespmem:s24+$0xD520] =	vst v9;
	v5 =	vadd.f32 v7, v5;
	v7 =	vld [tilespmem:s24+$0x1560]  }
0xcb: {  	s26 =	sor.u32 s28, s26;
	v9 =	vld [tilespmem:s24+$0x7560]  }
0xcc: {  	v10 =	vld [tilespmem:s26+$0x1570];
	[tilespmem:s24+$0xD530] =	vst v5;
	v3 =	vadd.f32 v6, v3  }
0xcd: {  	v5 =	vld [tilespmem:s26+$0x7570]  }
0xce: {  	v6 =	vld [tilespmem:s26+$0x100];
	[tilespmem:s24+$0xD540] =	vst v3;
	v3 =	vadd.f32 v8, v4  }
0xcf: {  	v4 =	vld [tilespmem:s26+$0x6100]  }
0xd0: {  	v8 =	vld [tilespmem:s26+$0x110];
	[tilespmem:s24+$0xD550] =	vst v3;
	v3 =	vadd.f32 v9, v7  }
0xd1: {  	v7 =	vld [tilespmem:s26+$0x6110]  }
0xd2: {  	v9 =	vld [tilespmem:s26+$0x120];
	v5 =	vadd.f32 v5, v10;
	[tilespmem:s24+$0xD560] =	vst v3;
	s24 =	smov.u32 s26  }
0xd3: {  	v3 =	vld [tilespmem:s24+$0x6120]  }
0xd4: {  	v4 =	vadd.f32 v4, v6;
	v6 =	vld [tilespmem:s24+$0x130];
	[tilespmem:s24+$0xD570] =	vst v5  }
0xd5: {  	v5 =	vld [tilespmem:s24+$0x6130]  }
0xd6: {  	[tilespmem:s24+$0xC100] =	vst v4;
	v4 =	vadd.f32 v7, v8;
	v7 =	vld [tilespmem:s24+$0x140]  }
0xd7: {  	v8 =	vld [tilespmem:s24+$0x6140]  }
0xd8: {  	[tilespmem:s24+$0xC110] =	vst v4;
	v3 =	vadd.f32 v3, v9;
	v4 =	vld [tilespmem:s24+$0x150]  }
0xd9: {  	v9 =	vld [tilespmem:s24+$0x6150]  }
0xda: {  	[tilespmem:s24+$0xC120] =	vst v3;
	v3 =	vadd.f32 v5, v6;
	v5 =	vld [tilespmem:s24+$0x160]  }
0xdb: {  	v6 =	vld [tilespmem:s24+$0x6160]  }
0xdc: {  	[tilespmem:s24+$0xC130] =	vst v3;
	v3 =	vadd.f32 v8, v7;
	v7 =	vld [tilespmem:s24+$0x170]  }
0xdd: {  	v8 =	vld [tilespmem:s24+$0x6170]  }
0xde: {  	[tilespmem:s24+$0xC140] =	vst v3;
	v3 =	vadd.f32 v9, v4;
	v4 =	vld [tilespmem:s24+$0x500]  }
0xdf: {  	v9 =	vld [tilespmem:s24+$0x6500]  }
0xe0: {  	[tilespmem:s24+$0xC150] =	vst v3;
	v3 =	vadd.f32 v6, v5;
	v5 =	vld [tilespmem:s24+$0x510]  }
0xe1: {  	v6 =	vld [tilespmem:s24+$0x6510]  }
0xe2: {  	[tilespmem:s24+$0xC160] =	vst v3;
	v3 =	vadd.f32 v8, v7;
	v7 =	vld [tilespmem:s24+$0x520]  }
0xe3: {  	v8 =	vld [tilespmem:s24+$0x6520]  }
0xe4: {  	[tilespmem:s24+$0xC170] =	vst v3;
	v3 =	vadd.f32 v9, v4;
	v4 =	vld [tilespmem:s24+$0x530]  }
0xe5: {  	v9 =	vld [tilespmem:s24+$0x6530]  }
0xe6: {  	[tilespmem:s24+$0xC500] =	vst v3;
	v3 =	vadd.f32 v6, v5;
	v5 =	vld [tilespmem:s24+$0x540]  }
0xe7: {  	v6 =	vld [tilespmem:s24+$0x6540]  }
0xe8: {  	[tilespmem:s24+$0xC510] =	vst v3;
	v3 =	vadd.f32 v8, v7;
	v7 =	vld [tilespmem:s24+$0x550]  }
0xe9: {  	v8 =	vld [tilespmem:s24+$0x6550]  }
0xea: {  	[tilespmem:s24+$0xC520] =	vst v3;
	v3 =	vadd.f32 v9, v4;
	v4 =	vld [tilespmem:s24+$0x560]  }
0xeb: {  	v9 =	vld [tilespmem:s24+$0x6560]  }
0xec: {  	[tilespmem:s24+$0xC530] =	vst v3;
	v3 =	vadd.f32 v6, v5;
	v5 =	vld [tilespmem:s24+$0x570]  }
0xed: {  	v6 =	vld [tilespmem:s24+$0x6570]  }
0xee: {  	[tilespmem:s24+$0xC540] =	vst v3;
	v3 =	vadd.f32 v8, v7;
	v7 =	vld [tilespmem:s24+$0x900]  }
0xef: {  	v8 =	vld [tilespmem:s24+$0x6900]  }
0xf0: {  	[tilespmem:s24+$0xC550] =	vst v3;
	v3 =	vadd.f32 v9, v4;
	v4 =	vld [tilespmem:s24+$0x910]  }
0xf1: {  	v9 =	vld [tilespmem:s24+$0x6910]  }
0xf2: {  	[tilespmem:s24+$0xC560] =	vst v3;
	v3 =	vadd.f32 v6, v5;
	v5 =	vld [tilespmem:s24+$0x920]  }
0xf3: {  	v6 =	vld [tilespmem:s24+$0x6920]  }
0xf4: {  	[tilespmem:s24+$0xC570] =	vst v3;
	v3 =	vadd.f32 v8, v7;
	v7 =	vld [tilespmem:s24+$0x930]  }
0xf5: {  	v8 =	vld [tilespmem:s24+$0x6930]  }
0xf6: {  	[tilespmem:s24+$0xC900] =	vst v3;
	v3 =	vadd.f32 v9, v4;
	v4 =	vld [tilespmem:s24+$0x940]  }
0xf7: {  	v9 =	vld [tilespmem:s24+$0x6940]  }
0xf8: {  	[tilespmem:s24+$0xC910] =	vst v3;
	v3 =	vadd.f32 v6, v5;
	v5 =	vld [tilespmem:s24+$0x950]  }
0xf9: {  	v6 =	vld [tilespmem:s24+$0x6950]  }
0xfa: {  	[tilespmem:s24+$0xC920] =	vst v3;
	v3 =	vadd.f32 v8, v7;
	v7 =	vld [tilespmem:s24+$0x960]  }
0xfb: {  	v8 =	vld [tilespmem:s24+$0x6960]  }
0xfc: {  	[tilespmem:s24+$0xC930] =	vst v3;
	v3 =	vadd.f32 v9, v4;
	v4 =	vld [tilespmem:s24+$0x970]  }
0xfd: {  	v9 =	vld [tilespmem:s24+$0x6970]  }
0xfe: {  	[tilespmem:s24+$0xC940] =	vst v3;
	v3 =	vadd.f32 v6, v5;
	v5 =	vld [tilespmem:s24+$0xD00]  }
0xff: {  	v6 =	vld [tilespmem:s24+$0x6D00]  }
0x100: {  	[tilespmem:s24+$0xC950] =	vst v3;
	v3 =	vadd.f32 v8, v7;
	v7 =	vld [tilespmem:s24+$0xD10]  }
0x101: {  	v8 =	vld [tilespmem:s24+$0x6D10]  }
0x102: {  	[tilespmem:s24+$0xC960] =	vst v3;
	v3 =	vadd.f32 v9, v4;
	v4 =	vld [tilespmem:s24+$0xD20]  }
0x103: {  	v9 =	vld [tilespmem:s24+$0x6D20]  }
0x104: {  	[tilespmem:s24+$0xC970] =	vst v3;
	v3 =	vadd.f32 v6, v5;
	v5 =	vld [tilespmem:s24+$0xD30]  }
0x105: {  	v6 =	vld [tilespmem:s24+$0x6D30]  }
0x106: {  	[tilespmem:s24+$0xCD00] =	vst v3;
	v3 =	vadd.f32 v8, v7;
	v7 =	vld [tilespmem:s24+$0xD40]  }
0x107: {  	v8 =	vld [tilespmem:s24+$0x6D40]  }
0x108: {  	[tilespmem:s24+$0xCD10] =	vst v3;
	v3 =	vadd.f32 v9, v4;
	v4 =	vld [tilespmem:s24+$0xD50]  }
0x109: {  	v9 =	vld [tilespmem:s24+$0x6D50]  }
0x10a: {  	[tilespmem:s24+$0xCD20] =	vst v3;
	v3 =	vadd.f32 v6, v5;
	v5 =	vld [tilespmem:s24+$0xD60]  }
0x10b: {  	v6 =	vld [tilespmem:s24+$0x6D60]  }
0x10c: {  	[tilespmem:s24+$0xCD30] =	vst v3;
	v3 =	vadd.f32 v8, v7;
	v7 =	vld [tilespmem:s24+$0xD70]  }
0x10d: {  	v8 =	vld [tilespmem:s24+$0x6D70]  }
0x10e: {  	[tilespmem:s24+$0xCD40] =	vst v3;
	v3 =	vadd.f32 v9, v4;
	v4 =	vld [tilespmem:s24+$0x1100]  }
0x10f: {  	v9 =	vld [tilespmem:s24+$0x7100]  }
0x110: {  	[tilespmem:s24+$0xCD50] =	vst v3;
	v3 =	vadd.f32 v6, v5;
	v5 =	vld [tilespmem:s24+$0x1110]  }
0x111: {  	v6 =	vld [tilespmem:s24+$0x7110]  }
0x112: {  	[tilespmem:s24+$0xCD60] =	vst v3;
	v3 =	vadd.f32 v8, v7;
	v7 =	vld [tilespmem:s24+$0x1120]  }
0x113: {  	v8 =	vld [tilespmem:s24+$0x7120]  }
0x114: {  	[tilespmem:s24+$0xCD70] =	vst v3;
	v3 =	vadd.f32 v9, v4;
	v4 =	vld [tilespmem:s24+$0x1130]  }
0x115: {  	v9 =	vld [tilespmem:s24+$0x7130]  }
0x116: {  	[tilespmem:s24+$0xD100] =	vst v3;
	v3 =	vadd.f32 v6, v5;
	v5 =	vld [tilespmem:s24+$0x1140]  }
0x117: {  	v6 =	vld [tilespmem:s24+$0x7140]  }
0x118: {  	[tilespmem:s24+$0xD110] =	vst v3;
	v3 =	vadd.f32 v8, v7;
	v7 =	vld [tilespmem:s24+$0x1150]  }
0x119: {  	v8 =	vld [tilespmem:s24+$0x7150]  }
0x11a: {  	[tilespmem:s24+$0xD120] =	vst v3;
	v3 =	vadd.f32 v9, v4;
	v4 =	vld [tilespmem:s24+$0x1160]  }
0x11b: {  	v9 =	vld [tilespmem:s24+$0x7160]  }
0x11c: {  	[tilespmem:s24+$0xD130] =	vst v3;
	v3 =	vadd.f32 v6, v5;
	v5 =	vld [tilespmem:s24+$0x1170]  }
0x11d: {  	v6 =	vld [tilespmem:s24+$0x7170]  }
0x11e: {  	[tilespmem:s24+$0xD140] =	vst v3;
	v3 =	vadd.f32 v8, v7;
	v7 =	vld [tilespmem:s24+$0x1500]  }
0x11f: {  	v8 =	vld [tilespmem:s24+$0x7500]  }
0x120: {  	[tilespmem:s24+$0xD150] =	vst v3;
	v3 =	vadd.f32 v9, v4;
	v4 =	vld [tilespmem:s24+$0x1510]  }
0x121: {  	v9 =	vld [tilespmem:s24+$0x7510]  }
0x122: {  	[tilespmem:s24+$0xD160] =	vst v3;
	v3 =	vadd.f32 v6, v5;
	v10 =	vld [tilespmem:s24+$0x1520]  }
0x123: {  	v11 =	vld [tilespmem:s24+$0x7520]  }
0x124: {  	[tilespmem:s24+$0xD170] =	vst v3;
	v3 =	vadd.f32 v8, v7;
	v5 =	vld [tilespmem:s24+$0x1530]  }
.Ltmp0:
0x125: {  	v7 =	vld [tilespmem:s24+$0x7530];
	(pc) =	sbr.rel @p0 .LBB2_2-.Ltmp0, $4  }
0x126: {  	[tilespmem:s24+$0xD500] =	vst v3;
	v4 =	vadd.f32 v9, v4;
	v3 =	vld [tilespmem:s24+$0x1540]  }
0x127: {  	v6 =	vld [tilespmem:s24+$0x7540]  }
0x128: {  	s26 =	sshrl.u32 s4, $0x3;
	[tilespmem:s24+$0xD510] =	vst v4;
	v9 =	vadd.f32 v11, v10;
	v4 =	vld [tilespmem:s24+$0x1550]  }
0x129: {  	s25 =	sadd.s32 $0x80, s25;
	s4 =	sadd.s32 $0x1, s4;
	s26 =	smul.u32 $0x1800, s26;
	v8 =	vld [tilespmem:s24+$0x7550]  }
0x12a: {  	[tilespmem:s24+$0xD520] =	vst v9;
	s4 =	sand.u32 $0x380, s25;
	v9 =	vld [tilespmem:s24+$0x1560];
	v5 =	vadd.f32 v7, v5  }
0x12b: {  	v7 =	vld [tilespmem:s24+$0x7560];
	s4 =	sor.u32 s4, s26  }
0x12c: {  	v10 =	vld [tilespmem:s4+$0x1570];
	[tilespmem:s24+$0xD530] =	vst v5;
	v3 =	vadd.f32 v6, v3  }
0x12d: {  	v5 =	vld [tilespmem:s4+$0x7570]  }
0x12e: {  	v6 =	vld [tilespmem:s4+$0x100];
	[tilespmem:s24+$0xD540] =	vst v3;
	v3 =	vadd.f32 v8, v4  }
0x12f: {  	v4 =	vld [tilespmem:s4+$0x6100]  }
0x130: {  	v8 =	vld [tilespmem:s4+$0x110];
	[tilespmem:s24+$0xD550] =	vst v3;
	v3 =	vadd.f32 v7, v9  }
0x131: {  	v7 =	vld [tilespmem:s4+$0x6110]  }
0x132: {  	v9 =	vld [tilespmem:s4+$0x120];
	[tilespmem:s24+$0xD560] =	vst v3  }
0x133: {  	v3 =	vld [tilespmem:s4+$0x6120]  }
0x134: {  	v11 =	vld [tilespmem:s4+$0x130]  }
0x135: {  	v12 =	vld [tilespmem:s4+$0x6130]  }
0x136: {  	v13 =	vld [tilespmem:s4+$0x140]  }
0x137: {  	v14 =	vld [tilespmem:s4+$0x6140]  }
0x138: {  	v15 =	vld [tilespmem:s4+$0x150]  }
0x139: {  	v16 =	vld [tilespmem:s4+$0x6150]  }
0x13a: {  	v17 =	vld [tilespmem:s4+$0x160]  }
0x13b: {  	v18 =	vld [tilespmem:s4+$0x6160]  }
0x13c: {  	v19 =	vld [tilespmem:s4+$0x170]  }
0x13d: {  	v20 =	vld [tilespmem:s4+$0x6170]  }
0x13e: {  	v21 =	vld [tilespmem:s4+$0x500]  }
0x13f: {  	v22 =	vld [tilespmem:s4+$0x6500]  }
0x140: {  	v23 =	vld [tilespmem:s4+$0x510]  }
0x141: {  	v24 =	vld [tilespmem:s4+$0x6510]  }
0x142: {  	v25 =	vld [tilespmem:s4+$0x520]  }
0x143: {  	v26 =	vld [tilespmem:s4+$0x6520]  }
0x144: {  	v27 =	vld [tilespmem:s4+$0x530]  }
0x145: {  	v28 =	vld [tilespmem:s4+$0x6530]  }
0x146: {  	v29 =	vld [tilespmem:s4+$0x540]  }
0x147: {  	v30 =	vld [tilespmem:s4+$0x6540]  }
0x148: {  	v31 =	vld [tilespmem:s4+$0x550]  }
0x149: {  	v32 =	vld [tilespmem:s4+$0x6550]  }
0x14a: {  	v33 =	vld [tilespmem:s4+$0x560]  }
0x14b: {  	v34 =	vld [tilespmem:s4+$0x6560]  }
0x14c: {  	v35 =	vld [tilespmem:s4+$0x570]  }
0x14d: {  	v36 =	vld [tilespmem:s4+$0x6570]  }
0x14e: {  	v37 =	vld [tilespmem:s4+$0x900]  }
0x14f: {  	v38 =	vld [tilespmem:s4+$0x6900]  }
0x150: {  	v39 =	vld [tilespmem:s4+$0x910]  }
0x151: {  	v40 =	vld [tilespmem:s4+$0x6910]  }
0x152: {  	v41 =	vld [tilespmem:s4+$0x920]  }
0x153: {  	v42 =	vld [tilespmem:s4+$0x6920]  }
0x154: {  	v43 =	vld [tilespmem:s4+$0x930]  }
0x155: {  	v44 =	vld [tilespmem:s4+$0x6930]  }
0x156: {  	v45 =	vld [tilespmem:s4+$0x940]  }
0x157: {  	v46 =	vld [tilespmem:s4+$0x6940]  }
0x158: {  	v47 =	vld [tilespmem:s4+$0x950]  }
0x159: {  	v48 =	vld [tilespmem:s4+$0x6950]  }
0x15a: {  	v49 =	vld [tilespmem:s4+$0x960]  }
0x15b: {  	v50 =	vld [tilespmem:s4+$0x6960]  }
0x15c: {  	v51 =	vld [tilespmem:s4+$0x970]  }
0x15d: {  	v52 =	vld [tilespmem:s4+$0x6970]  }
0x15e: {  	v53 =	vld [tilespmem:s4+$0xD00];
	v4 =	vadd.f32 v4, v6  }
0x15f: {  	v5 =	vadd.f32 v5, v10;
	v54 =	vld [tilespmem:s4+$0x6D00]  }
0x160: {  	[tilespmem:s4+$0xC100] =	vst v4;
	v4 =	vld [tilespmem:s4+$0xD30]  }
0x161: {  	[tilespmem:s4+$0xD570] =	vst v5;
	v5 =	vadd.f32 v7, v8;
	v8 =	vld [tilespmem:s4+$0x6D30]  }
0x162: {  	v55 =	vld [tilespmem:s4+$0xD10];
	v3 =	vadd.f32 v3, v9  }
0x163: {  	v10 =	vld [tilespmem:s4+$0x6D10];
	[tilespmem:s4+$0xC110] =	vst v5;
	v5 =	vadd.f32 v12, v11  }
0x164: {  	v58 =	vld [tilespmem:s4+$0xD60];
	[tilespmem:s4+$0xC120] =	vst v3;
	v3 =	vadd.f32 v14, v13  }
0x165: {  	v12 =	vld [tilespmem:s4+$0xD50];
	[tilespmem:s4+$0xC130] =	vst v5;
	v5 =	vadd.f32 v16, v15  }
0x166: {  	v13 =	vld [tilespmem:s4+$0x6D50];
	v4 =	vadd.f32 v8, v4;
	[tilespmem:s4+$0xC140] =	vst v3  }
0x167: {  	v59 =	vld [tilespmem:s4+$0x6D60];
	v3 =	vadd.f32 v18, v17;
	[tilespmem:s4+$0xC150] =	vst v5  }
0x168: {  	v60 =	vld [tilespmem:s4+$0xD70];
	v5 =	vadd.f32 v20, v19;
	[tilespmem:s4+$0xCD30] =	vst v4  }
0x169: {  	v61 =	vld [tilespmem:s4+$0x6D70];
	[tilespmem:s4+$0xC160] =	vst v3;
	v3 =	vadd.f32 v22, v21  }
0x16a: {  	v62 =	vld [tilespmem:s4+$0x1100];
	[tilespmem:s4+$0xC170] =	vst v5;
	v5 =	vadd.f32 v24, v23  }
0x16b: {  	v63 =	vld [tilespmem:s4+$0x7100];
	v4 =	vadd.f32 v13, v12;
	[tilespmem:s4+$0xC500] =	vst v3  }
0x16c: {  	v56 =	vld [tilespmem:s4+$0x7150];
	v3 =	vadd.f32 v26, v25;
	[tilespmem:s4+$0xC510] =	vst v5  }
0x16d: {  	v57 =	vld [tilespmem:s4+$0x1160];
	v5 =	vadd.f32 v28, v27;
	[tilespmem:s4+$0xCD50] =	vst v4  }
0x16e: {  	v6 =	vld [tilespmem:s4+$0xD20];
	[tilespmem:s4+$0xC520] =	vst v3;
	v3 =	vadd.f32 v30, v29  }
0x16f: {  	v7 =	vld [tilespmem:s4+$0x6D20];
	v4 =	vadd.f32 v61, v60;
	[tilespmem:s4+$0xC530] =	vst v5  }
0x170: {  	v9 =	vld [tilespmem:s4+$0xD40];
	[tilespmem:s4+$0xC540] =	vst v3;
	v3 =	vadd.f32 v34, v33  }
0x171: {  	v11 =	vld [tilespmem:s4+$0x6D40];
	v5 =	vadd.f32 v32, v31;
	[tilespmem:s4+$0xCD70] =	vst v4  }
0x172: {  	v8 =	vld [tilespmem:s4+$0x7500];
	[tilespmem:s4+$0xC560] =	vst v3;
	v3 =	vadd.f32 v38, v37  }
0x173: {  	v60 =	vld [tilespmem:s4+$0x1530];
	[tilespmem:s4+$0xC550] =	vst v5;
	v5 =	vadd.f32 v36, v35  }
0x174: {  	v61 =	vld [tilespmem:s4+$0x7530];
	[tilespmem:s4+$0xC900] =	vst v3;
	v3 =	vadd.f32 v42, v41  }
0x175: {  	v34 =	vld [tilespmem:s4+$0x1110];
	[tilespmem:s4+$0xC570] =	vst v5;
	v5 =	vadd.f32 v40, v39  }
0x176: {  	v36 =	vld [tilespmem:s4+$0x7110];
	[tilespmem:s4+$0xC920] =	vst v3;
	v3 =	vadd.f32 v46, v45  }
0x177: {  	v38 =	vld [tilespmem:s4+$0x1120];
	[tilespmem:s4+$0xC910] =	vst v5;
	v5 =	vadd.f32 v44, v43  }
0x178: {  	v40 =	vld [tilespmem:s4+$0x7120];
	[tilespmem:s4+$0xC940] =	vst v3;
	v3 =	vadd.f32 v50, v49  }
0x179: {  	v42 =	vld [tilespmem:s4+$0x1130];
	[tilespmem:s4+$0xC930] =	vst v5;
	v5 =	vadd.f32 v48, v47  }
0x17a: {  	v44 =	vld [tilespmem:s4+$0x7130];
	[tilespmem:s4+$0xC960] =	vst v3;
	v3 =	vadd.f32 v54, v53  }
0x17b: {  	v46 =	vld [tilespmem:s4+$0x1140];
	[tilespmem:s4+$0xC950] =	vst v5;
	v5 =	vadd.f32 v52, v51  }
0x17c: {  	v48 =	vld [tilespmem:s4+$0x7140];
	[tilespmem:s4+$0xCD00] =	vst v3;
	v3 =	vadd.f32 v7, v6  }
0x17d: {  	v50 =	vld [tilespmem:s4+$0x1150];
	[tilespmem:s4+$0xC970] =	vst v5;
	v5 =	vadd.f32 v10, v55  }
0x17e: {  	v10 =	vld [tilespmem:s4+$0x7160];
	[tilespmem:s4+$0xCD20] =	vst v3;
	v3 =	vadd.f32 v11, v9  }
0x17f: {  	v4 =	vadd.f32 v36, v34;
	v6 =	vld [tilespmem:s4+$0x1170];
	[tilespmem:s4+$0xCD10] =	vst v5  }
0x180: {  	v5 =	vld [tilespmem:s4+$0x7170];
	[tilespmem:s4+$0xCD40] =	vst v3;
	v3 =	vadd.f32 v59, v58  }
0x181: {  	[tilespmem:s4+$0xD110] =	vst v4;
	v4 =	vadd.f32 v44, v42;
	v7 =	vld [tilespmem:s4+$0x1500]  }
0x182: {  	v9 =	vld [tilespmem:s4+$0x1510];
	[tilespmem:s4+$0xCD60] =	vst v3;
	v3 =	vadd.f32 v63, v62  }
0x183: {  	[tilespmem:s4+$0xD130] =	vst v4;
	v4 =	vadd.f32 v56, v50;
	v11 =	vld [tilespmem:s4+$0x7510]  }
0x184: {  	v58 =	vld [tilespmem:s4+$0x1520];
	[tilespmem:s4+$0xD100] =	vst v3;
	v3 =	vadd.f32 v40, v38  }
0x185: {  	[tilespmem:s4+$0xD150] =	vst v4;
	v59 =	vld [tilespmem:s4+$0x7520]  }
0x186: {  	v4 =	vadd.f32 v5, v6;
	v5 =	vld [tilespmem:s4+$0x7550];
	[tilespmem:s4+$0xD120] =	vst v3;
	v3 =	vadd.f32 v48, v46  }
0x187: {  	v6 =	vld [tilespmem:s4+$0x1560]  }
0x188: {  	v62 =	vld [tilespmem:s4+$0x1540];
	[tilespmem:s4+$0xD140] =	vst v3;
	v3 =	vadd.f32 v10, v57  }
0x189: {  	v63 =	vld [tilespmem:s4+$0x7540]  }
0x18a: {  	v10 =	vld [tilespmem:s4+$0x1550];
	[tilespmem:s4+$0xD160] =	vst v3;
	v3 =	vadd.f32 v8, v7  }
0x18b: {  	[tilespmem:s4+$0xD170] =	vst v4;
	v4 =	vadd.f32 v11, v9;
	v7 =	vld [tilespmem:s4+$0x7560]  }
0x18c: {  	[tilespmem:s4+$0xD500] =	vst v3;
	v3 =	vadd.f32 v59, v58  }
0x18d: {  	[tilespmem:s4+$0xD510] =	vst v4;
	v4 =	vadd.f32 v61, v60  }
0x18e: {  	[tilespmem:s4+$0xD520] =	vst v3;
	v3 =	vadd.f32 v63, v62  }
0x18f: {  	[tilespmem:s4+$0xD530] =	vst v4;
	v4 =	vadd.f32 v5, v10  }
0x190: {  	[tilespmem:s4+$0xD540] =	vst v3;
	v3 =	vadd.f32 v7, v6  }
0x191: {  	[tilespmem:s4+$0xD550] =	vst v4  }
0x192: {  	[tilespmem:s4+$0xD560] =	vst v3;
	s4 =	simm.s32 $0x0  }
0x193: {  	[hbm4b:s8+s4] =	stream.linear.scatter [tilespmem:s22], [sflag:$0x3], $0x6000, $0x38;
	[tilespmem:$0x12100] =	vst v63  }
0x194: {  	_ =	swait.ge [sflag:s13], $0x6000  }
0x195: {  	[sflag:s13] =	ssyncset.done $0x0  }
0x196: {  	[sflag:s13] =	ssyncadd.s32 $0xFFFFA000  }
0x197: {  	[tilespmem:s4], [sflag:$0x3] =	stream.linear.gather [hbm4b:s9+s4], $0x20, $0x38;
	[tilespmem:$0x12100] =	vst v63  }
0x198: {  	_ =	swait.ge [sflag:s13], $0x20  }
0x199: {  	[sflag:s13] =	ssyncset.done $0x0  }
0x19a: {  	s28 =	simm.s32 $0x80;
	[sflag:s13] =	ssyncadd.s32 $0xFFFFFFE0  }
0x19b: {  	[tilespmem:s28], [sflag:$0x3] =	stream.linear.gather [hbm4b:s10+s4], $0x20, $0x38;
	[tilespmem:$0x12100] =	vst v63  }
0x19c: {  	_ =	swait.ge [sflag:s13], $0x20  }
0x19d: {  	[sflag:s13] =	ssyncset.done $0x0  }
0x19e: {  	[sflag:s13] =	ssyncadd.s32 $0xFFFFFFE0  }
0x19f: {  	v3 =	vld [tilespmem:$0x0];
	_ =	sdelay $0x4  }
0x1a0: {  	v4 =	vshrl.u32 v3, $0x3  }
0x1a1: {  	v4 =	vmul.u32 $0x30, v4  }
0x1a2: {  	v3 =	vand.u32 $0x7, v3  }
0x1a3: {  	v3 =	vor.u32 v3, v4  }
0x1a4: {  	v4 =	vperm.xlane v3, v0;
	_ =	sdelay $0x1  }
0x1a5: {  	v4 =	vadd.s32 v1, v4;
	_ =	sdelay $0x3  }
0x1a6: {  	s25 =	simm.s32 $0x100;
	v3 =	vperm.xlane v3, v2  }
0x1a7: {  	[tilespmem:s25], [sflag:$0x1] =	stream.indirect_vreg.gather [hbm4b:s3+s4], $0x80, v4, vm0, $0xb8;
	[tilespmem:$0x12100] =	vst v63  }
0x1a8: {  	s26 =	simm.s32 $0x900;
	v3 =	vadd.s32 v1, v3  }
0x1a9: {  	[tilespmem:s26], [sflag:$0x1] =	stream.indirect_vreg.gather [hbm4b:s6+s4], $0x80, v4, vm0, $0xb8;
	[tilespmem:$0x12100] =	vst v63  }
0x1aa: {  	s28 =	simm.s32 $0x1100  }
0x1ab: {  	[tilespmem:s28], [sflag:$0x1] =	stream.indirect_vreg.gather [hbm4b:s7+s4], $0x80, v4, vm0, $0xb8;
	[tilespmem:$0x12100] =	vst v63  }
0x1ac: {  	s25 =	simm.s32 $0x1900  }
0x1ad: {  	[tilespmem:s25], [sflag:$0x1] =	stream.indirect_vreg.gather [hbm4b:s3+s4], $0x80, v3, vm0, $0xb8;
	[tilespmem:$0x12100] =	vst v63  }
0x1ae: {  	s26 =	simm.s32 $0x2100  }
0x1af: {  	[tilespmem:s26], [sflag:$0x1] =	stream.indirect_vreg.gather [hbm4b:s6+s4], $0x80, v3, vm0, $0xb8;
	[tilespmem:$0x12100] =	vst v63  }
0x1b0: {  	s28 =	simm.s32 $0x2900  }
0x1b1: {  	[tilespmem:s28], [sflag:$0x1] =	stream.indirect_vreg.gather [hbm4b:s7+s4], $0x80, v3, vm0, $0xb8;
	[tilespmem:$0x12100] =	vst v63  }
0x1b2: {  	v3 =	vld [tilespmem:$0x10];
	_ =	sdelay $0x4  }
0x1b3: {  	v4 =	vshrl.u32 v3, $0x3  }
0x1b4: {  	v4 =	vmul.u32 $0x30, v4  }
0x1b5: {  	v3 =	vand.u32 $0x7, v3  }
0x1b6: {  	v3 =	vor.u32 v3, v4  }
0x1b7: {  	v4 =	vperm.xlane v3, v0;
	_ =	sdelay $0x1  }
0x1b8: {  	v4 =	vadd.s32 v1, v4;
	_ =	sdelay $0x3  }
0x1b9: {  	s25 =	simm.s32 $0x3100;
	v3 =	vperm.xlane v3, v2  }
0x1ba: {  	[tilespmem:s25], [sflag:$0x1] =	stream.indirect_vreg.gather [hbm4b:s3+s4], $0x80, v4, vm0, $0xb8;
	[tilespmem:$0x12100] =	vst v63  }
0x1bb: {  	s26 =	simm.s32 $0x3900;
	v3 =	vadd.s32 v1, v3  }
0x1bc: {  	[tilespmem:s26], [sflag:$0x1] =	stream.indirect_vreg.gather [hbm4b:s6+s4], $0x80, v4, vm0, $0xb8;
	[tilespmem:$0x12100] =	vst v63  }
0x1bd: {  	s28 =	simm.s32 $0x4100  }
0x1be: {  	[tilespmem:s28], [sflag:$0x1] =	stream.indirect_vreg.gather [hbm4b:s7+s4], $0x80, v4, vm0, $0xb8;
	[tilespmem:$0x12100] =	vst v63  }
0x1bf: {  	s25 =	simm.s32 $0x4900  }
0x1c0: {  	[tilespmem:s25], [sflag:$0x1] =	stream.indirect_vreg.gather [hbm4b:s3+s4], $0x80, v3, vm0, $0xb8;
	[tilespmem:$0x12100] =	vst v63  }
0x1c1: {  	s26 =	simm.s32 $0x5100  }
0x1c2: {  	[tilespmem:s26], [sflag:$0x1] =	stream.indirect_vreg.gather [hbm4b:s6+s4], $0x80, v3, vm0, $0xb8;
	[tilespmem:$0x12100] =	vst v63  }
0x1c3: {  	s28 =	simm.s32 $0x5900  }
0x1c4: {  	[tilespmem:s28], [sflag:$0x1] =	stream.indirect_vreg.gather [hbm4b:s7+s4], $0x80, v3, vm0, $0xb8;
	[tilespmem:$0x12100] =	vst v63  }
0x1c5: {  	v3 =	vld [tilespmem:$0x80];
	_ =	sdelay $0x4  }
0x1c6: {  	v4 =	vshrl.u32 v3, $0x3  }
0x1c7: {  	v4 =	vmul.u32 $0x30, v4  }
0x1c8: {  	v3 =	vand.u32 $0x7, v3  }
0x1c9: {  	v3 =	vor.u32 v3, v4  }
0x1ca: {  	v4 =	vperm.xlane v3, v0;
	_ =	sdelay $0x1  }
0x1cb: {  	v4 =	vadd.s32 v1, v4;
	_ =	sdelay $0x3  }
0x1cc: {  	s25 =	simm.s32 $0x6100;
	v3 =	vperm.xlane v3, v2  }
0x1cd: {  	[tilespmem:s25], [sflag:$0x2] =	stream.indirect_vreg.gather [hbm4b:s3+s4], $0x80, v4, vm0, $0xb8;
	[tilespmem:$0x12100] =	vst v63  }
0x1ce: {  	v3 =	vadd.s32 v1, v3  }
0x1cf: {  	[tilespmem:s29], [sflag:$0x2] =	stream.indirect_vreg.gather [hbm4b:s6+s4], $0x80, v4, vm0, $0xb8;
	[tilespmem:$0x12100] =	vst v63  }
0x1d0: {  	_ = 	snop  }
0x1d1: {  	[tilespmem:s30], [sflag:$0x2] =	stream.indirect_vreg.gather [hbm4b:s7+s4], $0x80, v4, vm0, $0xb8;
	[tilespmem:$0x12100] =	vst v63  }
0x1d2: {  	_ = 	snop  }
0x1d3: {  	[tilespmem:s31], [sflag:$0x2] =	stream.indirect_vreg.gather [hbm4b:s3+s4], $0x80, v3, vm0, $0xb8;
	[tilespmem:$0x12100] =	vst v63  }
0x1d4: {  	_ = 	snop  }
0x1d5: {  	[tilespmem:s0], [sflag:$0x2] =	stream.indirect_vreg.gather [hbm4b:s6+s4], $0x80, v3, vm0, $0xb8;
	[tilespmem:$0x12100] =	vst v63  }
0x1d6: {  	_ = 	snop  }
0x1d7: {  	[tilespmem:s2], [sflag:$0x2] =	stream.indirect_vreg.gather [hbm4b:s7+s4], $0x80, v3, vm0, $0xb8;
	[tilespmem:$0x12100] =	vst v63  }
0x1d8: {  	v3 =	vld [tilespmem:$0x90];
	_ =	sdelay $0x4  }
0x1d9: {  	v4 =	vshrl.u32 v3, $0x3  }
0x1da: {  	v4 =	vmul.u32 $0x30, v4  }
0x1db: {  	v3 =	vand.u32 $0x7, v3  }
0x1dc: {  	v3 =	vor.u32 v3, v4  }
0x1dd: {  	v4 =	vperm.xlane v3, v0;
	_ =	sdelay $0x1  }
0x1de: {  	v4 =	vadd.s32 v1, v4;
	_ =	sdelay $0x3  }
0x1df: {  	v3 =	vperm.xlane v3, v2  }
0x1e0: {  	[tilespmem:s14], [sflag:$0x2] =	stream.indirect_vreg.gather [hbm4b:s3+s4], $0x80, v4, vm0, $0xb8;
	[tilespmem:$0x12100] =	vst v63  }
0x1e1: {  	v3 =	vadd.s32 v1, v3  }
0x1e2: {  	[tilespmem:s15], [sflag:$0x2] =	stream.indirect_vreg.gather [hbm4b:s6+s4], $0x80, v4, vm0, $0xb8;
	[tilespmem:$0x12100] =	vst v63  }
0x1e3: {  	_ = 	snop  }
0x1e4: {  	[tilespmem:s16], [sflag:$0x2] =	stream.indirect_vreg.gather [hbm4b:s7+s4], $0x80, v4, vm0, $0xb8;
	[tilespmem:$0x12100] =	vst v63  }
0x1e5: {  	_ = 	snop  }
0x1e6: {  	[tilespmem:s17], [sflag:$0x2] =	stream.indirect_vreg.gather [hbm4b:s3+s4], $0x80, v3, vm0, $0xb8;
	[tilespmem:$0x12100] =	vst v63  }
0x1e7: {  	_ = 	snop  }
0x1e8: {  	[tilespmem:s18], [sflag:$0x2] =	stream.indirect_vreg.gather [hbm4b:s6+s4], $0x80, v3, vm0, $0xb8;
	[tilespmem:$0x12100] =	vst v63  }
0x1e9: {  	_ = 	snop  }
0x1ea: {  	[tilespmem:s19], [sflag:$0x2] =	stream.indirect_vreg.gather [hbm4b:s7+s4], $0x80, v3, vm0, $0xb8;
	[tilespmem:$0x12100] =	vst v63  }
0x1eb: {  	_ =	swait.ge [sflag:s20], $0x6000  }
0x1ec: {  	[sflag:s20] =	ssyncset.done $0x0  }
0x1ed: {  	s26 =	simm.s32 $0x0;
	[sflag:s20] =	ssyncadd.s32 $0xFFFFA000  }
0x1ee: {  	s24 =	smul.u32 $0x1800, s26;
	_ =	swait.ge [sflag:s21], $0x6000  }
0x1ef: {  	s4 =	sand.u32 $0x380, s4;
	[sflag:s21] =	ssyncset.done $0x0  }
0x1f0: {  	s24 =	sor.u32 s4, s24;
	[sflag:s21] =	ssyncadd.s32 $0xFFFFA000  }
0x1f1: {  	v3 =	vld [tilespmem:s24+$0x1570]  }
0x1f2: {  	v4 =	vld [tilespmem:s24+$0x7570]  }
0x1f3: {  	v5 =	vld [tilespmem:s24+$0x100]  }
0x1f4: {  	v6 =	vld [tilespmem:s24+$0x6100]  }
0x1f5: {  	v7 =	vld [tilespmem:s24+$0x110]  }
0x1f6: {  	v8 =	vld [tilespmem:s24+$0x6110]  }
0x1f7: {  	v9 =	vld [tilespmem:s24+$0x120]  }
0x1f8: {  	v10 =	vld [tilespmem:s24+$0x130]  }
0x1f9: {  	v11 =	vld [tilespmem:s24+$0x7520];
	v3 =	vadd.f32 v4, v3  }
0x1fa: {  	v4 =	vld [tilespmem:s24+$0x6120]  }
0x1fb: {  	v5 =	vadd.f32 v6, v5;
	[tilespmem:s24+$0xD570] =	vst v3;
	v3 =	vld [tilespmem:s24+$0x6130]  }
0x1fc: {  	v6 =	vld [tilespmem:s24+$0x140]  }
0x1fd: {  	[tilespmem:s24+$0xC100] =	vst v5;
	v5 =	vadd.f32 v8, v7;
	v7 =	vld [tilespmem:s24+$0x6140]  }
0x1fe: {  	v8 =	vld [tilespmem:s24+$0x6150]  }
0x1ff: {  	[tilespmem:s24+$0xC110] =	vst v5;
	v5 =	vld [tilespmem:s24+$0x150];
	v4 =	vadd.f32 v4, v9  }
0x200: {  	v9 =	vld [tilespmem:s24+$0x6160];
	v3 =	vadd.f32 v3, v10  }
0x201: {  	[tilespmem:s24+$0xC120] =	vst v4;
	v4 =	vld [tilespmem:s24+$0x160]  }
0x202: {  	[tilespmem:s24+$0xC130] =	vst v3;
	v3 =	vadd.f32 v7, v6;
	v6 =	vld [tilespmem:s24+$0x170]  }
0x203: {  	v7 =	vld [tilespmem:s24+$0x6170]  }
0x204: {  	[tilespmem:s24+$0xC140] =	vst v3;
	v3 =	vadd.f32 v8, v5;
	v5 =	vld [tilespmem:s24+$0x500]  }
0x205: {  	v8 =	vld [tilespmem:s24+$0x6500]  }
0x206: {  	[tilespmem:s24+$0xC150] =	vst v3;
	v3 =	vadd.f32 v9, v4;
	v4 =	vld [tilespmem:s24+$0x510]  }
0x207: {  	v9 =	vld [tilespmem:s24+$0x6510]  }
0x208: {  	[tilespmem:s24+$0xC160] =	vst v3;
	v3 =	vadd.f32 v7, v6;
	v6 =	vld [tilespmem:s24+$0x520]  }
0x209: {  	v7 =	vld [tilespmem:s24+$0x6520]  }
0x20a: {  	[tilespmem:s24+$0xC170] =	vst v3;
	v3 =	vadd.f32 v8, v5;
	v5 =	vld [tilespmem:s24+$0x530]  }
0x20b: {  	v8 =	vld [tilespmem:s24+$0x6530]  }
0x20c: {  	[tilespmem:s24+$0xC500] =	vst v3;
	v3 =	vadd.f32 v9, v4;
	v4 =	vld [tilespmem:s24+$0x540]  }
0x20d: {  	v9 =	vld [tilespmem:s24+$0x6540]  }
0x20e: {  	[tilespmem:s24+$0xC510] =	vst v3;
	v3 =	vadd.f32 v7, v6;
	v6 =	vld [tilespmem:s24+$0x550]  }
0x20f: {  	v7 =	vld [tilespmem:s24+$0x6550]  }
0x210: {  	[tilespmem:s24+$0xC520] =	vst v3;
	v3 =	vadd.f32 v8, v5;
	v5 =	vld [tilespmem:s24+$0x560]  }
0x211: {  	v8 =	vld [tilespmem:s24+$0x6560]  }
0x212: {  	[tilespmem:s24+$0xC530] =	vst v3;
	v3 =	vadd.f32 v9, v4;
	v4 =	vld [tilespmem:s24+$0x570]  }
0x213: {  	v9 =	vld [tilespmem:s24+$0x6570]  }
0x214: {  	[tilespmem:s24+$0xC540] =	vst v3;
	v3 =	vadd.f32 v7, v6;
	v6 =	vld [tilespmem:s24+$0x900]  }
0x215: {  	v7 =	vld [tilespmem:s24+$0x6900]  }
0x216: {  	[tilespmem:s24+$0xC550] =	vst v3;
	v3 =	vadd.f32 v8, v5;
	v5 =	vld [tilespmem:s24+$0x910]  }
0x217: {  	v8 =	vld [tilespmem:s24+$0x6910]  }
0x218: {  	[tilespmem:s24+$0xC560] =	vst v3;
	v3 =	vadd.f32 v9, v4;
	v4 =	vld [tilespmem:s24+$0x920]  }
0x219: {  	v9 =	vld [tilespmem:s24+$0x6920]  }
0x21a: {  	[tilespmem:s24+$0xC570] =	vst v3;
	v3 =	vadd.f32 v7, v6;
	v6 =	vld [tilespmem:s24+$0x930]  }
0x21b: {  	v7 =	vld [tilespmem:s24+$0x6930]  }
0x21c: {  	[tilespmem:s24+$0xC900] =	vst v3;
	v3 =	vadd.f32 v8, v5;
	v5 =	vld [tilespmem:s24+$0x940]  }
0x21d: {  	v8 =	vld [tilespmem:s24+$0x6940]  }
0x21e: {  	[tilespmem:s24+$0xC910] =	vst v3;
	v3 =	vadd.f32 v9, v4;
	v4 =	vld [tilespmem:s24+$0x950]  }
0x21f: {  	v9 =	vld [tilespmem:s24+$0x6950]  }
0x220: {  	[tilespmem:s24+$0xC920] =	vst v3;
	v3 =	vadd.f32 v7, v6;
	v6 =	vld [tilespmem:s24+$0x960]  }
0x221: {  	v7 =	vld [tilespmem:s24+$0x6960]  }
0x222: {  	[tilespmem:s24+$0xC930] =	vst v3;
	v3 =	vadd.f32 v8, v5;
	v5 =	vld [tilespmem:s24+$0x970]  }
0x223: {  	v8 =	vld [tilespmem:s24+$0x6970]  }
0x224: {  	[tilespmem:s24+$0xC940] =	vst v3;
	v3 =	vadd.f32 v9, v4;
	v4 =	vld [tilespmem:s24+$0xD00]  }
0x225: {  	v9 =	vld [tilespmem:s24+$0x6D00]  }
0x226: {  	[tilespmem:s24+$0xC950] =	vst v3;
	v3 =	vadd.f32 v7, v6;
	v6 =	vld [tilespmem:s24+$0xD10]  }
0x227: {  	v7 =	vld [tilespmem:s24+$0x6D10]  }
0x228: {  	[tilespmem:s24+$0xC960] =	vst v3;
	v3 =	vadd.f32 v8, v5;
	v5 =	vld [tilespmem:s24+$0xD20]  }
0x229: {  	v8 =	vld [tilespmem:s24+$0x6D20]  }
0x22a: {  	[tilespmem:s24+$0xC970] =	vst v3;
	v3 =	vadd.f32 v9, v4;
	v4 =	vld [tilespmem:s24+$0xD30]  }
0x22b: {  	v9 =	vld [tilespmem:s24+$0x6D30]  }
0x22c: {  	[tilespmem:s24+$0xCD00] =	vst v3;
	v3 =	vadd.f32 v7, v6;
	v6 =	vld [tilespmem:s24+$0xD40]  }
0x22d: {  	v7 =	vld [tilespmem:s24+$0x6D40]  }
0x22e: {  	[tilespmem:s24+$0xCD10] =	vst v3;
	v3 =	vadd.f32 v8, v5;
	v5 =	vld [tilespmem:s24+$0xD50]  }
0x22f: {  	v8 =	vld [tilespmem:s24+$0x6D50]  }
0x230: {  	[tilespmem:s24+$0xCD20] =	vst v3;
	v3 =	vadd.f32 v9, v4;
	v4 =	vld [tilespmem:s24+$0xD60]  }
0x231: {  	v9 =	vld [tilespmem:s24+$0x6D60]  }
0x232: {  	[tilespmem:s24+$0xCD30] =	vst v3;
	v3 =	vadd.f32 v7, v6;
	v6 =	vld [tilespmem:s24+$0xD70]  }
0x233: {  	v7 =	vld [tilespmem:s24+$0x6D70]  }
0x234: {  	[tilespmem:s24+$0xCD40] =	vst v3;
	v3 =	vadd.f32 v8, v5;
	v5 =	vld [tilespmem:s24+$0x1100]  }
0x235: {  	v8 =	vld [tilespmem:s24+$0x7100]  }
0x236: {  	[tilespmem:s24+$0xCD50] =	vst v3;
	v3 =	vadd.f32 v9, v4;
	v4 =	vld [tilespmem:s24+$0x1110]  }
0x237: {  	v9 =	vld [tilespmem:s24+$0x7110]  }
0x238: {  	[tilespmem:s24+$0xCD60] =	vst v3;
	v3 =	vadd.f32 v7, v6;
	v6 =	vld [tilespmem:s24+$0x1120]  }
0x239: {  	v7 =	vld [tilespmem:s24+$0x7120]  }
0x23a: {  	[tilespmem:s24+$0xCD70] =	vst v3;
	v3 =	vadd.f32 v8, v5;
	v5 =	vld [tilespmem:s24+$0x1130]  }
0x23b: {  	v8 =	vld [tilespmem:s24+$0x7130]  }
0x23c: {  	[tilespmem:s24+$0xD100] =	vst v3;
	v3 =	vadd.f32 v9, v4;
	v4 =	vld [tilespmem:s24+$0x1140]  }
0x23d: {  	v9 =	vld [tilespmem:s24+$0x7140]  }
0x23e: {  	[tilespmem:s24+$0xD110] =	vst v3;
	v3 =	vadd.f32 v7, v6;
	v6 =	vld [tilespmem:s24+$0x1150]  }
0x23f: {  	v7 =	vld [tilespmem:s24+$0x7150]  }
0x240: {  	[tilespmem:s24+$0xD120] =	vst v3;
	v3 =	vadd.f32 v8, v5;
	v5 =	vld [tilespmem:s24+$0x1160]  }
0x241: {  	v8 =	vld [tilespmem:s24+$0x7160]  }
0x242: {  	[tilespmem:s24+$0xD130] =	vst v3;
	v3 =	vadd.f32 v9, v4;
	v4 =	vld [tilespmem:s24+$0x1170]  }
0x243: {  	v9 =	vld [tilespmem:s24+$0x7170]  }
0x244: {  	[tilespmem:s24+$0xD140] =	vst v3;
	v3 =	vadd.f32 v7, v6;
	v6 =	vld [tilespmem:s24+$0x1500]  }
0x245: {  	v7 =	vld [tilespmem:s24+$0x7500]  }
0x246: {  	v10 =	vld [tilespmem:s24+$0x7510];
	[tilespmem:s24+$0xD150] =	vst v3;
	v3 =	vadd.f32 v8, v5  }
0x247: {  	v8 =	vld [tilespmem:s24+$0x1510]  }
0x248: {  	[tilespmem:s24+$0xD160] =	vst v3;
	v3 =	vadd.f32 v9, v4;
	v9 =	vld [tilespmem:s24+$0x1520]  }
0x249: {  	v5 =	vld [tilespmem:s24+$0x1530]  }
0x24a: {  	[tilespmem:s24+$0xD170] =	vst v3;
	v3 =	vadd.f32 v7, v6;
	v7 =	vld [tilespmem:s24+$0x7530]  }
0x24b: {  	v6 =	vld [tilespmem:s24+$0x7540]  }
0x24c: {  	v4 =	vadd.f32 v10, v8;
	[tilespmem:s24+$0xD500] =	vst v3;
	v3 =	vld [tilespmem:s24+$0x1540]  }
0x24d: {  	s28 =	simm.s32 $0x0;
	v8 =	vld [tilespmem:s24+$0x7550];
	v9 =	vadd.f32 v11, v9  }
0x24e: {  	s26 =	smul.u32 $0x1800, s28;
	s25 =	simm.s32 $0x80;
	s4 =	simm.s32 $0x2;
	[tilespmem:s24+$0xD510] =	vst v4;
	v4 =	vld [tilespmem:s24+$0x1550]  }
.LBB2_4:
0x24f: {  	p0 =	sne.s32 s4, $0x1F;
	s28 =	sand.u32 $0x380, s25;
	[tilespmem:s24+$0xD520] =	vst v9;
	v5 =	vadd.f32 v7, v5;
	v7 =	vld [tilespmem:s24+$0x1560]  }
0x250: {  	s26 =	sor.u32 s28, s26;
	v9 =	vld [tilespmem:s24+$0x7560]  }
0x251: {  	v10 =	vld [tilespmem:s26+$0x1570];
	[tilespmem:s24+$0xD530] =	vst v5;
	v3 =	vadd.f32 v6, v3  }
0x252: {  	v5 =	vld [tilespmem:s26+$0x7570]  }
0x253: {  	v6 =	vld [tilespmem:s26+$0x100];
	[tilespmem:s24+$0xD540] =	vst v3;
	v3 =	vadd.f32 v8, v4  }
0x254: {  	v4 =	vld [tilespmem:s26+$0x6100]  }
0x255: {  	v8 =	vld [tilespmem:s26+$0x110];
	[tilespmem:s24+$0xD550] =	vst v3;
	v3 =	vadd.f32 v9, v7  }
0x256: {  	v7 =	vld [tilespmem:s26+$0x6110]  }
0x257: {  	v9 =	vld [tilespmem:s26+$0x120];
	v5 =	vadd.f32 v5, v10;
	[tilespmem:s24+$0xD560] =	vst v3;
	s24 =	smov.u32 s26  }
0x258: {  	v3 =	vld [tilespmem:s24+$0x6120]  }
0x259: {  	v4 =	vadd.f32 v4, v6;
	v6 =	vld [tilespmem:s24+$0x130];
	[tilespmem:s24+$0xD570] =	vst v5  }
0x25a: {  	v5 =	vld [tilespmem:s24+$0x6130]  }
0x25b: {  	[tilespmem:s24+$0xC100] =	vst v4;
	v4 =	vadd.f32 v7, v8;
	v7 =	vld [tilespmem:s24+$0x140]  }
0x25c: {  	v8 =	vld [tilespmem:s24+$0x6140]  }
0x25d: {  	[tilespmem:s24+$0xC110] =	vst v4;
	v3 =	vadd.f32 v3, v9;
	v4 =	vld [tilespmem:s24+$0x150]  }
0x25e: {  	v9 =	vld [tilespmem:s24+$0x6150]  }
0x25f: {  	[tilespmem:s24+$0xC120] =	vst v3;
	v3 =	vadd.f32 v5, v6;
	v5 =	vld [tilespmem:s24+$0x160]  }
0x260: {  	v6 =	vld [tilespmem:s24+$0x6160]  }
0x261: {  	[tilespmem:s24+$0xC130] =	vst v3;
	v3 =	vadd.f32 v8, v7;
	v7 =	vld [tilespmem:s24+$0x170]  }
0x262: {  	v8 =	vld [tilespmem:s24+$0x6170]  }
0x263: {  	[tilespmem:s24+$0xC140] =	vst v3;
	v3 =	vadd.f32 v9, v4;
	v4 =	vld [tilespmem:s24+$0x500]  }
0x264: {  	v9 =	vld [tilespmem:s24+$0x6500]  }
0x265: {  	[tilespmem:s24+$0xC150] =	vst v3;
	v3 =	vadd.f32 v6, v5;
	v5 =	vld [tilespmem:s24+$0x510]  }
0x266: {  	v6 =	vld [tilespmem:s24+$0x6510]  }
0x267: {  	[tilespmem:s24+$0xC160] =	vst v3;
	v3 =	vadd.f32 v8, v7;
	v7 =	vld [tilespmem:s24+$0x520]  }
0x268: {  	v8 =	vld [tilespmem:s24+$0x6520]  }
0x269: {  	[tilespmem:s24+$0xC170] =	vst v3;
	v3 =	vadd.f32 v9, v4;
	v4 =	vld [tilespmem:s24+$0x530]  }
0x26a: {  	v9 =	vld [tilespmem:s24+$0x6530]  }
0x26b: {  	[tilespmem:s24+$0xC500] =	vst v3;
	v3 =	vadd.f32 v6, v5;
	v5 =	vld [tilespmem:s24+$0x540]  }
0x26c: {  	v6 =	vld [tilespmem:s24+$0x6540]  }
0x26d: {  	[tilespmem:s24+$0xC510] =	vst v3;
	v3 =	vadd.f32 v8, v7;
	v7 =	vld [tilespmem:s24+$0x550]  }
0x26e: {  	v8 =	vld [tilespmem:s24+$0x6550]  }
0x26f: {  	[tilespmem:s24+$0xC520] =	vst v3;
	v3 =	vadd.f32 v9, v4;
	v4 =	vld [tilespmem:s24+$0x560]  }
0x270: {  	v9 =	vld [tilespmem:s24+$0x6560]  }
0x271: {  	[tilespmem:s24+$0xC530] =	vst v3;
	v3 =	vadd.f32 v6, v5;
	v5 =	vld [tilespmem:s24+$0x570]  }
0x272: {  	v6 =	vld [tilespmem:s24+$0x6570]  }
0x273: {  	[tilespmem:s24+$0xC540] =	vst v3;
	v3 =	vadd.f32 v8, v7;
	v7 =	vld [tilespmem:s24+$0x900]  }
0x274: {  	v8 =	vld [tilespmem:s24+$0x6900]  }
0x275: {  	[tilespmem:s24+$0xC550] =	vst v3;
	v3 =	vadd.f32 v9, v4;
	v4 =	vld [tilespmem:s24+$0x910]  }
0x276: {  	v9 =	vld [tilespmem:s24+$0x6910]  }
0x277: {  	[tilespmem:s24+$0xC560] =	vst v3;
	v3 =	vadd.f32 v6, v5;
	v5 =	vld [tilespmem:s24+$0x920]  }
0x278: {  	v6 =	vld [tilespmem:s24+$0x6920]  }
0x279: {  	[tilespmem:s24+$0xC570] =	vst v3;
	v3 =	vadd.f32 v8, v7;
	v7 =	vld [tilespmem:s24+$0x930]  }
0x27a: {  	v8 =	vld [tilespmem:s24+$0x6930]  }
0x27b: {  	[tilespmem:s24+$0xC900] =	vst v3;
	v3 =	vadd.f32 v9, v4;
	v4 =	vld [tilespmem:s24+$0x940]  }
0x27c: {  	v9 =	vld [tilespmem:s24+$0x6940]  }
0x27d: {  	[tilespmem:s24+$0xC910] =	vst v3;
	v3 =	vadd.f32 v6, v5;
	v5 =	vld [tilespmem:s24+$0x950]  }
0x27e: {  	v6 =	vld [tilespmem:s24+$0x6950]  }
0x27f: {  	[tilespmem:s24+$0xC920] =	vst v3;
	v3 =	vadd.f32 v8, v7;
	v7 =	vld [tilespmem:s24+$0x960]  }
0x280: {  	v8 =	vld [tilespmem:s24+$0x6960]  }
0x281: {  	[tilespmem:s24+$0xC930] =	vst v3;
	v3 =	vadd.f32 v9, v4;
	v4 =	vld [tilespmem:s24+$0x970]  }
0x282: {  	v9 =	vld [tilespmem:s24+$0x6970]  }
0x283: {  	[tilespmem:s24+$0xC940] =	vst v3;
	v3 =	vadd.f32 v6, v5;
	v5 =	vld [tilespmem:s24+$0xD00]  }
0x284: {  	v6 =	vld [tilespmem:s24+$0x6D00]  }
0x285: {  	[tilespmem:s24+$0xC950] =	vst v3;
	v3 =	vadd.f32 v8, v7;
	v7 =	vld [tilespmem:s24+$0xD10]  }
0x286: {  	v8 =	vld [tilespmem:s24+$0x6D10]  }
0x287: {  	[tilespmem:s24+$0xC960] =	vst v3;
	v3 =	vadd.f32 v9, v4;
	v4 =	vld [tilespmem:s24+$0xD20]  }
0x288: {  	v9 =	vld [tilespmem:s24+$0x6D20]  }
0x289: {  	[tilespmem:s24+$0xC970] =	vst v3;
	v3 =	vadd.f32 v6, v5;
	v5 =	vld [tilespmem:s24+$0xD30]  }
0x28a: {  	v6 =	vld [tilespmem:s24+$0x6D30]  }
0x28b: {  	[tilespmem:s24+$0xCD00] =	vst v3;
	v3 =	vadd.f32 v8, v7;
	v7 =	vld [tilespmem:s24+$0xD40]  }
0x28c: {  	v8 =	vld [tilespmem:s24+$0x6D40]  }
0x28d: {  	[tilespmem:s24+$0xCD10] =	vst v3;
	v3 =	vadd.f32 v9, v4;
	v4 =	vld [tilespmem:s24+$0xD50]  }
0x28e: {  	v9 =	vld [tilespmem:s24+$0x6D50]  }
0x28f: {  	[tilespmem:s24+$0xCD20] =	vst v3;
	v3 =	vadd.f32 v6, v5;
	v5 =	vld [tilespmem:s24+$0xD60]  }
0x290: {  	v6 =	vld [tilespmem:s24+$0x6D60]  }
0x291: {  	[tilespmem:s24+$0xCD30] =	vst v3;
	v3 =	vadd.f32 v8, v7;
	v7 =	vld [tilespmem:s24+$0xD70]  }
0x292: {  	v8 =	vld [tilespmem:s24+$0x6D70]  }
0x293: {  	[tilespmem:s24+$0xCD40] =	vst v3;
	v3 =	vadd.f32 v9, v4;
	v4 =	vld [tilespmem:s24+$0x1100]  }
0x294: {  	v9 =	vld [tilespmem:s24+$0x7100]  }
0x295: {  	[tilespmem:s24+$0xCD50] =	vst v3;
	v3 =	vadd.f32 v6, v5;
	v5 =	vld [tilespmem:s24+$0x1110]  }
0x296: {  	v6 =	vld [tilespmem:s24+$0x7110]  }
0x297: {  	[tilespmem:s24+$0xCD60] =	vst v3;
	v3 =	vadd.f32 v8, v7;
	v7 =	vld [tilespmem:s24+$0x1120]  }
0x298: {  	v8 =	vld [tilespmem:s24+$0x7120]  }
0x299: {  	[tilespmem:s24+$0xCD70] =	vst v3;
	v3 =	vadd.f32 v9, v4;
	v4 =	vld [tilespmem:s24+$0x1130]  }
0x29a: {  	v9 =	vld [tilespmem:s24+$0x7130]  }
0x29b: {  	[tilespmem:s24+$0xD100] =	vst v3;
	v3 =	vadd.f32 v6, v5;
	v5 =	vld [tilespmem:s24+$0x1140]  }
0x29c: {  	v6 =	vld [tilespmem:s24+$0x7140]  }
0x29d: {  	[tilespmem:s24+$0xD110] =	vst v3;
	v3 =	vadd.f32 v8, v7;
	v7 =	vld [tilespmem:s24+$0x1150]  }
0x29e: {  	v8 =	vld [tilespmem:s24+$0x7150]  }
0x29f: {  	[tilespmem:s24+$0xD120] =	vst v3;
	v3 =	vadd.f32 v9, v4;
	v4 =	vld [tilespmem:s24+$0x1160]  }
0x2a0: {  	v9 =	vld [tilespmem:s24+$0x7160]  }
0x2a1: {  	[tilespmem:s24+$0xD130] =	vst v3;
	v3 =	vadd.f32 v6, v5;
	v5 =	vld [tilespmem:s24+$0x1170]  }
0x2a2: {  	v6 =	vld [tilespmem:s24+$0x7170]  }
0x2a3: {  	[tilespmem:s24+$0xD140] =	vst v3;
	v3 =	vadd.f32 v8, v7;
	v7 =	vld [tilespmem:s24+$0x1500]  }
0x2a4: {  	v8 =	vld [tilespmem:s24+$0x7500]  }
0x2a5: {  	[tilespmem:s24+$0xD150] =	vst v3;
	v3 =	vadd.f32 v9, v4;
	v4 =	vld [tilespmem:s24+$0x1510]  }
0x2a6: {  	v9 =	vld [tilespmem:s24+$0x7510]  }
0x2a7: {  	[tilespmem:s24+$0xD160] =	vst v3;
	v3 =	vadd.f32 v6, v5;
	v10 =	vld [tilespmem:s24+$0x1520]  }
0x2a8: {  	v11 =	vld [tilespmem:s24+$0x7520]  }
0x2a9: {  	[tilespmem:s24+$0xD170] =	vst v3;
	v3 =	vadd.f32 v8, v7;
	v5 =	vld [tilespmem:s24+$0x1530]  }
.Ltmp1:
0x2aa: {  	v7 =	vld [tilespmem:s24+$0x7530];
	(pc) =	sbr.rel @p0 .LBB2_4-.Ltmp1, $4  }
0x2ab: {  	[tilespmem:s24+$0xD500] =	vst v3;
	v4 =	vadd.f32 v9, v4;
	v3 =	vld [tilespmem:s24+$0x1540]  }
0x2ac: {  	v6 =	vld [tilespmem:s24+$0x7540]  }
0x2ad: {  	s26 =	sshrl.u32 s4, $0x3;
	[tilespmem:s24+$0xD510] =	vst v4;
	v9 =	vadd.f32 v11, v10;
	v4 =	vld [tilespmem:s24+$0x1550]  }
0x2ae: {  	s25 =	sadd.s32 $0x80, s25;
	s4 =	sadd.s32 $0x1, s4;
	s26 =	smul.u32 $0x1800, s26;
	v8 =	vld [tilespmem:s24+$0x7550]  }
0x2af: {  	s4 =	sand.u32 $0x380, s25;
	v56 =	vld [tilespmem:s24+$0x1560];
	v5 =	vadd.f32 v7, v5  }
0x2b0: {  	[tilespmem:s24+$0xD520] =	vst v9;
	v57 =	vld [tilespmem:s24+$0x7560];
	s4 =	sor.u32 s4, s26  }
0x2b1: {  	v10 =	vld [tilespmem:s4+$0x1570];
	[tilespmem:s24+$0xD530] =	vst v5;
	v3 =	vadd.f32 v6, v3  }
0x2b2: {  	v5 =	vld [tilespmem:s4+$0x7570]  }
0x2b3: {  	v58 =	vld [tilespmem:s4+$0x100];
	[tilespmem:s24+$0xD540] =	vst v3;
	v3 =	vadd.f32 v8, v4  }
0x2b4: {  	v59 =	vld [tilespmem:s4+$0x6100]  }
0x2b5: {  	v60 =	vld [tilespmem:s4+$0x110];
	[tilespmem:s24+$0xD550] =	vst v3;
	v3 =	vadd.f32 v57, v56  }
0x2b6: {  	v61 =	vld [tilespmem:s4+$0x6110]  }
0x2b7: {  	v62 =	vld [tilespmem:s4+$0x120];
	[tilespmem:s24+$0xD560] =	vst v3  }
0x2b8: {  	v3 =	vld [tilespmem:s4+$0x6120]  }
0x2b9: {  	v11 =	vld [tilespmem:s4+$0x130]  }
0x2ba: {  	v12 =	vld [tilespmem:s4+$0x6130]  }
0x2bb: {  	v13 =	vld [tilespmem:s4+$0x140]  }
0x2bc: {  	v14 =	vld [tilespmem:s4+$0x6140]  }
0x2bd: {  	v15 =	vld [tilespmem:s4+$0x150]  }
0x2be: {  	v16 =	vld [tilespmem:s4+$0x6150]  }
0x2bf: {  	v17 =	vld [tilespmem:s4+$0x160]  }
0x2c0: {  	v18 =	vld [tilespmem:s4+$0x6160]  }
0x2c1: {  	v19 =	vld [tilespmem:s4+$0x170]  }
0x2c2: {  	v20 =	vld [tilespmem:s4+$0x6170]  }
0x2c3: {  	v21 =	vld [tilespmem:s4+$0x500]  }
0x2c4: {  	v22 =	vld [tilespmem:s4+$0x6500]  }
0x2c5: {  	v23 =	vld [tilespmem:s4+$0x510]  }
0x2c6: {  	v24 =	vld [tilespmem:s4+$0x6510]  }
0x2c7: {  	v25 =	vld [tilespmem:s4+$0x520]  }
0x2c8: {  	v26 =	vld [tilespmem:s4+$0x6520]  }
0x2c9: {  	v27 =	vld [tilespmem:s4+$0x530]  }
0x2ca: {  	v28 =	vld [tilespmem:s4+$0x6530]  }
0x2cb: {  	v29 =	vld [tilespmem:s4+$0x540]  }
0x2cc: {  	v30 =	vld [tilespmem:s4+$0x6540]  }
0x2cd: {  	v31 =	vld [tilespmem:s4+$0x550]  }
0x2ce: {  	v32 =	vld [tilespmem:s4+$0x6550]  }
0x2cf: {  	v33 =	vld [tilespmem:s4+$0x560]  }
0x2d0: {  	v34 =	vld [tilespmem:s4+$0x6560]  }
0x2d1: {  	v35 =	vld [tilespmem:s4+$0x570]  }
0x2d2: {  	v36 =	vld [tilespmem:s4+$0x6570]  }
0x2d3: {  	v37 =	vld [tilespmem:s4+$0x900]  }
0x2d4: {  	v38 =	vld [tilespmem:s4+$0x6900]  }
0x2d5: {  	v39 =	vld [tilespmem:s4+$0x910]  }
0x2d6: {  	v40 =	vld [tilespmem:s4+$0x6910]  }
0x2d7: {  	v41 =	vld [tilespmem:s4+$0x920]  }
0x2d8: {  	v42 =	vld [tilespmem:s4+$0x6920]  }
0x2d9: {  	v43 =	vld [tilespmem:s4+$0x930]  }
0x2da: {  	v44 =	vld [tilespmem:s4+$0x6930]  }
0x2db: {  	v45 =	vld [tilespmem:s4+$0x940]  }
0x2dc: {  	v46 =	vld [tilespmem:s4+$0x6940]  }
0x2dd: {  	v47 =	vld [tilespmem:s4+$0x950]  }
0x2de: {  	v48 =	vld [tilespmem:s4+$0x6950]  }
0x2df: {  	v49 =	vld [tilespmem:s4+$0x960]  }
0x2e0: {  	v50 =	vld [tilespmem:s4+$0x6960]  }
0x2e1: {  	v51 =	vld [tilespmem:s4+$0x970]  }
0x2e2: {  	v52 =	vld [tilespmem:s4+$0x6970]  }
0x2e3: {  	v53 =	vld [tilespmem:s4+$0xD00]  }
0x2e4: {  	v54 =	vld [tilespmem:s4+$0x6D00]  }
0x2e5: {  	v55 =	vld [tilespmem:s4+$0xD10]  }
0x2e6: {  	v5 =	vadd.f32 v5, v10;
	v10 =	vld [tilespmem:s4+$0x6D10]  }
0x2e7: {  	v6 =	vld [tilespmem:s4+$0xD20];
	v4 =	vadd.f32 v59, v58  }
0x2e8: {  	v7 =	vld [tilespmem:s4+$0x6D20];
	[tilespmem:s4+$0xD570] =	vst v5;
	v63 =	vadd.f32 v61, v60  }
0x2e9: {  	v8 =	vld [tilespmem:s4+$0x6D30];
	[tilespmem:s4+$0xC100] =	vst v4;
	v3 =	vadd.f32 v3, v62  }
0x2ea: {  	v9 =	vld [tilespmem:s4+$0xD40];
	[tilespmem:s4+$0xC110] =	vst v63;
	v12 =	vadd.f32 v12, v11  }
0x2eb: {  	v57 =	vld [tilespmem:s4+$0x7120];
	[tilespmem:s4+$0xC120] =	vst v3;
	v3 =	vadd.f32 v14, v13  }
0x2ec: {  	v58 =	vld [tilespmem:s4+$0x1130];
	v16 =	vadd.f32 v16, v15;
	[tilespmem:s4+$0xC130] =	vst v12  }
0x2ed: {  	v4 =	vld [tilespmem:s4+$0xD30];
	[tilespmem:s4+$0xC140] =	vst v3;
	v3 =	vadd.f32 v18, v17  }
0x2ee: {  	v60 =	vld [tilespmem:s4+$0x7130];
	v20 =	vadd.f32 v20, v19;
	[tilespmem:s4+$0xC150] =	vst v16  }
0x2ef: {  	v61 =	vld [tilespmem:s4+$0x1140];
	[tilespmem:s4+$0xC160] =	vst v3;
	v3 =	vadd.f32 v22, v21  }
0x2f0: {  	v11 =	vld [tilespmem:s4+$0x6D40];
	v24 =	vadd.f32 v24, v23;
	[tilespmem:s4+$0xC170] =	vst v20  }
0x2f1: {  	v15 =	vld [tilespmem:s4+$0x6D60];
	[tilespmem:s4+$0xC500] =	vst v3;
	v3 =	vadd.f32 v26, v25  }
0x2f2: {  	v28 =	vadd.f32 v28, v27;
	v19 =	vld [tilespmem:s4+$0x7100];
	[tilespmem:s4+$0xC510] =	vst v24  }
0x2f3: {  	v63 =	vld [tilespmem:s4+$0x7140];
	[tilespmem:s4+$0xC520] =	vst v3;
	v3 =	vadd.f32 v30, v29  }
0x2f4: {  	v32 =	vadd.f32 v32, v31;
	v36 =	vadd.f32 v36, v35;
	v35 =	vld [tilespmem:s4+$0x7150];
	[tilespmem:s4+$0xC530] =	vst v28  }
0x2f5: {  	v56 =	vadd.f32 v40, v39;
	v39 =	vld [tilespmem:s4+$0x1170];
	[tilespmem:s4+$0xC540] =	vst v3;
	v3 =	vadd.f32 v34, v33  }
0x2f6: {  	v40 =	vld [tilespmem:s4+$0x7170];
	[tilespmem:s4+$0xC550] =	vst v32  }
0x2f7: {  	v59 =	vadd.f32 v44, v43;
	v43 =	vld [tilespmem:s4+$0x7500];
	[tilespmem:s4+$0xC560] =	vst v3;
	v3 =	vadd.f32 v38, v37  }
0x2f8: {  	v44 =	vld [tilespmem:s4+$0x1510];
	[tilespmem:s4+$0xC570] =	vst v36  }
0x2f9: {  	v62 =	vadd.f32 v48, v47;
	v47 =	vld [tilespmem:s4+$0x1520];
	[tilespmem:s4+$0xC900] =	vst v3;
	v3 =	vadd.f32 v42, v41  }
0x2fa: {  	v20 =	vld [tilespmem:s4+$0x1110];
	[tilespmem:s4+$0xC910] =	vst v56  }
0x2fb: {  	v21 =	vld [tilespmem:s4+$0x7110];
	[tilespmem:s4+$0xC920] =	vst v3;
	v3 =	vadd.f32 v46, v45  }
0x2fc: {  	v12 =	vld [tilespmem:s4+$0xD50];
	[tilespmem:s4+$0xC930] =	vst v59  }
0x2fd: {  	v13 =	vld [tilespmem:s4+$0x6D50];
	[tilespmem:s4+$0xC940] =	vst v3;
	v3 =	vadd.f32 v50, v49  }
0x2fe: {  	v14 =	vld [tilespmem:s4+$0xD60];
	[tilespmem:s4+$0xC950] =	vst v62;
	v4 =	vadd.f32 v8, v4  }
0x2ff: {  	v16 =	vld [tilespmem:s4+$0xD70];
	[tilespmem:s4+$0xC960] =	vst v3;
	v3 =	vadd.f32 v54, v53  }
0x300: {  	v36 =	vld [tilespmem:s4+$0x1160];
	[tilespmem:s4+$0xCD30] =	vst v4;
	v48 =	vadd.f32 v21, v20  }
0x301: {  	v56 =	vld [tilespmem:s4+$0x1550];
	[tilespmem:s4+$0xCD00] =	vst v3;
	v3 =	vadd.f32 v7, v6  }
0x302: {  	v18 =	vld [tilespmem:s4+$0x1100];
	v34 =	vadd.f32 v52, v51;
	[tilespmem:s4+$0xD110] =	vst v48  }
0x303: {  	v59 =	vld [tilespmem:s4+$0x1560];
	[tilespmem:s4+$0xCD20] =	vst v3;
	v3 =	vadd.f32 v11, v9  }
0x304: {  	v22 =	vld [tilespmem:s4+$0x1120];
	v51 =	vadd.f32 v60, v58;
	[tilespmem:s4+$0xC970] =	vst v34  }
0x305: {  	v17 =	vld [tilespmem:s4+$0x6D70];
	[tilespmem:s4+$0xCD40] =	vst v3;
	v3 =	vadd.f32 v15, v14  }
0x306: {  	v33 =	vld [tilespmem:s4+$0x1150];
	v37 =	vadd.f32 v10, v55;
	[tilespmem:s4+$0xD130] =	vst v51  }
0x307: {  	v52 =	vld [tilespmem:s4+$0x7530];
	[tilespmem:s4+$0xCD60] =	vst v3;
	v3 =	vadd.f32 v19, v18  }
0x308: {  	v38 =	vld [tilespmem:s4+$0x7160];
	[tilespmem:s4+$0xCD10] =	vst v37;
	v42 =	vadd.f32 v13, v12  }
0x309: {  	v46 =	vld [tilespmem:s4+$0x7510];
	[tilespmem:s4+$0xD100] =	vst v3;
	v3 =	vadd.f32 v57, v22  }
0x30a: {  	v41 =	vld [tilespmem:s4+$0x1500];
	[tilespmem:s4+$0xCD50] =	vst v42;
	v45 =	vadd.f32 v17, v16  }
0x30b: {  	v50 =	vld [tilespmem:s4+$0x1530];
	[tilespmem:s4+$0xD120] =	vst v3;
	v3 =	vadd.f32 v63, v61  }
0x30c: {  	[tilespmem:s4+$0xCD70] =	vst v45;
	v49 =	vld [tilespmem:s4+$0x7520];
	v54 =	vadd.f32 v35, v33  }
0x30d: {  	v55 =	vld [tilespmem:s4+$0x7540];
	[tilespmem:s4+$0xD140] =	vst v3;
	v3 =	vadd.f32 v38, v36  }
0x30e: {  	v53 =	vld [tilespmem:s4+$0x1540];
	v60 =	vadd.f32 v46, v44;
	[tilespmem:s4+$0xD150] =	vst v54  }
0x30f: {  	v58 =	vld [tilespmem:s4+$0x7550];
	[tilespmem:s4+$0xD160] =	vst v3;
	v3 =	vadd.f32 v43, v41  }
0x310: {  	[tilespmem:s4+$0xD510] =	vst v60;
	v62 =	vadd.f32 v52, v50;
	v61 =	vld [tilespmem:s4+$0x7560]  }
0x311: {  	[tilespmem:s4+$0xD500] =	vst v3;
	v3 =	vadd.f32 v49, v47  }
0x312: {  	[tilespmem:s4+$0xD530] =	vst v62;
	v57 =	vadd.f32 v40, v39  }
0x313: {  	[tilespmem:s4+$0xD520] =	vst v3;
	v3 =	vadd.f32 v55, v53  }
0x314: {  	[tilespmem:s4+$0xD170] =	vst v57;
	v63 =	vadd.f32 v58, v56  }
0x315: {  	s23 =	sadd.s32 $0x1, s23;
	[tilespmem:s4+$0xD540] =	vst v3;
	v3 =	vadd.f32 v61, v59  }
0x316: {  	p0 =	sne.s32 s23, s12;
	[tilespmem:s4+$0xD550] =	vst v63  }
.Ltmp2:
0x317: {  	[tilespmem:s4+$0xD560] =	vst v3;
	(pc) =	sbr.rel @p0 .LBB2_1-.Ltmp2, $4  }
0x318: {  	[hbm4b:s11+s1] =	stream.linear.scatter [tilespmem:s22], [sflag:$0x3], $0x6000, $0x38;
	[tilespmem:$0x12100] =	vst v63  }
0x319: {  	_ =	swait.ge [sflag:s13], $0x6000  }
0x31a: {  	[sflag:s13] =	ssyncset.done $0x0  }
0x31b: {  	[sflag:s13] =	ssyncadd.s32 $0xFFFFA000  }
0x31c: {  	_ =	sfence.sel $0x180000  }
0x31d: {  	[bflag:$0x0] =	sbarrier.arrive $0xFFFF  }
0x31e: {  	_ =	strace $0x90000050  }
0x31f: {  	s0 =	stileid.u32;
	[bflag:$0x2] =	sbarrier.arrive $0xFFFF  }
0x320: {  	p0 =	sne.s32 s0, $0x0;
	s0 =	rddreg [dreg:$0x2]  }
0x321: {  	s0 =	sadd.s32 @!p0 $0x100000, s0  }
0x322: {  	[sflag:s0] =	ssyncadd.tile.s32 @!p0 $0x1;
	_ =	shalt  }
.Lfunc_end2:
_tile_overlayer_lowered:
.L_overlay_start_2:
0x323: {  	(tag) =	ssettag $0x2  }
0x324: {  	s0 =	rddreg [dreg:$0x0];
	s2 =	stileid.u32  }
0x325: {  	s1 =	rddreg [dreg:$0x1];
	p0 =	sne.s32 s2, $0x0  }
0x326: {  	s3 =	rddreg [dreg:$0x2];
	[bflag:$0x3] =	sbarrier.arrive $0xFFFF;
	s2 =	simm.s32 @!p0 $0x1C03  }
0x327: {  	[timem:s3], [sflag:s2] =	dma.local @!p0 [hbm:s0], s1  }
0x328: {  	s0 =	simm.s32 @!p0 $0x3  }
0x329: {  	_ =	swait.ge @!p0 [sflag:s0], s1  }
0x32a: {  	s1 =	ssub.s32 @!p0 $0x0, s1;
	[sflag:s0] =	ssyncset.done @!p0 $0x0  }
0x32b: {  	[sflag:s0] =	ssyncadd.s32 @!p0 s1  }
0x32c: {  	[bflag:$0x3] =	sbarrier.arrive $0xFFFF  }
0x32d: {  	_ =	shalt  }

// kernel: kernel.8.cloned.1.call-start
scs
__scs_entry_jumppad:
0x0: {  	(pc) =	sbr.rel $0x88, $3  }
0x1: {  	(tag) =	ssettag $0x0;
	lr =	simm.s32 $0x1  }
0x2: {  	[smem:$0x3F96] =	sst lr;
	_ =	strace $0xD0000000  }
0x3: {  	_ = 	snop  }
0x4: {  	_ = 	snop  }
0x5: {  	_ = 	snop  }
0x6: {  	_ = 	snop  }
0x7: {  	_ = 	snop  }
__scs_overlays_trampoline_lowered:
0x8: {  	[smem:$0x3FA5] =	sst s0  }
0x9: {  	[smem:$0x3FA6] =	sst s1  }
0xa: {  	[smem:$0x3FA7] =	sst s2  }
0xb: {  	[smem:$0x3FA8] =	sst s3  }
0xc: {  	[smem:$0x3FA9] =	sst s4  }
0xd: {  	[smem:$0x3FAA] =	sst s5  }
0xe: {  	[smem:$0x3FAB] =	sst s6  }
0xf: {  	[smem:$0x3FAC] =	sst s7  }
0x10: {  	[smem:$0x3FAD] =	sst s8  }
0x11: {  	[smem:$0x3FAE] =	sst s9;
	s0 =	simm.s32 @!p0 $0x0  }
0x12: {  	s1 =	sld [smem:$0x3F94];
	s0 =	simm.s32 @p0 $0x1  }
0x13: {  	[smem:$0x3FAF] =	sst s0;
	s0 =	simm.s32 @!p1 $0x0  }
0x14: {  	s2 =	sld [smem:$0x3F93];
	s0 =	simm.s32 @p1 $0x1  }
0x15: {  	[smem:$0x3FB0] =	sst s0;
	s0 =	simm.s32 @!p2 $0x0  }
0x16: {  	s3 =	sld [smem:$0x3FDB];
	s0 =	simm.s32 @p2 $0x1  }
0x17: {  	s4 =	simm.s32 $0x1BF5;
	[smem:$0x3FB2] =	sst s0  }
0x18: {  	s0 =	sld [smem:$0x3F95];
	_ =	swait.ge [sflag:s4], $0x0  }
0x19: {  	s7 =	sld [smem:$0x3F96]  }
0x1a: {  	s8 =	sadd.s32 $0xFFFFE003, lr  }
0x1b: {  	s9 =	sadd.s32 $0xFFFFFEF7, lr;
	s5 =	simm.s32 $0xFFFFFFFF;
	p2 =	slt.u32 s8, $0xFFFFF086  }
0x1c: {  	p1 =	slt.u32 s9, $0xF7A;
	s5 =	simm.s32 @!p2 $0x0  }
0x1d: {  	s5 =	simm.s32 @p1 $0x1;
	p0 =	seq.s32 s7, s2  }
0x1e: {  	s7 =	smul.u32 @!p0 $0xF7A, s2;
	p2 =	seq.s32 @!p0 s5, $0x0  }
0x1f: {  	s9 =	smul.u32 $0xF7A, s1;
	s8 =	simm.s32 @!p0 $0x1BF5;
	p2 =	por !p2, p0  }
0x20: {  	[sflag:s8] =	ssyncset.s32 @!p0 $0xFFFFF086;
	s6 =	sadd.s32 @!p0 s3, s7;
	s7 =	simm.s32 @!p0 $0x108  }
0x21: {  	s3 =	sadd.s32 s3, s9;
	s6 =	sadd.s32 @!p0 $0x88, s6;
	s7 =	simm.s32 @p2 $0x1082  }
0x22: {  	[simem:s7], [sflag:s8] =	dma.local @!p0 [hbm:s6], $0xF7A  }
0x23: {  	s9 =	sor.u32 $0xD0000000, s2;
	s6 =	simm.s32 $0x108;
	_ =	swait.ge @!p0 [sflag:s8], $0x0  }
0x24: {  	s3 =	sadd.s32 $0x88, s3;
	s6 =	simm.s32 @!p1 $0x1082;
	[sflag:s4] =	ssyncset.s32 $0xFFFFF086  }
0x25: {  	[simem:s6], [sflag:s4] =	dma.local [hbm:s3], $0xF7A  }
0x26: {  	[smem:$0x3F96] =	sst s1;
	(tag) =	ssettag s2;
	_ =	strace s9  }
0x27: {  	s1 =	sld [smem:$0x3FA6]  }
0x28: {  	s2 =	sld [smem:$0x3FA7]  }
0x29: {  	s4 =	sld [smem:$0x3FA9]  }
0x2a: {  	p0 =	seq.s32 s5, $0x0;
	s5 =	sld [smem:$0x3FAA]  }
0x2b: {  	s6 =	sld [smem:$0x3FAB]  }
0x2c: {  	s7 =	sld [smem:$0x3FAC]  }
0x2d: {  	s3 =	simm.s32 $0x108;
	s8 =	sld [smem:$0x3FAD]  }
0x2e: {  	s3 =	simm.s32 @!p0 $0x1082;
	s9 =	sld [smem:$0x3FAE]  }
0x2f: {  	lr =	sadd.s32 s0, s3;
	s0 =	sld [smem:$0x3FA5]  }
0x30: {  	s3 =	sld [smem:$0x3FA8]  }
0x31: {  	[smem:$0x3FB1] =	sst s10  }
0x32: {  	s10 =	sld [smem:$0x3FAF];
	_ =	sdelay $0x3  }
0x33: {  	p0 =	seq.s32 s10, $0x1;
	s10 =	sld [smem:$0x3FB1];
	_ =	sdelay $0x3  }
0x34: {  	[smem:$0x3FB1] =	sst s10  }
0x35: {  	s10 =	sld [smem:$0x3FB0];
	_ =	sdelay $0x3  }
0x36: {  	p1 =	seq.s32 s10, $0x1;
	s10 =	sld [smem:$0x3FB1];
	_ =	sdelay $0x3  }
0x37: {  	[smem:$0x3FB1] =	sst s10  }
0x38: {  	s10 =	sld [smem:$0x3FB2]  }
0x39: {  	_ = 	snop;
	(pc) =	sbr.ind lr, $3  }
0x3a: {  	_ = 	snop  }
0x3b: {  	_ = 	snop  }
0x3c: {  	p2 =	seq.s32 s10, $0x1;
	s10 =	sld [smem:$0x3FB1]  }
0x3d: {  	_ =	shalt  }
0x3e: {  	_ =	shalt  }
0x3f: {  	_ =	shalt  }
0x40: {  	_ =	shalt  }
0x41: {  	_ =	shalt  }
0x42: {  	_ =	shalt  }
0x43: {  	_ =	shalt  }
0x44: {  	_ =	shalt  }
0x45: {  	_ =	shalt  }
0x46: {  	_ =	shalt  }
0x47: {  	_ =	shalt  }
0x48: {  	_ =	shalt  }
0x49: {  	_ =	shalt  }
0x4a: {  	_ =	shalt  }
0x4b: {  	_ =	shalt  }
0x4c: {  	_ =	shalt  }
0x4d: {  	_ =	shalt  }
0x4e: {  	_ =	shalt  }
0x4f: {  	_ =	shalt  }
0x50: {  	_ =	shalt  }
0x51: {  	_ =	shalt  }
0x52: {  	_ =	shalt  }
0x53: {  	_ =	shalt  }
0x54: {  	_ =	shalt  }
0x55: {  	_ =	shalt  }
0x56: {  	_ =	shalt  }
0x57: {  	_ =	shalt  }
0x58: {  	_ =	shalt  }
0x59: {  	_ =	shalt  }
0x5a: {  	_ =	shalt  }
0x5b: {  	_ =	shalt  }
0x5c: {  	_ =	shalt  }
0x5d: {  	_ =	shalt  }
0x5e: {  	_ =	shalt  }
0x5f: {  	_ =	shalt  }
0x60: {  	_ =	shalt  }
0x61: {  	_ =	shalt  }
0x62: {  	_ =	shalt  }
0x63: {  	_ =	shalt  }
0x64: {  	_ =	shalt  }
0x65: {  	_ =	shalt  }
0x66: {  	_ =	shalt  }
0x67: {  	_ =	shalt  }
0x68: {  	_ =	shalt  }
0x69: {  	_ =	shalt  }
0x6a: {  	_ =	shalt  }
0x6b: {  	_ =	shalt  }
0x6c: {  	_ =	shalt  }
0x6d: {  	_ =	shalt  }
0x6e: {  	_ =	shalt  }
0x6f: {  	_ =	shalt  }
0x70: {  	_ =	shalt  }
0x71: {  	_ =	shalt  }
0x72: {  	_ =	shalt  }
0x73: {  	_ =	shalt  }
0x74: {  	_ =	shalt  }
0x75: {  	_ =	shalt  }
0x76: {  	_ =	shalt  }
0x77: {  	_ =	shalt  }
0x78: {  	_ =	shalt  }
0x79: {  	_ =	shalt  }
0x7a: {  	_ =	shalt  }
0x7b: {  	_ =	shalt  }
0x7c: {  	_ =	shalt  }
0x7d: {  	_ =	shalt  }
0x7e: {  	_ =	shalt  }
0x7f: {  	_ =	shalt  }
0x80: {  	_ =	shalt  }
0x81: {  	_ =	shalt  }
0x82: {  	_ =	shalt  }
0x83: {  	_ =	shalt  }
0x84: {  	_ =	shalt  }
0x85: {  	_ =	shalt  }
0x86: {  	_ =	shalt  }
0x87: {  	_ =	shalt  }
.Lfunc_end0:
.L_simem_size_0:
called_computation.2_lowered:
.L_overlay_start_0:
0x88: {  	s2 =	sld [smem:$0x3FD9]  }
0x89: {  	s3 =	sld [smem:$0x3FFE];
	_ =	sdelay $0x1  }
0x8a: {  	s1 =	srdreg.scid  }
0x8b: {  	s0 =	sand.u32 $0x1, s1  }
0x8c: {  	s14 =	sshll.u32 s0, $0xA;
	s2 =	sadd.s32 s3, s2  }
0x8d: {  	s2 =	sadd.s32 s2, s14  }
0x8e: {  	[smem:$0x3FBD] =	sst s2  }
0x8f: {  	_ = 	snop  }
0x90: {  	s2 =	sld [smem:$0x3FD0];
	_ =	sdelay $0x2  }
0x91: {  	s15 =	simm.s32 $0xA;
	s4 =	simm.s32 $0x10  }
0x92: {  	[smem:s4], [sflag:s15] =	dma.local [hbm:s2], $0x1  }
0x93: {  	_ =	swait.eq [sflag:s15], $0x1  }
0x94: {  	[sflag:s15] =	ssyncset.done $0x0  }
0x95: {  	[sflag:s15] =	ssyncadd.s32 $0xFFFFFFFF  }
0x96: {  	s16 =	sld [smem:$0x10];
	(tm) =	ssettm $0x1  }
0x97: {  	s17 =	sld [smem:$0x3FFB];
	_ =	sdelay $0x3  }
0x98: {  	_ =	strace s17  }
0x99: {  	s3 =	sld [smem:$0x3FFC];
	_ =	sdelay $0x3  }
0x9a: {  	_ =	strace s3  }
0x9b: {  	s3 =	sld [smem:$0x3FFD];
	_ =	sdelay $0x3  }
0x9c: {  	_ =	strace s3  }
0x9d: {  	_ =	strace $0x8FFFFFFF  }
0x9e: {  	s18 =	sld [smem:$0x3FDB];
	_ =	sdelay $0x1  }
0x9f: {  	s19 =	simm.s32 $_scs_section_size  }
0xa0: {  	s5 =	simm.s32 $_size__tile_overlayer_lowered;
	s6 =	simm.s32 $_tile_overlayer_lowered  }
0xa1: {  	s22 =	simm.s32 $0x1BFF;
	s21 =	sshll.u32 s6, $0x1;
	s3 =	sadd.s32 s19, s18  }
0xa2: {  	s7 =	simm.s32 $0x0;
	s20 =	sshll.u32 s5, $0x1;
	s5 =	sadd.s32 s21, s3  }
0xa3: {  	[timem:s7], [sflag:s22] =	dma.local [hbm:s5], s20  }
0xa4: {  	_ =	swait.ge [sflag:s22], s20  }
0xa5: {  	s4 =	ssub.s32 $0x0, s20;
	[sflag:s22] =	ssyncset.done $0x0  }
0xa6: {  	[sflag:s22] =	ssyncadd.s32 s4;
	_ =	sdelay $0x1  }
0xa7: {  	s23 =	simm.s32 $0x1B8B  }
0xa8: {  	_ =	swait.ge [sflag:s23], $0x1  }
0xa9: {  	[sflag:s23] =	ssyncset.done $0x0  }
0xaa: {  	s25 =	simm.s32 $0x1B8E;
	s24 =	sld [smem:$0x3FFE];
	[sflag:s23] =	ssyncadd.s32 $0xFFFFFFFF  }
0xab: {  	s26 =	simm.s32 $execute0_lowered;
	[smem:$0x3FD2] =	sst s25  }
0xac: {  	s5 =	sshll.u32 s26, $0x1;
	_ =	strace $0x8000004C;
	[dreg:$0x1] =	wrdreg $0xFFFFFFFF  }
0xad: {  	s28 =	simm.s32 $_size_execute0_lowered;
	s3 =	sadd.s32 s3, s5;
	[dreg:$0x0] =	wrdreg $0x0  }
0xae: {  	s5 =	sshll.u32 s28, $0x1;
	[dreg:$0x2] =	wrdreg s3  }
0xaf: {  	[dreg:$0x3] =	wrdreg s5  }
0xb0: {  	[dreg:$0x4] =	wrdreg $0xC0  }
0xb1: {  	_ =	task [dreg:s7], $0x5FFFF  }
0xb2: {  	[dreg:$0x1] =	wrdreg $0xFFFFFFFF  }
0xb3: {  	[dreg:$0x0] =	wrdreg $0x60  }
0xb4: {  	[dreg:$0x2] =	wrdreg s16  }
0xb5: {  	[dreg:$0x3] =	wrdreg s24  }
0xb6: {  	[dreg:$0x4] =	wrdreg $0x9  }
0xb7: {  	_ =	task.clear_ibuf [dreg:s7], $0x5FFFF;
	_ =	strace $0x9000004C  }
0xb8: {  	s29 =	simm.s32 $0x9;
	_ =	strace $0x8000004E  }
0xb9: {  	_ =	swait.ge [sflag:s29], $0x1  }
0xba: {  	[sflag:s29] =	ssyncadd.s32 $0xFFFFFFFF  }
0xbb: {  	_ =	strace $0x9000004E  }
0xbc: {  	_ =	sfence  }
0xbd: {  	s30 =	sld [smem:$0x0];
	_ =	sdelay $0x2  }
0xbe: {  	s31 =	sshll.u32 s1, $0xD;
	s1 =	sshrl.u32 s1, $0x2  }
0xbf: {  	s3 =	sand.u32 $0x4000, s31;
	s1 =	sadd.s32 s1, s30  }
0xc0: {  	s0 =	sor.u32 s3, s0;
	s1 =	sshll.u32 s1, $0x11  }
0xc1: {  	s0 =	sor.u32 s1, s0  }
0xc2: {  	s0 =	sadd.s32 $0x8F2B, s0  }
0xc3: {  	[sflag:s0] =	ssyncadd.remote.s32 $0x1  }
0xc4: {  	_ =	sfence.sel $0xFFFF  }
0xc5: {  	[dreg:$0x0] =	wrdreg $0xFFFFFFFF;
	(pc) =	sbr.abs _section_cstart, $3  }
0xc6: {  	[dreg:$0x1] =	wrdreg $0xFFFFFFFF  }
0xc7: {  	_ =	task.clear_ibuf [dreg:s7], $0x2FFFF;
	_ =	strace $0x9FFFFFFF  }
0xc8: {  	(tm) =	ssettm $0x7FFFFFFF  }
0xc9: {  	_ =	shalt  }
tec
execute0_lowered:
.L_overlay_start_1:
0x0: {  	(tag) =	ssettag $0x1  }
0x1: {  	s2 =	rddreg [dreg:$0x0]  }
0x2: {  	s4 =	rddreg [dreg:$0x1];
	s3 =	simm.s32 $0x0  }
0x3: {  	s25 =	simm.s32 $0xC900;
	[smem:$0x7FF] =	sst s3  }
0x4: {  	s6 =	simm.s32 $0xD900;
	_ =	strace $0x8000004D;
	[dreg:$0x7] =	wrdreg s25  }
0x5: {  	s7 =	simm.s32 $0xE100;
	[dreg:$0x9] =	wrdreg s6  }
0x6: {  	s8 =	simm.s32 $0xE900;
	[dreg:$0xa] =	wrdreg s7  }
0x7: {  	s9 =	simm.s32 $0xF100;
	[dreg:$0xb] =	wrdreg s8  }
0x8: {  	s10 =	simm.s32 $0xF900;
	[dreg:$0xc] =	wrdreg s9  }
0x9: {  	s0 =	srdreg.scid;
	s11 =	simm.s32 $0x10100;
	[dreg:$0xd] =	wrdreg s10  }
0xa: {  	s1 =	stileid.u32;
	s12 =	simm.s32 $0x10900;
	[dreg:$0xe] =	wrdreg s11  }
0xb: {  	s13 =	simm.s32 $0x11100;
	s14 =	simm.s32 $0x11900;
	[dreg:$0xf] =	wrdreg s12  }
0xc: {  	s15 =	simm.s32 $0x12100;
	s16 =	simm.s32 $0x12900;
	[dreg:$0x10] =	wrdreg s13  }
0xd: {  	s17 =	simm.s32 $0x13100;
	s18 =	simm.s32 $0x13900;
	[dreg:$0x11] =	wrdreg s14  }
0xe: {  	s19 =	simm.s32 $0x14100;
	s20 =	simm.s32 $0x14900;
	[dreg:$0x12] =	wrdreg s15  }
0xf: {  	s21 =	simm.s32 $0x15100;
	s28 =	simm.s32 $0x7900;
	[dreg:$0x13] =	wrdreg s16  }
0x10: {  	s29 =	simm.s32 $0x8100;
	s30 =	simm.s32 $0x8900;
	[dreg:$0x14] =	wrdreg s17  }
0x11: {  	s0 =	sand.u32 $0x1, s0;
	s1 =	sshll.u32 s1, $0x1;
	[dreg:$0x15] =	wrdreg s18  }
0x12: {  	s31 =	simm.s32 $0x9100;
	s1 =	sor.u32 s0, s1;
	[dreg:$0x16] =	wrdreg s19  }
0x13: {  	s0 =	ssub.s32 $0x2, s0;
	s7 =	simm.s32 $0x3;
	[dreg:$0x17] =	wrdreg s20  }
0x14: {  	[dreg:$0x18] =	wrdreg s21;
	s25 =	simm.s32 $0x17100;
	s9 =	simm.s32 $0x1  }
0x15: {  	s13 =	simm.s32 $0x900;
	s14 =	simm.s32 $0x1100;
	s15 =	simm.s32 $0x1900  }
0x16: {  	s16 =	simm.s32 $0x2100;
	s17 =	simm.s32 $0x2900;
	s1 =	smul.u32 $0xC0, s1  }
0x17: {  	s18 =	simm.s32 $0x3100;
	s19 =	simm.s32 $0x3900;
	s26 =	sshrl.u32 s0, $0x1  }
0x18: {  	[dreg:$0x1c] =	wrdreg s25;
	s0 =	ssub.s32 s0, s26;
	s1 =	sshrl.u32 s1, $0x3  }
0x19: {  	s26 =	simm.s32 $0x17900;
	s5 =	smul.u32 $0x300, s1;
	s1 =	sadd.s32 s1, s4  }
0x1a: {  	s20 =	simm.s32 $0x4100;
	[dreg:$0x1d] =	wrdreg s26;
	s1 =	sadd.s32 $0x200, s1  }
0x1b: {  	s4 =	sadd.s32 s5, s4;
	[dreg:$0x3] =	wrdreg s1;
	s5 =	simm.s32 $0xD100  }
0x1c: {  	s21 =	simm.s32 $0x4900;
	s22 =	sadd.s32 $0x5E00, s4;
	[dreg:$0x8] =	wrdreg s5  }
0x1d: {  	s10 =	simm.s32 $0xA900;
	s23 =	sadd.s32 $0x7600, s4;
	[dreg:$0x4] =	wrdreg s22  }
0x1e: {  	s25 =	simm.s32 $0x6900;
	s24 =	sadd.s32 $0x8E00, s4;
	[dreg:$0x5] =	wrdreg s23  }
0x1f: {  	s6 =	smax.u32 s0, $0x1;
	[dreg:$0x6] =	wrdreg s24;
	s22 =	simm.s32 $0x15900  }
0x20: {  	s0 =	simm.s32 $0x100;
	s23 =	simm.s32 $0x16100;
	[dreg:$0x19] =	wrdreg s22  }
0x21: {  	v2 =	vlaneseq.u32;
	s26 =	simm.s32 $0x7100;
	s24 =	simm.s32 $0x16900;
	[dreg:$0x1a] =	wrdreg s23  }
0x22: {  	vm0 =	vmmov $0xffff;
	v1 =	vshrl.u32 v2, $0x3;
	s4 =	sadd.s32 $0x100, s2;
	s5 =	sadd.s32 $0x200, s2;
	[dreg:$0x1b] =	wrdreg s24  }
0x23: {  	v0 =	vand.u32 $0x7, v2;
	v2 =	vor.u32 $0x8, v2;
	v1 =	vmul.u32 $0x8, v1;
	s22 =	simm.s32 $0x5100;
	s23 =	simm.s32 $0x5900;
	s24 =	simm.s32 $0x6100  }
.LBB2_1:
0x24: {  	s11 =	rddreg [dreg:$0x3]  }
0x25: {  	[tilespmem:s3], [sflag:$0x3] =	stream.linear.gather [hbm4b:s11+s3], $0xC0, $0x38;
	[tilespmem:$0x18100] =	vst v63  }
0x26: {  	_ =	swait.ge [sflag:s7], $0xC0  }
0x27: {  	[sflag:s7] =	ssyncset.done $0x0  }
0x28: {  	[sflag:s7] =	ssyncadd.s32 $0xFFFFFF40  }
0x29: {  	v3 =	vld [tilespmem:$0x0];
	_ =	sdelay $0x4  }
0x2a: {  	v4 =	vshrl.u32 v3, $0x3  }
0x2b: {  	v4 =	vmul.u32 $0x30, v4  }
0x2c: {  	v3 =	vand.u32 $0x7, v3  }
0x2d: {  	v3 =	vor.u32 v3, v4  }
0x2e: {  	v4 =	vperm.xlane v3, v0;
	_ =	sdelay $0x1  }
0x2f: {  	v4 =	vadd.s32 v1, v4;
	_ =	sdelay $0x3  }
0x30: {  	v3 =	vperm.xlane v3, v2  }
0x31: {  	[tilespmem:s0], [sflag:$0x1] =	stream.indirect_vreg.gather [hbm4b:s2+s3], $0x80, v4, vm0, $0xb8;
	[tilespmem:$0x18100] =	vst v63  }
0x32: {  	v3 =	vadd.s32 v1, v3  }
0x33: {  	[tilespmem:s13], [sflag:$0x1] =	stream.indirect_vreg.gather [hbm4b:s4+s3], $0x80, v4, vm0, $0xb8;
	[tilespmem:$0x18100] =	vst v63  }
0x34: {  	_ = 	snop  }
0x35: {  	[tilespmem:s14], [sflag:$0x1] =	stream.indirect_vreg.gather [hbm4b:s5+s3], $0x80, v4, vm0, $0xb8;
	[tilespmem:$0x18100] =	vst v63  }
0x36: {  	_ = 	snop  }
0x37: {  	[tilespmem:s15], [sflag:$0x1] =	stream.indirect_vreg.gather [hbm4b:s2+s3], $0x80, v3, vm0, $0xb8;
	[tilespmem:$0x18100] =	vst v63  }
0x38: {  	_ = 	snop  }
0x39: {  	[tilespmem:s16], [sflag:$0x1] =	stream.indirect_vreg.gather [hbm4b:s4+s3], $0x80, v3, vm0, $0xb8;
	[tilespmem:$0x18100] =	vst v63  }
0x3a: {  	_ = 	snop  }
0x3b: {  	[tilespmem:s17], [sflag:$0x1] =	stream.indirect_vreg.gather [hbm4b:s5+s3], $0x80, v3, vm0, $0xb8;
	[tilespmem:$0x18100] =	vst v63  }
0x3c: {  	v3 =	vld [tilespmem:$0x10];
	_ =	sdelay $0x4  }
0x3d: {  	v53 =	vshrl.u32 v3, $0x3  }
0x3e: {  	v4 =	vmul.u32 $0x30, v53  }
0x3f: {  	v3 =	vand.u32 $0x7, v3  }
0x40: {  	v3 =	vor.u32 v3, v4  }
0x41: {  	v4 =	vperm.xlane v3, v0;
	_ =	sdelay $0x1  }
0x42: {  	v4 =	vadd.s32 v1, v4;
	_ =	sdelay $0x3  }
0x43: {  	v3 =	vperm.xlane v3, v2  }
0x44: {  	[tilespmem:s18], [sflag:$0x1] =	stream.indirect_vreg.gather [hbm4b:s2+s3], $0x80, v4, vm0, $0xb8;
	[tilespmem:$0x18100] =	vst v63  }
0x45: {  	v3 =	vadd.s32 v1, v3  }
0x46: {  	[tilespmem:s19], [sflag:$0x1] =	stream.indirect_vreg.gather [hbm4b:s4+s3], $0x80, v4, vm0, $0xb8;
	[tilespmem:$0x18100] =	vst v63  }
0x47: {  	_ = 	snop  }
0x48: {  	[tilespmem:s20], [sflag:$0x1] =	stream.indirect_vreg.gather [hbm4b:s5+s3], $0x80, v4, vm0, $0xb8;
	[tilespmem:$0x18100] =	vst v63  }
0x49: {  	_ = 	snop  }
0x4a: {  	[tilespmem:s21], [sflag:$0x1] =	stream.indirect_vreg.gather [hbm4b:s2+s3], $0x80, v3, vm0, $0xb8;
	[tilespmem:$0x18100] =	vst v63  }
0x4b: {  	_ = 	snop  }
0x4c: {  	[tilespmem:s22], [sflag:$0x1] =	stream.indirect_vreg.gather [hbm4b:s4+s3], $0x80, v3, vm0, $0xb8;
	[tilespmem:$0x18100] =	vst v63  }
0x4d: {  	_ = 	snop  }
0x4e: {  	[tilespmem:s23], [sflag:$0x1] =	stream.indirect_vreg.gather [hbm4b:s5+s3], $0x80, v3, vm0, $0xb8;
	[tilespmem:$0x18100] =	vst v63  }
0x4f: {  	v3 =	vld [tilespmem:$0x20];
	_ =	sdelay $0x4  }
0x50: {  	v54 =	vshrl.u32 v3, $0x3  }
0x51: {  	v4 =	vmul.u32 $0x30, v54  }
0x52: {  	v3 =	vand.u32 $0x7, v3  }
0x53: {  	v3 =	vor.u32 v3, v4  }
0x54: {  	v4 =	vperm.xlane v3, v0;
	_ =	sdelay $0x1  }
0x55: {  	v4 =	vadd.s32 v1, v4;
	_ =	sdelay $0x3  }
0x56: {  	v3 =	vperm.xlane v3, v2  }
0x57: {  	[tilespmem:s24], [sflag:$0x1] =	stream.indirect_vreg.gather [hbm4b:s2+s3], $0x80, v4, vm0, $0xb8;
	[tilespmem:$0x18100] =	vst v63  }
0x58: {  	v3 =	vadd.s32 v1, v3  }
0x59: {  	[tilespmem:s25], [sflag:$0x1] =	stream.indirect_vreg.gather [hbm4b:s4+s3], $0x80, v4, vm0, $0xb8;
	[tilespmem:$0x18100] =	vst v63  }
0x5a: {  	_ = 	snop  }
0x5b: {  	[tilespmem:s26], [sflag:$0x1] =	stream.indirect_vreg.gather [hbm4b:s5+s3], $0x80, v4, vm0, $0xb8;
	[tilespmem:$0x18100] =	vst v63  }
0x5c: {  	_ = 	snop  }
0x5d: {  	[tilespmem:s28], [sflag:$0x1] =	stream.indirect_vreg.gather [hbm4b:s2+s3], $0x80, v3, vm0, $0xb8;
	[tilespmem:$0x18100] =	vst v63  }
0x5e: {  	_ = 	snop  }
0x5f: {  	[tilespmem:s29], [sflag:$0x1] =	stream.indirect_vreg.gather [hbm4b:s4+s3], $0x80, v3, vm0, $0xb8;
	[tilespmem:$0x18100] =	vst v63  }
0x60: {  	_ = 	snop  }
0x61: {  	[tilespmem:s30], [sflag:$0x1] =	stream.indirect_vreg.gather [hbm4b:s5+s3], $0x80, v3, vm0, $0xb8;
	[tilespmem:$0x18100] =	vst v63  }
0x62: {  	v3 =	vld [tilespmem:$0x30];
	_ =	sdelay $0x4  }
0x63: {  	v55 =	vshrl.u32 v3, $0x3  }
0x64: {  	v4 =	vmul.u32 $0x30, v55  }
0x65: {  	v3 =	vand.u32 $0x7, v3  }
0x66: {  	v3 =	vor.u32 v3, v4  }
0x67: {  	v4 =	vperm.xlane v3, v0;
	_ =	sdelay $0x1  }
0x68: {  	v4 =	vadd.s32 v1, v4;
	_ =	sdelay $0x3  }
0x69: {  	v3 =	vperm.xlane v3, v2  }
0x6a: {  	[tilespmem:s31], [sflag:$0x1] =	stream.indirect_vreg.gather [hbm4b:s2+s3], $0x80, v4, vm0, $0xb8;
	[tilespmem:$0x18100] =	vst v63  }
0x6b: {  	s1 =	simm.s32 $0x9900;
	v3 =	vadd.s32 v1, v3  }
0x6c: {  	[tilespmem:s1], [sflag:$0x1] =	stream.indirect_vreg.gather [hbm4b:s4+s3], $0x80, v4, vm0, $0xb8;
	[tilespmem:$0x18100] =	vst v63  }
0x6d: {  	s8 =	simm.s32 $0xA100  }
0x6e: {  	[tilespmem:s8], [sflag:$0x1] =	stream.indirect_vreg.gather [hbm4b:s5+s3], $0x80, v4, vm0, $0xb8;
	[tilespmem:$0x18100] =	vst v63  }
0x6f: {  	_ = 	snop  }
0x70: {  	[tilespmem:s10], [sflag:$0x1] =	stream.indirect_vreg.gather [hbm4b:s2+s3], $0x80, v3, vm0, $0xb8;
	[tilespmem:$0x18100] =	vst v63  }
0x71: {  	s8 =	simm.s32 $0xB100  }
0x72: {  	[tilespmem:s8], [sflag:$0x1] =	stream.indirect_vreg.gather [hbm4b:s4+s3], $0x80, v3, vm0, $0xb8;
	[tilespmem:$0x18100] =	vst v63  }
0x73: {  	s11 =	simm.s32 $0xB900  }
0x74: {  	[tilespmem:s11], [sflag:$0x1] =	stream.indirect_vreg.gather [hbm4b:s5+s3], $0x80, v3, vm0, $0xb8;
	[tilespmem:$0x18100] =	vst v63  }
0x75: {  	v3 =	vld [tilespmem:$0x40];
	_ =	sdelay $0x4  }
0x76: {  	v56 =	vshrl.u32 v3, $0x3  }
0x77: {  	v4 =	vmul.u32 $0x30, v56  }
0x78: {  	v3 =	vand.u32 $0x7, v3  }
0x79: {  	v3 =	vor.u32 v3, v4  }
0x7a: {  	v4 =	vperm.xlane v3, v0;
	_ =	sdelay $0x1  }
0x7b: {  	v4 =	vadd.s32 v1, v4;
	_ =	sdelay $0x3  }
0x7c: {  	s1 =	simm.s32 $0xC100;
	v3 =	vperm.xlane v3, v2  }
0x7d: {  	[tilespmem:s1], [sflag:$0x2] =	stream.indirect_vreg.gather [hbm4b:s2+s3], $0x80, v4, vm0, $0xb8;
	[tilespmem:$0x18100] =	vst v63  }
0x7e: {  	s11 =	rddreg [dreg:$0x7];
	v3 =	vadd.s32 v1, v3  }
0x7f: {  	[tilespmem:s11], [sflag:$0x2] =	stream.indirect_vreg.gather [hbm4b:s4+s3], $0x80, v4, vm0, $0xb8;
	[tilespmem:$0x18100] =	vst v63  }
0x80: {  	s12 =	rddreg [dreg:$0x8]  }
0x81: {  	[tilespmem:s12], [sflag:$0x2] =	stream.indirect_vreg.gather [hbm4b:s5+s3], $0x80, v4, vm0, $0xb8;
	[tilespmem:$0x18100] =	vst v63  }
0x82: {  	s11 =	rddreg [dreg:$0x9]  }
0x83: {  	[tilespmem:s11], [sflag:$0x2] =	stream.indirect_vreg.gather [hbm4b:s2+s3], $0x80, v3, vm0, $0xb8;
	[tilespmem:$0x18100] =	vst v63  }
0x84: {  	s12 =	rddreg [dreg:$0xa]  }
0x85: {  	[tilespmem:s12], [sflag:$0x2] =	stream.indirect_vreg.gather [hbm4b:s4+s3], $0x80, v3, vm0, $0xb8;
	[tilespmem:$0x18100] =	vst v63  }
0x86: {  	s11 =	rddreg [dreg:$0xb]  }
0x87: {  	[tilespmem:s11], [sflag:$0x2] =	stream.indirect_vreg.gather [hbm4b:s5+s3], $0x80, v3, vm0, $0xb8;
	[tilespmem:$0x18100] =	vst v63  }
0x88: {  	v3 =	vld [tilespmem:$0x50];
	_ =	sdelay $0x4  }
0x89: {  	v57 =	vshrl.u32 v3, $0x3  }
0x8a: {  	v4 =	vmul.u32 $0x30, v57  }
0x8b: {  	v3 =	vand.u32 $0x7, v3  }
0x8c: {  	v3 =	vor.u32 v3, v4  }
0x8d: {  	v4 =	vperm.xlane v3, v0;
	_ =	sdelay $0x1  }
0x8e: {  	v4 =	vadd.s32 v1, v4;
	_ =	sdelay $0x3  }
0x8f: {  	s11 =	rddreg [dreg:$0xc];
	v3 =	vperm.xlane v3, v2  }
0x90: {  	[tilespmem:s11], [sflag:$0x2] =	stream.indirect_vreg.gather [hbm4b:s2+s3], $0x80, v4, vm0, $0xb8;
	[tilespmem:$0x18100] =	vst v63  }
0x91: {  	s12 =	rddreg [dreg:$0xd];
	v3 =	vadd.s32 v1, v3  }
0x92: {  	[tilespmem:s12], [sflag:$0x2] =	stream.indirect_vreg.gather [hbm4b:s4+s3], $0x80, v4, vm0, $0xb8;
	[tilespmem:$0x18100] =	vst v63  }
0x93: {  	s11 =	rddreg [dreg:$0xe]  }
0x94: {  	[tilespmem:s11], [sflag:$0x2] =	stream.indirect_vreg.gather [hbm4b:s5+s3], $0x80, v4, vm0, $0xb8;
	[tilespmem:$0x18100] =	vst v63  }
0x95: {  	s12 =	rddreg [dreg:$0xf]  }
0x96: {  	[tilespmem:s12], [sflag:$0x2] =	stream.indirect_vreg.gather [hbm4b:s2+s3], $0x80, v3, vm0, $0xb8;
	[tilespmem:$0x18100] =	vst v63  }
0x97: {  	s11 =	rddreg [dreg:$0x10]  }
0x98: {  	[tilespmem:s11], [sflag:$0x2] =	stream.indirect_vreg.gather [hbm4b:s4+s3], $0x80, v3, vm0, $0xb8;
	[tilespmem:$0x18100] =	vst v63  }
0x99: {  	s12 =	rddreg [dreg:$0x11]  }
0x9a: {  	[tilespmem:s12], [sflag:$0x2] =	stream.indirect_vreg.gather [hbm4b:s5+s3], $0x80, v3, vm0, $0xb8;
	[tilespmem:$0x18100] =	vst v63  }
0x9b: {  	v3 =	vld [tilespmem:$0x60];
	_ =	sdelay $0x4  }
0x9c: {  	v58 =	vshrl.u32 v3, $0x3  }
0x9d: {  	v4 =	vmul.u32 $0x30, v58  }
0x9e: {  	v3 =	vand.u32 $0x7, v3  }
0x9f: {  	v3 =	vor.u32 v3, v4  }
0xa0: {  	v4 =	vperm.xlane v3, v0;
	_ =	sdelay $0x1  }
0xa1: {  	v4 =	vadd.s32 v1, v4;
	_ =	sdelay $0x3  }
0xa2: {  	s11 =	rddreg [dreg:$0x12];
	v3 =	vperm.xlane v3, v2  }
0xa3: {  	[tilespmem:s11], [sflag:$0x2] =	stream.indirect_vreg.gather [hbm4b:s2+s3], $0x80, v4, vm0, $0xb8;
	[tilespmem:$0x18100] =	vst v63  }
0xa4: {  	s12 =	rddreg [dreg:$0x13];
	v3 =	vadd.s32 v1, v3  }
0xa5: {  	[tilespmem:s12], [sflag:$0x2] =	stream.indirect_vreg.gather [hbm4b:s4+s3], $0x80, v4, vm0, $0xb8;
	[tilespmem:$0x18100] =	vst v63  }
0xa6: {  	s11 =	rddreg [dreg:$0x14]  }
0xa7: {  	[tilespmem:s11], [sflag:$0x2] =	stream.indirect_vreg.gather [hbm4b:s5+s3], $0x80, v4, vm0, $0xb8;
	[tilespmem:$0x18100] =	vst v63  }
0xa8: {  	s12 =	rddreg [dreg:$0x15]  }
0xa9: {  	[tilespmem:s12], [sflag:$0x2] =	stream.indirect_vreg.gather [hbm4b:s2+s3], $0x80, v3, vm0, $0xb8;
	[tilespmem:$0x18100] =	vst v63  }
0xaa: {  	s11 =	rddreg [dreg:$0x16]  }
0xab: {  	[tilespmem:s11], [sflag:$0x2] =	stream.indirect_vreg.gather [hbm4b:s4+s3], $0x80, v3, vm0, $0xb8;
	[tilespmem:$0x18100] =	vst v63  }
0xac: {  	s12 =	rddreg [dreg:$0x17]  }
0xad: {  	[tilespmem:s12], [sflag:$0x2] =	stream.indirect_vreg.gather [hbm4b:s5+s3], $0x80, v3, vm0, $0xb8;
	[tilespmem:$0x18100] =	vst v63  }
0xae: {  	v3 =	vld [tilespmem:$0x70];
	_ =	sdelay $0x4  }
0xaf: {  	v59 =	vshrl.u32 v3, $0x3  }
0xb0: {  	v4 =	vmul.u32 $0x30, v59  }
0xb1: {  	v3 =	vand.u32 $0x7, v3  }
0xb2: {  	v3 =	vor.u32 v3, v4  }
0xb3: {  	v4 =	vperm.xlane v3, v0;
	_ =	sdelay $0x1  }
0xb4: {  	v4 =	vadd.s32 v1, v4;
	_ =	sdelay $0x3  }
0xb5: {  	s11 =	rddreg [dreg:$0x18];
	v3 =	vperm.xlane v3, v2  }
0xb6: {  	[tilespmem:s11], [sflag:$0x2] =	stream.indirect_vreg.gather [hbm4b:s2+s3], $0x80, v4, vm0, $0xb8;
	[tilespmem:$0x18100] =	vst v63  }
0xb7: {  	s12 =	rddreg [dreg:$0x19];
	v3 =	vadd.s32 v1, v3  }
0xb8: {  	[tilespmem:s12], [sflag:$0x2] =	stream.indirect_vreg.gather [hbm4b:s4+s3], $0x80, v4, vm0, $0xb8;
	[tilespmem:$0x18100] =	vst v63  }
0xb9: {  	s11 =	rddreg [dreg:$0x1a]  }
0xba: {  	[tilespmem:s11], [sflag:$0x2] =	stream.indirect_vreg.gather [hbm4b:s5+s3], $0x80, v4, vm0, $0xb8;
	[tilespmem:$0x18100] =	vst v63  }
0xbb: {  	s12 =	rddreg [dreg:$0x1b]  }
0xbc: {  	[tilespmem:s12], [sflag:$0x2] =	stream.indirect_vreg.gather [hbm4b:s2+s3], $0x80, v3, vm0, $0xb8;
	[tilespmem:$0x18100] =	vst v63  }
0xbd: {  	s11 =	rddreg [dreg:$0x1c]  }
0xbe: {  	[tilespmem:s11], [sflag:$0x2] =	stream.indirect_vreg.gather [hbm4b:s4+s3], $0x80, v3, vm0, $0xb8;
	[tilespmem:$0x18100] =	vst v63  }
0xbf: {  	s12 =	rddreg [dreg:$0x1d]  }
0xc0: {  	[tilespmem:s12], [sflag:$0x2] =	stream.indirect_vreg.gather [hbm4b:s5+s3], $0x80, v3, vm0, $0xb8;
	[tilespmem:$0x18100] =	vst v63  }
0xc1: {  	_ =	swait.ge [sflag:s9], $0xC000  }
0xc2: {  	[sflag:s9] =	ssyncset.done $0x0  }
0xc3: {  	s12 =	rddreg [dreg:$0x4];
	[sflag:s9] =	ssyncadd.s32 $0xFFFF4000  }
0xc4: {  	[hbm4b:s12+s3] =	stream.linear.scatter [tilespmem:s0], [sflag:$0x3], $0xC000, $0x38;
	[tilespmem:$0x18100] =	vst v63  }
0xc5: {  	_ =	swait.ge [sflag:s7], $0xC000  }
0xc6: {  	[sflag:s7] =	ssyncset.done $0x0  }
0xc7: {  	[sflag:s7] =	ssyncadd.s32 $0xFFFF4000  }
0xc8: {  	v3 =	vld [tilespmem:$0x80];
	_ =	sdelay $0x4  }
0xc9: {  	v60 =	vshrl.u32 v3, $0x3  }
0xca: {  	v4 =	vmul.u32 $0x30, v60  }
0xcb: {  	v3 =	vand.u32 $0x7, v3  }
0xcc: {  	v3 =	vor.u32 v3, v4  }
0xcd: {  	v4 =	vperm.xlane v3, v0;
	_ =	sdelay $0x1  }
0xce: {  	v4 =	vadd.s32 v1, v4;
	_ =	sdelay $0x3  }
0xcf: {  	v3 =	vperm.xlane v3, v2  }
0xd0: {  	[tilespmem:s0], [sflag:$0x1] =	stream.indirect_vreg.gather [hbm4b:s2+s3], $0x80, v4, vm0, $0xb8;
	[tilespmem:$0x18100] =	vst v63  }
0xd1: {  	v3 =	vadd.s32 v1, v3  }
0xd2: {  	[tilespmem:s13], [sflag:$0x1] =	stream.indirect_vreg.gather [hbm4b:s4+s3], $0x80, v4, vm0, $0xb8;
	[tilespmem:$0x18100] =	vst v63  }
0xd3: {  	_ = 	snop  }
0xd4: {  	[tilespmem:s14], [sflag:$0x1] =	stream.indirect_vreg.gather [hbm4b:s5+s3], $0x80, v4, vm0, $0xb8;
	[tilespmem:$0x18100] =	vst v63  }
0xd5: {  	_ = 	snop  }
0xd6: {  	[tilespmem:s15], [sflag:$0x1] =	stream.indirect_vreg.gather [hbm4b:s2+s3], $0x80, v3, vm0, $0xb8;
	[tilespmem:$0x18100] =	vst v63  }
0xd7: {  	_ = 	snop  }
0xd8: {  	[tilespmem:s16], [sflag:$0x1] =	stream.indirect_vreg.gather [hbm4b:s4+s3], $0x80, v3, vm0, $0xb8;
	[tilespmem:$0x18100] =	vst v63  }
0xd9: {  	_ = 	snop  }
0xda: {  	[tilespmem:s17], [sflag:$0x1] =	stream.indirect_vreg.gather [hbm4b:s5+s3], $0x80, v3, vm0, $0xb8;
	[tilespmem:$0x18100] =	vst v63  }
0xdb: {  	v3 =	vld [tilespmem:$0x90];
	_ =	sdelay $0x4  }
0xdc: {  	v61 =	vshrl.u32 v3, $0x3  }
0xdd: {  	v4 =	vmul.u32 $0x30, v61  }
0xde: {  	v3 =	vand.u32 $0x7, v3  }
0xdf: {  	v3 =	vor.u32 v3, v4  }
0xe0: {  	v4 =	vperm.xlane v3, v0;
	_ =	sdelay $0x1  }
0xe1: {  	v4 =	vadd.s32 v1, v4;
	_ =	sdelay $0x3  }
0xe2: {  	v3 =	vperm.xlane v3, v2  }
0xe3: {  	[tilespmem:s18], [sflag:$0x1] =	stream.indirect_vreg.gather [hbm4b:s2+s3], $0x80, v4, vm0, $0xb8;
	[tilespmem:$0x18100] =	vst v63  }
0xe4: {  	v3 =	vadd.s32 v1, v3  }
0xe5: {  	[tilespmem:s19], [sflag:$0x1] =	stream.indirect_vreg.gather [hbm4b:s4+s3], $0x80, v4, vm0, $0xb8;
	[tilespmem:$0x18100] =	vst v63  }
0xe6: {  	_ = 	snop  }
0xe7: {  	[tilespmem:s20], [sflag:$0x1] =	stream.indirect_vreg.gather [hbm4b:s5+s3], $0x80, v4, vm0, $0xb8;
	[tilespmem:$0x18100] =	vst v63  }
0xe8: {  	_ = 	snop  }
0xe9: {  	[tilespmem:s21], [sflag:$0x1] =	stream.indirect_vreg.gather [hbm4b:s2+s3], $0x80, v3, vm0, $0xb8;
	[tilespmem:$0x18100] =	vst v63  }
0xea: {  	_ = 	snop  }
0xeb: {  	[tilespmem:s22], [sflag:$0x1] =	stream.indirect_vreg.gather [hbm4b:s4+s3], $0x80, v3, vm0, $0xb8;
	[tilespmem:$0x18100] =	vst v63  }
0xec: {  	_ = 	snop  }
0xed: {  	[tilespmem:s23], [sflag:$0x1] =	stream.indirect_vreg.gather [hbm4b:s5+s3], $0x80, v3, vm0, $0xb8;
	[tilespmem:$0x18100] =	vst v63  }
0xee: {  	v3 =	vld [tilespmem:$0xA0];
	_ =	sdelay $0x4  }
0xef: {  	v62 =	vshrl.u32 v3, $0x3  }
0xf0: {  	v4 =	vmul.u32 $0x30, v62  }
0xf1: {  	v3 =	vand.u32 $0x7, v3  }
0xf2: {  	v3 =	vor.u32 v3, v4  }
0xf3: {  	v4 =	vperm.xlane v3, v0;
	_ =	sdelay $0x1  }
0xf4: {  	v4 =	vadd.s32 v1, v4;
	_ =	sdelay $0x3  }
0xf5: {  	v3 =	vperm.xlane v3, v2  }
0xf6: {  	[tilespmem:s24], [sflag:$0x1] =	stream.indirect_vreg.gather [hbm4b:s2+s3], $0x80, v4, vm0, $0xb8;
	[tilespmem:$0x18100] =	vst v63  }
0xf7: {  	v3 =	vadd.s32 v1, v3  }
0xf8: {  	[tilespmem:s25], [sflag:$0x1] =	stream.indirect_vreg.gather [hbm4b:s4+s3], $0x80, v4, vm0, $0xb8;
	[tilespmem:$0x18100] =	vst v63  }
0xf9: {  	_ = 	snop  }
0xfa: {  	[tilespmem:s26], [sflag:$0x1] =	stream.indirect_vreg.gather [hbm4b:s5+s3], $0x80, v4, vm0, $0xb8;
	[tilespmem:$0x18100] =	vst v63  }
0xfb: {  	_ = 	snop  }
0xfc: {  	[tilespmem:s28], [sflag:$0x1] =	stream.indirect_vreg.gather [hbm4b:s2+s3], $0x80, v3, vm0, $0xb8;
	[tilespmem:$0x18100] =	vst v63  }
0xfd: {  	_ = 	snop  }
0xfe: {  	[tilespmem:s29], [sflag:$0x1] =	stream.indirect_vreg.gather [hbm4b:s4+s3], $0x80, v3, vm0, $0xb8;
	[tilespmem:$0x18100] =	vst v63  }
0xff: {  	_ = 	snop  }
0x100: {  	[tilespmem:s30], [sflag:$0x1] =	stream.indirect_vreg.gather [hbm4b:s5+s3], $0x80, v3, vm0, $0xb8;
	[tilespmem:$0x18100] =	vst v63  }
0x101: {  	v3 =	vld [tilespmem:$0xB0];
	_ =	sdelay $0x4  }
0x102: {  	v63 =	vshrl.u32 v3, $0x3  }
0x103: {  	v4 =	vmul.u32 $0x30, v63  }
0x104: {  	v3 =	vand.u32 $0x7, v3  }
0x105: {  	v3 =	vor.u32 v3, v4  }
0x106: {  	v4 =	vperm.xlane v3, v0;
	_ =	sdelay $0x1  }
0x107: {  	v4 =	vadd.s32 v1, v4;
	_ =	sdelay $0x3  }
0x108: {  	v3 =	vperm.xlane v3, v2  }
0x109: {  	[tilespmem:s31], [sflag:$0x1] =	stream.indirect_vreg.gather [hbm4b:s2+s3], $0x80, v4, vm0, $0xb8;
	[tilespmem:$0x18100] =	vst v63  }
0x10a: {  	s12 =	simm.s32 $0x9900;
	v3 =	vadd.s32 v1, v3  }
0x10b: {  	[tilespmem:s12], [sflag:$0x1] =	stream.indirect_vreg.gather [hbm4b:s4+s3], $0x80, v4, vm0, $0xb8;
	[tilespmem:$0x18100] =	vst v63  }
0x10c: {  	s12 =	simm.s32 $0xA100  }
0x10d: {  	[tilespmem:s12], [sflag:$0x1] =	stream.indirect_vreg.gather [hbm4b:s5+s3], $0x80, v4, vm0, $0xb8;
	[tilespmem:$0x18100] =	vst v63  }
0x10e: {  	_ = 	snop  }
0x10f: {  	[tilespmem:s10], [sflag:$0x1] =	stream.indirect_vreg.gather [hbm4b:s2+s3], $0x80, v3, vm0, $0xb8;
	[tilespmem:$0x18100] =	vst v63  }
0x110: {  	_ = 	snop  }
0x111: {  	[tilespmem:s8], [sflag:$0x1] =	stream.indirect_vreg.gather [hbm4b:s4+s3], $0x80, v3, vm0, $0xb8;
	[tilespmem:$0x18100] =	vst v63  }
0x112: {  	s11 =	simm.s32 $0x2;
	s12 =	simm.s32 $0xB900  }
0x113: {  	[tilespmem:s12], [sflag:$0x1] =	stream.indirect_vreg.gather [hbm4b:s5+s3], $0x80, v3, vm0, $0xb8;
	[tilespmem:$0x18100] =	vst v63  }
0x114: {  	_ =	swait.ge [sflag:s11], $0xC000  }
0x115: {  	[sflag:s11] =	ssyncset.done $0x0  }
0x116: {  	s12 =	rddreg [dreg:$0x5];
	[sflag:s11] =	ssyncadd.s32 $0xFFFF4000  }
0x117: {  	[hbm4b:s12+s3] =	stream.linear.scatter [tilespmem:s1], [sflag:$0x3], $0xC000, $0x38;
	[tilespmem:$0x18100] =	vst v63  }
0x118: {  	_ =	swait.ge [sflag:s7], $0xC000  }
0x119: {  	[sflag:s7] =	ssyncset.done $0x0  }
0x11a: {  	[sflag:s7] =	ssyncadd.s32 $0xFFFF4000  }
0x11b: {  	_ =	swait.ge [sflag:s9], $0xC000  }
0x11c: {  	p0 =	sne.s32 s6, $0x1;
	[sflag:s9] =	ssyncset.done $0x0  }
.Ltmp0:
0x11d: {  	s12 =	rddreg [dreg:$0x6];
	[sflag:s9] =	ssyncadd.s32 $0xFFFF4000;
	(pc) =	sbr.rel @p0 .LBB2_1-.Ltmp0, $4  }
0x11e: {  	[hbm4b:s12+s3] =	stream.linear.scatter [tilespmem:s0], [sflag:$0x3], $0xC000, $0x38;
	[tilespmem:$0x18100] =	vst v63  }
0x11f: {  	_ =	swait.ge [sflag:s7], $0xC000  }
0x120: {  	[sflag:s7] =	ssyncset.done $0x0  }
0x121: {  	s6 =	sadd.s32 $0xFFFFFFFF, s6;
	[sflag:s7] =	ssyncadd.s32 $0xFFFF4000  }
0x122: {  	_ =	sfence.sel $0x180000  }
0x123: {  	[bflag:$0x0] =	sbarrier.arrive $0xFFFF  }
0x124: {  	_ =	strace $0x9000004D  }
0x125: {  	s0 =	stileid.u32;
	[bflag:$0x2] =	sbarrier.arrive $0xFFFF  }
0x126: {  	p0 =	sne.s32 s0, $0x0;
	s0 =	rddreg [dreg:$0x2]  }
0x127: {  	s0 =	sadd.s32 @!p0 $0x100000, s0  }
0x128: {  	[sflag:s0] =	ssyncadd.tile.s32 @!p0 $0x1;
	_ =	shalt  }
.Lfunc_end2:
_tile_overlayer_lowered:
.L_overlay_start_2:
0x129: {  	(tag) =	ssettag $0x2  }
0x12a: {  	s0 =	rddreg [dreg:$0x0];
	s2 =	stileid.u32  }
0x12b: {  	s1 =	rddreg [dreg:$0x1];
	p0 =	sne.s32 s2, $0x0  }
0x12c: {  	s3 =	rddreg [dreg:$0x2];
	[bflag:$0x3] =	sbarrier.arrive $0xFFFF;
	s2 =	simm.s32 @!p0 $0x1C03  }
0x12d: {  	[timem:s3], [sflag:s2] =	dma.local @!p0 [hbm:s0], s1  }
0x12e: {  	s0 =	simm.s32 @!p0 $0x3  }
0x12f: {  	_ =	swait.ge @!p0 [sflag:s0], s1  }
0x130: {  	s1 =	ssub.s32 @!p0 $0x0, s1;
	[sflag:s0] =	ssyncset.done @!p0 $0x0  }
0x131: {  	[sflag:s0] =	ssyncadd.s32 @!p0 s1  }
0x132: {  	[bflag:$0x3] =	sbarrier.arrive $0xFFFF  }
0x133: {  	_ =	shalt  }

</sc_bundles>
